<compile_context>
chip_gen: v7x
topology: tpu7x:2x2x1
jax: 0.10.2.dev20260603
libtpu: 0.0.44.dev20260713+nightly
codegen_flags: <defaults>
</compile_context>

<pallas_src>
import dataclasses
import functools

import jax
import jax.numpy as jnp
from jax import lax
from jax.experimental import pallas as pl
from jax.experimental.pallas import tpu as pltpu
from jax.experimental.pallas import tpu_sc as plsc

N = 10000
E = 160000
IN = 256
H = 8
D = 64
HID = 128

NC = 2
NS = 16
EPW = E // NS
CH = 80
NCHUNK = EPW // CH
NPAD = 10112
NPW = NPAD // NS
HP = H // 2
PD = 2 * D
NB = 10
BLK = N // NB



def _tc1_body(h_ref, W0_ref, al0_ref, ar0_ref, W1_ref, al1_ref, ar1_ref,
              feat_ref, eld_ref, erd_ref):
    hb = h_ref[...]
    for p, (W_ref, al_ref, ar_ref) in enumerate(
            [(W0_ref, al0_ref, ar0_ref), (W1_ref, al1_ref, ar1_ref)]):
        f = jnp.dot(hb, W_ref[...], preferred_element_type=jnp.float32)
        feat_ref[p, :, :] = f
        fh = f.reshape(BLK, H, D)
        el = (fh * al_ref[...][None]).sum(-1)
        er = (fh * ar_ref[...][None]).sum(-1)
        eld_ref[p, :, :] = jnp.concatenate([el, el], axis=1)
        erd_ref[p, :, :] = jnp.concatenate([er, er], axis=1)


def _tc1(h, W0, al0, ar0, W1, al1, ar1):
    return pl.pallas_call(
        _tc1_body,
        grid=(NB,),
        in_specs=[
            pl.BlockSpec((BLK, IN), lambda i: (i, 0)),
            pl.BlockSpec((IN, H * D), lambda i: (0, 0)),
            pl.BlockSpec((H, D), lambda i: (0, 0)),
            pl.BlockSpec((H, D), lambda i: (0, 0)),
            pl.BlockSpec((IN, H * D), lambda i: (0, 0)),
            pl.BlockSpec((H, D), lambda i: (0, 0)),
            pl.BlockSpec((H, D), lambda i: (0, 0)),
        ],
        out_specs=[
            pl.BlockSpec((NC, BLK, H * D), lambda i: (0, i, 0)),
            pl.BlockSpec((NC, BLK, 2 * H), lambda i: (0, i, 0)),
            pl.BlockSpec((NC, BLK, 2 * H), lambda i: (0, i, 0)),
        ],
        out_shape=[
            jax.ShapeDtypeStruct((NC, N, H * D), jnp.float32),
            jax.ShapeDtypeStruct((NC, N, 2 * H), jnp.float32),
            jax.ShapeDtypeStruct((NC, N, 2 * H), jnp.float32),
        ],
    )(h, W0, al0, ar0, W1, al1, ar1)



def _sc_gat_body(featv, eldv, erdv, sd, zacc, zden, accs, dens, exs,
                 acc_s, den_s,
                 sdt0, sdt1, db0, db1, db2, ia0, ia1, ia2, ib0,
                 ga, gb, exc, exb0, exb1, exb2, g0, g1, g2,
                 semg0, semg1, semg2, semx0, semx1, semx2,
                 semc0, semc1, semc2, semt0, semd1):
    c = lax.axis_index("c")
    s = lax.axis_index("s")
    nbase = pl.multiple_of(s * NPW, NPW)
    eoff = c * N
    fbase = c * (N * HP)

    db = [db0, db1, db2]
    ia = [ia0, ia1, ia2]
    exb = [exb0, exb1, exb2]
    g = [g0, g1, g2]
    semg = [semg0, semg1, semg2]
    semx = [semx0, semx1, semx2]
    semc = [semc0, semc1, semc2]

    sd_cs = sd.at[c].at[s]
    exs_cs = exs.at[c].at[s]
    mask8 = jnp.arange(16, dtype=jnp.int32) < 8

    pltpu.sync_copy(zden, den_s.at[pl.ds(nbase, NPW)])
    plsc.subcore_barrier()

    @pl.loop(0, NCHUNK // 5)
    def _(qq):
        pltpu.sync_copy(sd_cs.at[pl.ds(qq * 5, 5)], sdt0)
        for k in range(5):
            i = qq * 5 + k

            def _waits():
                pltpu.make_async_copy(exc.at[pl.ds(0, 8 * CH)],
                                      exs_cs.at[0], semt0).wait()
                pltpu.make_async_copy(ga, den_s.at[db[0]], semc0).wait()

            if k == 0:
                pl.when(qq > 0)(_waits)
            else:
                _waits()

            @pl.loop(0, CH, step=16)
            def _(u):
                srow = sdt0[k, 0, pl.ds(u, 16)]
                drow = sdt0[k, 1, pl.ds(u, 16)]
                ia[0][pl.ds(u, 16)] = srow + eoff
                ib0[pl.ds(u, 16)] = drow + eoff
                db[0][pl.ds(u, 16)] = drow
            pltpu.async_copy(eldv.at[ia[0]], ga, semg0)
            pltpu.async_copy(erdv.at[ib0], gb, semx0)
            pltpu.make_async_copy(eldv.at[ia[0]], ga, semg0).wait()
            pltpu.make_async_copy(erdv.at[ib0], gb, semx0).wait()

            @pl.loop(0, CH)
            def _(r):
                x = ga[r, :] + gb[r, :]
                x = jnp.maximum(x, 0.0) + 0.2 * jnp.minimum(x, 0.0)
                x = jnp.exp(x)
                ga[r, :] = x
                plsc.store_compressed(exc.at[pl.ds(r * 8, 16)], x, mask=mask8)

            pltpu.async_copy(exc.at[pl.ds(0, 8 * CH)], exs_cs.at[i], semt0)
            pltpu.async_copy(ga, den_s.at[db[0]], semc0, add=True)

    pltpu.make_async_copy(exc.at[pl.ds(0, 8 * CH)], exs_cs.at[0], semt0).wait()
    pltpu.make_async_copy(ga, den_s.at[db[0]], semc0).wait()

    plsc.subcore_barrier()
    pltpu.sync_copy(den_s.at[pl.ds(nbase, NPW)],
                    dens.at[c].at[pl.ds(nbase, NPW)])

    def p2_issue(t, k, i, hp, wait_prev):
        def _waits():
            pltpu.make_async_copy(g[t], acc_s.at[db[t]], semc[t]).wait()

        if wait_prev is True:
            _waits()
        elif wait_prev is not False:
            pl.when(wait_prev)(_waits)

        @pl.loop(0, CH, step=16)
        def _(u):
            ia[t][pl.ds(u, 16)] = sdt0[k, 0, pl.ds(u, 16)] * HP + (fbase + hp)
            db[t][pl.ds(u, 16)] = sdt0[k, 1, pl.ds(u, 16)]
        pltpu.async_copy(featv.at[ia[t]], g[t], semg[t])
        pltpu.async_copy(exs_cs.at[i], exb[t], semx[t])

    def p2_finish(t, hp):
        pltpu.make_async_copy(featv.at[ia[t]], g[t], semg[t]).wait()
        pltpu.make_async_copy(exs_cs.at[0], exb[t], semx[t]).wait()

        @pl.loop(0, CH, step=2)
        def _(r):
            for rr in range(2):
                ri = r + rr
                av0 = plsc.load_gather(
                    exb[t], [jnp.full((16,), ri * 8 + 2 * hp, jnp.int32)])
                av1 = plsc.load_gather(
                    exb[t], [jnp.full((16,), ri * 8 + 2 * hp + 1, jnp.int32)])
                for j in range(4):
                    sl = pl.ds(j * 16, 16)
                    g[t][ri, sl] = g[t][ri, sl] * av0
                for j in range(4, 8):
                    sl = pl.ds(j * 16, 16)
                    g[t][ri, sl] = g[t][ri, sl] * av1

        pltpu.async_copy(g[t], acc_s.at[db[t]], semc[t], add=True)

    @pl.loop(0, HP)
    def _(hp):
        pltpu.sync_copy(zacc, acc_s.at[pl.ds(nbase, NPW)])
        plsc.subcore_barrier()

        pltpu.sync_copy(sd_cs.at[pl.ds(0, 5)], sdt0)
        p2_issue(0, 0, 0, hp, False)
        p2_issue(1, 1, 1, hp, False)

        @pl.loop(0, NCHUNK - 2, step=3)
        def _(i):
            pl.when(i > 0)(
                lambda: pltpu.make_async_copy(
                    sd_cs.at[pl.ds(0, 5)], sdt0, semd1).wait())
            p2_issue(2, 2, i + 2, hp, i > 0)
            p2_finish(0, hp)
            p2_issue(0, 3, i + 3, hp, True)
            p2_finish(1, hp)
            p2_issue(1, 4, i + 4, hp, True)
            pltpu.async_copy(sd_cs.at[pl.ds(i + 3, 5)], sdt0, semd1)
            p2_finish(2, hp)

        pltpu.make_async_copy(sd_cs.at[pl.ds(0, 5)], sdt0, semd1).wait()
        p2_finish(0, hp)
        p2_finish(1, hp)

        for t in (0, 1, 2):
            pltpu.make_async_copy(g[t], acc_s.at[db[t]], semc[t]).wait()

        plsc.subcore_barrier()
        pltpu.sync_copy(acc_s.at[pl.ds(nbase, NPW)],
                        accs.at[c].at[pl.ds(nbase, NPW), pl.ds(hp * PD, PD)])
        plsc.subcore_barrier()


def _sc_gat(featv, eldv, erdv, sd, zacc, zden):
    mesh = plsc.VectorSubcoreMesh(core_axis_name="c", subcore_axis_name="s")
    cp = pltpu.CompilerParams()
    for fld, val in (("needs_layout_passes", False),
                     ("use_tc_tiling_on_sc", False)):
        if fld in pltpu.CompilerParams.__dataclass_fields__:
            cp = dataclasses.replace(cp, **{fld: val})
    kern = functools.partial(
        pl.kernel,
        compiler_params=cp,
        out_type=[
            jax.ShapeDtypeStruct((NC, NPAD, H * D), jnp.float32),
            jax.ShapeDtypeStruct((NC, NPAD, 2 * H), jnp.float32),
            jax.ShapeDtypeStruct((NC, NS, NCHUNK, 8 * CH), jnp.float32),
        ],
        mesh=mesh,
        scratch_types=[
            pltpu.VMEM_SHARED((NPAD, PD), jnp.float32),
            pltpu.VMEM_SHARED((NPAD, 2 * H), jnp.float32),
            pltpu.VMEM((5, 2, CH), jnp.int32),
            pltpu.VMEM((5, 2, CH), jnp.int32),
            pltpu.VMEM((CH,), jnp.int32),
            pltpu.VMEM((CH,), jnp.int32),
            pltpu.VMEM((CH,), jnp.int32),
            pltpu.VMEM((CH,), jnp.int32),
            pltpu.VMEM((CH,), jnp.int32),
            pltpu.VMEM((CH,), jnp.int32),
            pltpu.VMEM((CH,), jnp.int32),
            pltpu.VMEM((CH, 2 * H), jnp.float32),
            pltpu.VMEM((CH, 2 * H), jnp.float32),
            pltpu.VMEM((8 * CH + 16,), jnp.float32),
            pltpu.VMEM((8 * CH,), jnp.float32),
            pltpu.VMEM((8 * CH,), jnp.float32),
            pltpu.VMEM((8 * CH,), jnp.float32),
            pltpu.VMEM((CH, PD), jnp.float32),
            pltpu.VMEM((CH, PD), jnp.float32),
            pltpu.VMEM((CH, PD), jnp.float32),
            pltpu.SemaphoreType.DMA,
            pltpu.SemaphoreType.DMA,
            pltpu.SemaphoreType.DMA,
            pltpu.SemaphoreType.DMA,
            pltpu.SemaphoreType.DMA,
            pltpu.SemaphoreType.DMA,
            pltpu.SemaphoreType.DMA,
            pltpu.SemaphoreType.DMA,
            pltpu.SemaphoreType.DMA,
            pltpu.SemaphoreType.DMA,
            pltpu.SemaphoreType.DMA,
        ],
    )(_sc_gat_body)
    return kern(featv, eldv, erdv, sd, zacc, zden)



def _tc2a_body(acc0_ref, acc1_ref, den0_ref, den1_ref, Ws1_ref, bs1_ref,
               Ws2_ref, f0_ref, f1_ref, wsum_ref):
    i = pl.program_id(0)
    lane = lax.broadcasted_iota(jnp.int32, (1, 8), 1)

    @pl.when(i == 0)
    def _():
        wsum_ref[...] = jnp.zeros_like(wsum_ref)

    ts = []
    for acc_ref, den_ref, f_ref in [(acc0_ref, den0_ref, f0_ref),
                                    (acc1_ref, den1_ref, f1_ref)]:
        d = den_ref[...][0][:, :H]
        r = 1.0 / jnp.maximum(d, 1e-9)
        re = jnp.broadcast_to(r[:, :, None], (BLK, H, D)).reshape(BLK, H * D)
        x = acc_ref[...][0] * re
        f = jnp.where(x > 0, x, jnp.exp(jnp.minimum(x, 0.0)) - 1.0)
        f_ref[...] = f
        t = (jnp.tanh(jnp.dot(f, Ws1_ref[...],
                              preferred_element_type=jnp.float32)
                      + bs1_ref[...][None, :]) @ Ws2_ref[...]).sum()
        ts.append(t)

    wsum_ref[...] += (jnp.where(lane == 0, ts[0], 0.0)
                      + jnp.where(lane == 1, ts[1], 0.0))


def _tc2b_body(f0_ref, f1_ref, wsum_ref, out_ref):
    row = wsum_ref[...]
    w0 = row[0, 0] / N
    w1 = row[0, 1] / N
    m = jnp.maximum(w0, w1)
    b0 = jnp.exp(w0 - m)
    b1 = jnp.exp(w1 - m)
    s = b0 + b1
    out_ref[...] = (b0 / s) * f0_ref[...] + (b1 / s) * f1_ref[...]


def _tc2(accs, dens, Ws1, bs1, Ws2):
    f0, f1, wsum = pl.pallas_call(
        _tc2a_body,
        grid=(NB,),
        in_specs=[
            pl.BlockSpec((1, BLK, H * D), lambda i: (0, i, 0)),
            pl.BlockSpec((1, BLK, H * D), lambda i: (1, i, 0)),
            pl.BlockSpec((1, BLK, 2 * H), lambda i: (0, i, 0)),
            pl.BlockSpec((1, BLK, 2 * H), lambda i: (1, i, 0)),
            pl.BlockSpec((H * D, HID), lambda i: (0, 0)),
            pl.BlockSpec((HID,), lambda i: (0,)),
            pl.BlockSpec((HID, 1), lambda i: (0, 0)),
        ],
        out_specs=[
            pl.BlockSpec((BLK, H * D), lambda i: (i, 0)),
            pl.BlockSpec((BLK, H * D), lambda i: (i, 0)),
            pl.BlockSpec((1, 8), lambda i: (0, 0)),
        ],
        out_shape=[
            jax.ShapeDtypeStruct((N, H * D), jnp.float32),
            jax.ShapeDtypeStruct((N, H * D), jnp.float32),
            jax.ShapeDtypeStruct((1, 8), jnp.float32),
        ],
    )(accs, accs, dens, dens, Ws1, bs1, Ws2)
    out = pl.pallas_call(
        _tc2b_body,
        grid=(NB,),
        in_specs=[
            pl.BlockSpec((BLK, H * D), lambda i: (i, 0)),
            pl.BlockSpec((BLK, H * D), lambda i: (i, 0)),
            pl.BlockSpec((1, 8), lambda i: (0, 0)),
        ],
        out_specs=pl.BlockSpec((BLK, H * D), lambda i: (i, 0)),
        out_shape=jax.ShapeDtypeStruct((N, H * D), jnp.float32),
    )(f0, f1, wsum)
    return out



def kernel(h, edge_index_0, edge_index_1, W0, al0, ar0, W1, al1, ar1,
           Ws1, bs1, Ws2, layer_number):
    feat, eld, erd = _tc1(h, W0, al0, ar0, W1, al1, ar1)
    featv = feat.reshape(NC * N * HP, PD)
    eldv = eld.reshape(NC * N, 2 * H)
    erdv = erd.reshape(NC * N, 2 * H)
    srcs = jnp.stack([edge_index_0[0], edge_index_1[0]]).astype(jnp.int32)
    dsts = jnp.stack([edge_index_0[1], edge_index_1[1]]).astype(jnp.int32)
    sd = jnp.stack([srcs.reshape(NC, NS, NCHUNK, CH),
                    dsts.reshape(NC, NS, NCHUNK, CH)], axis=3)
    sd = jnp.pad(sd, ((0, 0), (0, 0), (0, 128 - NCHUNK), (0, 0), (0, 0)))
    zacc = jnp.zeros((NPW, PD), jnp.float32)
    zden = jnp.zeros((NPW, 2 * H), jnp.float32)
    accs, dens, _ = _sc_gat(featv, eldv, erdv, sd, zacc, zden)
    return _tc2(accs, dens, Ws1, bs1, Ws2)

# --- scband reference (transcript-rebuilt; emitter-appended) ---
"""Pipeline reference for scband-hanlayer-2817498546583 (READ-ONLY COPY).

The authoritative reference and input builder live on the scoring server;
editing this copy changes nothing except your own understanding.
"""

import jax, jax.numpy as jnp
import numpy as np

N = 10000
E = 160000
IN = 256
H = 8
D = 64
HID = 128

def setup_inputs(seed: int = 0) -> dict:
    key = jax.random.key(seed)
    ks = jax.random.split(key, 12)
    h = jax.random.normal(ks[0], (N, IN), dtype=jnp.float32)
    edge_index_0 = jax.random.randint(ks[1], (2, E), 0, N, dtype=jnp.int64 if jax.config.jax_enable_x64 else jnp.int32)
    edge_index_1 = jax.random.randint(ks[2], (2, E), 0, N, dtype=jnp.int64 if jax.config.jax_enable_x64 else jnp.int32)
    W0 = jax.random.normal(ks[3], (IN, H * D), dtype=jnp.float32) * 0.05
    al0 = jax.random.normal(ks[4], (H, D), dtype=jnp.float32) * 0.05
    ar0 = jax.random.normal(ks[5], (H, D), dtype=jnp.float32) * 0.05
    W1 = jax.random.normal(ks[6], (IN, H * D), dtype=jnp.float32) * 0.05
    al1 = jax.random.normal(ks[7], (H, D), dtype=jnp.float32) * 0.05
    ar1 = jax.random.normal(ks[8], (H, D), dtype=jnp.float32) * 0.05
    Ws1 = jax.random.normal(ks[9], (H * D, HID), dtype=jnp.float32) * 0.05
    bs1 = jnp.zeros((HID,), dtype=jnp.float32)
    Ws2 = jax.random.normal(ks[10], (HID, 1), dtype=jnp.float32) * 0.05
    return {"h": h, "edge_index_0": edge_index_0, "edge_index_1": edge_index_1,
            "W0": W0, "al0": al0, "ar0": ar0, "W1": W1, "al1": al1, "ar1": ar1,
            "Ws1": Ws1, "bs1": bs1, "Ws2": Ws2, "layer_number": 0}

def _gat(h, ei, W, al, ar):
    n = h.shape[0]
    feat = (h @ W).reshape(n, H, D)
    el = (feat * al[None]).sum(-1)  # [N, H]
    er = (feat * ar[None]).sum(-1)  # [N, H]
    src, dst = ei[0], ei[1]
    e = jax.nn.leaky_relu(el[src] + er[dst], negative_slope=0.2)  # [E, H]
    m = jax.ops.segment_max(e, dst, num_segments=n)  # [N, H]
    m = jnp.where(jnp.isneginf(m), 0.0, m)
    ex = jnp.exp(e - m[dst])
    denom = jax.ops.segment_sum(ex, dst, num_segments=n)  # [N, H]
    a = ex / jnp.maximum(denom[dst], 1e-9)  # [E, H]
    msg = feat[src] * a[:, :, None]  # [E, H, D]
    out = jax.ops.segment_sum(msg, dst, num_segments=n)  # [N, H, D]
    return jax.nn.elu(out)

def reference(h, edge_index_0, edge_index_1, W0, al0, ar0, W1, al1, ar1, Ws1, bs1, Ws2, layer_number=0):
    f0 = _gat(h, edge_index_0, W0, al0, ar0).reshape(h.shape[0], H * D)
    f1 = _gat(h, edge_index_1, W1, al1, ar1).reshape(h.shape[0], H * D)
    z = jnp.stack([f0, f1], axis=1)  # [N, P, H*D]
    w = (jnp.tanh(z @ Ws1 + bs1) @ Ws2).mean(0)  # [P, 1]
    beta = jax.nn.softmax(w, axis=0)  # [P, 1]
    out = (beta[None, :, :] * z).sum(1)  # [N, H*D]
    return out

if __name__ == "__main__":
    import jax
    _d = setup_inputs()
    print(jax.jit(kernel)(*tuple(_d.values())))

</pallas_src>

<mosaic_0001>
#map = affine_map<(d0, d1) -> (0, 0)>
#map1 = affine_map<(d0, d1) -> (0, 0, 0, 0, 0)>
#map2 = affine_map<(d0, d1) -> (0, 0, 0)>
#map3 = affine_map<(d0, d1) -> (0, 0, 0, 0)>
module attributes {stable_mosaic.version = 14 : i64} {
  func.func @_sc_gat_body(%arg0: i32, %arg1: i32, %arg2: memref<80000x128xf32, #tpu.memory_space<hbm>>, %arg3: memref<20000x16xf32, #tpu.memory_space<hbm>>, %arg4: memref<20000x16xf32, #tpu.memory_space<hbm>>, %arg5: memref<2x16x128x2x80xi32, #tpu.memory_space<hbm>>, %arg6: memref<632x128xf32, #tpu.memory_space<hbm>>, %arg7: memref<632x16xf32, #tpu.memory_space<hbm>>, %arg8: memref<2x10112x512xf32, #tpu.memory_space<hbm>>, %arg9: memref<2x10112x16xf32, #tpu.memory_space<hbm>>, %arg10: memref<2x16x125x640xf32, #tpu.memory_space<hbm>>, %arg11: memref<10112x128xf32, #tpu.memory_space<vmem_shared>>, %arg12: memref<10112x16xf32, #tpu.memory_space<vmem_shared>>, %arg13: memref<5x2x80xi32, #tpu.memory_space<vmem>>, %arg14: memref<5x2x80xi32, #tpu.memory_space<vmem>>, %arg15: memref<80xi32, #tpu.memory_space<vmem>>, %arg16: memref<80xi32, #tpu.memory_space<vmem>>, %arg17: memref<80xi32, #tpu.memory_space<vmem>>, %arg18: memref<80xi32, #tpu.memory_space<vmem>>, %arg19: memref<80xi32, #tpu.memory_space<vmem>>, %arg20: memref<80xi32, #tpu.memory_space<vmem>>, %arg21: memref<80xi32, #tpu.memory_space<vmem>>, %arg22: memref<80x16xf32, #tpu.memory_space<vmem>>, %arg23: memref<80x16xf32, #tpu.memory_space<vmem>>, %arg24: memref<656xf32, #tpu.memory_space<vmem>>, %arg25: memref<640xf32, #tpu.memory_space<vmem>>, %arg26: memref<640xf32, #tpu.memory_space<vmem>>, %arg27: memref<640xf32, #tpu.memory_space<vmem>>, %arg28: memref<80x128xf32, #tpu.memory_space<vmem>>, %arg29: memref<80x128xf32, #tpu.memory_space<vmem>>, %arg30: memref<80x128xf32, #tpu.memory_space<vmem>>, %arg31: memref<!tpu.dma_semaphore, #tpu.memory_space<semaphore_mem>>, %arg32: memref<!tpu.dma_semaphore, #tpu.memory_space<semaphore_mem>>, %arg33: memref<!tpu.dma_semaphore, #tpu.memory_space<semaphore_mem>>, %arg34: memref<!tpu.dma_semaphore, #tpu.memory_space<semaphore_mem>>, %arg35: memref<!tpu.dma_semaphore, #tpu.memory_space<semaphore_mem>>, %arg36: memref<!tpu.dma_semaphore, #tpu.memory_space<semaphore_mem>>, %arg37: memref<!tpu.dma_semaphore, #tpu.memory_space<semaphore_mem>>, %arg38: memref<!tpu.dma_semaphore, #tpu.memory_space<semaphore_mem>>, %arg39: memref<!tpu.dma_semaphore, #tpu.memory_space<semaphore_mem>>, %arg40: memref<!tpu.dma_semaphore, #tpu.memory_space<semaphore_mem>>, %arg41: memref<!tpu.dma_semaphore, #tpu.memory_space<semaphore_mem>>) attributes {dimension_semantics = [#tpu.dimension_semantics<core_parallel>, #tpu.dimension_semantics<subcore_parallel>], iteration_bounds = array<i64: 2, 16>, scalar_prefetch = 0 : i64, scratch_operands = 31 : i64, tpu.core_type = #tpu.core_type<sc_vector_subcore>, window_params = [{transform_indices = #map}, {transform_indices = #map}, {transform_indices = #map}, {transform_indices = #map1}, {transform_indices = #map}, {transform_indices = #map}, {transform_indices = #map2}, {transform_indices = #map2}, {transform_indices = #map3}]} {
    %mul3A = arith.constant 632 : i32
    %mul3A_0 = arith.muli %arg1, %mul3A : i32
    %multiple_of3A = tpu.assume_multiple %mul3A_0, 632 : i32
    %mul3A_1 = arith.constant 10000 : i32
    %mul3A_2 = arith.muli %arg0, %mul3A_1 : i32
    %mul3A_3 = arith.constant 40000 : i32
    %mul3A_4 = arith.muli %arg0, %mul3A_3 : i32
    %iota3A = tpu.iota {dimensions = array<i32: 0>} : vector<16xi32>
    %lt3A = arith.constant 8 : i32
    %lt3A_5 = vector.broadcast %lt3A : i32 to vector<16xi32>
    %lt3A_6 = arith.cmpi slt, %iota3A, %lt3A_5 : vector<16xi32>
    "tpu.region"() ({
      %run_scoped3A = tpu.sem_alloc : memref<!tpu.dma_semaphore, #tpu.memory_space<semaphore_mem>>
      %dma_start3A = arith.constant 0 : i32
      %dma_start3A_48 = tpu.memref_slice %arg12[%multiple_of3A, %dma_start3A] : memref<10112x16xf32, #tpu.memory_space<vmem_shared>> -> memref<632x16xf32, #tpu.memory_space<vmem_shared>>
      tpu.enqueue_dma source(%arg7 : memref<632x16xf32, #tpu.memory_space<hbm>>) target(%dma_start3A_48 : memref<632x16xf32, #tpu.memory_space<vmem_shared>>) target_semaphore(%run_scoped3A : memref<!tpu.dma_semaphore, #tpu.memory_space<semaphore_mem>>)
      %dma_wait3A_49 = arith.constant 0 : i32
      %dma_wait3A_50 = tpu.memref_slice %arg12[%multiple_of3A, %dma_wait3A_49] : memref<10112x16xf32, #tpu.memory_space<vmem_shared>> -> memref<632x16xf32, #tpu.memory_space<vmem_shared>>
      tpu.wait_dma2 semaphore(%run_scoped3A : memref<!tpu.dma_semaphore, #tpu.memory_space<semaphore_mem>>) src(%arg7 : memref<632x16xf32, #tpu.memory_space<hbm>>) dst(%dma_wait3A_50 : memref<632x16xf32, #tpu.memory_space<vmem_shared>>)
      tpu.yield
    }) : () -> ()
    %barrier3A = arith.constant 0 : index
    tpu.barrier barrier_id(%barrier3A)
    %scan3A = arith.constant 0 : i32
    %scan3A_7 = arith.constant 25 : i32
    %scan3A_8 = arith.addi %scan3A, %scan3A_7 : i32
    %scan3A_9 = arith.constant 1 : i32
    scf.for %scan3A_48 = %scan3A to %scan3A_8 step %scan3A_9  : i32 {
      %mul3A_49 = arith.constant 1 : i32
      %mul3A_50 = arith.muli %scan3A_48, %mul3A_49 : i32
      %add3A = arith.constant 0 : i32
      %add3A_51 = arith.addi %add3A, %mul3A_50 : i32
      %mul3A_52 = arith.constant 5 : i32
      %mul3A_53 = arith.muli %add3A_51, %mul3A_52 : i32
      "tpu.region"() ({
        %run_scoped3A = tpu.sem_alloc : memref<!tpu.dma_semaphore, #tpu.memory_space<semaphore_mem>>
        %dma_start3A_468 = arith.constant 0 : i32
        %dma_start3A_469 = arith.constant 0 : i32
        %dma_start3A_470 = arith.constant 0 : i32
        %dma_start3A_471 = arith.constant 0 : i32
        %dma_start3A_472 = tpu.memref_slice %arg5[%arg0, %dma_start3A_468, %dma_start3A_469, %dma_start3A_470, %dma_start3A_471] : memref<2x16x128x2x80xi32, #tpu.memory_space<hbm>> -> memref<1x16x128x2x80xi32, #tpu.memory_space<hbm>>
        %dma_start3A_473 = tpu.memref_squeeze %dma_start3A_472 : memref<1x16x128x2x80xi32, #tpu.memory_space<hbm>> -> memref<16x128x2x80xi32, #tpu.memory_space<hbm>>
        %dma_start3A_474 = arith.constant 0 : i32
        %dma_start3A_475 = arith.constant 0 : i32
        %dma_start3A_476 = arith.constant 0 : i32
        %dma_start3A_477 = tpu.memref_slice %dma_start3A_473[%arg1, %dma_start3A_474, %dma_start3A_475, %dma_start3A_476] : memref<16x128x2x80xi32, #tpu.memory_space<hbm>> -> memref<1x128x2x80xi32, #tpu.memory_space<hbm>>
        %dma_start3A_478 = tpu.memref_squeeze %dma_start3A_477 : memref<1x128x2x80xi32, #tpu.memory_space<hbm>> -> memref<128x2x80xi32, #tpu.memory_space<hbm>>
        %dma_start3A_479 = arith.constant 0 : i32
        %dma_start3A_480 = arith.constant 0 : i32
        %dma_start3A_481 = tpu.memref_slice %dma_start3A_478[%mul3A_53, %dma_start3A_479, %dma_start3A_480] : memref<128x2x80xi32, #tpu.memory_space<hbm>> -> memref<5x2x80xi32, #tpu.memory_space<hbm>>
        %dma_start3A_482 = arith.constant 0 : i32
        %dma_start3A_483 = arith.constant 0 : i32
        %dma_start3A_484 = arith.constant 0 : i32
        %dma_start3A_485 = arith.constant 0 : i32
        %dma_start3A_486 = tpu.memref_slice %arg5[%arg0, %dma_start3A_482, %dma_start3A_483, %dma_start3A_484, %dma_start3A_485] : memref<2x16x128x2x80xi32, #tpu.memory_space<hbm>> -> memref<1x16x128x2x80xi32, #tpu.memory_space<hbm>>
        %dma_start3A_487 = tpu.memref_squeeze %dma_start3A_486 : memref<1x16x128x2x80xi32, #tpu.memory_space<hbm>> -> memref<16x128x2x80xi32, #tpu.memory_space<hbm>>
        %dma_start3A_488 = arith.constant 0 : i32
        %dma_start3A_489 = arith.constant 0 : i32
        %dma_start3A_490 = arith.constant 0 : i32
        %dma_start3A_491 = tpu.memref_slice %dma_start3A_487[%arg1, %dma_start3A_488, %dma_start3A_489, %dma_start3A_490] : memref<16x128x2x80xi32, #tpu.memory_space<hbm>> -> memref<1x128x2x80xi32, #tpu.memory_space<hbm>>
        %dma_start3A_492 = tpu.memref_squeeze %dma_start3A_491 : memref<1x128x2x80xi32, #tpu.memory_space<hbm>> -> memref<128x2x80xi32, #tpu.memory_space<hbm>>
        %dma_start3A_493 = arith.constant 0 : i32
        %dma_start3A_494 = arith.constant 0 : i32
        %dma_start3A_495 = tpu.memref_slice %dma_start3A_492[%mul3A_53, %dma_start3A_493, %dma_start3A_494] : memref<128x2x80xi32, #tpu.memory_space<hbm>> -> memref<5x2x80xi32, #tpu.memory_space<hbm>>
        tpu.enqueue_dma source(%dma_start3A_495 : memref<5x2x80xi32, #tpu.memory_space<hbm>>) target(%arg13 : memref<5x2x80xi32, #tpu.memory_space<vmem>>) target_semaphore(%run_scoped3A : memref<!tpu.dma_semaphore, #tpu.memory_space<semaphore_mem>>)
        %dma_wait3A_496 = arith.constant 0 : i32
        %dma_wait3A_497 = arith.constant 0 : i32
        %dma_wait3A_498 = arith.constant 0 : i32
        %dma_wait3A_499 = arith.constant 0 : i32
        %dma_wait3A_500 = tpu.memref_slice %arg5[%arg0, %dma_wait3A_496, %dma_wait3A_497, %dma_wait3A_498, %dma_wait3A_499] : memref<2x16x128x2x80xi32, #tpu.memory_space<hbm>> -> memref<1x16x128x2x80xi32, #tpu.memory_space<hbm>>
        %dma_wait3A_501 = tpu.memref_squeeze %dma_wait3A_500 : memref<1x16x128x2x80xi32, #tpu.memory_space<hbm>> -> memref<16x128x2x80xi32, #tpu.memory_space<hbm>>
        %dma_wait3A_502 = arith.constant 0 : i32
        %dma_wait3A_503 = arith.constant 0 : i32
        %dma_wait3A_504 = arith.constant 0 : i32
        %dma_wait3A_505 = tpu.memref_slice %dma_wait3A_501[%arg1, %dma_wait3A_502, %dma_wait3A_503, %dma_wait3A_504] : memref<16x128x2x80xi32, #tpu.memory_space<hbm>> -> memref<1x128x2x80xi32, #tpu.memory_space<hbm>>
        %dma_wait3A_506 = tpu.memref_squeeze %dma_wait3A_505 : memref<1x128x2x80xi32, #tpu.memory_space<hbm>> -> memref<128x2x80xi32, #tpu.memory_space<hbm>>
        %dma_wait3A_507 = arith.constant 0 : i32
        %dma_wait3A_508 = arith.constant 0 : i32
        %dma_wait3A_509 = tpu.memref_slice %dma_wait3A_506[%mul3A_53, %dma_wait3A_507, %dma_wait3A_508] : memref<128x2x80xi32, #tpu.memory_space<hbm>> -> memref<5x2x80xi32, #tpu.memory_space<hbm>>
        %dma_wait3A_510 = arith.constant 0 : i32
        %dma_wait3A_511 = arith.constant 0 : i32
        %dma_wait3A_512 = arith.constant 0 : i32
        %dma_wait3A_513 = arith.constant 0 : i32
        %dma_wait3A_514 = tpu.memref_slice %arg5[%arg0, %dma_wait3A_510, %dma_wait3A_511, %dma_wait3A_512, %dma_wait3A_513] : memref<2x16x128x2x80xi32, #tpu.memory_space<hbm>> -> memref<1x16x128x2x80xi32, #tpu.memory_space<hbm>>
        %dma_wait3A_515 = tpu.memref_squeeze %dma_wait3A_514 : memref<1x16x128x2x80xi32, #tpu.memory_space<hbm>> -> memref<16x128x2x80xi32, #tpu.memory_space<hbm>>
        %dma_wait3A_516 = arith.constant 0 : i32
        %dma_wait3A_517 = arith.constant 0 : i32
        %dma_wait3A_518 = arith.constant 0 : i32
        %dma_wait3A_519 = tpu.memref_slice %dma_wait3A_515[%arg1, %dma_wait3A_516, %dma_wait3A_517, %dma_wait3A_518] : memref<16x128x2x80xi32, #tpu.memory_space<hbm>> -> memref<1x128x2x80xi32, #tpu.memory_space<hbm>>
        %dma_wait3A_520 = tpu.memref_squeeze %dma_wait3A_519 : memref<1x128x2x80xi32, #tpu.memory_space<hbm>> -> memref<128x2x80xi32, #tpu.memory_space<hbm>>
        %dma_wait3A_521 = arith.constant 0 : i32
        %dma_wait3A_522 = arith.constant 0 : i32
        %dma_wait3A_523 = tpu.memref_slice %dma_wait3A_520[%mul3A_53, %dma_wait3A_521, %dma_wait3A_522] : memref<128x2x80xi32, #tpu.memory_space<hbm>> -> memref<5x2x80xi32, #tpu.memory_space<hbm>>
        tpu.wait_dma2 semaphore(%run_scoped3A : memref<!tpu.dma_semaphore, #tpu.memory_space<semaphore_mem>>) src(%dma_wait3A_523 : memref<5x2x80xi32, #tpu.memory_space<hbm>>) dst(%arg13 : memref<5x2x80xi32, #tpu.memory_space<vmem>>)
        tpu.yield
      }) : () -> ()
      %mul3A_54 = arith.constant 5 : i32
      %mul3A_55 = arith.muli %add3A_51, %mul3A_54 : i32
      %add3A_56 = arith.constant 0 : i32
      %add3A_57 = arith.addi %mul3A_55, %add3A_56 : i32
      %gt3A = arith.constant 0 : i32
      %gt3A_58 = arith.cmpi sgt, %add3A_51, %gt3A : i32
      %convert_element_type3A = arith.extui %gt3A_58 : i1 to i32
      %cond3A = arith.constant 0 : i32
      %cond3A_59 = arith.cmpi ne, %convert_element_type3A, %cond3A : i32
      scf.if %cond3A_59 {
        %dma_wait3A_468 = arith.constant 0 : i32
        %dma_wait3A_469 = arith.constant 0 : i32
        %dma_wait3A_470 = tpu.memref_slice %arg24[%dma_wait3A_469] : memref<656xf32, #tpu.memory_space<vmem>> -> memref<640xf32, #tpu.memory_space<vmem>>
        %dma_wait3A_471 = arith.constant 0 : i32
        %dma_wait3A_472 = arith.constant 0 : i32
        %dma_wait3A_473 = arith.constant 0 : i32
        %dma_wait3A_474 = tpu.memref_slice %arg10[%arg0, %dma_wait3A_471, %dma_wait3A_472, %dma_wait3A_473] : memref<2x16x125x640xf32, #tpu.memory_space<hbm>> -> memref<1x16x125x640xf32, #tpu.memory_space<hbm>>
        %dma_wait3A_475 = tpu.memref_squeeze %dma_wait3A_474 : memref<1x16x125x640xf32, #tpu.memory_space<hbm>> -> memref<16x125x640xf32, #tpu.memory_space<hbm>>
        %dma_wait3A_476 = arith.constant 0 : i32
        %dma_wait3A_477 = arith.constant 0 : i32
        %dma_wait3A_478 = tpu.memref_slice %dma_wait3A_475[%arg1, %dma_wait3A_476, %dma_wait3A_477] : memref<16x125x640xf32, #tpu.memory_space<hbm>> -> memref<1x125x640xf32, #tpu.memory_space<hbm>>
        %dma_wait3A_479 = tpu.memref_squeeze %dma_wait3A_478 : memref<1x125x640xf32, #tpu.memory_space<hbm>> -> memref<125x640xf32, #tpu.memory_space<hbm>>
        %dma_wait3A_480 = arith.constant 0 : i32
        %dma_wait3A_481 = tpu.memref_slice %dma_wait3A_479[%dma_wait3A_468, %dma_wait3A_480] : memref<125x640xf32, #tpu.memory_space<hbm>> -> memref<1x640xf32, #tpu.memory_space<hbm>>
        %dma_wait3A_482 = tpu.memref_squeeze %dma_wait3A_481 : memref<1x640xf32, #tpu.memory_space<hbm>> -> memref<640xf32, #tpu.memory_space<hbm>>
        %dma_wait3A_483 = arith.constant 0 : i32
        %dma_wait3A_484 = arith.constant 0 : i32
        %dma_wait3A_485 = arith.constant 0 : i32
        %dma_wait3A_486 = tpu.memref_slice %arg10[%arg0, %dma_wait3A_483, %dma_wait3A_484, %dma_wait3A_485] : memref<2x16x125x640xf32, #tpu.memory_space<hbm>> -> memref<1x16x125x640xf32, #tpu.memory_space<hbm>>
        %dma_wait3A_487 = tpu.memref_squeeze %dma_wait3A_486 : memref<1x16x125x640xf32, #tpu.memory_space<hbm>> -> memref<16x125x640xf32, #tpu.memory_space<hbm>>
        %dma_wait3A_488 = arith.constant 0 : i32
        %dma_wait3A_489 = arith.constant 0 : i32
        %dma_wait3A_490 = tpu.memref_slice %dma_wait3A_487[%arg1, %dma_wait3A_488, %dma_wait3A_489] : memref<16x125x640xf32, #tpu.memory_space<hbm>> -> memref<1x125x640xf32, #tpu.memory_space<hbm>>
        %dma_wait3A_491 = tpu.memref_squeeze %dma_wait3A_490 : memref<1x125x640xf32, #tpu.memory_space<hbm>> -> memref<125x640xf32, #tpu.memory_space<hbm>>
        %dma_wait3A_492 = arith.constant 0 : i32
        %dma_wait3A_493 = tpu.memref_slice %dma_wait3A_491[%dma_wait3A_468, %dma_wait3A_492] : memref<125x640xf32, #tpu.memory_space<hbm>> -> memref<1x640xf32, #tpu.memory_space<hbm>>
        %dma_wait3A_494 = tpu.memref_squeeze %dma_wait3A_493 : memref<1x640xf32, #tpu.memory_space<hbm>> -> memref<640xf32, #tpu.memory_space<hbm>>
        %dma_wait3A_495 = arith.constant 0 : i32
        %dma_wait3A_496 = tpu.memref_slice %arg24[%dma_wait3A_495] : memref<656xf32, #tpu.memory_space<vmem>> -> memref<640xf32, #tpu.memory_space<vmem>>
        tpu.wait_dma2 semaphore(%arg40 : memref<!tpu.dma_semaphore, #tpu.memory_space<semaphore_mem>>) src(%dma_wait3A_496 : memref<640xf32, #tpu.memory_space<vmem>>) dst(%dma_wait3A_494 : memref<640xf32, #tpu.memory_space<hbm>>)
        %dma_wait3A_497 = arith.constant 0 : i32
        %dma_wait3A_498 = arith.constant 0 : i32
        %dma_wait3A_499 = tpu.memref_slice %arg12[%dma_wait3A_497, %dma_wait3A_498] : memref<10112x16xf32, #tpu.memory_space<vmem_shared>> -> memref<10112x16xf32, #tpu.memory_space<vmem_shared>>
        tpu.wait_indirect_dma semaphore(%arg37 : memref<!tpu.dma_semaphore, #tpu.memory_space<semaphore_mem>>) src(%arg22 : memref<80x16xf32, #tpu.memory_space<vmem>>) dst(%dma_wait3A_499 : memref<10112x16xf32, #tpu.memory_space<vmem_shared>>)
      } else {
      }
      %scan3A_60 = arith.constant 0 : i32
      %scan3A_61 = arith.constant 5 : i32
      %scan3A_62 = arith.addi %scan3A_60, %scan3A_61 : i32
      %scan3A_63 = arith.constant 1 : i32
      scf.for %scan3A_468 = %scan3A_60 to %scan3A_62 step %scan3A_63  : i32 {
        %mul3A_469 = arith.constant 16 : i32
        %mul3A_470 = arith.muli %scan3A_468, %mul3A_469 : i32
        %add3A_471 = arith.constant 0 : i32
        %add3A_472 = arith.addi %add3A_471, %mul3A_470 : i32
        %get3A = arith.constant 0 : i32
        %get3A_473 = arith.constant 0 : i32
        %get3A_474 = arith.index_cast %get3A : i32 to index
        %get3A_475 = arith.index_cast %get3A_473 : i32 to index
        %get3A_476 = arith.index_cast %add3A_472 : i32 to index
        %get3A_477 = tpu.vector_load %arg13[%get3A_474, %get3A_475, %get3A_476] {strides = array<i32>} : memref<5x2x80xi32, #tpu.memory_space<vmem>>, vector<16xi32>,
        %get3A_478 = arith.constant 0 : i32
        %get3A_479 = arith.constant 1 : i32
        %get3A_480 = arith.index_cast %get3A_478 : i32 to index
        %get3A_481 = arith.index_cast %get3A_479 : i32 to index
        %get3A_482 = arith.index_cast %add3A_472 : i32 to index
        %get3A_483 = tpu.vector_load %arg13[%get3A_480, %get3A_481, %get3A_482] {strides = array<i32>} : memref<5x2x80xi32, #tpu.memory_space<vmem>>, vector<16xi32>,
        %add3A_484 = vector.broadcast %mul3A_2 : i32 to vector<16xi32>
        %add3A_485 = arith.addi %get3A_477, %add3A_484 : vector<16xi32>
        %swap3A = arith.index_cast %add3A_472 : i32 to index
        %swap3A_486 = tpu.vector_load %arg18[%swap3A] {strides = array<i32>} : memref<80xi32, #tpu.memory_space<vmem>>, vector<16xi32>,
        tpu.vector_store %arg18[%swap3A], %add3A_485 {strides = array<i32>} : memref<80xi32, #tpu.memory_space<vmem>>, vector<16xi32>,
        %add3A_487 = vector.broadcast %mul3A_2 : i32 to vector<16xi32>
        %add3A_488 = arith.addi %get3A_483, %add3A_487 : vector<16xi32>
        %swap3A_489 = arith.index_cast %add3A_472 : i32 to index
        %swap3A_490 = tpu.vector_load %arg21[%swap3A_489] {strides = array<i32>} : memref<80xi32, #tpu.memory_space<vmem>>, vector<16xi32>,
        tpu.vector_store %arg21[%swap3A_489], %add3A_488 {strides = array<i32>} : memref<80xi32, #tpu.memory_space<vmem>>, vector<16xi32>,
        %swap3A_491 = arith.index_cast %add3A_472 : i32 to index
        %swap3A_492 = tpu.vector_load %arg15[%swap3A_491] {strides = array<i32>} : memref<80xi32, #tpu.memory_space<vmem>>, vector<16xi32>,
        tpu.vector_store %arg15[%swap3A_491], %get3A_483 {strides = array<i32>} : memref<80xi32, #tpu.memory_space<vmem>>, vector<16xi32>,
      }
      %scan3A_64 = arith.constant 5 : i32
      %dma_start3A = arith.constant 0 : i32
      %dma_start3A_65 = arith.constant 0 : i32
      %dma_start3A_66 = tpu.memref_slice %arg3[%dma_start3A, %dma_start3A_65] : memref<20000x16xf32, #tpu.memory_space<hbm>> -> memref<20000x16xf32, #tpu.memory_space<hbm>>
      tpu.enqueue_indirect_dma source(%dma_start3A_66 : memref<20000x16xf32, #tpu.memory_space<hbm>>) target(%arg22 : memref<80x16xf32, #tpu.memory_space<vmem>>) offsets(%arg18 : memref<80xi32, #tpu.memory_space<vmem>>) semaphore(%arg31 : memref<!tpu.dma_semaphore, #tpu.memory_space<semaphore_mem>>)
      %dma_start3A_67 = arith.constant 0 : i32
      %dma_start3A_68 = arith.constant 0 : i32
      %dma_start3A_69 = tpu.memref_slice %arg4[%dma_start3A_67, %dma_start3A_68] : memref<20000x16xf32, #tpu.memory_space<hbm>> -> memref<20000x16xf32, #tpu.memory_space<hbm>>
      tpu.enqueue_indirect_dma source(%dma_start3A_69 : memref<20000x16xf32, #tpu.memory_space<hbm>>) target(%arg23 : memref<80x16xf32, #tpu.memory_space<vmem>>) offsets(%arg21 : memref<80xi32, #tpu.memory_space<vmem>>) semaphore(%arg34 : memref<!tpu.dma_semaphore, #tpu.memory_space<semaphore_mem>>)
      %dma_wait3A_70 = arith.constant 0 : i32
      %dma_wait3A_71 = arith.constant 0 : i32
      %dma_wait3A_72 = tpu.memref_slice %arg3[%dma_wait3A_70, %dma_wait3A_71] : memref<20000x16xf32, #tpu.memory_space<hbm>> -> memref<20000x16xf32, #tpu.memory_space<hbm>>
      tpu.wait_indirect_dma semaphore(%arg31 : memref<!tpu.dma_semaphore, #tpu.memory_space<semaphore_mem>>) src(%dma_wait3A_72 : memref<20000x16xf32, #tpu.memory_space<hbm>>) dst(%arg22 : memref<80x16xf32, #tpu.memory_space<vmem>>)
      %dma_wait3A_73 = arith.constant 0 : i32
      %dma_wait3A_74 = arith.constant 0 : i32
      %dma_wait3A_75 = tpu.memref_slice %arg4[%dma_wait3A_73, %dma_wait3A_74] : memref<20000x16xf32, #tpu.memory_space<hbm>> -> memref<20000x16xf32, #tpu.memory_space<hbm>>
      tpu.wait_indirect_dma semaphore(%arg34 : memref<!tpu.dma_semaphore, #tpu.memory_space<semaphore_mem>>) src(%dma_wait3A_75 : memref<20000x16xf32, #tpu.memory_space<hbm>>) dst(%arg23 : memref<80x16xf32, #tpu.memory_space<vmem>>)
      %scan3A_76 = arith.constant 0 : i32
      %scan3A_77 = arith.constant 80 : i32
      %scan3A_78 = arith.addi %scan3A_76, %scan3A_77 : i32
      %scan3A_79 = arith.constant 1 : i32
      scf.for %scan3A_468 = %scan3A_76 to %scan3A_78 step %scan3A_79  : i32 {
        %mul3A_469 = arith.constant 1 : i32
        %mul3A_470 = arith.muli %scan3A_468, %mul3A_469 : i32
        %add3A_471 = arith.constant 0 : i32
        %add3A_472 = arith.addi %add3A_471, %mul3A_470 : i32
        %get3A = arith.index_cast %add3A_472 : i32 to index
        %get3A_473 = arith.constant 0 : index
        %get3A_474 = tpu.vector_load %arg22[%get3A, %get3A_473] {strides = array<i32>} : memref<80x16xf32, #tpu.memory_space<vmem>>, vector<16xf32>,
        %get3A_475 = arith.index_cast %add3A_472 : i32 to index
        %get3A_476 = arith.constant 0 : index
        %get3A_477 = tpu.vector_load %arg23[%get3A_475, %get3A_476] {strides = array<i32>} : memref<80x16xf32, #tpu.memory_space<vmem>>, vector<16xf32>,
        %add3A_478 = arith.addf %get3A_474, %get3A_477 : vector<16xf32>
        %max3A = arith.constant 0.000000e+00 : f32
        %max3A_479 = vector.broadcast %max3A : f32 to vector<16xf32>
        %max3A_480 = arith.maximumf %add3A_478, %max3A_479 : vector<16xf32>
        %min3A = arith.constant 0.000000e+00 : f32
        %min3A_481 = vector.broadcast %min3A : f32 to vector<16xf32>
        %min3A_482 = arith.minimumf %add3A_478, %min3A_481 : vector<16xf32>
        %mul3A_483 = arith.constant 2.000000e-01 : f32
        %mul3A_484 = vector.broadcast %mul3A_483 : f32 to vector<16xf32>
        %mul3A_485 = arith.mulf %mul3A_484, %min3A_482 : vector<16xf32>
        %add3A_486 = arith.addf %max3A_480, %mul3A_485 : vector<16xf32>
        %exp3A = math.exp %add3A_486 : vector<16xf32>
        %swap3A = arith.index_cast %add3A_472 : i32 to index
        %swap3A_487 = arith.constant 0 : index
        %swap3A_488 = tpu.vector_load %arg22[%swap3A, %swap3A_487] {strides = array<i32>} : memref<80x16xf32, #tpu.memory_space<vmem>>, vector<16xf32>,
        tpu.vector_store %arg22[%swap3A, %swap3A_487], %exp3A {strides = array<i32>} : memref<80x16xf32, #tpu.memory_space<vmem>>, vector<16xf32>,
        %mul3A_489 = arith.constant 8 : i32
        %mul3A_490 = arith.muli %add3A_472, %mul3A_489 : i32
        %swap3A_491 = arith.index_cast %mul3A_490 : i32 to index
        %swap3A_492 = tpu.vector_load %arg24[%swap3A_491] masked %lt3A_6 {strides = array<i32>} : memref<656xf32, #tpu.memory_space<vmem>>, vector<16xf32>, vector<16xi1>
        tpu.vector_store %arg24[%swap3A_491], %exp3A masked %lt3A_6 {strides = array<i32>} : memref<656xf32, #tpu.memory_space<vmem>>, vector<16xf32>, vector<16xi1>
      }
      %scan3A_80 = arith.constant 80 : i32
      %dma_start3A_81 = arith.constant 0 : i32
      %dma_start3A_82 = tpu.memref_slice %arg24[%dma_start3A_81] : memref<656xf32, #tpu.memory_space<vmem>> -> memref<640xf32, #tpu.memory_space<vmem>>
      %dma_start3A_83 = arith.constant 0 : i32
      %dma_start3A_84 = arith.constant 0 : i32
      %dma_start3A_85 = arith.constant 0 : i32
      %dma_start3A_86 = tpu.memref_slice %arg10[%arg0, %dma_start3A_83, %dma_start3A_84, %dma_start3A_85] : memref<2x16x125x640xf32, #tpu.memory_space<hbm>> -> memref<1x16x125x640xf32, #tpu.memory_space<hbm>>
      %dma_start3A_87 = tpu.memref_squeeze %dma_start3A_86 : memref<1x16x125x640xf32, #tpu.memory_space<hbm>> -> memref<16x125x640xf32, #tpu.memory_space<hbm>>
      %dma_start3A_88 = arith.constant 0 : i32
      %dma_start3A_89 = arith.constant 0 : i32
      %dma_start3A_90 = tpu.memref_slice %dma_start3A_87[%arg1, %dma_start3A_88, %dma_start3A_89] : memref<16x125x640xf32, #tpu.memory_space<hbm>> -> memref<1x125x640xf32, #tpu.memory_space<hbm>>
      %dma_start3A_91 = tpu.memref_squeeze %dma_start3A_90 : memref<1x125x640xf32, #tpu.memory_space<hbm>> -> memref<125x640xf32, #tpu.memory_space<hbm>>
      %dma_start3A_92 = arith.constant 0 : i32
      %dma_start3A_93 = tpu.memref_slice %dma_start3A_91[%add3A_57, %dma_start3A_92] : memref<125x640xf32, #tpu.memory_space<hbm>> -> memref<1x640xf32, #tpu.memory_space<hbm>>
      %dma_start3A_94 = tpu.memref_squeeze %dma_start3A_93 : memref<1x640xf32, #tpu.memory_space<hbm>> -> memref<640xf32, #tpu.memory_space<hbm>>
      %dma_start3A_95 = arith.constant 0 : i32
      %dma_start3A_96 = arith.constant 0 : i32
      %dma_start3A_97 = arith.constant 0 : i32
      %dma_start3A_98 = tpu.memref_slice %arg10[%arg0, %dma_start3A_95, %dma_start3A_96, %dma_start3A_97] : memref<2x16x125x640xf32, #tpu.memory_space<hbm>> -> memref<1x16x125x640xf32, #tpu.memory_space<hbm>>
      %dma_start3A_99 = tpu.memref_squeeze %dma_start3A_98 : memref<1x16x125x640xf32, #tpu.memory_space<hbm>> -> memref<16x125x640xf32, #tpu.memory_space<hbm>>
      %dma_start3A_100 = arith.constant 0 : i32
      %dma_start3A_101 = arith.constant 0 : i32
      %dma_start3A_102 = tpu.memref_slice %dma_start3A_99[%arg1, %dma_start3A_100, %dma_start3A_101] : memref<16x125x640xf32, #tpu.memory_space<hbm>> -> memref<1x125x640xf32, #tpu.memory_space<hbm>>
      %dma_start3A_103 = tpu.memref_squeeze %dma_start3A_102 : memref<1x125x640xf32, #tpu.memory_space<hbm>> -> memref<125x640xf32, #tpu.memory_space<hbm>>
      %dma_start3A_104 = arith.constant 0 : i32
      %dma_start3A_105 = tpu.memref_slice %dma_start3A_103[%add3A_57, %dma_start3A_104] : memref<125x640xf32, #tpu.memory_space<hbm>> -> memref<1x640xf32, #tpu.memory_space<hbm>>
      %dma_start3A_106 = tpu.memref_squeeze %dma_start3A_105 : memref<1x640xf32, #tpu.memory_space<hbm>> -> memref<640xf32, #tpu.memory_space<hbm>>
      %dma_start3A_107 = arith.constant 0 : i32
      %dma_start3A_108 = tpu.memref_slice %arg24[%dma_start3A_107] : memref<656xf32, #tpu.memory_space<vmem>> -> memref<640xf32, #tpu.memory_space<vmem>>
      tpu.enqueue_dma source(%dma_start3A_108 : memref<640xf32, #tpu.memory_space<vmem>>) target(%dma_start3A_106 : memref<640xf32, #tpu.memory_space<hbm>>) target_semaphore(%arg40 : memref<!tpu.dma_semaphore, #tpu.memory_space<semaphore_mem>>)
      %dma_start3A_109 = arith.constant 0 : i32
      %dma_start3A_110 = arith.constant 0 : i32
      %dma_start3A_111 = tpu.memref_slice %arg12[%dma_start3A_109, %dma_start3A_110] : memref<10112x16xf32, #tpu.memory_space<vmem_shared>> -> memref<10112x16xf32, #tpu.memory_space<vmem_shared>>
      tpu.enqueue_indirect_dma source(%arg22 : memref<80x16xf32, #tpu.memory_space<vmem>>) target(%dma_start3A_111 : memref<10112x16xf32, #tpu.memory_space<vmem_shared>>) offsets(%arg15 : memref<80xi32, #tpu.memory_space<vmem>>) semaphore(%arg37 : memref<!tpu.dma_semaphore, #tpu.memory_space<semaphore_mem>>) {add = true}
      %mul3A_112 = arith.constant 5 : i32
      %mul3A_113 = arith.muli %add3A_51, %mul3A_112 : i32
      %add3A_114 = arith.constant 1 : i32
      %add3A_115 = arith.addi %mul3A_113, %add3A_114 : i32
      %dma_wait3A_116 = arith.constant 0 : i32
      %dma_wait3A_117 = arith.constant 0 : i32
      %dma_wait3A_118 = tpu.memref_slice %arg24[%dma_wait3A_117] : memref<656xf32, #tpu.memory_space<vmem>> -> memref<640xf32, #tpu.memory_space<vmem>>
      %dma_wait3A_119 = arith.constant 0 : i32
      %dma_wait3A_120 = arith.constant 0 : i32
      %dma_wait3A_121 = arith.constant 0 : i32
      %dma_wait3A_122 = tpu.memref_slice %arg10[%arg0, %dma_wait3A_119, %dma_wait3A_120, %dma_wait3A_121] : memref<2x16x125x640xf32, #tpu.memory_space<hbm>> -> memref<1x16x125x640xf32, #tpu.memory_space<hbm>>
      %dma_wait3A_123 = tpu.memref_squeeze %dma_wait3A_122 : memref<1x16x125x640xf32, #tpu.memory_space<hbm>> -> memref<16x125x640xf32, #tpu.memory_space<hbm>>
      %dma_wait3A_124 = arith.constant 0 : i32
      %dma_wait3A_125 = arith.constant 0 : i32
      %dma_wait3A_126 = tpu.memref_slice %dma_wait3A_123[%arg1, %dma_wait3A_124, %dma_wait3A_125] : memref<16x125x640xf32, #tpu.memory_space<hbm>> -> memref<1x125x640xf32, #tpu.memory_space<hbm>>
      %dma_wait3A_127 = tpu.memref_squeeze %dma_wait3A_126 : memref<1x125x640xf32, #tpu.memory_space<hbm>> -> memref<125x640xf32, #tpu.memory_space<hbm>>
      %dma_wait3A_128 = arith.constant 0 : i32
      %dma_wait3A_129 = tpu.memref_slice %dma_wait3A_127[%dma_wait3A_116, %dma_wait3A_128] : memref<125x640xf32, #tpu.memory_space<hbm>> -> memref<1x640xf32, #tpu.memory_space<hbm>>
      %dma_wait3A_130 = tpu.memref_squeeze %dma_wait3A_129 : memref<1x640xf32, #tpu.memory_space<hbm>> -> memref<640xf32, #tpu.memory_space<hbm>>
      %dma_wait3A_131 = arith.constant 0 : i32
      %dma_wait3A_132 = arith.constant 0 : i32
      %dma_wait3A_133 = arith.constant 0 : i32
      %dma_wait3A_134 = tpu.memref_slice %arg10[%arg0, %dma_wait3A_131, %dma_wait3A_132, %dma_wait3A_133] : memref<2x16x125x640xf32, #tpu.memory_space<hbm>> -> memref<1x16x125x640xf32, #tpu.memory_space<hbm>>
      %dma_wait3A_135 = tpu.memref_squeeze %dma_wait3A_134 : memref<1x16x125x640xf32, #tpu.memory_space<hbm>> -> memref<16x125x640xf32, #tpu.memory_space<hbm>>
      %dma_wait3A_136 = arith.constant 0 : i32
      %dma_wait3A_137 = arith.constant 0 : i32
      %dma_wait3A_138 = tpu.memref_slice %dma_wait3A_135[%arg1, %dma_wait3A_136, %dma_wait3A_137] : memref<16x125x640xf32, #tpu.memory_space<hbm>> -> memref<1x125x640xf32, #tpu.memory_space<hbm>>
      %dma_wait3A_139 = tpu.memref_squeeze %dma_wait3A_138 : memref<1x125x640xf32, #tpu.memory_space<hbm>> -> memref<125x640xf32, #tpu.memory_space<hbm>>
      %dma_wait3A_140 = arith.constant 0 : i32
      %dma_wait3A_141 = tpu.memref_slice %dma_wait3A_139[%dma_wait3A_116, %dma_wait3A_140] : memref<125x640xf32, #tpu.memory_space<hbm>> -> memref<1x640xf32, #tpu.memory_space<hbm>>
      %dma_wait3A_142 = tpu.memref_squeeze %dma_wait3A_141 : memref<1x640xf32, #tpu.memory_space<hbm>> -> memref<640xf32, #tpu.memory_space<hbm>>
      %dma_wait3A_143 = arith.constant 0 : i32
      %dma_wait3A_144 = tpu.memref_slice %arg24[%dma_wait3A_143] : memref<656xf32, #tpu.memory_space<vmem>> -> memref<640xf32, #tpu.memory_space<vmem>>
      tpu.wait_dma2 semaphore(%arg40 : memref<!tpu.dma_semaphore, #tpu.memory_space<semaphore_mem>>) src(%dma_wait3A_144 : memref<640xf32, #tpu.memory_space<vmem>>) dst(%dma_wait3A_142 : memref<640xf32, #tpu.memory_space<hbm>>)
      %dma_wait3A_145 = arith.constant 0 : i32
      %dma_wait3A_146 = arith.constant 0 : i32
      %dma_wait3A_147 = tpu.memref_slice %arg12[%dma_wait3A_145, %dma_wait3A_146] : memref<10112x16xf32, #tpu.memory_space<vmem_shared>> -> memref<10112x16xf32, #tpu.memory_space<vmem_shared>>
      tpu.wait_indirect_dma semaphore(%arg37 : memref<!tpu.dma_semaphore, #tpu.memory_space<semaphore_mem>>) src(%arg22 : memref<80x16xf32, #tpu.memory_space<vmem>>) dst(%dma_wait3A_147 : memref<10112x16xf32, #tpu.memory_space<vmem_shared>>)
      %scan3A_148 = arith.constant 0 : i32
      %scan3A_149 = arith.constant 5 : i32
      %scan3A_150 = arith.addi %scan3A_148, %scan3A_149 : i32
      %scan3A_151 = arith.constant 1 : i32
      scf.for %scan3A_468 = %scan3A_148 to %scan3A_150 step %scan3A_151  : i32 {
        %mul3A_469 = arith.constant 16 : i32
        %mul3A_470 = arith.muli %scan3A_468, %mul3A_469 : i32
        %add3A_471 = arith.constant 0 : i32
        %add3A_472 = arith.addi %add3A_471, %mul3A_470 : i32
        %get3A = arith.constant 1 : i32
        %get3A_473 = arith.constant 0 : i32
        %get3A_474 = arith.index_cast %get3A : i32 to index
        %get3A_475 = arith.index_cast %get3A_473 : i32 to index
        %get3A_476 = arith.index_cast %add3A_472 : i32 to index
        %get3A_477 = tpu.vector_load %arg13[%get3A_474, %get3A_475, %get3A_476] {strides = array<i32>} : memref<5x2x80xi32, #tpu.memory_space<vmem>>, vector<16xi32>,
        %get3A_478 = arith.constant 1 : i32
        %get3A_479 = arith.constant 1 : i32
        %get3A_480 = arith.index_cast %get3A_478 : i32 to index
        %get3A_481 = arith.index_cast %get3A_479 : i32 to index
        %get3A_482 = arith.index_cast %add3A_472 : i32 to index
        %get3A_483 = tpu.vector_load %arg13[%get3A_480, %get3A_481, %get3A_482] {strides = array<i32>} : memref<5x2x80xi32, #tpu.memory_space<vmem>>, vector<16xi32>,
        %add3A_484 = vector.broadcast %mul3A_2 : i32 to vector<16xi32>
        %add3A_485 = arith.addi %get3A_477, %add3A_484 : vector<16xi32>
        %swap3A = arith.index_cast %add3A_472 : i32 to index
        %swap3A_486 = tpu.vector_load %arg18[%swap3A] {strides = array<i32>} : memref<80xi32, #tpu.memory_space<vmem>>, vector<16xi32>,
        tpu.vector_store %arg18[%swap3A], %add3A_485 {strides = array<i32>} : memref<80xi32, #tpu.memory_space<vmem>>, vector<16xi32>,
        %add3A_487 = vector.broadcast %mul3A_2 : i32 to vector<16xi32>
        %add3A_488 = arith.addi %get3A_483, %add3A_487 : vector<16xi32>
        %swap3A_489 = arith.index_cast %add3A_472 : i32 to index
        %swap3A_490 = tpu.vector_load %arg21[%swap3A_489] {strides = array<i32>} : memref<80xi32, #tpu.memory_space<vmem>>, vector<16xi32>,
        tpu.vector_store %arg21[%swap3A_489], %add3A_488 {strides = array<i32>} : memref<80xi32, #tpu.memory_space<vmem>>, vector<16xi32>,
        %swap3A_491 = arith.index_cast %add3A_472 : i32 to index
        %swap3A_492 = tpu.vector_load %arg15[%swap3A_491] {strides = array<i32>} : memref<80xi32, #tpu.memory_space<vmem>>, vector<16xi32>,
        tpu.vector_store %arg15[%swap3A_491], %get3A_483 {strides = array<i32>} : memref<80xi32, #tpu.memory_space<vmem>>, vector<16xi32>,
      }
      %scan3A_152 = arith.constant 5 : i32
      %dma_start3A_153 = arith.constant 0 : i32
      %dma_start3A_154 = arith.constant 0 : i32
      %dma_start3A_155 = tpu.memref_slice %arg3[%dma_start3A_153, %dma_start3A_154] : memref<20000x16xf32, #tpu.memory_space<hbm>> -> memref<20000x16xf32, #tpu.memory_space<hbm>>
      tpu.enqueue_indirect_dma source(%dma_start3A_155 : memref<20000x16xf32, #tpu.memory_space<hbm>>) target(%arg22 : memref<80x16xf32, #tpu.memory_space<vmem>>) offsets(%arg18 : memref<80xi32, #tpu.memory_space<vmem>>) semaphore(%arg31 : memref<!tpu.dma_semaphore, #tpu.memory_space<semaphore_mem>>)
      %dma_start3A_156 = arith.constant 0 : i32
      %dma_start3A_157 = arith.constant 0 : i32
      %dma_start3A_158 = tpu.memref_slice %arg4[%dma_start3A_156, %dma_start3A_157] : memref<20000x16xf32, #tpu.memory_space<hbm>> -> memref<20000x16xf32, #tpu.memory_space<hbm>>
      tpu.enqueue_indirect_dma source(%dma_start3A_158 : memref<20000x16xf32, #tpu.memory_space<hbm>>) target(%arg23 : memref<80x16xf32, #tpu.memory_space<vmem>>) offsets(%arg21 : memref<80xi32, #tpu.memory_space<vmem>>) semaphore(%arg34 : memref<!tpu.dma_semaphore, #tpu.memory_space<semaphore_mem>>)
      %dma_wait3A_159 = arith.constant 0 : i32
      %dma_wait3A_160 = arith.constant 0 : i32
      %dma_wait3A_161 = tpu.memref_slice %arg3[%dma_wait3A_159, %dma_wait3A_160] : memref<20000x16xf32, #tpu.memory_space<hbm>> -> memref<20000x16xf32, #tpu.memory_space<hbm>>
      tpu.wait_indirect_dma semaphore(%arg31 : memref<!tpu.dma_semaphore, #tpu.memory_space<semaphore_mem>>) src(%dma_wait3A_161 : memref<20000x16xf32, #tpu.memory_space<hbm>>) dst(%arg22 : memref<80x16xf32, #tpu.memory_space<vmem>>)
      %dma_wait3A_162 = arith.constant 0 : i32
      %dma_wait3A_163 = arith.constant 0 : i32
      %dma_wait3A_164 = tpu.memref_slice %arg4[%dma_wait3A_162, %dma_wait3A_163] : memref<20000x16xf32, #tpu.memory_space<hbm>> -> memref<20000x16xf32, #tpu.memory_space<hbm>>
      tpu.wait_indirect_dma semaphore(%arg34 : memref<!tpu.dma_semaphore, #tpu.memory_space<semaphore_mem>>) src(%dma_wait3A_164 : memref<20000x16xf32, #tpu.memory_space<hbm>>) dst(%arg23 : memref<80x16xf32, #tpu.memory_space<vmem>>)
      %scan3A_165 = arith.constant 0 : i32
      %scan3A_166 = arith.constant 80 : i32
      %scan3A_167 = arith.addi %scan3A_165, %scan3A_166 : i32
      %scan3A_168 = arith.constant 1 : i32
      scf.for %scan3A_468 = %scan3A_165 to %scan3A_167 step %scan3A_168  : i32 {
        %mul3A_469 = arith.constant 1 : i32
        %mul3A_470 = arith.muli %scan3A_468, %mul3A_469 : i32
        %add3A_471 = arith.constant 0 : i32
        %add3A_472 = arith.addi %add3A_471, %mul3A_470 : i32
        %get3A = arith.index_cast %add3A_472 : i32 to index
        %get3A_473 = arith.constant 0 : index
        %get3A_474 = tpu.vector_load %arg22[%get3A, %get3A_473] {strides = array<i32>} : memref<80x16xf32, #tpu.memory_space<vmem>>, vector<16xf32>,
        %get3A_475 = arith.index_cast %add3A_472 : i32 to index
        %get3A_476 = arith.constant 0 : index
        %get3A_477 = tpu.vector_load %arg23[%get3A_475, %get3A_476] {strides = array<i32>} : memref<80x16xf32, #tpu.memory_space<vmem>>, vector<16xf32>,
        %add3A_478 = arith.addf %get3A_474, %get3A_477 : vector<16xf32>
        %max3A = arith.constant 0.000000e+00 : f32
        %max3A_479 = vector.broadcast %max3A : f32 to vector<16xf32>
        %max3A_480 = arith.maximumf %add3A_478, %max3A_479 : vector<16xf32>
        %min3A = arith.constant 0.000000e+00 : f32
        %min3A_481 = vector.broadcast %min3A : f32 to vector<16xf32>
        %min3A_482 = arith.minimumf %add3A_478, %min3A_481 : vector<16xf32>
        %mul3A_483 = arith.constant 2.000000e-01 : f32
        %mul3A_484 = vector.broadcast %mul3A_483 : f32 to vector<16xf32>
        %mul3A_485 = arith.mulf %mul3A_484, %min3A_482 : vector<16xf32>
        %add3A_486 = arith.addf %max3A_480, %mul3A_485 : vector<16xf32>
        %exp3A = math.exp %add3A_486 : vector<16xf32>
        %swap3A = arith.index_cast %add3A_472 : i32 to index
        %swap3A_487 = arith.constant 0 : index
        %swap3A_488 = tpu.vector_load %arg22[%swap3A, %swap3A_487] {strides = array<i32>} : memref<80x16xf32, #tpu.memory_space<vmem>>, vector<16xf32>,
        tpu.vector_store %arg22[%swap3A, %swap3A_487], %exp3A {strides = array<i32>} : memref<80x16xf32, #tpu.memory_space<vmem>>, vector<16xf32>,
        %mul3A_489 = arith.constant 8 : i32
        %mul3A_490 = arith.muli %add3A_472, %mul3A_489 : i32
        %swap3A_491 = arith.index_cast %mul3A_490 : i32 to index
        %swap3A_492 = tpu.vector_load %arg24[%swap3A_491] masked %lt3A_6 {strides = array<i32>} : memref<656xf32, #tpu.memory_space<vmem>>, vector<16xf32>, vector<16xi1>
        tpu.vector_store %arg24[%swap3A_491], %exp3A masked %lt3A_6 {strides = array<i32>} : memref<656xf32, #tpu.memory_space<vmem>>, vector<16xf32>, vector<16xi1>
      }
      %scan3A_169 = arith.constant 80 : i32
      %dma_start3A_170 = arith.constant 0 : i32
      %dma_start3A_171 = tpu.memref_slice %arg24[%dma_start3A_170] : memref<656xf32, #tpu.memory_space<vmem>> -> memref<640xf32, #tpu.memory_space<vmem>>
      %dma_start3A_172 = arith.constant 0 : i32
      %dma_start3A_173 = arith.constant 0 : i32
      %dma_start3A_174 = arith.constant 0 : i32
      %dma_start3A_175 = tpu.memref_slice %arg10[%arg0, %dma_start3A_172, %dma_start3A_173, %dma_start3A_174] : memref<2x16x125x640xf32, #tpu.memory_space<hbm>> -> memref<1x16x125x640xf32, #tpu.memory_space<hbm>>
      %dma_start3A_176 = tpu.memref_squeeze %dma_start3A_175 : memref<1x16x125x640xf32, #tpu.memory_space<hbm>> -> memref<16x125x640xf32, #tpu.memory_space<hbm>>
      %dma_start3A_177 = arith.constant 0 : i32
      %dma_start3A_178 = arith.constant 0 : i32
      %dma_start3A_179 = tpu.memref_slice %dma_start3A_176[%arg1, %dma_start3A_177, %dma_start3A_178] : memref<16x125x640xf32, #tpu.memory_space<hbm>> -> memref<1x125x640xf32, #tpu.memory_space<hbm>>
      %dma_start3A_180 = tpu.memref_squeeze %dma_start3A_179 : memref<1x125x640xf32, #tpu.memory_space<hbm>> -> memref<125x640xf32, #tpu.memory_space<hbm>>
      %dma_start3A_181 = arith.constant 0 : i32
      %dma_start3A_182 = tpu.memref_slice %dma_start3A_180[%add3A_115, %dma_start3A_181] : memref<125x640xf32, #tpu.memory_space<hbm>> -> memref<1x640xf32, #tpu.memory_space<hbm>>
      %dma_start3A_183 = tpu.memref_squeeze %dma_start3A_182 : memref<1x640xf32, #tpu.memory_space<hbm>> -> memref<640xf32, #tpu.memory_space<hbm>>
      %dma_start3A_184 = arith.constant 0 : i32
      %dma_start3A_185 = arith.constant 0 : i32
      %dma_start3A_186 = arith.constant 0 : i32
      %dma_start3A_187 = tpu.memref_slice %arg10[%arg0, %dma_start3A_184, %dma_start3A_185, %dma_start3A_186] : memref<2x16x125x640xf32, #tpu.memory_space<hbm>> -> memref<1x16x125x640xf32, #tpu.memory_space<hbm>>
      %dma_start3A_188 = tpu.memref_squeeze %dma_start3A_187 : memref<1x16x125x640xf32, #tpu.memory_space<hbm>> -> memref<16x125x640xf32, #tpu.memory_space<hbm>>
      %dma_start3A_189 = arith.constant 0 : i32
      %dma_start3A_190 = arith.constant 0 : i32
      %dma_start3A_191 = tpu.memref_slice %dma_start3A_188[%arg1, %dma_start3A_189, %dma_start3A_190] : memref<16x125x640xf32, #tpu.memory_space<hbm>> -> memref<1x125x640xf32, #tpu.memory_space<hbm>>
      %dma_start3A_192 = tpu.memref_squeeze %dma_start3A_191 : memref<1x125x640xf32, #tpu.memory_space<hbm>> -> memref<125x640xf32, #tpu.memory_space<hbm>>
      %dma_start3A_193 = arith.constant 0 : i32
      %dma_start3A_194 = tpu.memref_slice %dma_start3A_192[%add3A_115, %dma_start3A_193] : memref<125x640xf32, #tpu.memory_space<hbm>> -> memref<1x640xf32, #tpu.memory_space<hbm>>
      %dma_start3A_195 = tpu.memref_squeeze %dma_start3A_194 : memref<1x640xf32, #tpu.memory_space<hbm>> -> memref<640xf32, #tpu.memory_space<hbm>>
      %dma_start3A_196 = arith.constant 0 : i32
      %dma_start3A_197 = tpu.memref_slice %arg24[%dma_start3A_196] : memref<656xf32, #tpu.memory_space<vmem>> -> memref<640xf32, #tpu.memory_space<vmem>>
      tpu.enqueue_dma source(%dma_start3A_197 : memref<640xf32, #tpu.memory_space<vmem>>) target(%dma_start3A_195 : memref<640xf32, #tpu.memory_space<hbm>>) target_semaphore(%arg40 : memref<!tpu.dma_semaphore, #tpu.memory_space<semaphore_mem>>)
      %dma_start3A_198 = arith.constant 0 : i32
      %dma_start3A_199 = arith.constant 0 : i32
      %dma_start3A_200 = tpu.memref_slice %arg12[%dma_start3A_198, %dma_start3A_199] : memref<10112x16xf32, #tpu.memory_space<vmem_shared>> -> memref<10112x16xf32, #tpu.memory_space<vmem_shared>>
      tpu.enqueue_indirect_dma source(%arg22 : memref<80x16xf32, #tpu.memory_space<vmem>>) target(%dma_start3A_200 : memref<10112x16xf32, #tpu.memory_space<vmem_shared>>) offsets(%arg15 : memref<80xi32, #tpu.memory_space<vmem>>) semaphore(%arg37 : memref<!tpu.dma_semaphore, #tpu.memory_space<semaphore_mem>>) {add = true}
      %mul3A_201 = arith.constant 5 : i32
      %mul3A_202 = arith.muli %add3A_51, %mul3A_201 : i32
      %add3A_203 = arith.constant 2 : i32
      %add3A_204 = arith.addi %mul3A_202, %add3A_203 : i32
      %dma_wait3A_205 = arith.constant 0 : i32
      %dma_wait3A_206 = arith.constant 0 : i32
      %dma_wait3A_207 = tpu.memref_slice %arg24[%dma_wait3A_206] : memref<656xf32, #tpu.memory_space<vmem>> -> memref<640xf32, #tpu.memory_space<vmem>>
      %dma_wait3A_208 = arith.constant 0 : i32
      %dma_wait3A_209 = arith.constant 0 : i32
      %dma_wait3A_210 = arith.constant 0 : i32
      %dma_wait3A_211 = tpu.memref_slice %arg10[%arg0, %dma_wait3A_208, %dma_wait3A_209, %dma_wait3A_210] : memref<2x16x125x640xf32, #tpu.memory_space<hbm>> -> memref<1x16x125x640xf32, #tpu.memory_space<hbm>>
      %dma_wait3A_212 = tpu.memref_squeeze %dma_wait3A_211 : memref<1x16x125x640xf32, #tpu.memory_space<hbm>> -> memref<16x125x640xf32, #tpu.memory_space<hbm>>
      %dma_wait3A_213 = arith.constant 0 : i32
      %dma_wait3A_214 = arith.constant 0 : i32
      %dma_wait3A_215 = tpu.memref_slice %dma_wait3A_212[%arg1, %dma_wait3A_213, %dma_wait3A_214] : memref<16x125x640xf32, #tpu.memory_space<hbm>> -> memref<1x125x640xf32, #tpu.memory_space<hbm>>
      %dma_wait3A_216 = tpu.memref_squeeze %dma_wait3A_215 : memref<1x125x640xf32, #tpu.memory_space<hbm>> -> memref<125x640xf32, #tpu.memory_space<hbm>>
      %dma_wait3A_217 = arith.constant 0 : i32
      %dma_wait3A_218 = tpu.memref_slice %dma_wait3A_216[%dma_wait3A_205, %dma_wait3A_217] : memref<125x640xf32, #tpu.memory_space<hbm>> -> memref<1x640xf32, #tpu.memory_space<hbm>>
      %dma_wait3A_219 = tpu.memref_squeeze %dma_wait3A_218 : memref<1x640xf32, #tpu.memory_space<hbm>> -> memref<640xf32, #tpu.memory_space<hbm>>
      %dma_wait3A_220 = arith.constant 0 : i32
      %dma_wait3A_221 = arith.constant 0 : i32
      %dma_wait3A_222 = arith.constant 0 : i32
      %dma_wait3A_223 = tpu.memref_slice %arg10[%arg0, %dma_wait3A_220, %dma_wait3A_221, %dma_wait3A_222] : memref<2x16x125x640xf32, #tpu.memory_space<hbm>> -> memref<1x16x125x640xf32, #tpu.memory_space<hbm>>
      %dma_wait3A_224 = tpu.memref_squeeze %dma_wait3A_223 : memref<1x16x125x640xf32, #tpu.memory_space<hbm>> -> memref<16x125x640xf32, #tpu.memory_space<hbm>>
      %dma_wait3A_225 = arith.constant 0 : i32
      %dma_wait3A_226 = arith.constant 0 : i32
      %dma_wait3A_227 = tpu.memref_slice %dma_wait3A_224[%arg1, %dma_wait3A_225, %dma_wait3A_226] : memref<16x125x640xf32, #tpu.memory_space<hbm>> -> memref<1x125x640xf32, #tpu.memory_space<hbm>>
      %dma_wait3A_228 = tpu.memref_squeeze %dma_wait3A_227 : memref<1x125x640xf32, #tpu.memory_space<hbm>> -> memref<125x640xf32, #tpu.memory_space<hbm>>
      %dma_wait3A_229 = arith.constant 0 : i32
      %dma_wait3A_230 = tpu.memref_slice %dma_wait3A_228[%dma_wait3A_205, %dma_wait3A_229] : memref<125x640xf32, #tpu.memory_space<hbm>> -> memref<1x640xf32, #tpu.memory_space<hbm>>
      %dma_wait3A_231 = tpu.memref_squeeze %dma_wait3A_230 : memref<1x640xf32, #tpu.memory_space<hbm>> -> memref<640xf32, #tpu.memory_space<hbm>>
      %dma_wait3A_232 = arith.constant 0 : i32
      %dma_wait3A_233 = tpu.memref_slice %arg24[%dma_wait3A_232] : memref<656xf32, #tpu.memory_space<vmem>> -> memref<640xf32, #tpu.memory_space<vmem>>
      tpu.wait_dma2 semaphore(%arg40 : memref<!tpu.dma_semaphore, #tpu.memory_space<semaphore_mem>>) src(%dma_wait3A_233 : memref<640xf32, #tpu.memory_space<vmem>>) dst(%dma_wait3A_231 : memref<640xf32, #tpu.memory_space<hbm>>)
      %dma_wait3A_234 = arith.constant 0 : i32
      %dma_wait3A_235 = arith.constant 0 : i32
      %dma_wait3A_236 = tpu.memref_slice %arg12[%dma_wait3A_234, %dma_wait3A_235] : memref<10112x16xf32, #tpu.memory_space<vmem_shared>> -> memref<10112x16xf32, #tpu.memory_space<vmem_shared>>
      tpu.wait_indirect_dma semaphore(%arg37 : memref<!tpu.dma_semaphore, #tpu.memory_space<semaphore_mem>>) src(%arg22 : memref<80x16xf32, #tpu.memory_space<vmem>>) dst(%dma_wait3A_236 : memref<10112x16xf32, #tpu.memory_space<vmem_shared>>)
      %scan3A_237 = arith.constant 0 : i32
      %scan3A_238 = arith.constant 5 : i32
      %scan3A_239 = arith.addi %scan3A_237, %scan3A_238 : i32
      %scan3A_240 = arith.constant 1 : i32
      scf.for %scan3A_468 = %scan3A_237 to %scan3A_239 step %scan3A_240  : i32 {
        %mul3A_469 = arith.constant 16 : i32
        %mul3A_470 = arith.muli %scan3A_468, %mul3A_469 : i32
        %add3A_471 = arith.constant 0 : i32
        %add3A_472 = arith.addi %add3A_471, %mul3A_470 : i32
        %get3A = arith.constant 2 : i32
        %get3A_473 = arith.constant 0 : i32
        %get3A_474 = arith.index_cast %get3A : i32 to index
        %get3A_475 = arith.index_cast %get3A_473 : i32 to index
        %get3A_476 = arith.index_cast %add3A_472 : i32 to index
        %get3A_477 = tpu.vector_load %arg13[%get3A_474, %get3A_475, %get3A_476] {strides = array<i32>} : memref<5x2x80xi32, #tpu.memory_space<vmem>>, vector<16xi32>,
        %get3A_478 = arith.constant 2 : i32
        %get3A_479 = arith.constant 1 : i32
        %get3A_480 = arith.index_cast %get3A_478 : i32 to index
        %get3A_481 = arith.index_cast %get3A_479 : i32 to index
        %get3A_482 = arith.index_cast %add3A_472 : i32 to index
        %get3A_483 = tpu.vector_load %arg13[%get3A_480, %get3A_481, %get3A_482] {strides = array<i32>} : memref<5x2x80xi32, #tpu.memory_space<vmem>>, vector<16xi32>,
        %add3A_484 = vector.broadcast %mul3A_2 : i32 to vector<16xi32>
        %add3A_485 = arith.addi %get3A_477, %add3A_484 : vector<16xi32>
        %swap3A = arith.index_cast %add3A_472 : i32 to index
        %swap3A_486 = tpu.vector_load %arg18[%swap3A] {strides = array<i32>} : memref<80xi32, #tpu.memory_space<vmem>>, vector<16xi32>,
        tpu.vector_store %arg18[%swap3A], %add3A_485 {strides = array<i32>} : memref<80xi32, #tpu.memory_space<vmem>>, vector<16xi32>,
        %add3A_487 = vector.broadcast %mul3A_2 : i32 to vector<16xi32>
        %add3A_488 = arith.addi %get3A_483, %add3A_487 : vector<16xi32>
        %swap3A_489 = arith.index_cast %add3A_472 : i32 to index
        %swap3A_490 = tpu.vector_load %arg21[%swap3A_489] {strides = array<i32>} : memref<80xi32, #tpu.memory_space<vmem>>, vector<16xi32>,
        tpu.vector_store %arg21[%swap3A_489], %add3A_488 {strides = array<i32>} : memref<80xi32, #tpu.memory_space<vmem>>, vector<16xi32>,
        %swap3A_491 = arith.index_cast %add3A_472 : i32 to index
        %swap3A_492 = tpu.vector_load %arg15[%swap3A_491] {strides = array<i32>} : memref<80xi32, #tpu.memory_space<vmem>>, vector<16xi32>,
        tpu.vector_store %arg15[%swap3A_491], %get3A_483 {strides = array<i32>} : memref<80xi32, #tpu.memory_space<vmem>>, vector<16xi32>,
      }
      %scan3A_241 = arith.constant 5 : i32
      %dma_start3A_242 = arith.constant 0 : i32
      %dma_start3A_243 = arith.constant 0 : i32
      %dma_start3A_244 = tpu.memref_slice %arg3[%dma_start3A_242, %dma_start3A_243] : memref<20000x16xf32, #tpu.memory_space<hbm>> -> memref<20000x16xf32, #tpu.memory_space<hbm>>
      tpu.enqueue_indirect_dma source(%dma_start3A_244 : memref<20000x16xf32, #tpu.memory_space<hbm>>) target(%arg22 : memref<80x16xf32, #tpu.memory_space<vmem>>) offsets(%arg18 : memref<80xi32, #tpu.memory_space<vmem>>) semaphore(%arg31 : memref<!tpu.dma_semaphore, #tpu.memory_space<semaphore_mem>>)
      %dma_start3A_245 = arith.constant 0 : i32
      %dma_start3A_246 = arith.constant 0 : i32
      %dma_start3A_247 = tpu.memref_slice %arg4[%dma_start3A_245, %dma_start3A_246] : memref<20000x16xf32, #tpu.memory_space<hbm>> -> memref<20000x16xf32, #tpu.memory_space<hbm>>
      tpu.enqueue_indirect_dma source(%dma_start3A_247 : memref<20000x16xf32, #tpu.memory_space<hbm>>) target(%arg23 : memref<80x16xf32, #tpu.memory_space<vmem>>) offsets(%arg21 : memref<80xi32, #tpu.memory_space<vmem>>) semaphore(%arg34 : memref<!tpu.dma_semaphore, #tpu.memory_space<semaphore_mem>>)
      %dma_wait3A_248 = arith.constant 0 : i32
      %dma_wait3A_249 = arith.constant 0 : i32
      %dma_wait3A_250 = tpu.memref_slice %arg3[%dma_wait3A_248, %dma_wait3A_249] : memref<20000x16xf32, #tpu.memory_space<hbm>> -> memref<20000x16xf32, #tpu.memory_space<hbm>>
      tpu.wait_indirect_dma semaphore(%arg31 : memref<!tpu.dma_semaphore, #tpu.memory_space<semaphore_mem>>) src(%dma_wait3A_250 : memref<20000x16xf32, #tpu.memory_space<hbm>>) dst(%arg22 : memref<80x16xf32, #tpu.memory_space<vmem>>)
      %dma_wait3A_251 = arith.constant 0 : i32
      %dma_wait3A_252 = arith.constant 0 : i32
      %dma_wait3A_253 = tpu.memref_slice %arg4[%dma_wait3A_251, %dma_wait3A_252] : memref<20000x16xf32, #tpu.memory_space<hbm>> -> memref<20000x16xf32, #tpu.memory_space<hbm>>
      tpu.wait_indirect_dma semaphore(%arg34 : memref<!tpu.dma_semaphore, #tpu.memory_space<semaphore_mem>>) src(%dma_wait3A_253 : memref<20000x16xf32, #tpu.memory_space<hbm>>) dst(%arg23 : memref<80x16xf32, #tpu.memory_space<vmem>>)
      %scan3A_254 = arith.constant 0 : i32
      %scan3A_255 = arith.constant 80 : i32
      %scan3A_256 = arith.addi %scan3A_254, %scan3A_255 : i32
      %scan3A_257 = arith.constant 1 : i32
      scf.for %scan3A_468 = %scan3A_254 to %scan3A_256 step %scan3A_257  : i32 {
        %mul3A_469 = arith.constant 1 : i32
        %mul3A_470 = arith.muli %scan3A_468, %mul3A_469 : i32
        %add3A_471 = arith.constant 0 : i32
        %add3A_472 = arith.addi %add3A_471, %mul3A_470 : i32
        %get3A = arith.index_cast %add3A_472 : i32 to index
        %get3A_473 = arith.constant 0 : index
        %get3A_474 = tpu.vector_load %arg22[%get3A, %get3A_473] {strides = array<i32>} : memref<80x16xf32, #tpu.memory_space<vmem>>, vector<16xf32>,
        %get3A_475 = arith.index_cast %add3A_472 : i32 to index
        %get3A_476 = arith.constant 0 : index
        %get3A_477 = tpu.vector_load %arg23[%get3A_475, %get3A_476] {strides = array<i32>} : memref<80x16xf32, #tpu.memory_space<vmem>>, vector<16xf32>,
        %add3A_478 = arith.addf %get3A_474, %get3A_477 : vector<16xf32>
        %max3A = arith.constant 0.000000e+00 : f32
        %max3A_479 = vector.broadcast %max3A : f32 to vector<16xf32>
        %max3A_480 = arith.maximumf %add3A_478, %max3A_479 : vector<16xf32>
        %min3A = arith.constant 0.000000e+00 : f32
        %min3A_481 = vector.broadcast %min3A : f32 to vector<16xf32>
        %min3A_482 = arith.minimumf %add3A_478, %min3A_481 : vector<16xf32>
        %mul3A_483 = arith.constant 2.000000e-01 : f32
        %mul3A_484 = vector.broadcast %mul3A_483 : f32 to vector<16xf32>
        %mul3A_485 = arith.mulf %mul3A_484, %min3A_482 : vector<16xf32>
        %add3A_486 = arith.addf %max3A_480, %mul3A_485 : vector<16xf32>
        %exp3A = math.exp %add3A_486 : vector<16xf32>
        %swap3A = arith.index_cast %add3A_472 : i32 to index
        %swap3A_487 = arith.constant 0 : index
        %swap3A_488 = tpu.vector_load %arg22[%swap3A, %swap3A_487] {strides = array<i32>} : memref<80x16xf32, #tpu.memory_space<vmem>>, vector<16xf32>,
        tpu.vector_store %arg22[%swap3A, %swap3A_487], %exp3A {strides = array<i32>} : memref<80x16xf32, #tpu.memory_space<vmem>>, vector<16xf32>,
        %mul3A_489 = arith.constant 8 : i32
        %mul3A_490 = arith.muli %add3A_472, %mul3A_489 : i32
        %swap3A_491 = arith.index_cast %mul3A_490 : i32 to index
        %swap3A_492 = tpu.vector_load %arg24[%swap3A_491] masked %lt3A_6 {strides = array<i32>} : memref<656xf32, #tpu.memory_space<vmem>>, vector<16xf32>, vector<16xi1>
        tpu.vector_store %arg24[%swap3A_491], %exp3A masked %lt3A_6 {strides = array<i32>} : memref<656xf32, #tpu.memory_space<vmem>>, vector<16xf32>, vector<16xi1>
      }
      %scan3A_258 = arith.constant 80 : i32
      %dma_start3A_259 = arith.constant 0 : i32
      %dma_start3A_260 = tpu.memref_slice %arg24[%dma_start3A_259] : memref<656xf32, #tpu.memory_space<vmem>> -> memref<640xf32, #tpu.memory_space<vmem>>
      %dma_start3A_261 = arith.constant 0 : i32
      %dma_start3A_262 = arith.constant 0 : i32
      %dma_start3A_263 = arith.constant 0 : i32
      %dma_start3A_264 = tpu.memref_slice %arg10[%arg0, %dma_start3A_261, %dma_start3A_262, %dma_start3A_263] : memref<2x16x125x640xf32, #tpu.memory_space<hbm>> -> memref<1x16x125x640xf32, #tpu.memory_space<hbm>>
      %dma_start3A_265 = tpu.memref_squeeze %dma_start3A_264 : memref<1x16x125x640xf32, #tpu.memory_space<hbm>> -> memref<16x125x640xf32, #tpu.memory_space<hbm>>
      %dma_start3A_266 = arith.constant 0 : i32
      %dma_start3A_267 = arith.constant 0 : i32
      %dma_start3A_268 = tpu.memref_slice %dma_start3A_265[%arg1, %dma_start3A_266, %dma_start3A_267] : memref<16x125x640xf32, #tpu.memory_space<hbm>> -> memref<1x125x640xf32, #tpu.memory_space<hbm>>
      %dma_start3A_269 = tpu.memref_squeeze %dma_start3A_268 : memref<1x125x640xf32, #tpu.memory_space<hbm>> -> memref<125x640xf32, #tpu.memory_space<hbm>>
      %dma_start3A_270 = arith.constant 0 : i32
      %dma_start3A_271 = tpu.memref_slice %dma_start3A_269[%add3A_204, %dma_start3A_270] : memref<125x640xf32, #tpu.memory_space<hbm>> -> memref<1x640xf32, #tpu.memory_space<hbm>>
      %dma_start3A_272 = tpu.memref_squeeze %dma_start3A_271 : memref<1x640xf32, #tpu.memory_space<hbm>> -> memref<640xf32, #tpu.memory_space<hbm>>
      %dma_start3A_273 = arith.constant 0 : i32
      %dma_start3A_274 = arith.constant 0 : i32
      %dma_start3A_275 = arith.constant 0 : i32
      %dma_start3A_276 = tpu.memref_slice %arg10[%arg0, %dma_start3A_273, %dma_start3A_274, %dma_start3A_275] : memref<2x16x125x640xf32, #tpu.memory_space<hbm>> -> memref<1x16x125x640xf32, #tpu.memory_space<hbm>>
      %dma_start3A_277 = tpu.memref_squeeze %dma_start3A_276 : memref<1x16x125x640xf32, #tpu.memory_space<hbm>> -> memref<16x125x640xf32, #tpu.memory_space<hbm>>
      %dma_start3A_278 = arith.constant 0 : i32
      %dma_start3A_279 = arith.constant 0 : i32
      %dma_start3A_280 = tpu.memref_slice %dma_start3A_277[%arg1, %dma_start3A_278, %dma_start3A_279] : memref<16x125x640xf32, #tpu.memory_space<hbm>> -> memref<1x125x640xf32, #tpu.memory_space<hbm>>
      %dma_start3A_281 = tpu.memref_squeeze %dma_start3A_280 : memref<1x125x640xf32, #tpu.memory_space<hbm>> -> memref<125x640xf32, #tpu.memory_space<hbm>>
      %dma_start3A_282 = arith.constant 0 : i32
      %dma_start3A_283 = tpu.memref_slice %dma_start3A_281[%add3A_204, %dma_start3A_282] : memref<125x640xf32, #tpu.memory_space<hbm>> -> memref<1x640xf32, #tpu.memory_space<hbm>>
      %dma_start3A_284 = tpu.memref_squeeze %dma_start3A_283 : memref<1x640xf32, #tpu.memory_space<hbm>> -> memref<640xf32, #tpu.memory_space<hbm>>
      %dma_start3A_285 = arith.constant 0 : i32
      %dma_start3A_286 = tpu.memref_slice %arg24[%dma_start3A_285] : memref<656xf32, #tpu.memory_space<vmem>> -> memref<640xf32, #tpu.memory_space<vmem>>
      tpu.enqueue_dma source(%dma_start3A_286 : memref<640xf32, #tpu.memory_space<vmem>>) target(%dma_start3A_284 : memref<640xf32, #tpu.memory_space<hbm>>) target_semaphore(%arg40 : memref<!tpu.dma_semaphore, #tpu.memory_space<semaphore_mem>>)
      %dma_start3A_287 = arith.constant 0 : i32
      %dma_start3A_288 = arith.constant 0 : i32
      %dma_start3A_289 = tpu.memref_slice %arg12[%dma_start3A_287, %dma_start3A_288] : memref<10112x16xf32, #tpu.memory_space<vmem_shared>> -> memref<10112x16xf32, #tpu.memory_space<vmem_shared>>
      tpu.enqueue_indirect_dma source(%arg22 : memref<80x16xf32, #tpu.memory_space<vmem>>) target(%dma_start3A_289 : memref<10112x16xf32, #tpu.memory_space<vmem_shared>>) offsets(%arg15 : memref<80xi32, #tpu.memory_space<vmem>>) semaphore(%arg37 : memref<!tpu.dma_semaphore, #tpu.memory_space<semaphore_mem>>) {add = true}
      %mul3A_290 = arith.constant 5 : i32
      %mul3A_291 = arith.muli %add3A_51, %mul3A_290 : i32
      %add3A_292 = arith.constant 3 : i32
      %add3A_293 = arith.addi %mul3A_291, %add3A_292 : i32
      %dma_wait3A_294 = arith.constant 0 : i32
      %dma_wait3A_295 = arith.constant 0 : i32
      %dma_wait3A_296 = tpu.memref_slice %arg24[%dma_wait3A_295] : memref<656xf32, #tpu.memory_space<vmem>> -> memref<640xf32, #tpu.memory_space<vmem>>
      %dma_wait3A_297 = arith.constant 0 : i32
      %dma_wait3A_298 = arith.constant 0 : i32
      %dma_wait3A_299 = arith.constant 0 : i32
      %dma_wait3A_300 = tpu.memref_slice %arg10[%arg0, %dma_wait3A_297, %dma_wait3A_298, %dma_wait3A_299] : memref<2x16x125x640xf32, #tpu.memory_space<hbm>> -> memref<1x16x125x640xf32, #tpu.memory_space<hbm>>
      %dma_wait3A_301 = tpu.memref_squeeze %dma_wait3A_300 : memref<1x16x125x640xf32, #tpu.memory_space<hbm>> -> memref<16x125x640xf32, #tpu.memory_space<hbm>>
      %dma_wait3A_302 = arith.constant 0 : i32
      %dma_wait3A_303 = arith.constant 0 : i32
      %dma_wait3A_304 = tpu.memref_slice %dma_wait3A_301[%arg1, %dma_wait3A_302, %dma_wait3A_303] : memref<16x125x640xf32, #tpu.memory_space<hbm>> -> memref<1x125x640xf32, #tpu.memory_space<hbm>>
      %dma_wait3A_305 = tpu.memref_squeeze %dma_wait3A_304 : memref<1x125x640xf32, #tpu.memory_space<hbm>> -> memref<125x640xf32, #tpu.memory_space<hbm>>
      %dma_wait3A_306 = arith.constant 0 : i32
      %dma_wait3A_307 = tpu.memref_slice %dma_wait3A_305[%dma_wait3A_294, %dma_wait3A_306] : memref<125x640xf32, #tpu.memory_space<hbm>> -> memref<1x640xf32, #tpu.memory_space<hbm>>
      %dma_wait3A_308 = tpu.memref_squeeze %dma_wait3A_307 : memref<1x640xf32, #tpu.memory_space<hbm>> -> memref<640xf32, #tpu.memory_space<hbm>>
      %dma_wait3A_309 = arith.constant 0 : i32
      %dma_wait3A_310 = arith.constant 0 : i32
      %dma_wait3A_311 = arith.constant 0 : i32
      %dma_wait3A_312 = tpu.memref_slice %arg10[%arg0, %dma_wait3A_309, %dma_wait3A_310, %dma_wait3A_311] : memref<2x16x125x640xf32, #tpu.memory_space<hbm>> -> memref<1x16x125x640xf32, #tpu.memory_space<hbm>>
      %dma_wait3A_313 = tpu.memref_squeeze %dma_wait3A_312 : memref<1x16x125x640xf32, #tpu.memory_space<hbm>> -> memref<16x125x640xf32, #tpu.memory_space<hbm>>
      %dma_wait3A_314 = arith.constant 0 : i32
      %dma_wait3A_315 = arith.constant 0 : i32
      %dma_wait3A_316 = tpu.memref_slice %dma_wait3A_313[%arg1, %dma_wait3A_314, %dma_wait3A_315] : memref<16x125x640xf32, #tpu.memory_space<hbm>> -> memref<1x125x640xf32, #tpu.memory_space<hbm>>
      %dma_wait3A_317 = tpu.memref_squeeze %dma_wait3A_316 : memref<1x125x640xf32, #tpu.memory_space<hbm>> -> memref<125x640xf32, #tpu.memory_space<hbm>>
      %dma_wait3A_318 = arith.constant 0 : i32
      %dma_wait3A_319 = tpu.memref_slice %dma_wait3A_317[%dma_wait3A_294, %dma_wait3A_318] : memref<125x640xf32, #tpu.memory_space<hbm>> -> memref<1x640xf32, #tpu.memory_space<hbm>>
      %dma_wait3A_320 = tpu.memref_squeeze %dma_wait3A_319 : memref<1x640xf32, #tpu.memory_space<hbm>> -> memref<640xf32, #tpu.memory_space<hbm>>
      %dma_wait3A_321 = arith.constant 0 : i32
      %dma_wait3A_322 = tpu.memref_slice %arg24[%dma_wait3A_321] : memref<656xf32, #tpu.memory_space<vmem>> -> memref<640xf32, #tpu.memory_space<vmem>>
      tpu.wait_dma2 semaphore(%arg40 : memref<!tpu.dma_semaphore, #tpu.memory_space<semaphore_mem>>) src(%dma_wait3A_322 : memref<640xf32, #tpu.memory_space<vmem>>) dst(%dma_wait3A_320 : memref<640xf32, #tpu.memory_space<hbm>>)
      %dma_wait3A_323 = arith.constant 0 : i32
      %dma_wait3A_324 = arith.constant 0 : i32
      %dma_wait3A_325 = tpu.memref_slice %arg12[%dma_wait3A_323, %dma_wait3A_324] : memref<10112x16xf32, #tpu.memory_space<vmem_shared>> -> memref<10112x16xf32, #tpu.memory_space<vmem_shared>>
      tpu.wait_indirect_dma semaphore(%arg37 : memref<!tpu.dma_semaphore, #tpu.memory_space<semaphore_mem>>) src(%arg22 : memref<80x16xf32, #tpu.memory_space<vmem>>) dst(%dma_wait3A_325 : memref<10112x16xf32, #tpu.memory_space<vmem_shared>>)
      %scan3A_326 = arith.constant 0 : i32
      %scan3A_327 = arith.constant 5 : i32
      %scan3A_328 = arith.addi %scan3A_326, %scan3A_327 : i32
      %scan3A_329 = arith.constant 1 : i32
      scf.for %scan3A_468 = %scan3A_326 to %scan3A_328 step %scan3A_329  : i32 {
        %mul3A_469 = arith.constant 16 : i32
        %mul3A_470 = arith.muli %scan3A_468, %mul3A_469 : i32
        %add3A_471 = arith.constant 0 : i32
        %add3A_472 = arith.addi %add3A_471, %mul3A_470 : i32
        %get3A = arith.constant 3 : i32
        %get3A_473 = arith.constant 0 : i32
        %get3A_474 = arith.index_cast %get3A : i32 to index
        %get3A_475 = arith.index_cast %get3A_473 : i32 to index
        %get3A_476 = arith.index_cast %add3A_472 : i32 to index
        %get3A_477 = tpu.vector_load %arg13[%get3A_474, %get3A_475, %get3A_476] {strides = array<i32>} : memref<5x2x80xi32, #tpu.memory_space<vmem>>, vector<16xi32>,
        %get3A_478 = arith.constant 3 : i32
        %get3A_479 = arith.constant 1 : i32
        %get3A_480 = arith.index_cast %get3A_478 : i32 to index
        %get3A_481 = arith.index_cast %get3A_479 : i32 to index
        %get3A_482 = arith.index_cast %add3A_472 : i32 to index
        %get3A_483 = tpu.vector_load %arg13[%get3A_480, %get3A_481, %get3A_482] {strides = array<i32>} : memref<5x2x80xi32, #tpu.memory_space<vmem>>, vector<16xi32>,
        %add3A_484 = vector.broadcast %mul3A_2 : i32 to vector<16xi32>
        %add3A_485 = arith.addi %get3A_477, %add3A_484 : vector<16xi32>
        %swap3A = arith.index_cast %add3A_472 : i32 to index
        %swap3A_486 = tpu.vector_load %arg18[%swap3A] {strides = array<i32>} : memref<80xi32, #tpu.memory_space<vmem>>, vector<16xi32>,
        tpu.vector_store %arg18[%swap3A], %add3A_485 {strides = array<i32>} : memref<80xi32, #tpu.memory_space<vmem>>, vector<16xi32>,
        %add3A_487 = vector.broadcast %mul3A_2 : i32 to vector<16xi32>
        %add3A_488 = arith.addi %get3A_483, %add3A_487 : vector<16xi32>
        %swap3A_489 = arith.index_cast %add3A_472 : i32 to index
        %swap3A_490 = tpu.vector_load %arg21[%swap3A_489] {strides = array<i32>} : memref<80xi32, #tpu.memory_space<vmem>>, vector<16xi32>,
        tpu.vector_store %arg21[%swap3A_489], %add3A_488 {strides = array<i32>} : memref<80xi32, #tpu.memory_space<vmem>>, vector<16xi32>,
        %swap3A_491 = arith.index_cast %add3A_472 : i32 to index
        %swap3A_492 = tpu.vector_load %arg15[%swap3A_491] {strides = array<i32>} : memref<80xi32, #tpu.memory_space<vmem>>, vector<16xi32>,
        tpu.vector_store %arg15[%swap3A_491], %get3A_483 {strides = array<i32>} : memref<80xi32, #tpu.memory_space<vmem>>, vector<16xi32>,
      }
      %scan3A_330 = arith.constant 5 : i32
      %dma_start3A_331 = arith.constant 0 : i32
      %dma_start3A_332 = arith.constant 0 : i32
      %dma_start3A_333 = tpu.memref_slice %arg3[%dma_start3A_331, %dma_start3A_332] : memref<20000x16xf32, #tpu.memory_space<hbm>> -> memref<20000x16xf32, #tpu.memory_space<hbm>>
      tpu.enqueue_indirect_dma source(%dma_start3A_333 : memref<20000x16xf32, #tpu.memory_space<hbm>>) target(%arg22 : memref<80x16xf32, #tpu.memory_space<vmem>>) offsets(%arg18 : memref<80xi32, #tpu.memory_space<vmem>>) semaphore(%arg31 : memref<!tpu.dma_semaphore, #tpu.memory_space<semaphore_mem>>)
      %dma_start3A_334 = arith.constant 0 : i32
      %dma_start3A_335 = arith.constant 0 : i32
      %dma_start3A_336 = tpu.memref_slice %arg4[%dma_start3A_334, %dma_start3A_335] : memref<20000x16xf32, #tpu.memory_space<hbm>> -> memref<20000x16xf32, #tpu.memory_space<hbm>>
      tpu.enqueue_indirect_dma source(%dma_start3A_336 : memref<20000x16xf32, #tpu.memory_space<hbm>>) target(%arg23 : memref<80x16xf32, #tpu.memory_space<vmem>>) offsets(%arg21 : memref<80xi32, #tpu.memory_space<vmem>>) semaphore(%arg34 : memref<!tpu.dma_semaphore, #tpu.memory_space<semaphore_mem>>)
      %dma_wait3A_337 = arith.constant 0 : i32
      %dma_wait3A_338 = arith.constant 0 : i32
      %dma_wait3A_339 = tpu.memref_slice %arg3[%dma_wait3A_337, %dma_wait3A_338] : memref<20000x16xf32, #tpu.memory_space<hbm>> -> memref<20000x16xf32, #tpu.memory_space<hbm>>
      tpu.wait_indirect_dma semaphore(%arg31 : memref<!tpu.dma_semaphore, #tpu.memory_space<semaphore_mem>>) src(%dma_wait3A_339 : memref<20000x16xf32, #tpu.memory_space<hbm>>) dst(%arg22 : memref<80x16xf32, #tpu.memory_space<vmem>>)
      %dma_wait3A_340 = arith.constant 0 : i32
      %dma_wait3A_341 = arith.constant 0 : i32
      %dma_wait3A_342 = tpu.memref_slice %arg4[%dma_wait3A_340, %dma_wait3A_341] : memref<20000x16xf32, #tpu.memory_space<hbm>> -> memref<20000x16xf32, #tpu.memory_space<hbm>>
      tpu.wait_indirect_dma semaphore(%arg34 : memref<!tpu.dma_semaphore, #tpu.memory_space<semaphore_mem>>) src(%dma_wait3A_342 : memref<20000x16xf32, #tpu.memory_space<hbm>>) dst(%arg23 : memref<80x16xf32, #tpu.memory_space<vmem>>)
      %scan3A_343 = arith.constant 0 : i32
      %scan3A_344 = arith.constant 80 : i32
      %scan3A_345 = arith.addi %scan3A_343, %scan3A_344 : i32
      %scan3A_346 = arith.constant 1 : i32
      scf.for %scan3A_468 = %scan3A_343 to %scan3A_345 step %scan3A_346  : i32 {
        %mul3A_469 = arith.constant 1 : i32
        %mul3A_470 = arith.muli %scan3A_468, %mul3A_469 : i32
        %add3A_471 = arith.constant 0 : i32
        %add3A_472 = arith.addi %add3A_471, %mul3A_470 : i32
        %get3A = arith.index_cast %add3A_472 : i32 to index
        %get3A_473 = arith.constant 0 : index
        %get3A_474 = tpu.vector_load %arg22[%get3A, %get3A_473] {strides = array<i32>} : memref<80x16xf32, #tpu.memory_space<vmem>>, vector<16xf32>,
        %get3A_475 = arith.index_cast %add3A_472 : i32 to index
        %get3A_476 = arith.constant 0 : index
        %get3A_477 = tpu.vector_load %arg23[%get3A_475, %get3A_476] {strides = array<i32>} : memref<80x16xf32, #tpu.memory_space<vmem>>, vector<16xf32>,
        %add3A_478 = arith.addf %get3A_474, %get3A_477 : vector<16xf32>
        %max3A = arith.constant 0.000000e+00 : f32
        %max3A_479 = vector.broadcast %max3A : f32 to vector<16xf32>
        %max3A_480 = arith.maximumf %add3A_478, %max3A_479 : vector<16xf32>
        %min3A = arith.constant 0.000000e+00 : f32
        %min3A_481 = vector.broadcast %min3A : f32 to vector<16xf32>
        %min3A_482 = arith.minimumf %add3A_478, %min3A_481 : vector<16xf32>
        %mul3A_483 = arith.constant 2.000000e-01 : f32
        %mul3A_484 = vector.broadcast %mul3A_483 : f32 to vector<16xf32>
        %mul3A_485 = arith.mulf %mul3A_484, %min3A_482 : vector<16xf32>
        %add3A_486 = arith.addf %max3A_480, %mul3A_485 : vector<16xf32>
        %exp3A = math.exp %add3A_486 : vector<16xf32>
        %swap3A = arith.index_cast %add3A_472 : i32 to index
        %swap3A_487 = arith.constant 0 : index
        %swap3A_488 = tpu.vector_load %arg22[%swap3A, %swap3A_487] {strides = array<i32>} : memref<80x16xf32, #tpu.memory_space<vmem>>, vector<16xf32>,
        tpu.vector_store %arg22[%swap3A, %swap3A_487], %exp3A {strides = array<i32>} : memref<80x16xf32, #tpu.memory_space<vmem>>, vector<16xf32>,
        %mul3A_489 = arith.constant 8 : i32
        %mul3A_490 = arith.muli %add3A_472, %mul3A_489 : i32
        %swap3A_491 = arith.index_cast %mul3A_490 : i32 to index
        %swap3A_492 = tpu.vector_load %arg24[%swap3A_491] masked %lt3A_6 {strides = array<i32>} : memref<656xf32, #tpu.memory_space<vmem>>, vector<16xf32>, vector<16xi1>
        tpu.vector_store %arg24[%swap3A_491], %exp3A masked %lt3A_6 {strides = array<i32>} : memref<656xf32, #tpu.memory_space<vmem>>, vector<16xf32>, vector<16xi1>
      }
      %scan3A_347 = arith.constant 80 : i32
      %dma_start3A_348 = arith.constant 0 : i32
      %dma_start3A_349 = tpu.memref_slice %arg24[%dma_start3A_348] : memref<656xf32, #tpu.memory_space<vmem>> -> memref<640xf32, #tpu.memory_space<vmem>>
      %dma_start3A_350 = arith.constant 0 : i32
      %dma_start3A_351 = arith.constant 0 : i32
      %dma_start3A_352 = arith.constant 0 : i32
      %dma_start3A_353 = tpu.memref_slice %arg10[%arg0, %dma_start3A_350, %dma_start3A_351, %dma_start3A_352] : memref<2x16x125x640xf32, #tpu.memory_space<hbm>> -> memref<1x16x125x640xf32, #tpu.memory_space<hbm>>
      %dma_start3A_354 = tpu.memref_squeeze %dma_start3A_353 : memref<1x16x125x640xf32, #tpu.memory_space<hbm>> -> memref<16x125x640xf32, #tpu.memory_space<hbm>>
      %dma_start3A_355 = arith.constant 0 : i32
      %dma_start3A_356 = arith.constant 0 : i32
      %dma_start3A_357 = tpu.memref_slice %dma_start3A_354[%arg1, %dma_start3A_355, %dma_start3A_356] : memref<16x125x640xf32, #tpu.memory_space<hbm>> -> memref<1x125x640xf32, #tpu.memory_space<hbm>>
      %dma_start3A_358 = tpu.memref_squeeze %dma_start3A_357 : memref<1x125x640xf32, #tpu.memory_space<hbm>> -> memref<125x640xf32, #tpu.memory_space<hbm>>
      %dma_start3A_359 = arith.constant 0 : i32
      %dma_start3A_360 = tpu.memref_slice %dma_start3A_358[%add3A_293, %dma_start3A_359] : memref<125x640xf32, #tpu.memory_space<hbm>> -> memref<1x640xf32, #tpu.memory_space<hbm>>
      %dma_start3A_361 = tpu.memref_squeeze %dma_start3A_360 : memref<1x640xf32, #tpu.memory_space<hbm>> -> memref<640xf32, #tpu.memory_space<hbm>>
      %dma_start3A_362 = arith.constant 0 : i32
      %dma_start3A_363 = arith.constant 0 : i32
      %dma_start3A_364 = arith.constant 0 : i32
      %dma_start3A_365 = tpu.memref_slice %arg10[%arg0, %dma_start3A_362, %dma_start3A_363, %dma_start3A_364] : memref<2x16x125x640xf32, #tpu.memory_space<hbm>> -> memref<1x16x125x640xf32, #tpu.memory_space<hbm>>
      %dma_start3A_366 = tpu.memref_squeeze %dma_start3A_365 : memref<1x16x125x640xf32, #tpu.memory_space<hbm>> -> memref<16x125x640xf32, #tpu.memory_space<hbm>>
      %dma_start3A_367 = arith.constant 0 : i32
      %dma_start3A_368 = arith.constant 0 : i32
      %dma_start3A_369 = tpu.memref_slice %dma_start3A_366[%arg1, %dma_start3A_367, %dma_start3A_368] : memref<16x125x640xf32, #tpu.memory_space<hbm>> -> memref<1x125x640xf32, #tpu.memory_space<hbm>>
      %dma_start3A_370 = tpu.memref_squeeze %dma_start3A_369 : memref<1x125x640xf32, #tpu.memory_space<hbm>> -> memref<125x640xf32, #tpu.memory_space<hbm>>
      %dma_start3A_371 = arith.constant 0 : i32
      %dma_start3A_372 = tpu.memref_slice %dma_start3A_370[%add3A_293, %dma_start3A_371] : memref<125x640xf32, #tpu.memory_space<hbm>> -> memref<1x640xf32, #tpu.memory_space<hbm>>
      %dma_start3A_373 = tpu.memref_squeeze %dma_start3A_372 : memref<1x640xf32, #tpu.memory_space<hbm>> -> memref<640xf32, #tpu.memory_space<hbm>>
      %dma_start3A_374 = arith.constant 0 : i32
      %dma_start3A_375 = tpu.memref_slice %arg24[%dma_start3A_374] : memref<656xf32, #tpu.memory_space<vmem>> -> memref<640xf32, #tpu.memory_space<vmem>>
      tpu.enqueue_dma source(%dma_start3A_375 : memref<640xf32, #tpu.memory_space<vmem>>) target(%dma_start3A_373 : memref<640xf32, #tpu.memory_space<hbm>>) target_semaphore(%arg40 : memref<!tpu.dma_semaphore, #tpu.memory_space<semaphore_mem>>)
      %dma_start3A_376 = arith.constant 0 : i32
      %dma_start3A_377 = arith.constant 0 : i32
      %dma_start3A_378 = tpu.memref_slice %arg12[%dma_start3A_376, %dma_start3A_377] : memref<10112x16xf32, #tpu.memory_space<vmem_shared>> -> memref<10112x16xf32, #tpu.memory_space<vmem_shared>>
      tpu.enqueue_indirect_dma source(%arg22 : memref<80x16xf32, #tpu.memory_space<vmem>>) target(%dma_start3A_378 : memref<10112x16xf32, #tpu.memory_space<vmem_shared>>) offsets(%arg15 : memref<80xi32, #tpu.memory_space<vmem>>) semaphore(%arg37 : memref<!tpu.dma_semaphore, #tpu.memory_space<semaphore_mem>>) {add = true}
      %mul3A_379 = arith.constant 5 : i32
      %mul3A_380 = arith.muli %add3A_51, %mul3A_379 : i32
      %add3A_381 = arith.constant 4 : i32
      %add3A_382 = arith.addi %mul3A_380, %add3A_381 : i32
      %dma_wait3A_383 = arith.constant 0 : i32
      %dma_wait3A_384 = arith.constant 0 : i32
      %dma_wait3A_385 = tpu.memref_slice %arg24[%dma_wait3A_384] : memref<656xf32, #tpu.memory_space<vmem>> -> memref<640xf32, #tpu.memory_space<vmem>>
      %dma_wait3A_386 = arith.constant 0 : i32
      %dma_wait3A_387 = arith.constant 0 : i32
      %dma_wait3A_388 = arith.constant 0 : i32
      %dma_wait3A_389 = tpu.memref_slice %arg10[%arg0, %dma_wait3A_386, %dma_wait3A_387, %dma_wait3A_388] : memref<2x16x125x640xf32, #tpu.memory_space<hbm>> -> memref<1x16x125x640xf32, #tpu.memory_space<hbm>>
      %dma_wait3A_390 = tpu.memref_squeeze %dma_wait3A_389 : memref<1x16x125x640xf32, #tpu.memory_space<hbm>> -> memref<16x125x640xf32, #tpu.memory_space<hbm>>
      %dma_wait3A_391 = arith.constant 0 : i32
      %dma_wait3A_392 = arith.constant 0 : i32
      %dma_wait3A_393 = tpu.memref_slice %dma_wait3A_390[%arg1, %dma_wait3A_391, %dma_wait3A_392] : memref<16x125x640xf32, #tpu.memory_space<hbm>> -> memref<1x125x640xf32, #tpu.memory_space<hbm>>
      %dma_wait3A_394 = tpu.memref_squeeze %dma_wait3A_393 : memref<1x125x640xf32, #tpu.memory_space<hbm>> -> memref<125x640xf32, #tpu.memory_space<hbm>>
      %dma_wait3A_395 = arith.constant 0 : i32
      %dma_wait3A_396 = tpu.memref_slice %dma_wait3A_394[%dma_wait3A_383, %dma_wait3A_395] : memref<125x640xf32, #tpu.memory_space<hbm>> -> memref<1x640xf32, #tpu.memory_space<hbm>>
      %dma_wait3A_397 = tpu.memref_squeeze %dma_wait3A_396 : memref<1x640xf32, #tpu.memory_space<hbm>> -> memref<640xf32, #tpu.memory_space<hbm>>
      %dma_wait3A_398 = arith.constant 0 : i32
      %dma_wait3A_399 = arith.constant 0 : i32
      %dma_wait3A_400 = arith.constant 0 : i32
      %dma_wait3A_401 = tpu.memref_slice %arg10[%arg0, %dma_wait3A_398, %dma_wait3A_399, %dma_wait3A_400] : memref<2x16x125x640xf32, #tpu.memory_space<hbm>> -> memref<1x16x125x640xf32, #tpu.memory_space<hbm>>
      %dma_wait3A_402 = tpu.memref_squeeze %dma_wait3A_401 : memref<1x16x125x640xf32, #tpu.memory_space<hbm>> -> memref<16x125x640xf32, #tpu.memory_space<hbm>>
      %dma_wait3A_403 = arith.constant 0 : i32
      %dma_wait3A_404 = arith.constant 0 : i32
      %dma_wait3A_405 = tpu.memref_slice %dma_wait3A_402[%arg1, %dma_wait3A_403, %dma_wait3A_404] : memref<16x125x640xf32, #tpu.memory_space<hbm>> -> memref<1x125x640xf32, #tpu.memory_space<hbm>>
      %dma_wait3A_406 = tpu.memref_squeeze %dma_wait3A_405 : memref<1x125x640xf32, #tpu.memory_space<hbm>> -> memref<125x640xf32, #tpu.memory_space<hbm>>
      %dma_wait3A_407 = arith.constant 0 : i32
      %dma_wait3A_408 = tpu.memref_slice %dma_wait3A_406[%dma_wait3A_383, %dma_wait3A_407] : memref<125x640xf32, #tpu.memory_space<hbm>> -> memref<1x640xf32, #tpu.memory_space<hbm>>
      %dma_wait3A_409 = tpu.memref_squeeze %dma_wait3A_408 : memref<1x640xf32, #tpu.memory_space<hbm>> -> memref<640xf32, #tpu.memory_space<hbm>>
      %dma_wait3A_410 = arith.constant 0 : i32
      %dma_wait3A_411 = tpu.memref_slice %arg24[%dma_wait3A_410] : memref<656xf32, #tpu.memory_space<vmem>> -> memref<640xf32, #tpu.memory_space<vmem>>
      tpu.wait_dma2 semaphore(%arg40 : memref<!tpu.dma_semaphore, #tpu.memory_space<semaphore_mem>>) src(%dma_wait3A_411 : memref<640xf32, #tpu.memory_space<vmem>>) dst(%dma_wait3A_409 : memref<640xf32, #tpu.memory_space<hbm>>)
      %dma_wait3A_412 = arith.constant 0 : i32
      %dma_wait3A_413 = arith.constant 0 : i32
      %dma_wait3A_414 = tpu.memref_slice %arg12[%dma_wait3A_412, %dma_wait3A_413] : memref<10112x16xf32, #tpu.memory_space<vmem_shared>> -> memref<10112x16xf32, #tpu.memory_space<vmem_shared>>
      tpu.wait_indirect_dma semaphore(%arg37 : memref<!tpu.dma_semaphore, #tpu.memory_space<semaphore_mem>>) src(%arg22 : memref<80x16xf32, #tpu.memory_space<vmem>>) dst(%dma_wait3A_414 : memref<10112x16xf32, #tpu.memory_space<vmem_shared>>)
      %scan3A_415 = arith.constant 0 : i32
      %scan3A_416 = arith.constant 5 : i32
      %scan3A_417 = arith.addi %scan3A_415, %scan3A_416 : i32
      %scan3A_418 = arith.constant 1 : i32
      scf.for %scan3A_468 = %scan3A_415 to %scan3A_417 step %scan3A_418  : i32 {
        %mul3A_469 = arith.constant 16 : i32
        %mul3A_470 = arith.muli %scan3A_468, %mul3A_469 : i32
        %add3A_471 = arith.constant 0 : i32
        %add3A_472 = arith.addi %add3A_471, %mul3A_470 : i32
        %get3A = arith.constant 4 : i32
        %get3A_473 = arith.constant 0 : i32
        %get3A_474 = arith.index_cast %get3A : i32 to index
        %get3A_475 = arith.index_cast %get3A_473 : i32 to index
        %get3A_476 = arith.index_cast %add3A_472 : i32 to index
        %get3A_477 = tpu.vector_load %arg13[%get3A_474, %get3A_475, %get3A_476] {strides = array<i32>} : memref<5x2x80xi32, #tpu.memory_space<vmem>>, vector<16xi32>,
        %get3A_478 = arith.constant 4 : i32
        %get3A_479 = arith.constant 1 : i32
        %get3A_480 = arith.index_cast %get3A_478 : i32 to index
        %get3A_481 = arith.index_cast %get3A_479 : i32 to index
        %get3A_482 = arith.index_cast %add3A_472 : i32 to index
        %get3A_483 = tpu.vector_load %arg13[%get3A_480, %get3A_481, %get3A_482] {strides = array<i32>} : memref<5x2x80xi32, #tpu.memory_space<vmem>>, vector<16xi32>,
        %add3A_484 = vector.broadcast %mul3A_2 : i32 to vector<16xi32>
        %add3A_485 = arith.addi %get3A_477, %add3A_484 : vector<16xi32>
        %swap3A = arith.index_cast %add3A_472 : i32 to index
        %swap3A_486 = tpu.vector_load %arg18[%swap3A] {strides = array<i32>} : memref<80xi32, #tpu.memory_space<vmem>>, vector<16xi32>,
        tpu.vector_store %arg18[%swap3A], %add3A_485 {strides = array<i32>} : memref<80xi32, #tpu.memory_space<vmem>>, vector<16xi32>,
        %add3A_487 = vector.broadcast %mul3A_2 : i32 to vector<16xi32>
        %add3A_488 = arith.addi %get3A_483, %add3A_487 : vector<16xi32>
        %swap3A_489 = arith.index_cast %add3A_472 : i32 to index
        %swap3A_490 = tpu.vector_load %arg21[%swap3A_489] {strides = array<i32>} : memref<80xi32, #tpu.memory_space<vmem>>, vector<16xi32>,
        tpu.vector_store %arg21[%swap3A_489], %add3A_488 {strides = array<i32>} : memref<80xi32, #tpu.memory_space<vmem>>, vector<16xi32>,
        %swap3A_491 = arith.index_cast %add3A_472 : i32 to index
        %swap3A_492 = tpu.vector_load %arg15[%swap3A_491] {strides = array<i32>} : memref<80xi32, #tpu.memory_space<vmem>>, vector<16xi32>,
        tpu.vector_store %arg15[%swap3A_491], %get3A_483 {strides = array<i32>} : memref<80xi32, #tpu.memory_space<vmem>>, vector<16xi32>,
      }
      %scan3A_419 = arith.constant 5 : i32
      %dma_start3A_420 = arith.constant 0 : i32
      %dma_start3A_421 = arith.constant 0 : i32
      %dma_start3A_422 = tpu.memref_slice %arg3[%dma_start3A_420, %dma_start3A_421] : memref<20000x16xf32, #tpu.memory_space<hbm>> -> memref<20000x16xf32, #tpu.memory_space<hbm>>
      tpu.enqueue_indirect_dma source(%dma_start3A_422 : memref<20000x16xf32, #tpu.memory_space<hbm>>) target(%arg22 : memref<80x16xf32, #tpu.memory_space<vmem>>) offsets(%arg18 : memref<80xi32, #tpu.memory_space<vmem>>) semaphore(%arg31 : memref<!tpu.dma_semaphore, #tpu.memory_space<semaphore_mem>>)
      %dma_start3A_423 = arith.constant 0 : i32
      %dma_start3A_424 = arith.constant 0 : i32
      %dma_start3A_425 = tpu.memref_slice %arg4[%dma_start3A_423, %dma_start3A_424] : memref<20000x16xf32, #tpu.memory_space<hbm>> -> memref<20000x16xf32, #tpu.memory_space<hbm>>
      tpu.enqueue_indirect_dma source(%dma_start3A_425 : memref<20000x16xf32, #tpu.memory_space<hbm>>) target(%arg23 : memref<80x16xf32, #tpu.memory_space<vmem>>) offsets(%arg21 : memref<80xi32, #tpu.memory_space<vmem>>) semaphore(%arg34 : memref<!tpu.dma_semaphore, #tpu.memory_space<semaphore_mem>>)
      %dma_wait3A_426 = arith.constant 0 : i32
      %dma_wait3A_427 = arith.constant 0 : i32
      %dma_wait3A_428 = tpu.memref_slice %arg3[%dma_wait3A_426, %dma_wait3A_427] : memref<20000x16xf32, #tpu.memory_space<hbm>> -> memref<20000x16xf32, #tpu.memory_space<hbm>>
      tpu.wait_indirect_dma semaphore(%arg31 : memref<!tpu.dma_semaphore, #tpu.memory_space<semaphore_mem>>) src(%dma_wait3A_428 : memref<20000x16xf32, #tpu.memory_space<hbm>>) dst(%arg22 : memref<80x16xf32, #tpu.memory_space<vmem>>)
      %dma_wait3A_429 = arith.constant 0 : i32
      %dma_wait3A_430 = arith.constant 0 : i32
      %dma_wait3A_431 = tpu.memref_slice %arg4[%dma_wait3A_429, %dma_wait3A_430] : memref<20000x16xf32, #tpu.memory_space<hbm>> -> memref<20000x16xf32, #tpu.memory_space<hbm>>
      tpu.wait_indirect_dma semaphore(%arg34 : memref<!tpu.dma_semaphore, #tpu.memory_space<semaphore_mem>>) src(%dma_wait3A_431 : memref<20000x16xf32, #tpu.memory_space<hbm>>) dst(%arg23 : memref<80x16xf32, #tpu.memory_space<vmem>>)
      %scan3A_432 = arith.constant 0 : i32
      %scan3A_433 = arith.constant 80 : i32
      %scan3A_434 = arith.addi %scan3A_432, %scan3A_433 : i32
      %scan3A_435 = arith.constant 1 : i32
      scf.for %scan3A_468 = %scan3A_432 to %scan3A_434 step %scan3A_435  : i32 {
        %mul3A_469 = arith.constant 1 : i32
        %mul3A_470 = arith.muli %scan3A_468, %mul3A_469 : i32
        %add3A_471 = arith.constant 0 : i32
        %add3A_472 = arith.addi %add3A_471, %mul3A_470 : i32
        %get3A = arith.index_cast %add3A_472 : i32 to index
        %get3A_473 = arith.constant 0 : index
        %get3A_474 = tpu.vector_load %arg22[%get3A, %get3A_473] {strides = array<i32>} : memref<80x16xf32, #tpu.memory_space<vmem>>, vector<16xf32>,
        %get3A_475 = arith.index_cast %add3A_472 : i32 to index
        %get3A_476 = arith.constant 0 : index
        %get3A_477 = tpu.vector_load %arg23[%get3A_475, %get3A_476] {strides = array<i32>} : memref<80x16xf32, #tpu.memory_space<vmem>>, vector<16xf32>,
        %add3A_478 = arith.addf %get3A_474, %get3A_477 : vector<16xf32>
        %max3A = arith.constant 0.000000e+00 : f32
        %max3A_479 = vector.broadcast %max3A : f32 to vector<16xf32>
        %max3A_480 = arith.maximumf %add3A_478, %max3A_479 : vector<16xf32>
        %min3A = arith.constant 0.000000e+00 : f32
        %min3A_481 = vector.broadcast %min3A : f32 to vector<16xf32>
        %min3A_482 = arith.minimumf %add3A_478, %min3A_481 : vector<16xf32>
        %mul3A_483 = arith.constant 2.000000e-01 : f32
        %mul3A_484 = vector.broadcast %mul3A_483 : f32 to vector<16xf32>
        %mul3A_485 = arith.mulf %mul3A_484, %min3A_482 : vector<16xf32>
        %add3A_486 = arith.addf %max3A_480, %mul3A_485 : vector<16xf32>
        %exp3A = math.exp %add3A_486 : vector<16xf32>
        %swap3A = arith.index_cast %add3A_472 : i32 to index
        %swap3A_487 = arith.constant 0 : index
        %swap3A_488 = tpu.vector_load %arg22[%swap3A, %swap3A_487] {strides = array<i32>} : memref<80x16xf32, #tpu.memory_space<vmem>>, vector<16xf32>,
        tpu.vector_store %arg22[%swap3A, %swap3A_487], %exp3A {strides = array<i32>} : memref<80x16xf32, #tpu.memory_space<vmem>>, vector<16xf32>,
        %mul3A_489 = arith.constant 8 : i32
        %mul3A_490 = arith.muli %add3A_472, %mul3A_489 : i32
        %swap3A_491 = arith.index_cast %mul3A_490 : i32 to index
        %swap3A_492 = tpu.vector_load %arg24[%swap3A_491] masked %lt3A_6 {strides = array<i32>} : memref<656xf32, #tpu.memory_space<vmem>>, vector<16xf32>, vector<16xi1>
        tpu.vector_store %arg24[%swap3A_491], %exp3A masked %lt3A_6 {strides = array<i32>} : memref<656xf32, #tpu.memory_space<vmem>>, vector<16xf32>, vector<16xi1>
      }
      %scan3A_436 = arith.constant 80 : i32
      %dma_start3A_437 = arith.constant 0 : i32
      %dma_start3A_438 = tpu.memref_slice %arg24[%dma_start3A_437] : memref<656xf32, #tpu.memory_space<vmem>> -> memref<640xf32, #tpu.memory_space<vmem>>
      %dma_start3A_439 = arith.constant 0 : i32
      %dma_start3A_440 = arith.constant 0 : i32
      %dma_start3A_441 = arith.constant 0 : i32
      %dma_start3A_442 = tpu.memref_slice %arg10[%arg0, %dma_start3A_439, %dma_start3A_440, %dma_start3A_441] : memref<2x16x125x640xf32, #tpu.memory_space<hbm>> -> memref<1x16x125x640xf32, #tpu.memory_space<hbm>>
      %dma_start3A_443 = tpu.memref_squeeze %dma_start3A_442 : memref<1x16x125x640xf32, #tpu.memory_space<hbm>> -> memref<16x125x640xf32, #tpu.memory_space<hbm>>
      %dma_start3A_444 = arith.constant 0 : i32
      %dma_start3A_445 = arith.constant 0 : i32
      %dma_start3A_446 = tpu.memref_slice %dma_start3A_443[%arg1, %dma_start3A_444, %dma_start3A_445] : memref<16x125x640xf32, #tpu.memory_space<hbm>> -> memref<1x125x640xf32, #tpu.memory_space<hbm>>
      %dma_start3A_447 = tpu.memref_squeeze %dma_start3A_446 : memref<1x125x640xf32, #tpu.memory_space<hbm>> -> memref<125x640xf32, #tpu.memory_space<hbm>>
      %dma_start3A_448 = arith.constant 0 : i32
      %dma_start3A_449 = tpu.memref_slice %dma_start3A_447[%add3A_382, %dma_start3A_448] : memref<125x640xf32, #tpu.memory_space<hbm>> -> memref<1x640xf32, #tpu.memory_space<hbm>>
      %dma_start3A_450 = tpu.memref_squeeze %dma_start3A_449 : memref<1x640xf32, #tpu.memory_space<hbm>> -> memref<640xf32, #tpu.memory_space<hbm>>
      %dma_start3A_451 = arith.constant 0 : i32
      %dma_start3A_452 = arith.constant 0 : i32
      %dma_start3A_453 = arith.constant 0 : i32
      %dma_start3A_454 = tpu.memref_slice %arg10[%arg0, %dma_start3A_451, %dma_start3A_452, %dma_start3A_453] : memref<2x16x125x640xf32, #tpu.memory_space<hbm>> -> memref<1x16x125x640xf32, #tpu.memory_space<hbm>>
      %dma_start3A_455 = tpu.memref_squeeze %dma_start3A_454 : memref<1x16x125x640xf32, #tpu.memory_space<hbm>> -> memref<16x125x640xf32, #tpu.memory_space<hbm>>
      %dma_start3A_456 = arith.constant 0 : i32
      %dma_start3A_457 = arith.constant 0 : i32
      %dma_start3A_458 = tpu.memref_slice %dma_start3A_455[%arg1, %dma_start3A_456, %dma_start3A_457] : memref<16x125x640xf32, #tpu.memory_space<hbm>> -> memref<1x125x640xf32, #tpu.memory_space<hbm>>
      %dma_start3A_459 = tpu.memref_squeeze %dma_start3A_458 : memref<1x125x640xf32, #tpu.memory_space<hbm>> -> memref<125x640xf32, #tpu.memory_space<hbm>>
      %dma_start3A_460 = arith.constant 0 : i32
      %dma_start3A_461 = tpu.memref_slice %dma_start3A_459[%add3A_382, %dma_start3A_460] : memref<125x640xf32, #tpu.memory_space<hbm>> -> memref<1x640xf32, #tpu.memory_space<hbm>>
      %dma_start3A_462 = tpu.memref_squeeze %dma_start3A_461 : memref<1x640xf32, #tpu.memory_space<hbm>> -> memref<640xf32, #tpu.memory_space<hbm>>
      %dma_start3A_463 = arith.constant 0 : i32
      %dma_start3A_464 = tpu.memref_slice %arg24[%dma_start3A_463] : memref<656xf32, #tpu.memory_space<vmem>> -> memref<640xf32, #tpu.memory_space<vmem>>
      tpu.enqueue_dma source(%dma_start3A_464 : memref<640xf32, #tpu.memory_space<vmem>>) target(%dma_start3A_462 : memref<640xf32, #tpu.memory_space<hbm>>) target_semaphore(%arg40 : memref<!tpu.dma_semaphore, #tpu.memory_space<semaphore_mem>>)
      %dma_start3A_465 = arith.constant 0 : i32
      %dma_start3A_466 = arith.constant 0 : i32
      %dma_start3A_467 = tpu.memref_slice %arg12[%dma_start3A_465, %dma_start3A_466] : memref<10112x16xf32, #tpu.memory_space<vmem_shared>> -> memref<10112x16xf32, #tpu.memory_space<vmem_shared>>
      tpu.enqueue_indirect_dma source(%arg22 : memref<80x16xf32, #tpu.memory_space<vmem>>) target(%dma_start3A_467 : memref<10112x16xf32, #tpu.memory_space<vmem_shared>>) offsets(%arg15 : memref<80xi32, #tpu.memory_space<vmem>>) semaphore(%arg37 : memref<!tpu.dma_semaphore, #tpu.memory_space<semaphore_mem>>) {add = true}
    }
    %scan3A_10 = arith.constant 25 : i32
    %dma_wait3A = arith.constant 0 : i32
    %dma_wait3A_11 = arith.constant 0 : i32
    %dma_wait3A_12 = tpu.memref_slice %arg24[%dma_wait3A_11] : memref<656xf32, #tpu.memory_space<vmem>> -> memref<640xf32, #tpu.memory_space<vmem>>
    %dma_wait3A_13 = arith.constant 0 : i32
    %dma_wait3A_14 = arith.constant 0 : i32
    %dma_wait3A_15 = arith.constant 0 : i32
    %dma_wait3A_16 = tpu.memref_slice %arg10[%arg0, %dma_wait3A_13, %dma_wait3A_14, %dma_wait3A_15] : memref<2x16x125x640xf32, #tpu.memory_space<hbm>> -> memref<1x16x125x640xf32, #tpu.memory_space<hbm>>
    %dma_wait3A_17 = tpu.memref_squeeze %dma_wait3A_16 : memref<1x16x125x640xf32, #tpu.memory_space<hbm>> -> memref<16x125x640xf32, #tpu.memory_space<hbm>>
    %dma_wait3A_18 = arith.constant 0 : i32
    %dma_wait3A_19 = arith.constant 0 : i32
    %dma_wait3A_20 = tpu.memref_slice %dma_wait3A_17[%arg1, %dma_wait3A_18, %dma_wait3A_19] : memref<16x125x640xf32, #tpu.memory_space<hbm>> -> memref<1x125x640xf32, #tpu.memory_space<hbm>>
    %dma_wait3A_21 = tpu.memref_squeeze %dma_wait3A_20 : memref<1x125x640xf32, #tpu.memory_space<hbm>> -> memref<125x640xf32, #tpu.memory_space<hbm>>
    %dma_wait3A_22 = arith.constant 0 : i32
    %dma_wait3A_23 = tpu.memref_slice %dma_wait3A_21[%dma_wait3A, %dma_wait3A_22] : memref<125x640xf32, #tpu.memory_space<hbm>> -> memref<1x640xf32, #tpu.memory_space<hbm>>
    %dma_wait3A_24 = tpu.memref_squeeze %dma_wait3A_23 : memref<1x640xf32, #tpu.memory_space<hbm>> -> memref<640xf32, #tpu.memory_space<hbm>>
    %dma_wait3A_25 = arith.constant 0 : i32
    %dma_wait3A_26 = arith.constant 0 : i32
    %dma_wait3A_27 = arith.constant 0 : i32
    %dma_wait3A_28 = tpu.memref_slice %arg10[%arg0, %dma_wait3A_25, %dma_wait3A_26, %dma_wait3A_27] : memref<2x16x125x640xf32, #tpu.memory_space<hbm>> -> memref<1x16x125x640xf32, #tpu.memory_space<hbm>>
    %dma_wait3A_29 = tpu.memref_squeeze %dma_wait3A_28 : memref<1x16x125x640xf32, #tpu.memory_space<hbm>> -> memref<16x125x640xf32, #tpu.memory_space<hbm>>
    %dma_wait3A_30 = arith.constant 0 : i32
    %dma_wait3A_31 = arith.constant 0 : i32
    %dma_wait3A_32 = tpu.memref_slice %dma_wait3A_29[%arg1, %dma_wait3A_30, %dma_wait3A_31] : memref<16x125x640xf32, #tpu.memory_space<hbm>> -> memref<1x125x640xf32, #tpu.memory_space<hbm>>
    %dma_wait3A_33 = tpu.memref_squeeze %dma_wait3A_32 : memref<1x125x640xf32, #tpu.memory_space<hbm>> -> memref<125x640xf32, #tpu.memory_space<hbm>>
    %dma_wait3A_34 = arith.constant 0 : i32
    %dma_wait3A_35 = tpu.memref_slice %dma_wait3A_33[%dma_wait3A, %dma_wait3A_34] : memref<125x640xf32, #tpu.memory_space<hbm>> -> memref<1x640xf32, #tpu.memory_space<hbm>>
    %dma_wait3A_36 = tpu.memref_squeeze %dma_wait3A_35 : memref<1x640xf32, #tpu.memory_space<hbm>> -> memref<640xf32, #tpu.memory_space<hbm>>
    %dma_wait3A_37 = arith.constant 0 : i32
    %dma_wait3A_38 = tpu.memref_slice %arg24[%dma_wait3A_37] : memref<656xf32, #tpu.memory_space<vmem>> -> memref<640xf32, #tpu.memory_space<vmem>>
    tpu.wait_dma2 semaphore(%arg40 : memref<!tpu.dma_semaphore, #tpu.memory_space<semaphore_mem>>) src(%dma_wait3A_38 : memref<640xf32, #tpu.memory_space<vmem>>) dst(%dma_wait3A_36 : memref<640xf32, #tpu.memory_space<hbm>>)
    %dma_wait3A_39 = arith.constant 0 : i32
    %dma_wait3A_40 = arith.constant 0 : i32
    %dma_wait3A_41 = tpu.memref_slice %arg12[%dma_wait3A_39, %dma_wait3A_40] : memref<10112x16xf32, #tpu.memory_space<vmem_shared>> -> memref<10112x16xf32, #tpu.memory_space<vmem_shared>>
    tpu.wait_indirect_dma semaphore(%arg37 : memref<!tpu.dma_semaphore, #tpu.memory_space<semaphore_mem>>) src(%arg22 : memref<80x16xf32, #tpu.memory_space<vmem>>) dst(%dma_wait3A_41 : memref<10112x16xf32, #tpu.memory_space<vmem_shared>>)
    %barrier3A_42 = arith.constant 0 : index
    tpu.barrier barrier_id(%barrier3A_42)
    "tpu.region"() ({
      %run_scoped3A = tpu.sem_alloc : memref<!tpu.dma_semaphore, #tpu.memory_space<semaphore_mem>>
      %dma_start3A = arith.constant 0 : i32
      %dma_start3A_48 = arith.constant 0 : i32
      %dma_start3A_49 = tpu.memref_slice %arg9[%arg0, %dma_start3A, %dma_start3A_48] : memref<2x10112x16xf32, #tpu.memory_space<hbm>> -> memref<1x10112x16xf32, #tpu.memory_space<hbm>>
      %dma_start3A_50 = tpu.memref_squeeze %dma_start3A_49 : memref<1x10112x16xf32, #tpu.memory_space<hbm>> -> memref<10112x16xf32, #tpu.memory_space<hbm>>
      %dma_start3A_51 = arith.constant 0 : i32
      %dma_start3A_52 = tpu.memref_slice %dma_start3A_50[%multiple_of3A, %dma_start3A_51] : memref<10112x16xf32, #tpu.memory_space<hbm>> -> memref<632x16xf32, #tpu.memory_space<hbm>>
      %dma_start3A_53 = arith.constant 0 : i32
      %dma_start3A_54 = tpu.memref_slice %arg12[%multiple_of3A, %dma_start3A_53] : memref<10112x16xf32, #tpu.memory_space<vmem_shared>> -> memref<632x16xf32, #tpu.memory_space<vmem_shared>>
      tpu.enqueue_dma source(%dma_start3A_54 : memref<632x16xf32, #tpu.memory_space<vmem_shared>>) target(%dma_start3A_52 : memref<632x16xf32, #tpu.memory_space<hbm>>) target_semaphore(%run_scoped3A : memref<!tpu.dma_semaphore, #tpu.memory_space<semaphore_mem>>)
      %dma_wait3A_55 = arith.constant 0 : i32
      %dma_wait3A_56 = arith.constant 0 : i32
      %dma_wait3A_57 = tpu.memref_slice %arg9[%arg0, %dma_wait3A_55, %dma_wait3A_56] : memref<2x10112x16xf32, #tpu.memory_space<hbm>> -> memref<1x10112x16xf32, #tpu.memory_space<hbm>>
      %dma_wait3A_58 = tpu.memref_squeeze %dma_wait3A_57 : memref<1x10112x16xf32, #tpu.memory_space<hbm>> -> memref<10112x16xf32, #tpu.memory_space<hbm>>
      %dma_wait3A_59 = arith.constant 0 : i32
      %dma_wait3A_60 = tpu.memref_slice %dma_wait3A_58[%multiple_of3A, %dma_wait3A_59] : memref<10112x16xf32, #tpu.memory_space<hbm>> -> memref<632x16xf32, #tpu.memory_space<hbm>>
      %dma_wait3A_61 = arith.constant 0 : i32
      %dma_wait3A_62 = tpu.memref_slice %arg12[%multiple_of3A, %dma_wait3A_61] : memref<10112x16xf32, #tpu.memory_space<vmem_shared>> -> memref<632x16xf32, #tpu.memory_space<vmem_shared>>
      tpu.wait_dma2 semaphore(%run_scoped3A : memref<!tpu.dma_semaphore, #tpu.memory_space<semaphore_mem>>) src(%dma_wait3A_62 : memref<632x16xf32, #tpu.memory_space<vmem_shared>>) dst(%dma_wait3A_60 : memref<632x16xf32, #tpu.memory_space<hbm>>)
      tpu.yield
    }) : () -> ()
    %scan3A_43 = arith.constant 0 : i32
    %scan3A_44 = arith.constant 4 : i32
    %scan3A_45 = arith.addi %scan3A_43, %scan3A_44 : i32
    %scan3A_46 = arith.constant 1 : i32
    scf.for %scan3A_48 = %scan3A_43 to %scan3A_45 step %scan3A_46  : i32 {
      %mul3A_49 = arith.constant 1 : i32
      %mul3A_50 = arith.muli %scan3A_48, %mul3A_49 : i32
      %add3A = arith.constant 0 : i32
      %add3A_51 = arith.addi %add3A, %mul3A_50 : i32
      "tpu.region"() ({
        %run_scoped3A = tpu.sem_alloc : memref<!tpu.dma_semaphore, #tpu.memory_space<semaphore_mem>>
        %dma_start3A_238 = arith.constant 0 : i32
        %dma_start3A_239 = tpu.memref_slice %arg11[%multiple_of3A, %dma_start3A_238] : memref<10112x128xf32, #tpu.memory_space<vmem_shared>> -> memref<632x128xf32, #tpu.memory_space<vmem_shared>>
        tpu.enqueue_dma source(%arg6 : memref<632x128xf32, #tpu.memory_space<hbm>>) target(%dma_start3A_239 : memref<632x128xf32, #tpu.memory_space<vmem_shared>>) target_semaphore(%run_scoped3A : memref<!tpu.dma_semaphore, #tpu.memory_space<semaphore_mem>>)
        %dma_wait3A_240 = arith.constant 0 : i32
        %dma_wait3A_241 = tpu.memref_slice %arg11[%multiple_of3A, %dma_wait3A_240] : memref<10112x128xf32, #tpu.memory_space<vmem_shared>> -> memref<632x128xf32, #tpu.memory_space<vmem_shared>>
        tpu.wait_dma2 semaphore(%run_scoped3A : memref<!tpu.dma_semaphore, #tpu.memory_space<semaphore_mem>>) src(%arg6 : memref<632x128xf32, #tpu.memory_space<hbm>>) dst(%dma_wait3A_241 : memref<632x128xf32, #tpu.memory_space<vmem_shared>>)
        tpu.yield
      }) : () -> ()
      %barrier3A_52 = arith.constant 0 : index
      tpu.barrier barrier_id(%barrier3A_52)
      "tpu.region"() ({
        %run_scoped3A = tpu.sem_alloc : memref<!tpu.dma_semaphore, #tpu.memory_space<semaphore_mem>>
        %dma_start3A_238 = arith.constant 0 : i32
        %dma_start3A_239 = arith.constant 0 : i32
        %dma_start3A_240 = arith.constant 0 : i32
        %dma_start3A_241 = arith.constant 0 : i32
        %dma_start3A_242 = tpu.memref_slice %arg5[%arg0, %dma_start3A_238, %dma_start3A_239, %dma_start3A_240, %dma_start3A_241] : memref<2x16x128x2x80xi32, #tpu.memory_space<hbm>> -> memref<1x16x128x2x80xi32, #tpu.memory_space<hbm>>
        %dma_start3A_243 = tpu.memref_squeeze %dma_start3A_242 : memref<1x16x128x2x80xi32, #tpu.memory_space<hbm>> -> memref<16x128x2x80xi32, #tpu.memory_space<hbm>>
        %dma_start3A_244 = arith.constant 0 : i32
        %dma_start3A_245 = arith.constant 0 : i32
        %dma_start3A_246 = arith.constant 0 : i32
        %dma_start3A_247 = tpu.memref_slice %dma_start3A_243[%arg1, %dma_start3A_244, %dma_start3A_245, %dma_start3A_246] : memref<16x128x2x80xi32, #tpu.memory_space<hbm>> -> memref<1x128x2x80xi32, #tpu.memory_space<hbm>>
        %dma_start3A_248 = tpu.memref_squeeze %dma_start3A_247 : memref<1x128x2x80xi32, #tpu.memory_space<hbm>> -> memref<128x2x80xi32, #tpu.memory_space<hbm>>
        %dma_start3A_249 = arith.constant 0 : i32
        %dma_start3A_250 = arith.constant 0 : i32
        %dma_start3A_251 = arith.constant 0 : i32
        %dma_start3A_252 = tpu.memref_slice %dma_start3A_248[%dma_start3A_249, %dma_start3A_250, %dma_start3A_251] : memref<128x2x80xi32, #tpu.memory_space<hbm>> -> memref<5x2x80xi32, #tpu.memory_space<hbm>>
        %dma_start3A_253 = arith.constant 0 : i32
        %dma_start3A_254 = arith.constant 0 : i32
        %dma_start3A_255 = arith.constant 0 : i32
        %dma_start3A_256 = arith.constant 0 : i32
        %dma_start3A_257 = tpu.memref_slice %arg5[%arg0, %dma_start3A_253, %dma_start3A_254, %dma_start3A_255, %dma_start3A_256] : memref<2x16x128x2x80xi32, #tpu.memory_space<hbm>> -> memref<1x16x128x2x80xi32, #tpu.memory_space<hbm>>
        %dma_start3A_258 = tpu.memref_squeeze %dma_start3A_257 : memref<1x16x128x2x80xi32, #tpu.memory_space<hbm>> -> memref<16x128x2x80xi32, #tpu.memory_space<hbm>>
        %dma_start3A_259 = arith.constant 0 : i32
        %dma_start3A_260 = arith.constant 0 : i32
        %dma_start3A_261 = arith.constant 0 : i32
        %dma_start3A_262 = tpu.memref_slice %dma_start3A_258[%arg1, %dma_start3A_259, %dma_start3A_260, %dma_start3A_261] : memref<16x128x2x80xi32, #tpu.memory_space<hbm>> -> memref<1x128x2x80xi32, #tpu.memory_space<hbm>>
        %dma_start3A_263 = tpu.memref_squeeze %dma_start3A_262 : memref<1x128x2x80xi32, #tpu.memory_space<hbm>> -> memref<128x2x80xi32, #tpu.memory_space<hbm>>
        %dma_start3A_264 = arith.constant 0 : i32
        %dma_start3A_265 = arith.constant 0 : i32
        %dma_start3A_266 = arith.constant 0 : i32
        %dma_start3A_267 = tpu.memref_slice %dma_start3A_263[%dma_start3A_264, %dma_start3A_265, %dma_start3A_266] : memref<128x2x80xi32, #tpu.memory_space<hbm>> -> memref<5x2x80xi32, #tpu.memory_space<hbm>>
        tpu.enqueue_dma source(%dma_start3A_267 : memref<5x2x80xi32, #tpu.memory_space<hbm>>) target(%arg13 : memref<5x2x80xi32, #tpu.memory_space<vmem>>) target_semaphore(%run_scoped3A : memref<!tpu.dma_semaphore, #tpu.memory_space<semaphore_mem>>)
        %dma_wait3A_268 = arith.constant 0 : i32
        %dma_wait3A_269 = arith.constant 0 : i32
        %dma_wait3A_270 = arith.constant 0 : i32
        %dma_wait3A_271 = arith.constant 0 : i32
        %dma_wait3A_272 = tpu.memref_slice %arg5[%arg0, %dma_wait3A_268, %dma_wait3A_269, %dma_wait3A_270, %dma_wait3A_271] : memref<2x16x128x2x80xi32, #tpu.memory_space<hbm>> -> memref<1x16x128x2x80xi32, #tpu.memory_space<hbm>>
        %dma_wait3A_273 = tpu.memref_squeeze %dma_wait3A_272 : memref<1x16x128x2x80xi32, #tpu.memory_space<hbm>> -> memref<16x128x2x80xi32, #tpu.memory_space<hbm>>
        %dma_wait3A_274 = arith.constant 0 : i32
        %dma_wait3A_275 = arith.constant 0 : i32
        %dma_wait3A_276 = arith.constant 0 : i32
        %dma_wait3A_277 = tpu.memref_slice %dma_wait3A_273[%arg1, %dma_wait3A_274, %dma_wait3A_275, %dma_wait3A_276] : memref<16x128x2x80xi32, #tpu.memory_space<hbm>> -> memref<1x128x2x80xi32, #tpu.memory_space<hbm>>
        %dma_wait3A_278 = tpu.memref_squeeze %dma_wait3A_277 : memref<1x128x2x80xi32, #tpu.memory_space<hbm>> -> memref<128x2x80xi32, #tpu.memory_space<hbm>>
        %dma_wait3A_279 = arith.constant 0 : i32
        %dma_wait3A_280 = arith.constant 0 : i32
        %dma_wait3A_281 = arith.constant 0 : i32
        %dma_wait3A_282 = tpu.memref_slice %dma_wait3A_278[%dma_wait3A_279, %dma_wait3A_280, %dma_wait3A_281] : memref<128x2x80xi32, #tpu.memory_space<hbm>> -> memref<5x2x80xi32, #tpu.memory_space<hbm>>
        %dma_wait3A_283 = arith.constant 0 : i32
        %dma_wait3A_284 = arith.constant 0 : i32
        %dma_wait3A_285 = arith.constant 0 : i32
        %dma_wait3A_286 = arith.constant 0 : i32
        %dma_wait3A_287 = tpu.memref_slice %arg5[%arg0, %dma_wait3A_283, %dma_wait3A_284, %dma_wait3A_285, %dma_wait3A_286] : memref<2x16x128x2x80xi32, #tpu.memory_space<hbm>> -> memref<1x16x128x2x80xi32, #tpu.memory_space<hbm>>
        %dma_wait3A_288 = tpu.memref_squeeze %dma_wait3A_287 : memref<1x16x128x2x80xi32, #tpu.memory_space<hbm>> -> memref<16x128x2x80xi32, #tpu.memory_space<hbm>>
        %dma_wait3A_289 = arith.constant 0 : i32
        %dma_wait3A_290 = arith.constant 0 : i32
        %dma_wait3A_291 = arith.constant 0 : i32
        %dma_wait3A_292 = tpu.memref_slice %dma_wait3A_288[%arg1, %dma_wait3A_289, %dma_wait3A_290, %dma_wait3A_291] : memref<16x128x2x80xi32, #tpu.memory_space<hbm>> -> memref<1x128x2x80xi32, #tpu.memory_space<hbm>>
        %dma_wait3A_293 = tpu.memref_squeeze %dma_wait3A_292 : memref<1x128x2x80xi32, #tpu.memory_space<hbm>> -> memref<128x2x80xi32, #tpu.memory_space<hbm>>
        %dma_wait3A_294 = arith.constant 0 : i32
        %dma_wait3A_295 = arith.constant 0 : i32
        %dma_wait3A_296 = arith.constant 0 : i32
        %dma_wait3A_297 = tpu.memref_slice %dma_wait3A_293[%dma_wait3A_294, %dma_wait3A_295, %dma_wait3A_296] : memref<128x2x80xi32, #tpu.memory_space<hbm>> -> memref<5x2x80xi32, #tpu.memory_space<hbm>>
        tpu.wait_dma2 semaphore(%run_scoped3A : memref<!tpu.dma_semaphore, #tpu.memory_space<semaphore_mem>>) src(%dma_wait3A_297 : memref<5x2x80xi32, #tpu.memory_space<hbm>>) dst(%arg13 : memref<5x2x80xi32, #tpu.memory_space<vmem>>)
        tpu.yield
      }) : () -> ()
      %scan3A_53 = arith.constant 0 : i32
      %scan3A_54 = arith.constant 5 : i32
      %scan3A_55 = arith.addi %scan3A_53, %scan3A_54 : i32
      %scan3A_56 = arith.constant 1 : i32
      scf.for %scan3A_238 = %scan3A_53 to %scan3A_55 step %scan3A_56  : i32 {
        %mul3A_239 = arith.constant 16 : i32
        %mul3A_240 = arith.muli %scan3A_238, %mul3A_239 : i32
        %add3A_241 = arith.constant 0 : i32
        %add3A_242 = arith.addi %add3A_241, %mul3A_240 : i32
        %get3A = arith.constant 0 : i32
        %get3A_243 = arith.constant 0 : i32
        %get3A_244 = arith.index_cast %get3A : i32 to index
        %get3A_245 = arith.index_cast %get3A_243 : i32 to index
        %get3A_246 = arith.index_cast %add3A_242 : i32 to index
        %get3A_247 = tpu.vector_load %arg13[%get3A_244, %get3A_245, %get3A_246] {strides = array<i32>} : memref<5x2x80xi32, #tpu.memory_space<vmem>>, vector<16xi32>,
        %mul3A_248 = arith.constant 4 : i32
        %mul3A_249 = vector.broadcast %mul3A_248 : i32 to vector<16xi32>
        %mul3A_250 = arith.muli %get3A_247, %mul3A_249 : vector<16xi32>
        %add3A_251 = arith.addi %mul3A_4, %add3A_51 : i32
        %add3A_252 = vector.broadcast %add3A_251 : i32 to vector<16xi32>
        %add3A_253 = arith.addi %mul3A_250, %add3A_252 : vector<16xi32>
        %swap3A = arith.index_cast %add3A_242 : i32 to index
        %swap3A_254 = tpu.vector_load %arg18[%swap3A] {strides = array<i32>} : memref<80xi32, #tpu.memory_space<vmem>>, vector<16xi32>,
        tpu.vector_store %arg18[%swap3A], %add3A_253 {strides = array<i32>} : memref<80xi32, #tpu.memory_space<vmem>>, vector<16xi32>,
        %get3A_255 = arith.constant 0 : i32
        %get3A_256 = arith.constant 1 : i32
        %get3A_257 = arith.index_cast %get3A_255 : i32 to index
        %get3A_258 = arith.index_cast %get3A_256 : i32 to index
        %get3A_259 = arith.index_cast %add3A_242 : i32 to index
        %get3A_260 = tpu.vector_load %arg13[%get3A_257, %get3A_258, %get3A_259] {strides = array<i32>} : memref<5x2x80xi32, #tpu.memory_space<vmem>>, vector<16xi32>,
        %swap3A_261 = arith.index_cast %add3A_242 : i32 to index
        %swap3A_262 = tpu.vector_load %arg15[%swap3A_261] {strides = array<i32>} : memref<80xi32, #tpu.memory_space<vmem>>, vector<16xi32>,
        tpu.vector_store %arg15[%swap3A_261], %get3A_260 {strides = array<i32>} : memref<80xi32, #tpu.memory_space<vmem>>, vector<16xi32>,
      }
      %scan3A_57 = arith.constant 5 : i32
      %dma_start3A = arith.constant 0 : i32
      %dma_start3A_58 = arith.constant 0 : i32
      %dma_start3A_59 = tpu.memref_slice %arg2[%dma_start3A, %dma_start3A_58] : memref<80000x128xf32, #tpu.memory_space<hbm>> -> memref<80000x128xf32, #tpu.memory_space<hbm>>
      tpu.enqueue_indirect_dma source(%dma_start3A_59 : memref<80000x128xf32, #tpu.memory_space<hbm>>) target(%arg28 : memref<80x128xf32, #tpu.memory_space<vmem>>) offsets(%arg18 : memref<80xi32, #tpu.memory_space<vmem>>) semaphore(%arg31 : memref<!tpu.dma_semaphore, #tpu.memory_space<semaphore_mem>>)
      %dma_start3A_60 = arith.constant 0 : i32
      %dma_start3A_61 = arith.constant 0 : i32
      %dma_start3A_62 = arith.constant 0 : i32
      %dma_start3A_63 = arith.constant 0 : i32
      %dma_start3A_64 = tpu.memref_slice %arg10[%arg0, %dma_start3A_61, %dma_start3A_62, %dma_start3A_63] : memref<2x16x125x640xf32, #tpu.memory_space<hbm>> -> memref<1x16x125x640xf32, #tpu.memory_space<hbm>>
      %dma_start3A_65 = tpu.memref_squeeze %dma_start3A_64 : memref<1x16x125x640xf32, #tpu.memory_space<hbm>> -> memref<16x125x640xf32, #tpu.memory_space<hbm>>
      %dma_start3A_66 = arith.constant 0 : i32
      %dma_start3A_67 = arith.constant 0 : i32
      %dma_start3A_68 = tpu.memref_slice %dma_start3A_65[%arg1, %dma_start3A_66, %dma_start3A_67] : memref<16x125x640xf32, #tpu.memory_space<hbm>> -> memref<1x125x640xf32, #tpu.memory_space<hbm>>
      %dma_start3A_69 = tpu.memref_squeeze %dma_start3A_68 : memref<1x125x640xf32, #tpu.memory_space<hbm>> -> memref<125x640xf32, #tpu.memory_space<hbm>>
      %dma_start3A_70 = arith.constant 0 : i32
      %dma_start3A_71 = tpu.memref_slice %dma_start3A_69[%dma_start3A_60, %dma_start3A_70] : memref<125x640xf32, #tpu.memory_space<hbm>> -> memref<1x640xf32, #tpu.memory_space<hbm>>
      %dma_start3A_72 = tpu.memref_squeeze %dma_start3A_71 : memref<1x640xf32, #tpu.memory_space<hbm>> -> memref<640xf32, #tpu.memory_space<hbm>>
      %dma_start3A_73 = arith.constant 0 : i32
      %dma_start3A_74 = arith.constant 0 : i32
      %dma_start3A_75 = arith.constant 0 : i32
      %dma_start3A_76 = tpu.memref_slice %arg10[%arg0, %dma_start3A_73, %dma_start3A_74, %dma_start3A_75] : memref<2x16x125x640xf32, #tpu.memory_space<hbm>> -> memref<1x16x125x640xf32, #tpu.memory_space<hbm>>
      %dma_start3A_77 = tpu.memref_squeeze %dma_start3A_76 : memref<1x16x125x640xf32, #tpu.memory_space<hbm>> -> memref<16x125x640xf32, #tpu.memory_space<hbm>>
      %dma_start3A_78 = arith.constant 0 : i32
      %dma_start3A_79 = arith.constant 0 : i32
      %dma_start3A_80 = tpu.memref_slice %dma_start3A_77[%arg1, %dma_start3A_78, %dma_start3A_79] : memref<16x125x640xf32, #tpu.memory_space<hbm>> -> memref<1x125x640xf32, #tpu.memory_space<hbm>>
      %dma_start3A_81 = tpu.memref_squeeze %dma_start3A_80 : memref<1x125x640xf32, #tpu.memory_space<hbm>> -> memref<125x640xf32, #tpu.memory_space<hbm>>
      %dma_start3A_82 = arith.constant 0 : i32
      %dma_start3A_83 = tpu.memref_slice %dma_start3A_81[%dma_start3A_60, %dma_start3A_82] : memref<125x640xf32, #tpu.memory_space<hbm>> -> memref<1x640xf32, #tpu.memory_space<hbm>>
      %dma_start3A_84 = tpu.memref_squeeze %dma_start3A_83 : memref<1x640xf32, #tpu.memory_space<hbm>> -> memref<640xf32, #tpu.memory_space<hbm>>
      tpu.enqueue_dma source(%dma_start3A_84 : memref<640xf32, #tpu.memory_space<hbm>>) target(%arg25 : memref<640xf32, #tpu.memory_space<vmem>>) target_semaphore(%arg34 : memref<!tpu.dma_semaphore, #tpu.memory_space<semaphore_mem>>)
      %scan3A_85 = arith.constant 0 : i32
      %scan3A_86 = arith.constant 5 : i32
      %scan3A_87 = arith.addi %scan3A_85, %scan3A_86 : i32
      %scan3A_88 = arith.constant 1 : i32
      scf.for %scan3A_238 = %scan3A_85 to %scan3A_87 step %scan3A_88  : i32 {
        %mul3A_239 = arith.constant 16 : i32
        %mul3A_240 = arith.muli %scan3A_238, %mul3A_239 : i32
        %add3A_241 = arith.constant 0 : i32
        %add3A_242 = arith.addi %add3A_241, %mul3A_240 : i32
        %get3A = arith.constant 1 : i32
        %get3A_243 = arith.constant 0 : i32
        %get3A_244 = arith.index_cast %get3A : i32 to index
        %get3A_245 = arith.index_cast %get3A_243 : i32 to index
        %get3A_246 = arith.index_cast %add3A_242 : i32 to index
        %get3A_247 = tpu.vector_load %arg13[%get3A_244, %get3A_245, %get3A_246] {strides = array<i32>} : memref<5x2x80xi32, #tpu.memory_space<vmem>>, vector<16xi32>,
        %mul3A_248 = arith.constant 4 : i32
        %mul3A_249 = vector.broadcast %mul3A_248 : i32 to vector<16xi32>
        %mul3A_250 = arith.muli %get3A_247, %mul3A_249 : vector<16xi32>
        %add3A_251 = arith.addi %mul3A_4, %add3A_51 : i32
        %add3A_252 = vector.broadcast %add3A_251 : i32 to vector<16xi32>
        %add3A_253 = arith.addi %mul3A_250, %add3A_252 : vector<16xi32>
        %swap3A = arith.index_cast %add3A_242 : i32 to index
        %swap3A_254 = tpu.vector_load %arg19[%swap3A] {strides = array<i32>} : memref<80xi32, #tpu.memory_space<vmem>>, vector<16xi32>,
        tpu.vector_store %arg19[%swap3A], %add3A_253 {strides = array<i32>} : memref<80xi32, #tpu.memory_space<vmem>>, vector<16xi32>,
        %get3A_255 = arith.constant 1 : i32
        %get3A_256 = arith.constant 1 : i32
        %get3A_257 = arith.index_cast %get3A_255 : i32 to index
        %get3A_258 = arith.index_cast %get3A_256 : i32 to index
        %get3A_259 = arith.index_cast %add3A_242 : i32 to index
        %get3A_260 = tpu.vector_load %arg13[%get3A_257, %get3A_258, %get3A_259] {strides = array<i32>} : memref<5x2x80xi32, #tpu.memory_space<vmem>>, vector<16xi32>,
        %swap3A_261 = arith.index_cast %add3A_242 : i32 to index
        %swap3A_262 = tpu.vector_load %arg16[%swap3A_261] {strides = array<i32>} : memref<80xi32, #tpu.memory_space<vmem>>, vector<16xi32>,
        tpu.vector_store %arg16[%swap3A_261], %get3A_260 {strides = array<i32>} : memref<80xi32, #tpu.memory_space<vmem>>, vector<16xi32>,
      }
      %scan3A_89 = arith.constant 5 : i32
      %dma_start3A_90 = arith.constant 0 : i32
      %dma_start3A_91 = arith.constant 0 : i32
      %dma_start3A_92 = tpu.memref_slice %arg2[%dma_start3A_90, %dma_start3A_91] : memref<80000x128xf32, #tpu.memory_space<hbm>> -> memref<80000x128xf32, #tpu.memory_space<hbm>>
      tpu.enqueue_indirect_dma source(%dma_start3A_92 : memref<80000x128xf32, #tpu.memory_space<hbm>>) target(%arg29 : memref<80x128xf32, #tpu.memory_space<vmem>>) offsets(%arg19 : memref<80xi32, #tpu.memory_space<vmem>>) semaphore(%arg32 : memref<!tpu.dma_semaphore, #tpu.memory_space<semaphore_mem>>)
      %dma_start3A_93 = arith.constant 1 : i32
      %dma_start3A_94 = arith.constant 0 : i32
      %dma_start3A_95 = arith.constant 0 : i32
      %dma_start3A_96 = arith.constant 0 : i32
      %dma_start3A_97 = tpu.memref_slice %arg10[%arg0, %dma_start3A_94, %dma_start3A_95, %dma_start3A_96] : memref<2x16x125x640xf32, #tpu.memory_space<hbm>> -> memref<1x16x125x640xf32, #tpu.memory_space<hbm>>
      %dma_start3A_98 = tpu.memref_squeeze %dma_start3A_97 : memref<1x16x125x640xf32, #tpu.memory_space<hbm>> -> memref<16x125x640xf32, #tpu.memory_space<hbm>>
      %dma_start3A_99 = arith.constant 0 : i32
      %dma_start3A_100 = arith.constant 0 : i32
      %dma_start3A_101 = tpu.memref_slice %dma_start3A_98[%arg1, %dma_start3A_99, %dma_start3A_100] : memref<16x125x640xf32, #tpu.memory_space<hbm>> -> memref<1x125x640xf32, #tpu.memory_space<hbm>>
      %dma_start3A_102 = tpu.memref_squeeze %dma_start3A_101 : memref<1x125x640xf32, #tpu.memory_space<hbm>> -> memref<125x640xf32, #tpu.memory_space<hbm>>
      %dma_start3A_103 = arith.constant 0 : i32
      %dma_start3A_104 = tpu.memref_slice %dma_start3A_102[%dma_start3A_93, %dma_start3A_103] : memref<125x640xf32, #tpu.memory_space<hbm>> -> memref<1x640xf32, #tpu.memory_space<hbm>>
      %dma_start3A_105 = tpu.memref_squeeze %dma_start3A_104 : memref<1x640xf32, #tpu.memory_space<hbm>> -> memref<640xf32, #tpu.memory_space<hbm>>
      %dma_start3A_106 = arith.constant 0 : i32
      %dma_start3A_107 = arith.constant 0 : i32
      %dma_start3A_108 = arith.constant 0 : i32
      %dma_start3A_109 = tpu.memref_slice %arg10[%arg0, %dma_start3A_106, %dma_start3A_107, %dma_start3A_108] : memref<2x16x125x640xf32, #tpu.memory_space<hbm>> -> memref<1x16x125x640xf32, #tpu.memory_space<hbm>>
      %dma_start3A_110 = tpu.memref_squeeze %dma_start3A_109 : memref<1x16x125x640xf32, #tpu.memory_space<hbm>> -> memref<16x125x640xf32, #tpu.memory_space<hbm>>
      %dma_start3A_111 = arith.constant 0 : i32
      %dma_start3A_112 = arith.constant 0 : i32
      %dma_start3A_113 = tpu.memref_slice %dma_start3A_110[%arg1, %dma_start3A_111, %dma_start3A_112] : memref<16x125x640xf32, #tpu.memory_space<hbm>> -> memref<1x125x640xf32, #tpu.memory_space<hbm>>
      %dma_start3A_114 = tpu.memref_squeeze %dma_start3A_113 : memref<1x125x640xf32, #tpu.memory_space<hbm>> -> memref<125x640xf32, #tpu.memory_space<hbm>>
      %dma_start3A_115 = arith.constant 0 : i32
      %dma_start3A_116 = tpu.memref_slice %dma_start3A_114[%dma_start3A_93, %dma_start3A_115] : memref<125x640xf32, #tpu.memory_space<hbm>> -> memref<1x640xf32, #tpu.memory_space<hbm>>
      %dma_start3A_117 = tpu.memref_squeeze %dma_start3A_116 : memref<1x640xf32, #tpu.memory_space<hbm>> -> memref<640xf32, #tpu.memory_space<hbm>>
      tpu.enqueue_dma source(%dma_start3A_117 : memref<640xf32, #tpu.memory_space<hbm>>) target(%arg26 : memref<640xf32, #tpu.memory_space<vmem>>) target_semaphore(%arg35 : memref<!tpu.dma_semaphore, #tpu.memory_space<semaphore_mem>>)
      %scan3A_118 = arith.constant 0 : i32
      %scan3A_119 = arith.constant 41 : i32
      %scan3A_120 = arith.addi %scan3A_118, %scan3A_119 : i32
      %scan3A_121 = arith.constant 1 : i32
      scf.for %scan3A_238 = %scan3A_118 to %scan3A_120 step %scan3A_121  : i32 {
        %mul3A_239 = arith.constant 3 : i32
        %mul3A_240 = arith.muli %scan3A_238, %mul3A_239 : i32
        %add3A_241 = arith.constant 0 : i32
        %add3A_242 = arith.addi %add3A_241, %mul3A_240 : i32
        %gt3A = arith.constant 0 : i32
        %gt3A_243 = arith.cmpi sgt, %add3A_242, %gt3A : i32
        %convert_element_type3A = arith.extui %gt3A_243 : i1 to i32
        %cond3A = arith.constant 0 : i32
        %cond3A_244 = arith.cmpi ne, %convert_element_type3A, %cond3A : i32
        scf.if %cond3A_244 {
          %dma_wait3A_496 = arith.constant 0 : i32
          %dma_wait3A_497 = arith.constant 0 : i32
          %dma_wait3A_498 = arith.constant 0 : i32
          %dma_wait3A_499 = arith.constant 0 : i32
          %dma_wait3A_500 = tpu.memref_slice %arg5[%arg0, %dma_wait3A_496, %dma_wait3A_497, %dma_wait3A_498, %dma_wait3A_499] : memref<2x16x128x2x80xi32, #tpu.memory_space<hbm>> -> memref<1x16x128x2x80xi32, #tpu.memory_space<hbm>>
          %dma_wait3A_501 = tpu.memref_squeeze %dma_wait3A_500 : memref<1x16x128x2x80xi32, #tpu.memory_space<hbm>> -> memref<16x128x2x80xi32, #tpu.memory_space<hbm>>
          %dma_wait3A_502 = arith.constant 0 : i32
          %dma_wait3A_503 = arith.constant 0 : i32
          %dma_wait3A_504 = arith.constant 0 : i32
          %dma_wait3A_505 = tpu.memref_slice %dma_wait3A_501[%arg1, %dma_wait3A_502, %dma_wait3A_503, %dma_wait3A_504] : memref<16x128x2x80xi32, #tpu.memory_space<hbm>> -> memref<1x128x2x80xi32, #tpu.memory_space<hbm>>
          %dma_wait3A_506 = tpu.memref_squeeze %dma_wait3A_505 : memref<1x128x2x80xi32, #tpu.memory_space<hbm>> -> memref<128x2x80xi32, #tpu.memory_space<hbm>>
          %dma_wait3A_507 = arith.constant 0 : i32
          %dma_wait3A_508 = arith.constant 0 : i32
          %dma_wait3A_509 = arith.constant 0 : i32
          %dma_wait3A_510 = tpu.memref_slice %dma_wait3A_506[%dma_wait3A_507, %dma_wait3A_508, %dma_wait3A_509] : memref<128x2x80xi32, #tpu.memory_space<hbm>> -> memref<5x2x80xi32, #tpu.memory_space<hbm>>
          %dma_wait3A_511 = arith.constant 0 : i32
          %dma_wait3A_512 = arith.constant 0 : i32
          %dma_wait3A_513 = arith.constant 0 : i32
          %dma_wait3A_514 = arith.constant 0 : i32
          %dma_wait3A_515 = tpu.memref_slice %arg5[%arg0, %dma_wait3A_511, %dma_wait3A_512, %dma_wait3A_513, %dma_wait3A_514] : memref<2x16x128x2x80xi32, #tpu.memory_space<hbm>> -> memref<1x16x128x2x80xi32, #tpu.memory_space<hbm>>
          %dma_wait3A_516 = tpu.memref_squeeze %dma_wait3A_515 : memref<1x16x128x2x80xi32, #tpu.memory_space<hbm>> -> memref<16x128x2x80xi32, #tpu.memory_space<hbm>>
          %dma_wait3A_517 = arith.constant 0 : i32
          %dma_wait3A_518 = arith.constant 0 : i32
          %dma_wait3A_519 = arith.constant 0 : i32
          %dma_wait3A_520 = tpu.memref_slice %dma_wait3A_516[%arg1, %dma_wait3A_517, %dma_wait3A_518, %dma_wait3A_519] : memref<16x128x2x80xi32, #tpu.memory_space<hbm>> -> memref<1x128x2x80xi32, #tpu.memory_space<hbm>>
          %dma_wait3A_521 = tpu.memref_squeeze %dma_wait3A_520 : memref<1x128x2x80xi32, #tpu.memory_space<hbm>> -> memref<128x2x80xi32, #tpu.memory_space<hbm>>
          %dma_wait3A_522 = arith.constant 0 : i32
          %dma_wait3A_523 = arith.constant 0 : i32
          %dma_wait3A_524 = arith.constant 0 : i32
          %dma_wait3A_525 = tpu.memref_slice %dma_wait3A_521[%dma_wait3A_522, %dma_wait3A_523, %dma_wait3A_524] : memref<128x2x80xi32, #tpu.memory_space<hbm>> -> memref<5x2x80xi32, #tpu.memory_space<hbm>>
          tpu.wait_dma2 semaphore(%arg41 : memref<!tpu.dma_semaphore, #tpu.memory_space<semaphore_mem>>) src(%dma_wait3A_525 : memref<5x2x80xi32, #tpu.memory_space<hbm>>) dst(%arg13 : memref<5x2x80xi32, #tpu.memory_space<vmem>>)
        } else {
        }
        %add3A_245 = arith.constant 2 : i32
        %add3A_246 = arith.addi %add3A_242, %add3A_245 : i32
        %gt3A_247 = arith.constant 0 : i32
        %gt3A_248 = arith.cmpi sgt, %add3A_242, %gt3A_247 : i32
        %convert_element_type3A_249 = arith.extui %gt3A_248 : i1 to i32
        %cond3A_250 = arith.constant 0 : i32
        %cond3A_251 = arith.cmpi ne, %convert_element_type3A_249, %cond3A_250 : i32
        scf.if %cond3A_251 {
          %dma_wait3A_496 = arith.constant 0 : i32
          %dma_wait3A_497 = arith.constant 0 : i32
          %dma_wait3A_498 = tpu.memref_slice %arg11[%dma_wait3A_496, %dma_wait3A_497] : memref<10112x128xf32, #tpu.memory_space<vmem_shared>> -> memref<10112x128xf32, #tpu.memory_space<vmem_shared>>
          tpu.wait_indirect_dma semaphore(%arg39 : memref<!tpu.dma_semaphore, #tpu.memory_space<semaphore_mem>>) src(%arg30 : memref<80x128xf32, #tpu.memory_space<vmem>>) dst(%dma_wait3A_498 : memref<10112x128xf32, #tpu.memory_space<vmem_shared>>)
        } else {
        }
        %scan3A_252 = arith.constant 0 : i32
        %scan3A_253 = arith.constant 5 : i32
        %scan3A_254 = arith.addi %scan3A_252, %scan3A_253 : i32
        %scan3A_255 = arith.constant 1 : i32
        scf.for %scan3A_496 = %scan3A_252 to %scan3A_254 step %scan3A_255  : i32 {
          %mul3A_497 = arith.constant 16 : i32
          %mul3A_498 = arith.muli %scan3A_496, %mul3A_497 : i32
          %add3A_499 = arith.constant 0 : i32
          %add3A_500 = arith.addi %add3A_499, %mul3A_498 : i32
          %get3A = arith.constant 2 : i32
          %get3A_501 = arith.constant 0 : i32
          %get3A_502 = arith.index_cast %get3A : i32 to index
          %get3A_503 = arith.index_cast %get3A_501 : i32 to index
          %get3A_504 = arith.index_cast %add3A_500 : i32 to index
          %get3A_505 = tpu.vector_load %arg13[%get3A_502, %get3A_503, %get3A_504] {strides = array<i32>} : memref<5x2x80xi32, #tpu.memory_space<vmem>>, vector<16xi32>,
          %mul3A_506 = arith.constant 4 : i32
          %mul3A_507 = vector.broadcast %mul3A_506 : i32 to vector<16xi32>
          %mul3A_508 = arith.muli %get3A_505, %mul3A_507 : vector<16xi32>
          %add3A_509 = arith.addi %mul3A_4, %add3A_51 : i32
          %add3A_510 = vector.broadcast %add3A_509 : i32 to vector<16xi32>
          %add3A_511 = arith.addi %mul3A_508, %add3A_510 : vector<16xi32>
          %swap3A = arith.index_cast %add3A_500 : i32 to index
          %swap3A_512 = tpu.vector_load %arg20[%swap3A] {strides = array<i32>} : memref<80xi32, #tpu.memory_space<vmem>>, vector<16xi32>,
          tpu.vector_store %arg20[%swap3A], %add3A_511 {strides = array<i32>} : memref<80xi32, #tpu.memory_space<vmem>>, vector<16xi32>,
          %get3A_513 = arith.constant 2 : i32
          %get3A_514 = arith.constant 1 : i32
          %get3A_515 = arith.index_cast %get3A_513 : i32 to index
          %get3A_516 = arith.index_cast %get3A_514 : i32 to index
          %get3A_517 = arith.index_cast %add3A_500 : i32 to index
          %get3A_518 = tpu.vector_load %arg13[%get3A_515, %get3A_516, %get3A_517] {strides = array<i32>} : memref<5x2x80xi32, #tpu.memory_space<vmem>>, vector<16xi32>,
          %swap3A_519 = arith.index_cast %add3A_500 : i32 to index
          %swap3A_520 = tpu.vector_load %arg17[%swap3A_519] {strides = array<i32>} : memref<80xi32, #tpu.memory_space<vmem>>, vector<16xi32>,
          tpu.vector_store %arg17[%swap3A_519], %get3A_518 {strides = array<i32>} : memref<80xi32, #tpu.memory_space<vmem>>, vector<16xi32>,
        }
        %scan3A_256 = arith.constant 5 : i32
        %dma_start3A_257 = arith.constant 0 : i32
        %dma_start3A_258 = arith.constant 0 : i32
        %dma_start3A_259 = tpu.memref_slice %arg2[%dma_start3A_257, %dma_start3A_258] : memref<80000x128xf32, #tpu.memory_space<hbm>> -> memref<80000x128xf32, #tpu.memory_space<hbm>>
        tpu.enqueue_indirect_dma source(%dma_start3A_259 : memref<80000x128xf32, #tpu.memory_space<hbm>>) target(%arg30 : memref<80x128xf32, #tpu.memory_space<vmem>>) offsets(%arg20 : memref<80xi32, #tpu.memory_space<vmem>>) semaphore(%arg33 : memref<!tpu.dma_semaphore, #tpu.memory_space<semaphore_mem>>)
        %dma_start3A_260 = arith.constant 0 : i32
        %dma_start3A_261 = arith.constant 0 : i32
        %dma_start3A_262 = arith.constant 0 : i32
        %dma_start3A_263 = tpu.memref_slice %arg10[%arg0, %dma_start3A_260, %dma_start3A_261, %dma_start3A_262] : memref<2x16x125x640xf32, #tpu.memory_space<hbm>> -> memref<1x16x125x640xf32, #tpu.memory_space<hbm>>
        %dma_start3A_264 = tpu.memref_squeeze %dma_start3A_263 : memref<1x16x125x640xf32, #tpu.memory_space<hbm>> -> memref<16x125x640xf32, #tpu.memory_space<hbm>>
        %dma_start3A_265 = arith.constant 0 : i32
        %dma_start3A_266 = arith.constant 0 : i32
        %dma_start3A_267 = tpu.memref_slice %dma_start3A_264[%arg1, %dma_start3A_265, %dma_start3A_266] : memref<16x125x640xf32, #tpu.memory_space<hbm>> -> memref<1x125x640xf32, #tpu.memory_space<hbm>>
        %dma_start3A_268 = tpu.memref_squeeze %dma_start3A_267 : memref<1x125x640xf32, #tpu.memory_space<hbm>> -> memref<125x640xf32, #tpu.memory_space<hbm>>
        %dma_start3A_269 = arith.constant 0 : i32
        %dma_start3A_270 = tpu.memref_slice %dma_start3A_268[%add3A_246, %dma_start3A_269] : memref<125x640xf32, #tpu.memory_space<hbm>> -> memref<1x640xf32, #tpu.memory_space<hbm>>
        %dma_start3A_271 = tpu.memref_squeeze %dma_start3A_270 : memref<1x640xf32, #tpu.memory_space<hbm>> -> memref<640xf32, #tpu.memory_space<hbm>>
        %dma_start3A_272 = arith.constant 0 : i32
        %dma_start3A_273 = arith.constant 0 : i32
        %dma_start3A_274 = arith.constant 0 : i32
        %dma_start3A_275 = tpu.memref_slice %arg10[%arg0, %dma_start3A_272, %dma_start3A_273, %dma_start3A_274] : memref<2x16x125x640xf32, #tpu.memory_space<hbm>> -> memref<1x16x125x640xf32, #tpu.memory_space<hbm>>
        %dma_start3A_276 = tpu.memref_squeeze %dma_start3A_275 : memref<1x16x125x640xf32, #tpu.memory_space<hbm>> -> memref<16x125x640xf32, #tpu.memory_space<hbm>>
        %dma_start3A_277 = arith.constant 0 : i32
        %dma_start3A_278 = arith.constant 0 : i32
        %dma_start3A_279 = tpu.memref_slice %dma_start3A_276[%arg1, %dma_start3A_277, %dma_start3A_278] : memref<16x125x640xf32, #tpu.memory_space<hbm>> -> memref<1x125x640xf32, #tpu.memory_space<hbm>>
        %dma_start3A_280 = tpu.memref_squeeze %dma_start3A_279 : memref<1x125x640xf32, #tpu.memory_space<hbm>> -> memref<125x640xf32, #tpu.memory_space<hbm>>
        %dma_start3A_281 = arith.constant 0 : i32
        %dma_start3A_282 = tpu.memref_slice %dma_start3A_280[%add3A_246, %dma_start3A_281] : memref<125x640xf32, #tpu.memory_space<hbm>> -> memref<1x640xf32, #tpu.memory_space<hbm>>
        %dma_start3A_283 = tpu.memref_squeeze %dma_start3A_282 : memref<1x640xf32, #tpu.memory_space<hbm>> -> memref<640xf32, #tpu.memory_space<hbm>>
        tpu.enqueue_dma source(%dma_start3A_283 : memref<640xf32, #tpu.memory_space<hbm>>) target(%arg27 : memref<640xf32, #tpu.memory_space<vmem>>) target_semaphore(%arg36 : memref<!tpu.dma_semaphore, #tpu.memory_space<semaphore_mem>>)
        %dma_wait3A_284 = arith.constant 0 : i32
        %dma_wait3A_285 = arith.constant 0 : i32
        %dma_wait3A_286 = tpu.memref_slice %arg2[%dma_wait3A_284, %dma_wait3A_285] : memref<80000x128xf32, #tpu.memory_space<hbm>> -> memref<80000x128xf32, #tpu.memory_space<hbm>>
        tpu.wait_indirect_dma semaphore(%arg31 : memref<!tpu.dma_semaphore, #tpu.memory_space<semaphore_mem>>) src(%dma_wait3A_286 : memref<80000x128xf32, #tpu.memory_space<hbm>>) dst(%arg28 : memref<80x128xf32, #tpu.memory_space<vmem>>)
        %dma_wait3A_287 = arith.constant 0 : i32
        %dma_wait3A_288 = arith.constant 0 : i32
        %dma_wait3A_289 = arith.constant 0 : i32
        %dma_wait3A_290 = arith.constant 0 : i32
        %dma_wait3A_291 = tpu.memref_slice %arg10[%arg0, %dma_wait3A_288, %dma_wait3A_289, %dma_wait3A_290] : memref<2x16x125x640xf32, #tpu.memory_space<hbm>> -> memref<1x16x125x640xf32, #tpu.memory_space<hbm>>
        %dma_wait3A_292 = tpu.memref_squeeze %dma_wait3A_291 : memref<1x16x125x640xf32, #tpu.memory_space<hbm>> -> memref<16x125x640xf32, #tpu.memory_space<hbm>>
        %dma_wait3A_293 = arith.constant 0 : i32
        %dma_wait3A_294 = arith.constant 0 : i32
        %dma_wait3A_295 = tpu.memref_slice %dma_wait3A_292[%arg1, %dma_wait3A_293, %dma_wait3A_294] : memref<16x125x640xf32, #tpu.memory_space<hbm>> -> memref<1x125x640xf32, #tpu.memory_space<hbm>>
        %dma_wait3A_296 = tpu.memref_squeeze %dma_wait3A_295 : memref<1x125x640xf32, #tpu.memory_space<hbm>> -> memref<125x640xf32, #tpu.memory_space<hbm>>
        %dma_wait3A_297 = arith.constant 0 : i32
        %dma_wait3A_298 = tpu.memref_slice %dma_wait3A_296[%dma_wait3A_287, %dma_wait3A_297] : memref<125x640xf32, #tpu.memory_space<hbm>> -> memref<1x640xf32, #tpu.memory_space<hbm>>
        %dma_wait3A_299 = tpu.memref_squeeze %dma_wait3A_298 : memref<1x640xf32, #tpu.memory_space<hbm>> -> memref<640xf32, #tpu.memory_space<hbm>>
        %dma_wait3A_300 = arith.constant 0 : i32
        %dma_wait3A_301 = arith.constant 0 : i32
        %dma_wait3A_302 = arith.constant 0 : i32
        %dma_wait3A_303 = tpu.memref_slice %arg10[%arg0, %dma_wait3A_300, %dma_wait3A_301, %dma_wait3A_302] : memref<2x16x125x640xf32, #tpu.memory_space<hbm>> -> memref<1x16x125x640xf32, #tpu.memory_space<hbm>>
        %dma_wait3A_304 = tpu.memref_squeeze %dma_wait3A_303 : memref<1x16x125x640xf32, #tpu.memory_space<hbm>> -> memref<16x125x640xf32, #tpu.memory_space<hbm>>
        %dma_wait3A_305 = arith.constant 0 : i32
        %dma_wait3A_306 = arith.constant 0 : i32
        %dma_wait3A_307 = tpu.memref_slice %dma_wait3A_304[%arg1, %dma_wait3A_305, %dma_wait3A_306] : memref<16x125x640xf32, #tpu.memory_space<hbm>> -> memref<1x125x640xf32, #tpu.memory_space<hbm>>
        %dma_wait3A_308 = tpu.memref_squeeze %dma_wait3A_307 : memref<1x125x640xf32, #tpu.memory_space<hbm>> -> memref<125x640xf32, #tpu.memory_space<hbm>>
        %dma_wait3A_309 = arith.constant 0 : i32
        %dma_wait3A_310 = tpu.memref_slice %dma_wait3A_308[%dma_wait3A_287, %dma_wait3A_309] : memref<125x640xf32, #tpu.memory_space<hbm>> -> memref<1x640xf32, #tpu.memory_space<hbm>>
        %dma_wait3A_311 = tpu.memref_squeeze %dma_wait3A_310 : memref<1x640xf32, #tpu.memory_space<hbm>> -> memref<640xf32, #tpu.memory_space<hbm>>
        tpu.wait_dma2 semaphore(%arg34 : memref<!tpu.dma_semaphore, #tpu.memory_space<semaphore_mem>>) src(%dma_wait3A_311 : memref<640xf32, #tpu.memory_space<hbm>>) dst(%arg25 : memref<640xf32, #tpu.memory_space<vmem>>)
        %scan3A_312 = arith.constant 0 : i32
        %scan3A_313 = arith.constant 40 : i32
        %scan3A_314 = arith.addi %scan3A_312, %scan3A_313 : i32
        %scan3A_315 = arith.constant 1 : i32
        scf.for %scan3A_496 = %scan3A_312 to %scan3A_314 step %scan3A_315  : i32 {
          %mul3A_497 = arith.constant 2 : i32
          %mul3A_498 = arith.muli %scan3A_496, %mul3A_497 : i32
          %add3A_499 = arith.constant 0 : i32
          %add3A_500 = arith.addi %add3A_499, %mul3A_498 : i32
          %add3A_501 = arith.constant 0 : i32
          %add3A_502 = arith.addi %add3A_500, %add3A_501 : i32
          %mul3A_503 = arith.constant 8 : i32
          %mul3A_504 = arith.muli %add3A_502, %mul3A_503 : i32
          %mul3A_505 = arith.constant 2 : i32
          %mul3A_506 = arith.muli %mul3A_505, %add3A_51 : i32
          %add3A_507 = arith.addi %mul3A_504, %mul3A_506 : i32
          %broadcast_in_dim3A = vector.broadcast %add3A_507 : i32 to vector<16xi32>
          %gather3A = tpu.vector_load_idx %arg25[%broadcast_in_dim3A] : memref<640xf32, #tpu.memory_space<vmem>>[vector<16xi32>], vector<16xf32>,
          %mul3A_508 = arith.constant 8 : i32
          %mul3A_509 = arith.muli %add3A_502, %mul3A_508 : i32
          %mul3A_510 = arith.constant 2 : i32
          %mul3A_511 = arith.muli %mul3A_510, %add3A_51 : i32
          %add3A_512 = arith.addi %mul3A_509, %mul3A_511 : i32
          %add3A_513 = arith.constant 1 : i32
          %add3A_514 = arith.addi %add3A_512, %add3A_513 : i32
          %broadcast_in_dim3A_515 = vector.broadcast %add3A_514 : i32 to vector<16xi32>
          %gather3A_516 = tpu.vector_load_idx %arg25[%broadcast_in_dim3A_515] : memref<640xf32, #tpu.memory_space<vmem>>[vector<16xi32>], vector<16xf32>,
          %get3A = arith.index_cast %add3A_502 : i32 to index
          %get3A_517 = arith.constant 0 : index
          %get3A_518 = tpu.vector_load %arg28[%get3A, %get3A_517] {strides = array<i32>} : memref<80x128xf32, #tpu.memory_space<vmem>>, vector<16xf32>,
          %mul3A_519 = arith.mulf %get3A_518, %gather3A : vector<16xf32>
          %swap3A = arith.index_cast %add3A_502 : i32 to index
          %swap3A_520 = arith.constant 0 : index
          %swap3A_521 = tpu.vector_load %arg28[%swap3A, %swap3A_520] {strides = array<i32>} : memref<80x128xf32, #tpu.memory_space<vmem>>, vector<16xf32>,
          tpu.vector_store %arg28[%swap3A, %swap3A_520], %mul3A_519 {strides = array<i32>} : memref<80x128xf32, #tpu.memory_space<vmem>>, vector<16xf32>,
          %get3A_522 = arith.index_cast %add3A_502 : i32 to index
          %get3A_523 = arith.constant 16 : index
          %get3A_524 = tpu.vector_load %arg28[%get3A_522, %get3A_523] {strides = array<i32>} : memref<80x128xf32, #tpu.memory_space<vmem>>, vector<16xf32>,
          %mul3A_525 = arith.mulf %get3A_524, %gather3A : vector<16xf32>
          %swap3A_526 = arith.index_cast %add3A_502 : i32 to index
          %swap3A_527 = arith.constant 16 : index
          %swap3A_528 = tpu.vector_load %arg28[%swap3A_526, %swap3A_527] {strides = array<i32>} : memref<80x128xf32, #tpu.memory_space<vmem>>, vector<16xf32>,
          tpu.vector_store %arg28[%swap3A_526, %swap3A_527], %mul3A_525 {strides = array<i32>} : memref<80x128xf32, #tpu.memory_space<vmem>>, vector<16xf32>,
          %get3A_529 = arith.index_cast %add3A_502 : i32 to index
          %get3A_530 = arith.constant 32 : index
          %get3A_531 = tpu.vector_load %arg28[%get3A_529, %get3A_530] {strides = array<i32>} : memref<80x128xf32, #tpu.memory_space<vmem>>, vector<16xf32>,
          %mul3A_532 = arith.mulf %get3A_531, %gather3A : vector<16xf32>
          %swap3A_533 = arith.index_cast %add3A_502 : i32 to index
          %swap3A_534 = arith.constant 32 : index
          %swap3A_535 = tpu.vector_load %arg28[%swap3A_533, %swap3A_534] {strides = array<i32>} : memref<80x128xf32, #tpu.memory_space<vmem>>, vector<16xf32>,
          tpu.vector_store %arg28[%swap3A_533, %swap3A_534], %mul3A_532 {strides = array<i32>} : memref<80x128xf32, #tpu.memory_space<vmem>>, vector<16xf32>,
          %get3A_536 = arith.index_cast %add3A_502 : i32 to index
          %get3A_537 = arith.constant 48 : index
          %get3A_538 = tpu.vector_load %arg28[%get3A_536, %get3A_537] {strides = array<i32>} : memref<80x128xf32, #tpu.memory_space<vmem>>, vector<16xf32>,
          %mul3A_539 = arith.mulf %get3A_538, %gather3A : vector<16xf32>
          %swap3A_540 = arith.index_cast %add3A_502 : i32 to index
          %swap3A_541 = arith.constant 48 : index
          %swap3A_542 = tpu.vector_load %arg28[%swap3A_540, %swap3A_541] {strides = array<i32>} : memref<80x128xf32, #tpu.memory_space<vmem>>, vector<16xf32>,
          tpu.vector_store %arg28[%swap3A_540, %swap3A_541], %mul3A_539 {strides = array<i32>} : memref<80x128xf32, #tpu.memory_space<vmem>>, vector<16xf32>,
          %get3A_543 = arith.index_cast %add3A_502 : i32 to index
          %get3A_544 = arith.constant 64 : index
          %get3A_545 = tpu.vector_load %arg28[%get3A_543, %get3A_544] {strides = array<i32>} : memref<80x128xf32, #tpu.memory_space<vmem>>, vector<16xf32>,
          %mul3A_546 = arith.mulf %get3A_545, %gather3A_516 : vector<16xf32>
          %swap3A_547 = arith.index_cast %add3A_502 : i32 to index
          %swap3A_548 = arith.constant 64 : index
          %swap3A_549 = tpu.vector_load %arg28[%swap3A_547, %swap3A_548] {strides = array<i32>} : memref<80x128xf32, #tpu.memory_space<vmem>>, vector<16xf32>,
          tpu.vector_store %arg28[%swap3A_547, %swap3A_548], %mul3A_546 {strides = array<i32>} : memref<80x128xf32, #tpu.memory_space<vmem>>, vector<16xf32>,
          %get3A_550 = arith.index_cast %add3A_502 : i32 to index
          %get3A_551 = arith.constant 80 : index
          %get3A_552 = tpu.vector_load %arg28[%get3A_550, %get3A_551] {strides = array<i32>} : memref<80x128xf32, #tpu.memory_space<vmem>>, vector<16xf32>,
          %mul3A_553 = arith.mulf %get3A_552, %gather3A_516 : vector<16xf32>
          %swap3A_554 = arith.index_cast %add3A_502 : i32 to index
          %swap3A_555 = arith.constant 80 : index
          %swap3A_556 = tpu.vector_load %arg28[%swap3A_554, %swap3A_555] {strides = array<i32>} : memref<80x128xf32, #tpu.memory_space<vmem>>, vector<16xf32>,
          tpu.vector_store %arg28[%swap3A_554, %swap3A_555], %mul3A_553 {strides = array<i32>} : memref<80x128xf32, #tpu.memory_space<vmem>>, vector<16xf32>,
          %get3A_557 = arith.index_cast %add3A_502 : i32 to index
          %get3A_558 = arith.constant 96 : index
          %get3A_559 = tpu.vector_load %arg28[%get3A_557, %get3A_558] {strides = array<i32>} : memref<80x128xf32, #tpu.memory_space<vmem>>, vector<16xf32>,
          %mul3A_560 = arith.mulf %get3A_559, %gather3A_516 : vector<16xf32>
          %swap3A_561 = arith.index_cast %add3A_502 : i32 to index
          %swap3A_562 = arith.constant 96 : index
          %swap3A_563 = tpu.vector_load %arg28[%swap3A_561, %swap3A_562] {strides = array<i32>} : memref<80x128xf32, #tpu.memory_space<vmem>>, vector<16xf32>,
          tpu.vector_store %arg28[%swap3A_561, %swap3A_562], %mul3A_560 {strides = array<i32>} : memref<80x128xf32, #tpu.memory_space<vmem>>, vector<16xf32>,
          %get3A_564 = arith.index_cast %add3A_502 : i32 to index
          %get3A_565 = arith.constant 112 : index
          %get3A_566 = tpu.vector_load %arg28[%get3A_564, %get3A_565] {strides = array<i32>} : memref<80x128xf32, #tpu.memory_space<vmem>>, vector<16xf32>,
          %mul3A_567 = arith.mulf %get3A_566, %gather3A_516 : vector<16xf32>
          %swap3A_568 = arith.index_cast %add3A_502 : i32 to index
          %swap3A_569 = arith.constant 112 : index
          %swap3A_570 = tpu.vector_load %arg28[%swap3A_568, %swap3A_569] {strides = array<i32>} : memref<80x128xf32, #tpu.memory_space<vmem>>, vector<16xf32>,
          tpu.vector_store %arg28[%swap3A_568, %swap3A_569], %mul3A_567 {strides = array<i32>} : memref<80x128xf32, #tpu.memory_space<vmem>>, vector<16xf32>,
          %add3A_571 = arith.constant 1 : i32
          %add3A_572 = arith.addi %add3A_500, %add3A_571 : i32
          %mul3A_573 = arith.constant 8 : i32
          %mul3A_574 = arith.muli %add3A_572, %mul3A_573 : i32
          %mul3A_575 = arith.constant 2 : i32
          %mul3A_576 = arith.muli %mul3A_575, %add3A_51 : i32
          %add3A_577 = arith.addi %mul3A_574, %mul3A_576 : i32
          %broadcast_in_dim3A_578 = vector.broadcast %add3A_577 : i32 to vector<16xi32>
          %gather3A_579 = tpu.vector_load_idx %arg25[%broadcast_in_dim3A_578] : memref<640xf32, #tpu.memory_space<vmem>>[vector<16xi32>], vector<16xf32>,
          %mul3A_580 = arith.constant 8 : i32
          %mul3A_581 = arith.muli %add3A_572, %mul3A_580 : i32
          %mul3A_582 = arith.constant 2 : i32
          %mul3A_583 = arith.muli %mul3A_582, %add3A_51 : i32
          %add3A_584 = arith.addi %mul3A_581, %mul3A_583 : i32
          %add3A_585 = arith.constant 1 : i32
          %add3A_586 = arith.addi %add3A_584, %add3A_585 : i32
          %broadcast_in_dim3A_587 = vector.broadcast %add3A_586 : i32 to vector<16xi32>
          %gather3A_588 = tpu.vector_load_idx %arg25[%broadcast_in_dim3A_587] : memref<640xf32, #tpu.memory_space<vmem>>[vector<16xi32>], vector<16xf32>,
          %get3A_589 = arith.index_cast %add3A_572 : i32 to index
          %get3A_590 = arith.constant 0 : index
          %get3A_591 = tpu.vector_load %arg28[%get3A_589, %get3A_590] {strides = array<i32>} : memref<80x128xf32, #tpu.memory_space<vmem>>, vector<16xf32>,
          %mul3A_592 = arith.mulf %get3A_591, %gather3A_579 : vector<16xf32>
          %swap3A_593 = arith.index_cast %add3A_572 : i32 to index
          %swap3A_594 = arith.constant 0 : index
          %swap3A_595 = tpu.vector_load %arg28[%swap3A_593, %swap3A_594] {strides = array<i32>} : memref<80x128xf32, #tpu.memory_space<vmem>>, vector<16xf32>,
          tpu.vector_store %arg28[%swap3A_593, %swap3A_594], %mul3A_592 {strides = array<i32>} : memref<80x128xf32, #tpu.memory_space<vmem>>, vector<16xf32>,
          %get3A_596 = arith.index_cast %add3A_572 : i32 to index
          %get3A_597 = arith.constant 16 : index
          %get3A_598 = tpu.vector_load %arg28[%get3A_596, %get3A_597] {strides = array<i32>} : memref<80x128xf32, #tpu.memory_space<vmem>>, vector<16xf32>,
          %mul3A_599 = arith.mulf %get3A_598, %gather3A_579 : vector<16xf32>
          %swap3A_600 = arith.index_cast %add3A_572 : i32 to index
          %swap3A_601 = arith.constant 16 : index
          %swap3A_602 = tpu.vector_load %arg28[%swap3A_600, %swap3A_601] {strides = array<i32>} : memref<80x128xf32, #tpu.memory_space<vmem>>, vector<16xf32>,
          tpu.vector_store %arg28[%swap3A_600, %swap3A_601], %mul3A_599 {strides = array<i32>} : memref<80x128xf32, #tpu.memory_space<vmem>>, vector<16xf32>,
          %get3A_603 = arith.index_cast %add3A_572 : i32 to index
          %get3A_604 = arith.constant 32 : index
          %get3A_605 = tpu.vector_load %arg28[%get3A_603, %get3A_604] {strides = array<i32>} : memref<80x128xf32, #tpu.memory_space<vmem>>, vector<16xf32>,
          %mul3A_606 = arith.mulf %get3A_605, %gather3A_579 : vector<16xf32>
          %swap3A_607 = arith.index_cast %add3A_572 : i32 to index
          %swap3A_608 = arith.constant 32 : index
          %swap3A_609 = tpu.vector_load %arg28[%swap3A_607, %swap3A_608] {strides = array<i32>} : memref<80x128xf32, #tpu.memory_space<vmem>>, vector<16xf32>,
          tpu.vector_store %arg28[%swap3A_607, %swap3A_608], %mul3A_606 {strides = array<i32>} : memref<80x128xf32, #tpu.memory_space<vmem>>, vector<16xf32>,
          %get3A_610 = arith.index_cast %add3A_572 : i32 to index
          %get3A_611 = arith.constant 48 : index
          %get3A_612 = tpu.vector_load %arg28[%get3A_610, %get3A_611] {strides = array<i32>} : memref<80x128xf32, #tpu.memory_space<vmem>>, vector<16xf32>,
          %mul3A_613 = arith.mulf %get3A_612, %gather3A_579 : vector<16xf32>
          %swap3A_614 = arith.index_cast %add3A_572 : i32 to index
          %swap3A_615 = arith.constant 48 : index
          %swap3A_616 = tpu.vector_load %arg28[%swap3A_614, %swap3A_615] {strides = array<i32>} : memref<80x128xf32, #tpu.memory_space<vmem>>, vector<16xf32>,
          tpu.vector_store %arg28[%swap3A_614, %swap3A_615], %mul3A_613 {strides = array<i32>} : memref<80x128xf32, #tpu.memory_space<vmem>>, vector<16xf32>,
          %get3A_617 = arith.index_cast %add3A_572 : i32 to index
          %get3A_618 = arith.constant 64 : index
          %get3A_619 = tpu.vector_load %arg28[%get3A_617, %get3A_618] {strides = array<i32>} : memref<80x128xf32, #tpu.memory_space<vmem>>, vector<16xf32>,
          %mul3A_620 = arith.mulf %get3A_619, %gather3A_588 : vector<16xf32>
          %swap3A_621 = arith.index_cast %add3A_572 : i32 to index
          %swap3A_622 = arith.constant 64 : index
          %swap3A_623 = tpu.vector_load %arg28[%swap3A_621, %swap3A_622] {strides = array<i32>} : memref<80x128xf32, #tpu.memory_space<vmem>>, vector<16xf32>,
          tpu.vector_store %arg28[%swap3A_621, %swap3A_622], %mul3A_620 {strides = array<i32>} : memref<80x128xf32, #tpu.memory_space<vmem>>, vector<16xf32>,
          %get3A_624 = arith.index_cast %add3A_572 : i32 to index
          %get3A_625 = arith.constant 80 : index
          %get3A_626 = tpu.vector_load %arg28[%get3A_624, %get3A_625] {strides = array<i32>} : memref<80x128xf32, #tpu.memory_space<vmem>>, vector<16xf32>,
          %mul3A_627 = arith.mulf %get3A_626, %gather3A_588 : vector<16xf32>
          %swap3A_628 = arith.index_cast %add3A_572 : i32 to index
          %swap3A_629 = arith.constant 80 : index
          %swap3A_630 = tpu.vector_load %arg28[%swap3A_628, %swap3A_629] {strides = array<i32>} : memref<80x128xf32, #tpu.memory_space<vmem>>, vector<16xf32>,
          tpu.vector_store %arg28[%swap3A_628, %swap3A_629], %mul3A_627 {strides = array<i32>} : memref<80x128xf32, #tpu.memory_space<vmem>>, vector<16xf32>,
          %get3A_631 = arith.index_cast %add3A_572 : i32 to index
          %get3A_632 = arith.constant 96 : index
          %get3A_633 = tpu.vector_load %arg28[%get3A_631, %get3A_632] {strides = array<i32>} : memref<80x128xf32, #tpu.memory_space<vmem>>, vector<16xf32>,
          %mul3A_634 = arith.mulf %get3A_633, %gather3A_588 : vector<16xf32>
          %swap3A_635 = arith.index_cast %add3A_572 : i32 to index
          %swap3A_636 = arith.constant 96 : index
          %swap3A_637 = tpu.vector_load %arg28[%swap3A_635, %swap3A_636] {strides = array<i32>} : memref<80x128xf32, #tpu.memory_space<vmem>>, vector<16xf32>,
          tpu.vector_store %arg28[%swap3A_635, %swap3A_636], %mul3A_634 {strides = array<i32>} : memref<80x128xf32, #tpu.memory_space<vmem>>, vector<16xf32>,
          %get3A_638 = arith.index_cast %add3A_572 : i32 to index
          %get3A_639 = arith.constant 112 : index
          %get3A_640 = tpu.vector_load %arg28[%get3A_638, %get3A_639] {strides = array<i32>} : memref<80x128xf32, #tpu.memory_space<vmem>>, vector<16xf32>,
          %mul3A_641 = arith.mulf %get3A_640, %gather3A_588 : vector<16xf32>
          %swap3A_642 = arith.index_cast %add3A_572 : i32 to index
          %swap3A_643 = arith.constant 112 : index
          %swap3A_644 = tpu.vector_load %arg28[%swap3A_642, %swap3A_643] {strides = array<i32>} : memref<80x128xf32, #tpu.memory_space<vmem>>, vector<16xf32>,
          tpu.vector_store %arg28[%swap3A_642, %swap3A_643], %mul3A_641 {strides = array<i32>} : memref<80x128xf32, #tpu.memory_space<vmem>>, vector<16xf32>,
        }
        %scan3A_316 = arith.constant 40 : i32
        %dma_start3A_317 = arith.constant 0 : i32
        %dma_start3A_318 = arith.constant 0 : i32
        %dma_start3A_319 = tpu.memref_slice %arg11[%dma_start3A_317, %dma_start3A_318] : memref<10112x128xf32, #tpu.memory_space<vmem_shared>> -> memref<10112x128xf32, #tpu.memory_space<vmem_shared>>
        tpu.enqueue_indirect_dma source(%arg28 : memref<80x128xf32, #tpu.memory_space<vmem>>) target(%dma_start3A_319 : memref<10112x128xf32, #tpu.memory_space<vmem_shared>>) offsets(%arg15 : memref<80xi32, #tpu.memory_space<vmem>>) semaphore(%arg37 : memref<!tpu.dma_semaphore, #tpu.memory_space<semaphore_mem>>) {add = true}
        %add3A_320 = arith.constant 3 : i32
        %add3A_321 = arith.addi %add3A_242, %add3A_320 : i32
        %dma_wait3A_322 = arith.constant 0 : i32
        %dma_wait3A_323 = arith.constant 0 : i32
        %dma_wait3A_324 = tpu.memref_slice %arg11[%dma_wait3A_322, %dma_wait3A_323] : memref<10112x128xf32, #tpu.memory_space<vmem_shared>> -> memref<10112x128xf32, #tpu.memory_space<vmem_shared>>
        tpu.wait_indirect_dma semaphore(%arg37 : memref<!tpu.dma_semaphore, #tpu.memory_space<semaphore_mem>>) src(%arg28 : memref<80x128xf32, #tpu.memory_space<vmem>>) dst(%dma_wait3A_324 : memref<10112x128xf32, #tpu.memory_space<vmem_shared>>)
        %scan3A_325 = arith.constant 0 : i32
        %scan3A_326 = arith.constant 5 : i32
        %scan3A_327 = arith.addi %scan3A_325, %scan3A_326 : i32
        %scan3A_328 = arith.constant 1 : i32
        scf.for %scan3A_496 = %scan3A_325 to %scan3A_327 step %scan3A_328  : i32 {
          %mul3A_497 = arith.constant 16 : i32
          %mul3A_498 = arith.muli %scan3A_496, %mul3A_497 : i32
          %add3A_499 = arith.constant 0 : i32
          %add3A_500 = arith.addi %add3A_499, %mul3A_498 : i32
          %get3A = arith.constant 3 : i32
          %get3A_501 = arith.constant 0 : i32
          %get3A_502 = arith.index_cast %get3A : i32 to index
          %get3A_503 = arith.index_cast %get3A_501 : i32 to index
          %get3A_504 = arith.index_cast %add3A_500 : i32 to index
          %get3A_505 = tpu.vector_load %arg13[%get3A_502, %get3A_503, %get3A_504] {strides = array<i32>} : memref<5x2x80xi32, #tpu.memory_space<vmem>>, vector<16xi32>,
          %mul3A_506 = arith.constant 4 : i32
          %mul3A_507 = vector.broadcast %mul3A_506 : i32 to vector<16xi32>
          %mul3A_508 = arith.muli %get3A_505, %mul3A_507 : vector<16xi32>
          %add3A_509 = arith.addi %mul3A_4, %add3A_51 : i32
          %add3A_510 = vector.broadcast %add3A_509 : i32 to vector<16xi32>
          %add3A_511 = arith.addi %mul3A_508, %add3A_510 : vector<16xi32>
          %swap3A = arith.index_cast %add3A_500 : i32 to index
          %swap3A_512 = tpu.vector_load %arg18[%swap3A] {strides = array<i32>} : memref<80xi32, #tpu.memory_space<vmem>>, vector<16xi32>,
          tpu.vector_store %arg18[%swap3A], %add3A_511 {strides = array<i32>} : memref<80xi32, #tpu.memory_space<vmem>>, vector<16xi32>,
          %get3A_513 = arith.constant 3 : i32
          %get3A_514 = arith.constant 1 : i32
          %get3A_515 = arith.index_cast %get3A_513 : i32 to index
          %get3A_516 = arith.index_cast %get3A_514 : i32 to index
          %get3A_517 = arith.index_cast %add3A_500 : i32 to index
          %get3A_518 = tpu.vector_load %arg13[%get3A_515, %get3A_516, %get3A_517] {strides = array<i32>} : memref<5x2x80xi32, #tpu.memory_space<vmem>>, vector<16xi32>,
          %swap3A_519 = arith.index_cast %add3A_500 : i32 to index
          %swap3A_520 = tpu.vector_load %arg15[%swap3A_519] {strides = array<i32>} : memref<80xi32, #tpu.memory_space<vmem>>, vector<16xi32>,
          tpu.vector_store %arg15[%swap3A_519], %get3A_518 {strides = array<i32>} : memref<80xi32, #tpu.memory_space<vmem>>, vector<16xi32>,
        }
        %scan3A_329 = arith.constant 5 : i32
        %dma_start3A_330 = arith.constant 0 : i32
        %dma_start3A_331 = arith.constant 0 : i32
        %dma_start3A_332 = tpu.memref_slice %arg2[%dma_start3A_330, %dma_start3A_331] : memref<80000x128xf32, #tpu.memory_space<hbm>> -> memref<80000x128xf32, #tpu.memory_space<hbm>>
        tpu.enqueue_indirect_dma source(%dma_start3A_332 : memref<80000x128xf32, #tpu.memory_space<hbm>>) target(%arg28 : memref<80x128xf32, #tpu.memory_space<vmem>>) offsets(%arg18 : memref<80xi32, #tpu.memory_space<vmem>>) semaphore(%arg31 : memref<!tpu.dma_semaphore, #tpu.memory_space<semaphore_mem>>)
        %dma_start3A_333 = arith.constant 0 : i32
        %dma_start3A_334 = arith.constant 0 : i32
        %dma_start3A_335 = arith.constant 0 : i32
        %dma_start3A_336 = tpu.memref_slice %arg10[%arg0, %dma_start3A_333, %dma_start3A_334, %dma_start3A_335] : memref<2x16x125x640xf32, #tpu.memory_space<hbm>> -> memref<1x16x125x640xf32, #tpu.memory_space<hbm>>
        %dma_start3A_337 = tpu.memref_squeeze %dma_start3A_336 : memref<1x16x125x640xf32, #tpu.memory_space<hbm>> -> memref<16x125x640xf32, #tpu.memory_space<hbm>>
        %dma_start3A_338 = arith.constant 0 : i32
        %dma_start3A_339 = arith.constant 0 : i32
        %dma_start3A_340 = tpu.memref_slice %dma_start3A_337[%arg1, %dma_start3A_338, %dma_start3A_339] : memref<16x125x640xf32, #tpu.memory_space<hbm>> -> memref<1x125x640xf32, #tpu.memory_space<hbm>>
        %dma_start3A_341 = tpu.memref_squeeze %dma_start3A_340 : memref<1x125x640xf32, #tpu.memory_space<hbm>> -> memref<125x640xf32, #tpu.memory_space<hbm>>
        %dma_start3A_342 = arith.constant 0 : i32
        %dma_start3A_343 = tpu.memref_slice %dma_start3A_341[%add3A_321, %dma_start3A_342] : memref<125x640xf32, #tpu.memory_space<hbm>> -> memref<1x640xf32, #tpu.memory_space<hbm>>
        %dma_start3A_344 = tpu.memref_squeeze %dma_start3A_343 : memref<1x640xf32, #tpu.memory_space<hbm>> -> memref<640xf32, #tpu.memory_space<hbm>>
        %dma_start3A_345 = arith.constant 0 : i32
        %dma_start3A_346 = arith.constant 0 : i32
        %dma_start3A_347 = arith.constant 0 : i32
        %dma_start3A_348 = tpu.memref_slice %arg10[%arg0, %dma_start3A_345, %dma_start3A_346, %dma_start3A_347] : memref<2x16x125x640xf32, #tpu.memory_space<hbm>> -> memref<1x16x125x640xf32, #tpu.memory_space<hbm>>
        %dma_start3A_349 = tpu.memref_squeeze %dma_start3A_348 : memref<1x16x125x640xf32, #tpu.memory_space<hbm>> -> memref<16x125x640xf32, #tpu.memory_space<hbm>>
        %dma_start3A_350 = arith.constant 0 : i32
        %dma_start3A_351 = arith.constant 0 : i32
        %dma_start3A_352 = tpu.memref_slice %dma_start3A_349[%arg1, %dma_start3A_350, %dma_start3A_351] : memref<16x125x640xf32, #tpu.memory_space<hbm>> -> memref<1x125x640xf32, #tpu.memory_space<hbm>>
        %dma_start3A_353 = tpu.memref_squeeze %dma_start3A_352 : memref<1x125x640xf32, #tpu.memory_space<hbm>> -> memref<125x640xf32, #tpu.memory_space<hbm>>
        %dma_start3A_354 = arith.constant 0 : i32
        %dma_start3A_355 = tpu.memref_slice %dma_start3A_353[%add3A_321, %dma_start3A_354] : memref<125x640xf32, #tpu.memory_space<hbm>> -> memref<1x640xf32, #tpu.memory_space<hbm>>
        %dma_start3A_356 = tpu.memref_squeeze %dma_start3A_355 : memref<1x640xf32, #tpu.memory_space<hbm>> -> memref<640xf32, #tpu.memory_space<hbm>>
        tpu.enqueue_dma source(%dma_start3A_356 : memref<640xf32, #tpu.memory_space<hbm>>) target(%arg25 : memref<640xf32, #tpu.memory_space<vmem>>) target_semaphore(%arg34 : memref<!tpu.dma_semaphore, #tpu.memory_space<semaphore_mem>>)
        %dma_wait3A_357 = arith.constant 0 : i32
        %dma_wait3A_358 = arith.constant 0 : i32
        %dma_wait3A_359 = tpu.memref_slice %arg2[%dma_wait3A_357, %dma_wait3A_358] : memref<80000x128xf32, #tpu.memory_space<hbm>> -> memref<80000x128xf32, #tpu.memory_space<hbm>>
        tpu.wait_indirect_dma semaphore(%arg32 : memref<!tpu.dma_semaphore, #tpu.memory_space<semaphore_mem>>) src(%dma_wait3A_359 : memref<80000x128xf32, #tpu.memory_space<hbm>>) dst(%arg29 : memref<80x128xf32, #tpu.memory_space<vmem>>)
        %dma_wait3A_360 = arith.constant 0 : i32
        %dma_wait3A_361 = arith.constant 0 : i32
        %dma_wait3A_362 = arith.constant 0 : i32
        %dma_wait3A_363 = arith.constant 0 : i32
        %dma_wait3A_364 = tpu.memref_slice %arg10[%arg0, %dma_wait3A_361, %dma_wait3A_362, %dma_wait3A_363] : memref<2x16x125x640xf32, #tpu.memory_space<hbm>> -> memref<1x16x125x640xf32, #tpu.memory_space<hbm>>
        %dma_wait3A_365 = tpu.memref_squeeze %dma_wait3A_364 : memref<1x16x125x640xf32, #tpu.memory_space<hbm>> -> memref<16x125x640xf32, #tpu.memory_space<hbm>>
        %dma_wait3A_366 = arith.constant 0 : i32
        %dma_wait3A_367 = arith.constant 0 : i32
        %dma_wait3A_368 = tpu.memref_slice %dma_wait3A_365[%arg1, %dma_wait3A_366, %dma_wait3A_367] : memref<16x125x640xf32, #tpu.memory_space<hbm>> -> memref<1x125x640xf32, #tpu.memory_space<hbm>>
        %dma_wait3A_369 = tpu.memref_squeeze %dma_wait3A_368 : memref<1x125x640xf32, #tpu.memory_space<hbm>> -> memref<125x640xf32, #tpu.memory_space<hbm>>
        %dma_wait3A_370 = arith.constant 0 : i32
        %dma_wait3A_371 = tpu.memref_slice %dma_wait3A_369[%dma_wait3A_360, %dma_wait3A_370] : memref<125x640xf32, #tpu.memory_space<hbm>> -> memref<1x640xf32, #tpu.memory_space<hbm>>
        %dma_wait3A_372 = tpu.memref_squeeze %dma_wait3A_371 : memref<1x640xf32, #tpu.memory_space<hbm>> -> memref<640xf32, #tpu.memory_space<hbm>>
        %dma_wait3A_373 = arith.constant 0 : i32
        %dma_wait3A_374 = arith.constant 0 : i32
        %dma_wait3A_375 = arith.constant 0 : i32
        %dma_wait3A_376 = tpu.memref_slice %arg10[%arg0, %dma_wait3A_373, %dma_wait3A_374, %dma_wait3A_375] : memref<2x16x125x640xf32, #tpu.memory_space<hbm>> -> memref<1x16x125x640xf32, #tpu.memory_space<hbm>>
        %dma_wait3A_377 = tpu.memref_squeeze %dma_wait3A_376 : memref<1x16x125x640xf32, #tpu.memory_space<hbm>> -> memref<16x125x640xf32, #tpu.memory_space<hbm>>
        %dma_wait3A_378 = arith.constant 0 : i32
        %dma_wait3A_379 = arith.constant 0 : i32
        %dma_wait3A_380 = tpu.memref_slice %dma_wait3A_377[%arg1, %dma_wait3A_378, %dma_wait3A_379] : memref<16x125x640xf32, #tpu.memory_space<hbm>> -> memref<1x125x640xf32, #tpu.memory_space<hbm>>
        %dma_wait3A_381 = tpu.memref_squeeze %dma_wait3A_380 : memref<1x125x640xf32, #tpu.memory_space<hbm>> -> memref<125x640xf32, #tpu.memory_space<hbm>>
        %dma_wait3A_382 = arith.constant 0 : i32
        %dma_wait3A_383 = tpu.memref_slice %dma_wait3A_381[%dma_wait3A_360, %dma_wait3A_382] : memref<125x640xf32, #tpu.memory_space<hbm>> -> memref<1x640xf32, #tpu.memory_space<hbm>>
        %dma_wait3A_384 = tpu.memref_squeeze %dma_wait3A_383 : memref<1x640xf32, #tpu.memory_space<hbm>> -> memref<640xf32, #tpu.memory_space<hbm>>
        tpu.wait_dma2 semaphore(%arg35 : memref<!tpu.dma_semaphore, #tpu.memory_space<semaphore_mem>>) src(%dma_wait3A_384 : memref<640xf32, #tpu.memory_space<hbm>>) dst(%arg26 : memref<640xf32, #tpu.memory_space<vmem>>)
        %scan3A_385 = arith.constant 0 : i32
        %scan3A_386 = arith.constant 40 : i32
        %scan3A_387 = arith.addi %scan3A_385, %scan3A_386 : i32
        %scan3A_388 = arith.constant 1 : i32
        scf.for %scan3A_496 = %scan3A_385 to %scan3A_387 step %scan3A_388  : i32 {
          %mul3A_497 = arith.constant 2 : i32
          %mul3A_498 = arith.muli %scan3A_496, %mul3A_497 : i32
          %add3A_499 = arith.constant 0 : i32
          %add3A_500 = arith.addi %add3A_499, %mul3A_498 : i32
          %add3A_501 = arith.constant 0 : i32
          %add3A_502 = arith.addi %add3A_500, %add3A_501 : i32
          %mul3A_503 = arith.constant 8 : i32
          %mul3A_504 = arith.muli %add3A_502, %mul3A_503 : i32
          %mul3A_505 = arith.constant 2 : i32
          %mul3A_506 = arith.muli %mul3A_505, %add3A_51 : i32
          %add3A_507 = arith.addi %mul3A_504, %mul3A_506 : i32
          %broadcast_in_dim3A = vector.broadcast %add3A_507 : i32 to vector<16xi32>
          %gather3A = tpu.vector_load_idx %arg26[%broadcast_in_dim3A] : memref<640xf32, #tpu.memory_space<vmem>>[vector<16xi32>], vector<16xf32>,
          %mul3A_508 = arith.constant 8 : i32
          %mul3A_509 = arith.muli %add3A_502, %mul3A_508 : i32
          %mul3A_510 = arith.constant 2 : i32
          %mul3A_511 = arith.muli %mul3A_510, %add3A_51 : i32
          %add3A_512 = arith.addi %mul3A_509, %mul3A_511 : i32
          %add3A_513 = arith.constant 1 : i32
          %add3A_514 = arith.addi %add3A_512, %add3A_513 : i32
          %broadcast_in_dim3A_515 = vector.broadcast %add3A_514 : i32 to vector<16xi32>
          %gather3A_516 = tpu.vector_load_idx %arg26[%broadcast_in_dim3A_515] : memref<640xf32, #tpu.memory_space<vmem>>[vector<16xi32>], vector<16xf32>,
          %get3A = arith.index_cast %add3A_502 : i32 to index
          %get3A_517 = arith.constant 0 : index
          %get3A_518 = tpu.vector_load %arg29[%get3A, %get3A_517] {strides = array<i32>} : memref<80x128xf32, #tpu.memory_space<vmem>>, vector<16xf32>,
          %mul3A_519 = arith.mulf %get3A_518, %gather3A : vector<16xf32>
          %swap3A = arith.index_cast %add3A_502 : i32 to index
          %swap3A_520 = arith.constant 0 : index
          %swap3A_521 = tpu.vector_load %arg29[%swap3A, %swap3A_520] {strides = array<i32>} : memref<80x128xf32, #tpu.memory_space<vmem>>, vector<16xf32>,
          tpu.vector_store %arg29[%swap3A, %swap3A_520], %mul3A_519 {strides = array<i32>} : memref<80x128xf32, #tpu.memory_space<vmem>>, vector<16xf32>,
          %get3A_522 = arith.index_cast %add3A_502 : i32 to index
          %get3A_523 = arith.constant 16 : index
          %get3A_524 = tpu.vector_load %arg29[%get3A_522, %get3A_523] {strides = array<i32>} : memref<80x128xf32, #tpu.memory_space<vmem>>, vector<16xf32>,
          %mul3A_525 = arith.mulf %get3A_524, %gather3A : vector<16xf32>
          %swap3A_526 = arith.index_cast %add3A_502 : i32 to index
          %swap3A_527 = arith.constant 16 : index
          %swap3A_528 = tpu.vector_load %arg29[%swap3A_526, %swap3A_527] {strides = array<i32>} : memref<80x128xf32, #tpu.memory_space<vmem>>, vector<16xf32>,
          tpu.vector_store %arg29[%swap3A_526, %swap3A_527], %mul3A_525 {strides = array<i32>} : memref<80x128xf32, #tpu.memory_space<vmem>>, vector<16xf32>,
          %get3A_529 = arith.index_cast %add3A_502 : i32 to index
          %get3A_530 = arith.constant 32 : index
          %get3A_531 = tpu.vector_load %arg29[%get3A_529, %get3A_530] {strides = array<i32>} : memref<80x128xf32, #tpu.memory_space<vmem>>, vector<16xf32>,
          %mul3A_532 = arith.mulf %get3A_531, %gather3A : vector<16xf32>
          %swap3A_533 = arith.index_cast %add3A_502 : i32 to index
          %swap3A_534 = arith.constant 32 : index
          %swap3A_535 = tpu.vector_load %arg29[%swap3A_533, %swap3A_534] {strides = array<i32>} : memref<80x128xf32, #tpu.memory_space<vmem>>, vector<16xf32>,
          tpu.vector_store %arg29[%swap3A_533, %swap3A_534], %mul3A_532 {strides = array<i32>} : memref<80x128xf32, #tpu.memory_space<vmem>>, vector<16xf32>,
          %get3A_536 = arith.index_cast %add3A_502 : i32 to index
          %get3A_537 = arith.constant 48 : index
          %get3A_538 = tpu.vector_load %arg29[%get3A_536, %get3A_537] {strides = array<i32>} : memref<80x128xf32, #tpu.memory_space<vmem>>, vector<16xf32>,
          %mul3A_539 = arith.mulf %get3A_538, %gather3A : vector<16xf32>
          %swap3A_540 = arith.index_cast %add3A_502 : i32 to index
          %swap3A_541 = arith.constant 48 : index
          %swap3A_542 = tpu.vector_load %arg29[%swap3A_540, %swap3A_541] {strides = array<i32>} : memref<80x128xf32, #tpu.memory_space<vmem>>, vector<16xf32>,
          tpu.vector_store %arg29[%swap3A_540, %swap3A_541], %mul3A_539 {strides = array<i32>} : memref<80x128xf32, #tpu.memory_space<vmem>>, vector<16xf32>,
          %get3A_543 = arith.index_cast %add3A_502 : i32 to index
          %get3A_544 = arith.constant 64 : index
          %get3A_545 = tpu.vector_load %arg29[%get3A_543, %get3A_544] {strides = array<i32>} : memref<80x128xf32, #tpu.memory_space<vmem>>, vector<16xf32>,
          %mul3A_546 = arith.mulf %get3A_545, %gather3A_516 : vector<16xf32>
          %swap3A_547 = arith.index_cast %add3A_502 : i32 to index
          %swap3A_548 = arith.constant 64 : index
          %swap3A_549 = tpu.vector_load %arg29[%swap3A_547, %swap3A_548] {strides = array<i32>} : memref<80x128xf32, #tpu.memory_space<vmem>>, vector<16xf32>,
          tpu.vector_store %arg29[%swap3A_547, %swap3A_548], %mul3A_546 {strides = array<i32>} : memref<80x128xf32, #tpu.memory_space<vmem>>, vector<16xf32>,
          %get3A_550 = arith.index_cast %add3A_502 : i32 to index
          %get3A_551 = arith.constant 80 : index
          %get3A_552 = tpu.vector_load %arg29[%get3A_550, %get3A_551] {strides = array<i32>} : memref<80x128xf32, #tpu.memory_space<vmem>>, vector<16xf32>,
          %mul3A_553 = arith.mulf %get3A_552, %gather3A_516 : vector<16xf32>
          %swap3A_554 = arith.index_cast %add3A_502 : i32 to index
          %swap3A_555 = arith.constant 80 : index
          %swap3A_556 = tpu.vector_load %arg29[%swap3A_554, %swap3A_555] {strides = array<i32>} : memref<80x128xf32, #tpu.memory_space<vmem>>, vector<16xf32>,
          tpu.vector_store %arg29[%swap3A_554, %swap3A_555], %mul3A_553 {strides = array<i32>} : memref<80x128xf32, #tpu.memory_space<vmem>>, vector<16xf32>,
          %get3A_557 = arith.index_cast %add3A_502 : i32 to index
          %get3A_558 = arith.constant 96 : index
          %get3A_559 = tpu.vector_load %arg29[%get3A_557, %get3A_558] {strides = array<i32>} : memref<80x128xf32, #tpu.memory_space<vmem>>, vector<16xf32>,
          %mul3A_560 = arith.mulf %get3A_559, %gather3A_516 : vector<16xf32>
          %swap3A_561 = arith.index_cast %add3A_502 : i32 to index
          %swap3A_562 = arith.constant 96 : index
          %swap3A_563 = tpu.vector_load %arg29[%swap3A_561, %swap3A_562] {strides = array<i32>} : memref<80x128xf32, #tpu.memory_space<vmem>>, vector<16xf32>,
          tpu.vector_store %arg29[%swap3A_561, %swap3A_562], %mul3A_560 {strides = array<i32>} : memref<80x128xf32, #tpu.memory_space<vmem>>, vector<16xf32>,
          %get3A_564 = arith.index_cast %add3A_502 : i32 to index
          %get3A_565 = arith.constant 112 : index
          %get3A_566 = tpu.vector_load %arg29[%get3A_564, %get3A_565] {strides = array<i32>} : memref<80x128xf32, #tpu.memory_space<vmem>>, vector<16xf32>,
          %mul3A_567 = arith.mulf %get3A_566, %gather3A_516 : vector<16xf32>
          %swap3A_568 = arith.index_cast %add3A_502 : i32 to index
          %swap3A_569 = arith.constant 112 : index
          %swap3A_570 = tpu.vector_load %arg29[%swap3A_568, %swap3A_569] {strides = array<i32>} : memref<80x128xf32, #tpu.memory_space<vmem>>, vector<16xf32>,
          tpu.vector_store %arg29[%swap3A_568, %swap3A_569], %mul3A_567 {strides = array<i32>} : memref<80x128xf32, #tpu.memory_space<vmem>>, vector<16xf32>,
          %add3A_571 = arith.constant 1 : i32
          %add3A_572 = arith.addi %add3A_500, %add3A_571 : i32
          %mul3A_573 = arith.constant 8 : i32
          %mul3A_574 = arith.muli %add3A_572, %mul3A_573 : i32
          %mul3A_575 = arith.constant 2 : i32
          %mul3A_576 = arith.muli %mul3A_575, %add3A_51 : i32
          %add3A_577 = arith.addi %mul3A_574, %mul3A_576 : i32
          %broadcast_in_dim3A_578 = vector.broadcast %add3A_577 : i32 to vector<16xi32>
          %gather3A_579 = tpu.vector_load_idx %arg26[%broadcast_in_dim3A_578] : memref<640xf32, #tpu.memory_space<vmem>>[vector<16xi32>], vector<16xf32>,
          %mul3A_580 = arith.constant 8 : i32
          %mul3A_581 = arith.muli %add3A_572, %mul3A_580 : i32
          %mul3A_582 = arith.constant 2 : i32
          %mul3A_583 = arith.muli %mul3A_582, %add3A_51 : i32
          %add3A_584 = arith.addi %mul3A_581, %mul3A_583 : i32
          %add3A_585 = arith.constant 1 : i32
          %add3A_586 = arith.addi %add3A_584, %add3A_585 : i32
          %broadcast_in_dim3A_587 = vector.broadcast %add3A_586 : i32 to vector<16xi32>
          %gather3A_588 = tpu.vector_load_idx %arg26[%broadcast_in_dim3A_587] : memref<640xf32, #tpu.memory_space<vmem>>[vector<16xi32>], vector<16xf32>,
          %get3A_589 = arith.index_cast %add3A_572 : i32 to index
          %get3A_590 = arith.constant 0 : index
          %get3A_591 = tpu.vector_load %arg29[%get3A_589, %get3A_590] {strides = array<i32>} : memref<80x128xf32, #tpu.memory_space<vmem>>, vector<16xf32>,
          %mul3A_592 = arith.mulf %get3A_591, %gather3A_579 : vector<16xf32>
          %swap3A_593 = arith.index_cast %add3A_572 : i32 to index
          %swap3A_594 = arith.constant 0 : index
          %swap3A_595 = tpu.vector_load %arg29[%swap3A_593, %swap3A_594] {strides = array<i32>} : memref<80x128xf32, #tpu.memory_space<vmem>>, vector<16xf32>,
          tpu.vector_store %arg29[%swap3A_593, %swap3A_594], %mul3A_592 {strides = array<i32>} : memref<80x128xf32, #tpu.memory_space<vmem>>, vector<16xf32>,
          %get3A_596 = arith.index_cast %add3A_572 : i32 to index
          %get3A_597 = arith.constant 16 : index
          %get3A_598 = tpu.vector_load %arg29[%get3A_596, %get3A_597] {strides = array<i32>} : memref<80x128xf32, #tpu.memory_space<vmem>>, vector<16xf32>,
          %mul3A_599 = arith.mulf %get3A_598, %gather3A_579 : vector<16xf32>
          %swap3A_600 = arith.index_cast %add3A_572 : i32 to index
          %swap3A_601 = arith.constant 16 : index
          %swap3A_602 = tpu.vector_load %arg29[%swap3A_600, %swap3A_601] {strides = array<i32>} : memref<80x128xf32, #tpu.memory_space<vmem>>, vector<16xf32>,
          tpu.vector_store %arg29[%swap3A_600, %swap3A_601], %mul3A_599 {strides = array<i32>} : memref<80x128xf32, #tpu.memory_space<vmem>>, vector<16xf32>,
          %get3A_603 = arith.index_cast %add3A_572 : i32 to index
          %get3A_604 = arith.constant 32 : index
          %get3A_605 = tpu.vector_load %arg29[%get3A_603, %get3A_604] {strides = array<i32>} : memref<80x128xf32, #tpu.memory_space<vmem>>, vector<16xf32>,
          %mul3A_606 = arith.mulf %get3A_605, %gather3A_579 : vector<16xf32>
          %swap3A_607 = arith.index_cast %add3A_572 : i32 to index
          %swap3A_608 = arith.constant 32 : index
          %swap3A_609 = tpu.vector_load %arg29[%swap3A_607, %swap3A_608] {strides = array<i32>} : memref<80x128xf32, #tpu.memory_space<vmem>>, vector<16xf32>,
          tpu.vector_store %arg29[%swap3A_607, %swap3A_608], %mul3A_606 {strides = array<i32>} : memref<80x128xf32, #tpu.memory_space<vmem>>, vector<16xf32>,
          %get3A_610 = arith.index_cast %add3A_572 : i32 to index
          %get3A_611 = arith.constant 48 : index
          %get3A_612 = tpu.vector_load %arg29[%get3A_610, %get3A_611] {strides = array<i32>} : memref<80x128xf32, #tpu.memory_space<vmem>>, vector<16xf32>,
          %mul3A_613 = arith.mulf %get3A_612, %gather3A_579 : vector<16xf32>
          %swap3A_614 = arith.index_cast %add3A_572 : i32 to index
          %swap3A_615 = arith.constant 48 : index
          %swap3A_616 = tpu.vector_load %arg29[%swap3A_614, %swap3A_615] {strides = array<i32>} : memref<80x128xf32, #tpu.memory_space<vmem>>, vector<16xf32>,
          tpu.vector_store %arg29[%swap3A_614, %swap3A_615], %mul3A_613 {strides = array<i32>} : memref<80x128xf32, #tpu.memory_space<vmem>>, vector<16xf32>,
          %get3A_617 = arith.index_cast %add3A_572 : i32 to index
          %get3A_618 = arith.constant 64 : index
          %get3A_619 = tpu.vector_load %arg29[%get3A_617, %get3A_618] {strides = array<i32>} : memref<80x128xf32, #tpu.memory_space<vmem>>, vector<16xf32>,
          %mul3A_620 = arith.mulf %get3A_619, %gather3A_588 : vector<16xf32>
          %swap3A_621 = arith.index_cast %add3A_572 : i32 to index
          %swap3A_622 = arith.constant 64 : index
          %swap3A_623 = tpu.vector_load %arg29[%swap3A_621, %swap3A_622] {strides = array<i32>} : memref<80x128xf32, #tpu.memory_space<vmem>>, vector<16xf32>,
          tpu.vector_store %arg29[%swap3A_621, %swap3A_622], %mul3A_620 {strides = array<i32>} : memref<80x128xf32, #tpu.memory_space<vmem>>, vector<16xf32>,
          %get3A_624 = arith.index_cast %add3A_572 : i32 to index
          %get3A_625 = arith.constant 80 : index
          %get3A_626 = tpu.vector_load %arg29[%get3A_624, %get3A_625] {strides = array<i32>} : memref<80x128xf32, #tpu.memory_space<vmem>>, vector<16xf32>,
          %mul3A_627 = arith.mulf %get3A_626, %gather3A_588 : vector<16xf32>
          %swap3A_628 = arith.index_cast %add3A_572 : i32 to index
          %swap3A_629 = arith.constant 80 : index
          %swap3A_630 = tpu.vector_load %arg29[%swap3A_628, %swap3A_629] {strides = array<i32>} : memref<80x128xf32, #tpu.memory_space<vmem>>, vector<16xf32>,
          tpu.vector_store %arg29[%swap3A_628, %swap3A_629], %mul3A_627 {strides = array<i32>} : memref<80x128xf32, #tpu.memory_space<vmem>>, vector<16xf32>,
          %get3A_631 = arith.index_cast %add3A_572 : i32 to index
          %get3A_632 = arith.constant 96 : index
          %get3A_633 = tpu.vector_load %arg29[%get3A_631, %get3A_632] {strides = array<i32>} : memref<80x128xf32, #tpu.memory_space<vmem>>, vector<16xf32>,
          %mul3A_634 = arith.mulf %get3A_633, %gather3A_588 : vector<16xf32>
          %swap3A_635 = arith.index_cast %add3A_572 : i32 to index
          %swap3A_636 = arith.constant 96 : index
          %swap3A_637 = tpu.vector_load %arg29[%swap3A_635, %swap3A_636] {strides = array<i32>} : memref<80x128xf32, #tpu.memory_space<vmem>>, vector<16xf32>,
          tpu.vector_store %arg29[%swap3A_635, %swap3A_636], %mul3A_634 {strides = array<i32>} : memref<80x128xf32, #tpu.memory_space<vmem>>, vector<16xf32>,
          %get3A_638 = arith.index_cast %add3A_572 : i32 to index
          %get3A_639 = arith.constant 112 : index
          %get3A_640 = tpu.vector_load %arg29[%get3A_638, %get3A_639] {strides = array<i32>} : memref<80x128xf32, #tpu.memory_space<vmem>>, vector<16xf32>,
          %mul3A_641 = arith.mulf %get3A_640, %gather3A_588 : vector<16xf32>
          %swap3A_642 = arith.index_cast %add3A_572 : i32 to index
          %swap3A_643 = arith.constant 112 : index
          %swap3A_644 = tpu.vector_load %arg29[%swap3A_642, %swap3A_643] {strides = array<i32>} : memref<80x128xf32, #tpu.memory_space<vmem>>, vector<16xf32>,
          tpu.vector_store %arg29[%swap3A_642, %swap3A_643], %mul3A_641 {strides = array<i32>} : memref<80x128xf32, #tpu.memory_space<vmem>>, vector<16xf32>,
        }
        %scan3A_389 = arith.constant 40 : i32
        %dma_start3A_390 = arith.constant 0 : i32
        %dma_start3A_391 = arith.constant 0 : i32
        %dma_start3A_392 = tpu.memref_slice %arg11[%dma_start3A_390, %dma_start3A_391] : memref<10112x128xf32, #tpu.memory_space<vmem_shared>> -> memref<10112x128xf32, #tpu.memory_space<vmem_shared>>
        tpu.enqueue_indirect_dma source(%arg29 : memref<80x128xf32, #tpu.memory_space<vmem>>) target(%dma_start3A_392 : memref<10112x128xf32, #tpu.memory_space<vmem_shared>>) offsets(%arg16 : memref<80xi32, #tpu.memory_space<vmem>>) semaphore(%arg38 : memref<!tpu.dma_semaphore, #tpu.memory_space<semaphore_mem>>) {add = true}
        %add3A_393 = arith.constant 4 : i32
        %add3A_394 = arith.addi %add3A_242, %add3A_393 : i32
        %dma_wait3A_395 = arith.constant 0 : i32
        %dma_wait3A_396 = arith.constant 0 : i32
        %dma_wait3A_397 = tpu.memref_slice %arg11[%dma_wait3A_395, %dma_wait3A_396] : memref<10112x128xf32, #tpu.memory_space<vmem_shared>> -> memref<10112x128xf32, #tpu.memory_space<vmem_shared>>
        tpu.wait_indirect_dma semaphore(%arg38 : memref<!tpu.dma_semaphore, #tpu.memory_space<semaphore_mem>>) src(%arg29 : memref<80x128xf32, #tpu.memory_space<vmem>>) dst(%dma_wait3A_397 : memref<10112x128xf32, #tpu.memory_space<vmem_shared>>)
        %scan3A_398 = arith.constant 0 : i32
        %scan3A_399 = arith.constant 5 : i32
        %scan3A_400 = arith.addi %scan3A_398, %scan3A_399 : i32
        %scan3A_401 = arith.constant 1 : i32
        scf.for %scan3A_496 = %scan3A_398 to %scan3A_400 step %scan3A_401  : i32 {
          %mul3A_497 = arith.constant 16 : i32
          %mul3A_498 = arith.muli %scan3A_496, %mul3A_497 : i32
          %add3A_499 = arith.constant 0 : i32
          %add3A_500 = arith.addi %add3A_499, %mul3A_498 : i32
          %get3A = arith.constant 4 : i32
          %get3A_501 = arith.constant 0 : i32
          %get3A_502 = arith.index_cast %get3A : i32 to index
          %get3A_503 = arith.index_cast %get3A_501 : i32 to index
          %get3A_504 = arith.index_cast %add3A_500 : i32 to index
          %get3A_505 = tpu.vector_load %arg13[%get3A_502, %get3A_503, %get3A_504] {strides = array<i32>} : memref<5x2x80xi32, #tpu.memory_space<vmem>>, vector<16xi32>,
          %mul3A_506 = arith.constant 4 : i32
          %mul3A_507 = vector.broadcast %mul3A_506 : i32 to vector<16xi32>
          %mul3A_508 = arith.muli %get3A_505, %mul3A_507 : vector<16xi32>
          %add3A_509 = arith.addi %mul3A_4, %add3A_51 : i32
          %add3A_510 = vector.broadcast %add3A_509 : i32 to vector<16xi32>
          %add3A_511 = arith.addi %mul3A_508, %add3A_510 : vector<16xi32>
          %swap3A = arith.index_cast %add3A_500 : i32 to index
          %swap3A_512 = tpu.vector_load %arg19[%swap3A] {strides = array<i32>} : memref<80xi32, #tpu.memory_space<vmem>>, vector<16xi32>,
          tpu.vector_store %arg19[%swap3A], %add3A_511 {strides = array<i32>} : memref<80xi32, #tpu.memory_space<vmem>>, vector<16xi32>,
          %get3A_513 = arith.constant 4 : i32
          %get3A_514 = arith.constant 1 : i32
          %get3A_515 = arith.index_cast %get3A_513 : i32 to index
          %get3A_516 = arith.index_cast %get3A_514 : i32 to index
          %get3A_517 = arith.index_cast %add3A_500 : i32 to index
          %get3A_518 = tpu.vector_load %arg13[%get3A_515, %get3A_516, %get3A_517] {strides = array<i32>} : memref<5x2x80xi32, #tpu.memory_space<vmem>>, vector<16xi32>,
          %swap3A_519 = arith.index_cast %add3A_500 : i32 to index
          %swap3A_520 = tpu.vector_load %arg16[%swap3A_519] {strides = array<i32>} : memref<80xi32, #tpu.memory_space<vmem>>, vector<16xi32>,
          tpu.vector_store %arg16[%swap3A_519], %get3A_518 {strides = array<i32>} : memref<80xi32, #tpu.memory_space<vmem>>, vector<16xi32>,
        }
        %scan3A_402 = arith.constant 5 : i32
        %dma_start3A_403 = arith.constant 0 : i32
        %dma_start3A_404 = arith.constant 0 : i32
        %dma_start3A_405 = tpu.memref_slice %arg2[%dma_start3A_403, %dma_start3A_404] : memref<80000x128xf32, #tpu.memory_space<hbm>> -> memref<80000x128xf32, #tpu.memory_space<hbm>>
        tpu.enqueue_indirect_dma source(%dma_start3A_405 : memref<80000x128xf32, #tpu.memory_space<hbm>>) target(%arg29 : memref<80x128xf32, #tpu.memory_space<vmem>>) offsets(%arg19 : memref<80xi32, #tpu.memory_space<vmem>>) semaphore(%arg32 : memref<!tpu.dma_semaphore, #tpu.memory_space<semaphore_mem>>)
        %dma_start3A_406 = arith.constant 0 : i32
        %dma_start3A_407 = arith.constant 0 : i32
        %dma_start3A_408 = arith.constant 0 : i32
        %dma_start3A_409 = tpu.memref_slice %arg10[%arg0, %dma_start3A_406, %dma_start3A_407, %dma_start3A_408] : memref<2x16x125x640xf32, #tpu.memory_space<hbm>> -> memref<1x16x125x640xf32, #tpu.memory_space<hbm>>
        %dma_start3A_410 = tpu.memref_squeeze %dma_start3A_409 : memref<1x16x125x640xf32, #tpu.memory_space<hbm>> -> memref<16x125x640xf32, #tpu.memory_space<hbm>>
        %dma_start3A_411 = arith.constant 0 : i32
        %dma_start3A_412 = arith.constant 0 : i32
        %dma_start3A_413 = tpu.memref_slice %dma_start3A_410[%arg1, %dma_start3A_411, %dma_start3A_412] : memref<16x125x640xf32, #tpu.memory_space<hbm>> -> memref<1x125x640xf32, #tpu.memory_space<hbm>>
        %dma_start3A_414 = tpu.memref_squeeze %dma_start3A_413 : memref<1x125x640xf32, #tpu.memory_space<hbm>> -> memref<125x640xf32, #tpu.memory_space<hbm>>
        %dma_start3A_415 = arith.constant 0 : i32
        %dma_start3A_416 = tpu.memref_slice %dma_start3A_414[%add3A_394, %dma_start3A_415] : memref<125x640xf32, #tpu.memory_space<hbm>> -> memref<1x640xf32, #tpu.memory_space<hbm>>
        %dma_start3A_417 = tpu.memref_squeeze %dma_start3A_416 : memref<1x640xf32, #tpu.memory_space<hbm>> -> memref<640xf32, #tpu.memory_space<hbm>>
        %dma_start3A_418 = arith.constant 0 : i32
        %dma_start3A_419 = arith.constant 0 : i32
        %dma_start3A_420 = arith.constant 0 : i32
        %dma_start3A_421 = tpu.memref_slice %arg10[%arg0, %dma_start3A_418, %dma_start3A_419, %dma_start3A_420] : memref<2x16x125x640xf32, #tpu.memory_space<hbm>> -> memref<1x16x125x640xf32, #tpu.memory_space<hbm>>
        %dma_start3A_422 = tpu.memref_squeeze %dma_start3A_421 : memref<1x16x125x640xf32, #tpu.memory_space<hbm>> -> memref<16x125x640xf32, #tpu.memory_space<hbm>>
        %dma_start3A_423 = arith.constant 0 : i32
        %dma_start3A_424 = arith.constant 0 : i32
        %dma_start3A_425 = tpu.memref_slice %dma_start3A_422[%arg1, %dma_start3A_423, %dma_start3A_424] : memref<16x125x640xf32, #tpu.memory_space<hbm>> -> memref<1x125x640xf32, #tpu.memory_space<hbm>>
        %dma_start3A_426 = tpu.memref_squeeze %dma_start3A_425 : memref<1x125x640xf32, #tpu.memory_space<hbm>> -> memref<125x640xf32, #tpu.memory_space<hbm>>
        %dma_start3A_427 = arith.constant 0 : i32
        %dma_start3A_428 = tpu.memref_slice %dma_start3A_426[%add3A_394, %dma_start3A_427] : memref<125x640xf32, #tpu.memory_space<hbm>> -> memref<1x640xf32, #tpu.memory_space<hbm>>
        %dma_start3A_429 = tpu.memref_squeeze %dma_start3A_428 : memref<1x640xf32, #tpu.memory_space<hbm>> -> memref<640xf32, #tpu.memory_space<hbm>>
        tpu.enqueue_dma source(%dma_start3A_429 : memref<640xf32, #tpu.memory_space<hbm>>) target(%arg26 : memref<640xf32, #tpu.memory_space<vmem>>) target_semaphore(%arg35 : memref<!tpu.dma_semaphore, #tpu.memory_space<semaphore_mem>>)
        %add3A_430 = arith.constant 3 : i32
        %add3A_431 = arith.addi %add3A_242, %add3A_430 : i32
        %dma_start3A_432 = arith.constant 0 : i32
        %dma_start3A_433 = arith.constant 0 : i32
        %dma_start3A_434 = arith.constant 0 : i32
        %dma_start3A_435 = arith.constant 0 : i32
        %dma_start3A_436 = tpu.memref_slice %arg5[%arg0, %dma_start3A_432, %dma_start3A_433, %dma_start3A_434, %dma_start3A_435] : memref<2x16x128x2x80xi32, #tpu.memory_space<hbm>> -> memref<1x16x128x2x80xi32, #tpu.memory_space<hbm>>
        %dma_start3A_437 = tpu.memref_squeeze %dma_start3A_436 : memref<1x16x128x2x80xi32, #tpu.memory_space<hbm>> -> memref<16x128x2x80xi32, #tpu.memory_space<hbm>>
        %dma_start3A_438 = arith.constant 0 : i32
        %dma_start3A_439 = arith.constant 0 : i32
        %dma_start3A_440 = arith.constant 0 : i32
        %dma_start3A_441 = tpu.memref_slice %dma_start3A_437[%arg1, %dma_start3A_438, %dma_start3A_439, %dma_start3A_440] : memref<16x128x2x80xi32, #tpu.memory_space<hbm>> -> memref<1x128x2x80xi32, #tpu.memory_space<hbm>>
        %dma_start3A_442 = tpu.memref_squeeze %dma_start3A_441 : memref<1x128x2x80xi32, #tpu.memory_space<hbm>> -> memref<128x2x80xi32, #tpu.memory_space<hbm>>
        %dma_start3A_443 = arith.constant 0 : i32
        %dma_start3A_444 = arith.constant 0 : i32
        %dma_start3A_445 = tpu.memref_slice %dma_start3A_442[%add3A_431, %dma_start3A_443, %dma_start3A_444] : memref<128x2x80xi32, #tpu.memory_space<hbm>> -> memref<5x2x80xi32, #tpu.memory_space<hbm>>
        %dma_start3A_446 = arith.constant 0 : i32
        %dma_start3A_447 = arith.constant 0 : i32
        %dma_start3A_448 = arith.constant 0 : i32
        %dma_start3A_449 = arith.constant 0 : i32
        %dma_start3A_450 = tpu.memref_slice %arg5[%arg0, %dma_start3A_446, %dma_start3A_447, %dma_start3A_448, %dma_start3A_449] : memref<2x16x128x2x80xi32, #tpu.memory_space<hbm>> -> memref<1x16x128x2x80xi32, #tpu.memory_space<hbm>>
        %dma_start3A_451 = tpu.memref_squeeze %dma_start3A_450 : memref<1x16x128x2x80xi32, #tpu.memory_space<hbm>> -> memref<16x128x2x80xi32, #tpu.memory_space<hbm>>
        %dma_start3A_452 = arith.constant 0 : i32
        %dma_start3A_453 = arith.constant 0 : i32
        %dma_start3A_454 = arith.constant 0 : i32
        %dma_start3A_455 = tpu.memref_slice %dma_start3A_451[%arg1, %dma_start3A_452, %dma_start3A_453, %dma_start3A_454] : memref<16x128x2x80xi32, #tpu.memory_space<hbm>> -> memref<1x128x2x80xi32, #tpu.memory_space<hbm>>
        %dma_start3A_456 = tpu.memref_squeeze %dma_start3A_455 : memref<1x128x2x80xi32, #tpu.memory_space<hbm>> -> memref<128x2x80xi32, #tpu.memory_space<hbm>>
        %dma_start3A_457 = arith.constant 0 : i32
        %dma_start3A_458 = arith.constant 0 : i32
        %dma_start3A_459 = tpu.memref_slice %dma_start3A_456[%add3A_431, %dma_start3A_457, %dma_start3A_458] : memref<128x2x80xi32, #tpu.memory_space<hbm>> -> memref<5x2x80xi32, #tpu.memory_space<hbm>>
        tpu.enqueue_dma source(%dma_start3A_459 : memref<5x2x80xi32, #tpu.memory_space<hbm>>) target(%arg13 : memref<5x2x80xi32, #tpu.memory_space<vmem>>) target_semaphore(%arg41 : memref<!tpu.dma_semaphore, #tpu.memory_space<semaphore_mem>>)
        %dma_wait3A_460 = arith.constant 0 : i32
        %dma_wait3A_461 = arith.constant 0 : i32
        %dma_wait3A_462 = tpu.memref_slice %arg2[%dma_wait3A_460, %dma_wait3A_461] : memref<80000x128xf32, #tpu.memory_space<hbm>> -> memref<80000x128xf32, #tpu.memory_space<hbm>>
        tpu.wait_indirect_dma semaphore(%arg33 : memref<!tpu.dma_semaphore, #tpu.memory_space<semaphore_mem>>) src(%dma_wait3A_462 : memref<80000x128xf32, #tpu.memory_space<hbm>>) dst(%arg30 : memref<80x128xf32, #tpu.memory_space<vmem>>)
        %dma_wait3A_463 = arith.constant 0 : i32
        %dma_wait3A_464 = arith.constant 0 : i32
        %dma_wait3A_465 = arith.constant 0 : i32
        %dma_wait3A_466 = arith.constant 0 : i32
        %dma_wait3A_467 = tpu.memref_slice %arg10[%arg0, %dma_wait3A_464, %dma_wait3A_465, %dma_wait3A_466] : memref<2x16x125x640xf32, #tpu.memory_space<hbm>> -> memref<1x16x125x640xf32, #tpu.memory_space<hbm>>
        %dma_wait3A_468 = tpu.memref_squeeze %dma_wait3A_467 : memref<1x16x125x640xf32, #tpu.memory_space<hbm>> -> memref<16x125x640xf32, #tpu.memory_space<hbm>>
        %dma_wait3A_469 = arith.constant 0 : i32
        %dma_wait3A_470 = arith.constant 0 : i32
        %dma_wait3A_471 = tpu.memref_slice %dma_wait3A_468[%arg1, %dma_wait3A_469, %dma_wait3A_470] : memref<16x125x640xf32, #tpu.memory_space<hbm>> -> memref<1x125x640xf32, #tpu.memory_space<hbm>>
        %dma_wait3A_472 = tpu.memref_squeeze %dma_wait3A_471 : memref<1x125x640xf32, #tpu.memory_space<hbm>> -> memref<125x640xf32, #tpu.memory_space<hbm>>
        %dma_wait3A_473 = arith.constant 0 : i32
        %dma_wait3A_474 = tpu.memref_slice %dma_wait3A_472[%dma_wait3A_463, %dma_wait3A_473] : memref<125x640xf32, #tpu.memory_space<hbm>> -> memref<1x640xf32, #tpu.memory_space<hbm>>
        %dma_wait3A_475 = tpu.memref_squeeze %dma_wait3A_474 : memref<1x640xf32, #tpu.memory_space<hbm>> -> memref<640xf32, #tpu.memory_space<hbm>>
        %dma_wait3A_476 = arith.constant 0 : i32
        %dma_wait3A_477 = arith.constant 0 : i32
        %dma_wait3A_478 = arith.constant 0 : i32
        %dma_wait3A_479 = tpu.memref_slice %arg10[%arg0, %dma_wait3A_476, %dma_wait3A_477, %dma_wait3A_478] : memref<2x16x125x640xf32, #tpu.memory_space<hbm>> -> memref<1x16x125x640xf32, #tpu.memory_space<hbm>>
        %dma_wait3A_480 = tpu.memref_squeeze %dma_wait3A_479 : memref<1x16x125x640xf32, #tpu.memory_space<hbm>> -> memref<16x125x640xf32, #tpu.memory_space<hbm>>
        %dma_wait3A_481 = arith.constant 0 : i32
        %dma_wait3A_482 = arith.constant 0 : i32
        %dma_wait3A_483 = tpu.memref_slice %dma_wait3A_480[%arg1, %dma_wait3A_481, %dma_wait3A_482] : memref<16x125x640xf32, #tpu.memory_space<hbm>> -> memref<1x125x640xf32, #tpu.memory_space<hbm>>
        %dma_wait3A_484 = tpu.memref_squeeze %dma_wait3A_483 : memref<1x125x640xf32, #tpu.memory_space<hbm>> -> memref<125x640xf32, #tpu.memory_space<hbm>>
        %dma_wait3A_485 = arith.constant 0 : i32
        %dma_wait3A_486 = tpu.memref_slice %dma_wait3A_484[%dma_wait3A_463, %dma_wait3A_485] : memref<125x640xf32, #tpu.memory_space<hbm>> -> memref<1x640xf32, #tpu.memory_space<hbm>>
        %dma_wait3A_487 = tpu.memref_squeeze %dma_wait3A_486 : memref<1x640xf32, #tpu.memory_space<hbm>> -> memref<640xf32, #tpu.memory_space<hbm>>
        tpu.wait_dma2 semaphore(%arg36 : memref<!tpu.dma_semaphore, #tpu.memory_space<semaphore_mem>>) src(%dma_wait3A_487 : memref<640xf32, #tpu.memory_space<hbm>>) dst(%arg27 : memref<640xf32, #tpu.memory_space<vmem>>)
        %scan3A_488 = arith.constant 0 : i32
        %scan3A_489 = arith.constant 40 : i32
        %scan3A_490 = arith.addi %scan3A_488, %scan3A_489 : i32
        %scan3A_491 = arith.constant 1 : i32
        scf.for %scan3A_496 = %scan3A_488 to %scan3A_490 step %scan3A_491  : i32 {
          %mul3A_497 = arith.constant 2 : i32
          %mul3A_498 = arith.muli %scan3A_496, %mul3A_497 : i32
          %add3A_499 = arith.constant 0 : i32
          %add3A_500 = arith.addi %add3A_499, %mul3A_498 : i32
          %add3A_501 = arith.constant 0 : i32
          %add3A_502 = arith.addi %add3A_500, %add3A_501 : i32
          %mul3A_503 = arith.constant 8 : i32
          %mul3A_504 = arith.muli %add3A_502, %mul3A_503 : i32
          %mul3A_505 = arith.constant 2 : i32
          %mul3A_506 = arith.muli %mul3A_505, %add3A_51 : i32
          %add3A_507 = arith.addi %mul3A_504, %mul3A_506 : i32
          %broadcast_in_dim3A = vector.broadcast %add3A_507 : i32 to vector<16xi32>
          %gather3A = tpu.vector_load_idx %arg27[%broadcast_in_dim3A] : memref<640xf32, #tpu.memory_space<vmem>>[vector<16xi32>], vector<16xf32>,
          %mul3A_508 = arith.constant 8 : i32
          %mul3A_509 = arith.muli %add3A_502, %mul3A_508 : i32
          %mul3A_510 = arith.constant 2 : i32
          %mul3A_511 = arith.muli %mul3A_510, %add3A_51 : i32
          %add3A_512 = arith.addi %mul3A_509, %mul3A_511 : i32
          %add3A_513 = arith.constant 1 : i32
          %add3A_514 = arith.addi %add3A_512, %add3A_513 : i32
          %broadcast_in_dim3A_515 = vector.broadcast %add3A_514 : i32 to vector<16xi32>
          %gather3A_516 = tpu.vector_load_idx %arg27[%broadcast_in_dim3A_515] : memref<640xf32, #tpu.memory_space<vmem>>[vector<16xi32>], vector<16xf32>,
          %get3A = arith.index_cast %add3A_502 : i32 to index
          %get3A_517 = arith.constant 0 : index
          %get3A_518 = tpu.vector_load %arg30[%get3A, %get3A_517] {strides = array<i32>} : memref<80x128xf32, #tpu.memory_space<vmem>>, vector<16xf32>,
          %mul3A_519 = arith.mulf %get3A_518, %gather3A : vector<16xf32>
          %swap3A = arith.index_cast %add3A_502 : i32 to index
          %swap3A_520 = arith.constant 0 : index
          %swap3A_521 = tpu.vector_load %arg30[%swap3A, %swap3A_520] {strides = array<i32>} : memref<80x128xf32, #tpu.memory_space<vmem>>, vector<16xf32>,
          tpu.vector_store %arg30[%swap3A, %swap3A_520], %mul3A_519 {strides = array<i32>} : memref<80x128xf32, #tpu.memory_space<vmem>>, vector<16xf32>,
          %get3A_522 = arith.index_cast %add3A_502 : i32 to index
          %get3A_523 = arith.constant 16 : index
          %get3A_524 = tpu.vector_load %arg30[%get3A_522, %get3A_523] {strides = array<i32>} : memref<80x128xf32, #tpu.memory_space<vmem>>, vector<16xf32>,
          %mul3A_525 = arith.mulf %get3A_524, %gather3A : vector<16xf32>
          %swap3A_526 = arith.index_cast %add3A_502 : i32 to index
          %swap3A_527 = arith.constant 16 : index
          %swap3A_528 = tpu.vector_load %arg30[%swap3A_526, %swap3A_527] {strides = array<i32>} : memref<80x128xf32, #tpu.memory_space<vmem>>, vector<16xf32>,
          tpu.vector_store %arg30[%swap3A_526, %swap3A_527], %mul3A_525 {strides = array<i32>} : memref<80x128xf32, #tpu.memory_space<vmem>>, vector<16xf32>,
          %get3A_529 = arith.index_cast %add3A_502 : i32 to index
          %get3A_530 = arith.constant 32 : index
          %get3A_531 = tpu.vector_load %arg30[%get3A_529, %get3A_530] {strides = array<i32>} : memref<80x128xf32, #tpu.memory_space<vmem>>, vector<16xf32>,
          %mul3A_532 = arith.mulf %get3A_531, %gather3A : vector<16xf32>
          %swap3A_533 = arith.index_cast %add3A_502 : i32 to index
          %swap3A_534 = arith.constant 32 : index
          %swap3A_535 = tpu.vector_load %arg30[%swap3A_533, %swap3A_534] {strides = array<i32>} : memref<80x128xf32, #tpu.memory_space<vmem>>, vector<16xf32>,
          tpu.vector_store %arg30[%swap3A_533, %swap3A_534], %mul3A_532 {strides = array<i32>} : memref<80x128xf32, #tpu.memory_space<vmem>>, vector<16xf32>,
          %get3A_536 = arith.index_cast %add3A_502 : i32 to index
          %get3A_537 = arith.constant 48 : index
          %get3A_538 = tpu.vector_load %arg30[%get3A_536, %get3A_537] {strides = array<i32>} : memref<80x128xf32, #tpu.memory_space<vmem>>, vector<16xf32>,
          %mul3A_539 = arith.mulf %get3A_538, %gather3A : vector<16xf32>
          %swap3A_540 = arith.index_cast %add3A_502 : i32 to index
          %swap3A_541 = arith.constant 48 : index
          %swap3A_542 = tpu.vector_load %arg30[%swap3A_540, %swap3A_541] {strides = array<i32>} : memref<80x128xf32, #tpu.memory_space<vmem>>, vector<16xf32>,
          tpu.vector_store %arg30[%swap3A_540, %swap3A_541], %mul3A_539 {strides = array<i32>} : memref<80x128xf32, #tpu.memory_space<vmem>>, vector<16xf32>,
          %get3A_543 = arith.index_cast %add3A_502 : i32 to index
          %get3A_544 = arith.constant 64 : index
          %get3A_545 = tpu.vector_load %arg30[%get3A_543, %get3A_544] {strides = array<i32>} : memref<80x128xf32, #tpu.memory_space<vmem>>, vector<16xf32>,
          %mul3A_546 = arith.mulf %get3A_545, %gather3A_516 : vector<16xf32>
          %swap3A_547 = arith.index_cast %add3A_502 : i32 to index
          %swap3A_548 = arith.constant 64 : index
          %swap3A_549 = tpu.vector_load %arg30[%swap3A_547, %swap3A_548] {strides = array<i32>} : memref<80x128xf32, #tpu.memory_space<vmem>>, vector<16xf32>,
          tpu.vector_store %arg30[%swap3A_547, %swap3A_548], %mul3A_546 {strides = array<i32>} : memref<80x128xf32, #tpu.memory_space<vmem>>, vector<16xf32>,
          %get3A_550 = arith.index_cast %add3A_502 : i32 to index
          %get3A_551 = arith.constant 80 : index
          %get3A_552 = tpu.vector_load %arg30[%get3A_550, %get3A_551] {strides = array<i32>} : memref<80x128xf32, #tpu.memory_space<vmem>>, vector<16xf32>,
          %mul3A_553 = arith.mulf %get3A_552, %gather3A_516 : vector<16xf32>
          %swap3A_554 = arith.index_cast %add3A_502 : i32 to index
          %swap3A_555 = arith.constant 80 : index
          %swap3A_556 = tpu.vector_load %arg30[%swap3A_554, %swap3A_555] {strides = array<i32>} : memref<80x128xf32, #tpu.memory_space<vmem>>, vector<16xf32>,
          tpu.vector_store %arg30[%swap3A_554, %swap3A_555], %mul3A_553 {strides = array<i32>} : memref<80x128xf32, #tpu.memory_space<vmem>>, vector<16xf32>,
          %get3A_557 = arith.index_cast %add3A_502 : i32 to index
          %get3A_558 = arith.constant 96 : index
          %get3A_559 = tpu.vector_load %arg30[%get3A_557, %get3A_558] {strides = array<i32>} : memref<80x128xf32, #tpu.memory_space<vmem>>, vector<16xf32>,
          %mul3A_560 = arith.mulf %get3A_559, %gather3A_516 : vector<16xf32>
          %swap3A_561 = arith.index_cast %add3A_502 : i32 to index
          %swap3A_562 = arith.constant 96 : index
          %swap3A_563 = tpu.vector_load %arg30[%swap3A_561, %swap3A_562] {strides = array<i32>} : memref<80x128xf32, #tpu.memory_space<vmem>>, vector<16xf32>,
          tpu.vector_store %arg30[%swap3A_561, %swap3A_562], %mul3A_560 {strides = array<i32>} : memref<80x128xf32, #tpu.memory_space<vmem>>, vector<16xf32>,
          %get3A_564 = arith.index_cast %add3A_502 : i32 to index
          %get3A_565 = arith.constant 112 : index
          %get3A_566 = tpu.vector_load %arg30[%get3A_564, %get3A_565] {strides = array<i32>} : memref<80x128xf32, #tpu.memory_space<vmem>>, vector<16xf32>,
          %mul3A_567 = arith.mulf %get3A_566, %gather3A_516 : vector<16xf32>
          %swap3A_568 = arith.index_cast %add3A_502 : i32 to index
          %swap3A_569 = arith.constant 112 : index
          %swap3A_570 = tpu.vector_load %arg30[%swap3A_568, %swap3A_569] {strides = array<i32>} : memref<80x128xf32, #tpu.memory_space<vmem>>, vector<16xf32>,
          tpu.vector_store %arg30[%swap3A_568, %swap3A_569], %mul3A_567 {strides = array<i32>} : memref<80x128xf32, #tpu.memory_space<vmem>>, vector<16xf32>,
          %add3A_571 = arith.constant 1 : i32
          %add3A_572 = arith.addi %add3A_500, %add3A_571 : i32
          %mul3A_573 = arith.constant 8 : i32
          %mul3A_574 = arith.muli %add3A_572, %mul3A_573 : i32
          %mul3A_575 = arith.constant 2 : i32
          %mul3A_576 = arith.muli %mul3A_575, %add3A_51 : i32
          %add3A_577 = arith.addi %mul3A_574, %mul3A_576 : i32
          %broadcast_in_dim3A_578 = vector.broadcast %add3A_577 : i32 to vector<16xi32>
          %gather3A_579 = tpu.vector_load_idx %arg27[%broadcast_in_dim3A_578] : memref<640xf32, #tpu.memory_space<vmem>>[vector<16xi32>], vector<16xf32>,
          %mul3A_580 = arith.constant 8 : i32
          %mul3A_581 = arith.muli %add3A_572, %mul3A_580 : i32
          %mul3A_582 = arith.constant 2 : i32
          %mul3A_583 = arith.muli %mul3A_582, %add3A_51 : i32
          %add3A_584 = arith.addi %mul3A_581, %mul3A_583 : i32
          %add3A_585 = arith.constant 1 : i32
          %add3A_586 = arith.addi %add3A_584, %add3A_585 : i32
          %broadcast_in_dim3A_587 = vector.broadcast %add3A_586 : i32 to vector<16xi32>
          %gather3A_588 = tpu.vector_load_idx %arg27[%broadcast_in_dim3A_587] : memref<640xf32, #tpu.memory_space<vmem>>[vector<16xi32>], vector<16xf32>,
          %get3A_589 = arith.index_cast %add3A_572 : i32 to index
          %get3A_590 = arith.constant 0 : index
          %get3A_591 = tpu.vector_load %arg30[%get3A_589, %get3A_590] {strides = array<i32>} : memref<80x128xf32, #tpu.memory_space<vmem>>, vector<16xf32>,
          %mul3A_592 = arith.mulf %get3A_591, %gather3A_579 : vector<16xf32>
          %swap3A_593 = arith.index_cast %add3A_572 : i32 to index
          %swap3A_594 = arith.constant 0 : index
          %swap3A_595 = tpu.vector_load %arg30[%swap3A_593, %swap3A_594] {strides = array<i32>} : memref<80x128xf32, #tpu.memory_space<vmem>>, vector<16xf32>,
          tpu.vector_store %arg30[%swap3A_593, %swap3A_594], %mul3A_592 {strides = array<i32>} : memref<80x128xf32, #tpu.memory_space<vmem>>, vector<16xf32>,
          %get3A_596 = arith.index_cast %add3A_572 : i32 to index
          %get3A_597 = arith.constant 16 : index
          %get3A_598 = tpu.vector_load %arg30[%get3A_596, %get3A_597] {strides = array<i32>} : memref<80x128xf32, #tpu.memory_space<vmem>>, vector<16xf32>,
          %mul3A_599 = arith.mulf %get3A_598, %gather3A_579 : vector<16xf32>
          %swap3A_600 = arith.index_cast %add3A_572 : i32 to index
          %swap3A_601 = arith.constant 16 : index
          %swap3A_602 = tpu.vector_load %arg30[%swap3A_600, %swap3A_601] {strides = array<i32>} : memref<80x128xf32, #tpu.memory_space<vmem>>, vector<16xf32>,
          tpu.vector_store %arg30[%swap3A_600, %swap3A_601], %mul3A_599 {strides = array<i32>} : memref<80x128xf32, #tpu.memory_space<vmem>>, vector<16xf32>,
          %get3A_603 = arith.index_cast %add3A_572 : i32 to index
          %get3A_604 = arith.constant 32 : index
          %get3A_605 = tpu.vector_load %arg30[%get3A_603, %get3A_604] {strides = array<i32>} : memref<80x128xf32, #tpu.memory_space<vmem>>, vector<16xf32>,
          %mul3A_606 = arith.mulf %get3A_605, %gather3A_579 : vector<16xf32>
          %swap3A_607 = arith.index_cast %add3A_572 : i32 to index
          %swap3A_608 = arith.constant 32 : index
          %swap3A_609 = tpu.vector_load %arg30[%swap3A_607, %swap3A_608] {strides = array<i32>} : memref<80x128xf32, #tpu.memory_space<vmem>>, vector<16xf32>,
          tpu.vector_store %arg30[%swap3A_607, %swap3A_608], %mul3A_606 {strides = array<i32>} : memref<80x128xf32, #tpu.memory_space<vmem>>, vector<16xf32>,
          %get3A_610 = arith.index_cast %add3A_572 : i32 to index
          %get3A_611 = arith.constant 48 : index
          %get3A_612 = tpu.vector_load %arg30[%get3A_610, %get3A_611] {strides = array<i32>} : memref<80x128xf32, #tpu.memory_space<vmem>>, vector<16xf32>,
          %mul3A_613 = arith.mulf %get3A_612, %gather3A_579 : vector<16xf32>
          %swap3A_614 = arith.index_cast %add3A_572 : i32 to index
          %swap3A_615 = arith.constant 48 : index
          %swap3A_616 = tpu.vector_load %arg30[%swap3A_614, %swap3A_615] {strides = array<i32>} : memref<80x128xf32, #tpu.memory_space<vmem>>, vector<16xf32>,
          tpu.vector_store %arg30[%swap3A_614, %swap3A_615], %mul3A_613 {strides = array<i32>} : memref<80x128xf32, #tpu.memory_space<vmem>>, vector<16xf32>,
          %get3A_617 = arith.index_cast %add3A_572 : i32 to index
          %get3A_618 = arith.constant 64 : index
          %get3A_619 = tpu.vector_load %arg30[%get3A_617, %get3A_618] {strides = array<i32>} : memref<80x128xf32, #tpu.memory_space<vmem>>, vector<16xf32>,
          %mul3A_620 = arith.mulf %get3A_619, %gather3A_588 : vector<16xf32>
          %swap3A_621 = arith.index_cast %add3A_572 : i32 to index
          %swap3A_622 = arith.constant 64 : index
          %swap3A_623 = tpu.vector_load %arg30[%swap3A_621, %swap3A_622] {strides = array<i32>} : memref<80x128xf32, #tpu.memory_space<vmem>>, vector<16xf32>,
          tpu.vector_store %arg30[%swap3A_621, %swap3A_622], %mul3A_620 {strides = array<i32>} : memref<80x128xf32, #tpu.memory_space<vmem>>, vector<16xf32>,
          %get3A_624 = arith.index_cast %add3A_572 : i32 to index
          %get3A_625 = arith.constant 80 : index
          %get3A_626 = tpu.vector_load %arg30[%get3A_624, %get3A_625] {strides = array<i32>} : memref<80x128xf32, #tpu.memory_space<vmem>>, vector<16xf32>,
          %mul3A_627 = arith.mulf %get3A_626, %gather3A_588 : vector<16xf32>
          %swap3A_628 = arith.index_cast %add3A_572 : i32 to index
          %swap3A_629 = arith.constant 80 : index
          %swap3A_630 = tpu.vector_load %arg30[%swap3A_628, %swap3A_629] {strides = array<i32>} : memref<80x128xf32, #tpu.memory_space<vmem>>, vector<16xf32>,
          tpu.vector_store %arg30[%swap3A_628, %swap3A_629], %mul3A_627 {strides = array<i32>} : memref<80x128xf32, #tpu.memory_space<vmem>>, vector<16xf32>,
          %get3A_631 = arith.index_cast %add3A_572 : i32 to index
          %get3A_632 = arith.constant 96 : index
          %get3A_633 = tpu.vector_load %arg30[%get3A_631, %get3A_632] {strides = array<i32>} : memref<80x128xf32, #tpu.memory_space<vmem>>, vector<16xf32>,
          %mul3A_634 = arith.mulf %get3A_633, %gather3A_588 : vector<16xf32>
          %swap3A_635 = arith.index_cast %add3A_572 : i32 to index
          %swap3A_636 = arith.constant 96 : index
          %swap3A_637 = tpu.vector_load %arg30[%swap3A_635, %swap3A_636] {strides = array<i32>} : memref<80x128xf32, #tpu.memory_space<vmem>>, vector<16xf32>,
          tpu.vector_store %arg30[%swap3A_635, %swap3A_636], %mul3A_634 {strides = array<i32>} : memref<80x128xf32, #tpu.memory_space<vmem>>, vector<16xf32>,
          %get3A_638 = arith.index_cast %add3A_572 : i32 to index
          %get3A_639 = arith.constant 112 : index
          %get3A_640 = tpu.vector_load %arg30[%get3A_638, %get3A_639] {strides = array<i32>} : memref<80x128xf32, #tpu.memory_space<vmem>>, vector<16xf32>,
          %mul3A_641 = arith.mulf %get3A_640, %gather3A_588 : vector<16xf32>
          %swap3A_642 = arith.index_cast %add3A_572 : i32 to index
          %swap3A_643 = arith.constant 112 : index
          %swap3A_644 = tpu.vector_load %arg30[%swap3A_642, %swap3A_643] {strides = array<i32>} : memref<80x128xf32, #tpu.memory_space<vmem>>, vector<16xf32>,
          tpu.vector_store %arg30[%swap3A_642, %swap3A_643], %mul3A_641 {strides = array<i32>} : memref<80x128xf32, #tpu.memory_space<vmem>>, vector<16xf32>,
        }
        %scan3A_492 = arith.constant 40 : i32
        %dma_start3A_493 = arith.constant 0 : i32
        %dma_start3A_494 = arith.constant 0 : i32
        %dma_start3A_495 = tpu.memref_slice %arg11[%dma_start3A_493, %dma_start3A_494] : memref<10112x128xf32, #tpu.memory_space<vmem_shared>> -> memref<10112x128xf32, #tpu.memory_space<vmem_shared>>
        tpu.enqueue_indirect_dma source(%arg30 : memref<80x128xf32, #tpu.memory_space<vmem>>) target(%dma_start3A_495 : memref<10112x128xf32, #tpu.memory_space<vmem_shared>>) offsets(%arg17 : memref<80xi32, #tpu.memory_space<vmem>>) semaphore(%arg39 : memref<!tpu.dma_semaphore, #tpu.memory_space<semaphore_mem>>) {add = true}
      }
      %scan3A_122 = arith.constant 41 : i32
      %dma_wait3A_123 = arith.constant 0 : i32
      %dma_wait3A_124 = arith.constant 0 : i32
      %dma_wait3A_125 = arith.constant 0 : i32
      %dma_wait3A_126 = arith.constant 0 : i32
      %dma_wait3A_127 = tpu.memref_slice %arg5[%arg0, %dma_wait3A_123, %dma_wait3A_124, %dma_wait3A_125, %dma_wait3A_126] : memref<2x16x128x2x80xi32, #tpu.memory_space<hbm>> -> memref<1x16x128x2x80xi32, #tpu.memory_space<hbm>>
      %dma_wait3A_128 = tpu.memref_squeeze %dma_wait3A_127 : memref<1x16x128x2x80xi32, #tpu.memory_space<hbm>> -> memref<16x128x2x80xi32, #tpu.memory_space<hbm>>
      %dma_wait3A_129 = arith.constant 0 : i32
      %dma_wait3A_130 = arith.constant 0 : i32
      %dma_wait3A_131 = arith.constant 0 : i32
      %dma_wait3A_132 = tpu.memref_slice %dma_wait3A_128[%arg1, %dma_wait3A_129, %dma_wait3A_130, %dma_wait3A_131] : memref<16x128x2x80xi32, #tpu.memory_space<hbm>> -> memref<1x128x2x80xi32, #tpu.memory_space<hbm>>
      %dma_wait3A_133 = tpu.memref_squeeze %dma_wait3A_132 : memref<1x128x2x80xi32, #tpu.memory_space<hbm>> -> memref<128x2x80xi32, #tpu.memory_space<hbm>>
      %dma_wait3A_134 = arith.constant 0 : i32
      %dma_wait3A_135 = arith.constant 0 : i32
      %dma_wait3A_136 = arith.constant 0 : i32
      %dma_wait3A_137 = tpu.memref_slice %dma_wait3A_133[%dma_wait3A_134, %dma_wait3A_135, %dma_wait3A_136] : memref<128x2x80xi32, #tpu.memory_space<hbm>> -> memref<5x2x80xi32, #tpu.memory_space<hbm>>
      %dma_wait3A_138 = arith.constant 0 : i32
      %dma_wait3A_139 = arith.constant 0 : i32
      %dma_wait3A_140 = arith.constant 0 : i32
      %dma_wait3A_141 = arith.constant 0 : i32
      %dma_wait3A_142 = tpu.memref_slice %arg5[%arg0, %dma_wait3A_138, %dma_wait3A_139, %dma_wait3A_140, %dma_wait3A_141] : memref<2x16x128x2x80xi32, #tpu.memory_space<hbm>> -> memref<1x16x128x2x80xi32, #tpu.memory_space<hbm>>
      %dma_wait3A_143 = tpu.memref_squeeze %dma_wait3A_142 : memref<1x16x128x2x80xi32, #tpu.memory_space<hbm>> -> memref<16x128x2x80xi32, #tpu.memory_space<hbm>>
      %dma_wait3A_144 = arith.constant 0 : i32
      %dma_wait3A_145 = arith.constant 0 : i32
      %dma_wait3A_146 = arith.constant 0 : i32
      %dma_wait3A_147 = tpu.memref_slice %dma_wait3A_143[%arg1, %dma_wait3A_144, %dma_wait3A_145, %dma_wait3A_146] : memref<16x128x2x80xi32, #tpu.memory_space<hbm>> -> memref<1x128x2x80xi32, #tpu.memory_space<hbm>>
      %dma_wait3A_148 = tpu.memref_squeeze %dma_wait3A_147 : memref<1x128x2x80xi32, #tpu.memory_space<hbm>> -> memref<128x2x80xi32, #tpu.memory_space<hbm>>
      %dma_wait3A_149 = arith.constant 0 : i32
      %dma_wait3A_150 = arith.constant 0 : i32
      %dma_wait3A_151 = arith.constant 0 : i32
      %dma_wait3A_152 = tpu.memref_slice %dma_wait3A_148[%dma_wait3A_149, %dma_wait3A_150, %dma_wait3A_151] : memref<128x2x80xi32, #tpu.memory_space<hbm>> -> memref<5x2x80xi32, #tpu.memory_space<hbm>>
      tpu.wait_dma2 semaphore(%arg41 : memref<!tpu.dma_semaphore, #tpu.memory_space<semaphore_mem>>) src(%dma_wait3A_152 : memref<5x2x80xi32, #tpu.memory_space<hbm>>) dst(%arg13 : memref<5x2x80xi32, #tpu.memory_space<vmem>>)
      %dma_wait3A_153 = arith.constant 0 : i32
      %dma_wait3A_154 = arith.constant 0 : i32
      %dma_wait3A_155 = tpu.memref_slice %arg2[%dma_wait3A_153, %dma_wait3A_154] : memref<80000x128xf32, #tpu.memory_space<hbm>> -> memref<80000x128xf32, #tpu.memory_space<hbm>>
      tpu.wait_indirect_dma semaphore(%arg31 : memref<!tpu.dma_semaphore, #tpu.memory_space<semaphore_mem>>) src(%dma_wait3A_155 : memref<80000x128xf32, #tpu.memory_space<hbm>>) dst(%arg28 : memref<80x128xf32, #tpu.memory_space<vmem>>)
      %dma_wait3A_156 = arith.constant 0 : i32
      %dma_wait3A_157 = arith.constant 0 : i32
      %dma_wait3A_158 = arith.constant 0 : i32
      %dma_wait3A_159 = arith.constant 0 : i32
      %dma_wait3A_160 = tpu.memref_slice %arg10[%arg0, %dma_wait3A_157, %dma_wait3A_158, %dma_wait3A_159] : memref<2x16x125x640xf32, #tpu.memory_space<hbm>> -> memref<1x16x125x640xf32, #tpu.memory_space<hbm>>
      %dma_wait3A_161 = tpu.memref_squeeze %dma_wait3A_160 : memref<1x16x125x640xf32, #tpu.memory_space<hbm>> -> memref<16x125x640xf32, #tpu.memory_space<hbm>>
      %dma_wait3A_162 = arith.constant 0 : i32
      %dma_wait3A_163 = arith.constant 0 : i32
      %dma_wait3A_164 = tpu.memref_slice %dma_wait3A_161[%arg1, %dma_wait3A_162, %dma_wait3A_163] : memref<16x125x640xf32, #tpu.memory_space<hbm>> -> memref<1x125x640xf32, #tpu.memory_space<hbm>>
      %dma_wait3A_165 = tpu.memref_squeeze %dma_wait3A_164 : memref<1x125x640xf32, #tpu.memory_space<hbm>> -> memref<125x640xf32, #tpu.memory_space<hbm>>
      %dma_wait3A_166 = arith.constant 0 : i32
      %dma_wait3A_167 = tpu.memref_slice %dma_wait3A_165[%dma_wait3A_156, %dma_wait3A_166] : memref<125x640xf32, #tpu.memory_space<hbm>> -> memref<1x640xf32, #tpu.memory_space<hbm>>
      %dma_wait3A_168 = tpu.memref_squeeze %dma_wait3A_167 : memref<1x640xf32, #tpu.memory_space<hbm>> -> memref<640xf32, #tpu.memory_space<hbm>>
      %dma_wait3A_169 = arith.constant 0 : i32
      %dma_wait3A_170 = arith.constant 0 : i32
      %dma_wait3A_171 = arith.constant 0 : i32
      %dma_wait3A_172 = tpu.memref_slice %arg10[%arg0, %dma_wait3A_169, %dma_wait3A_170, %dma_wait3A_171] : memref<2x16x125x640xf32, #tpu.memory_space<hbm>> -> memref<1x16x125x640xf32, #tpu.memory_space<hbm>>
      %dma_wait3A_173 = tpu.memref_squeeze %dma_wait3A_172 : memref<1x16x125x640xf32, #tpu.memory_space<hbm>> -> memref<16x125x640xf32, #tpu.memory_space<hbm>>
      %dma_wait3A_174 = arith.constant 0 : i32
      %dma_wait3A_175 = arith.constant 0 : i32
      %dma_wait3A_176 = tpu.memref_slice %dma_wait3A_173[%arg1, %dma_wait3A_174, %dma_wait3A_175] : memref<16x125x640xf32, #tpu.memory_space<hbm>> -> memref<1x125x640xf32, #tpu.memory_space<hbm>>
      %dma_wait3A_177 = tpu.memref_squeeze %dma_wait3A_176 : memref<1x125x640xf32, #tpu.memory_space<hbm>> -> memref<125x640xf32, #tpu.memory_space<hbm>>
      %dma_wait3A_178 = arith.constant 0 : i32
      %dma_wait3A_179 = tpu.memref_slice %dma_wait3A_177[%dma_wait3A_156, %dma_wait3A_178] : memref<125x640xf32, #tpu.memory_space<hbm>> -> memref<1x640xf32, #tpu.memory_space<hbm>>
      %dma_wait3A_180 = tpu.memref_squeeze %dma_wait3A_179 : memref<1x640xf32, #tpu.memory_space<hbm>> -> memref<640xf32, #tpu.memory_space<hbm>>
      tpu.wait_dma2 semaphore(%arg34 : memref<!tpu.dma_semaphore, #tpu.memory_space<semaphore_mem>>) src(%dma_wait3A_180 : memref<640xf32, #tpu.memory_space<hbm>>) dst(%arg25 : memref<640xf32, #tpu.memory_space<vmem>>)
      %scan3A_181 = arith.constant 0 : i32
      %scan3A_182 = arith.constant 40 : i32
      %scan3A_183 = arith.addi %scan3A_181, %scan3A_182 : i32
      %scan3A_184 = arith.constant 1 : i32
      scf.for %scan3A_238 = %scan3A_181 to %scan3A_183 step %scan3A_184  : i32 {
        %mul3A_239 = arith.constant 2 : i32
        %mul3A_240 = arith.muli %scan3A_238, %mul3A_239 : i32
        %add3A_241 = arith.constant 0 : i32
        %add3A_242 = arith.addi %add3A_241, %mul3A_240 : i32
        %add3A_243 = arith.constant 0 : i32
        %add3A_244 = arith.addi %add3A_242, %add3A_243 : i32
        %mul3A_245 = arith.constant 8 : i32
        %mul3A_246 = arith.muli %add3A_244, %mul3A_245 : i32
        %mul3A_247 = arith.constant 2 : i32
        %mul3A_248 = arith.muli %mul3A_247, %add3A_51 : i32
        %add3A_249 = arith.addi %mul3A_246, %mul3A_248 : i32
        %broadcast_in_dim3A = vector.broadcast %add3A_249 : i32 to vector<16xi32>
        %gather3A = tpu.vector_load_idx %arg25[%broadcast_in_dim3A] : memref<640xf32, #tpu.memory_space<vmem>>[vector<16xi32>], vector<16xf32>,
        %mul3A_250 = arith.constant 8 : i32
        %mul3A_251 = arith.muli %add3A_244, %mul3A_250 : i32
        %mul3A_252 = arith.constant 2 : i32
        %mul3A_253 = arith.muli %mul3A_252, %add3A_51 : i32
        %add3A_254 = arith.addi %mul3A_251, %mul3A_253 : i32
        %add3A_255 = arith.constant 1 : i32
        %add3A_256 = arith.addi %add3A_254, %add3A_255 : i32
        %broadcast_in_dim3A_257 = vector.broadcast %add3A_256 : i32 to vector<16xi32>
        %gather3A_258 = tpu.vector_load_idx %arg25[%broadcast_in_dim3A_257] : memref<640xf32, #tpu.memory_space<vmem>>[vector<16xi32>], vector<16xf32>,
        %get3A = arith.index_cast %add3A_244 : i32 to index
        %get3A_259 = arith.constant 0 : index
        %get3A_260 = tpu.vector_load %arg28[%get3A, %get3A_259] {strides = array<i32>} : memref<80x128xf32, #tpu.memory_space<vmem>>, vector<16xf32>,
        %mul3A_261 = arith.mulf %get3A_260, %gather3A : vector<16xf32>
        %swap3A = arith.index_cast %add3A_244 : i32 to index
        %swap3A_262 = arith.constant 0 : index
        %swap3A_263 = tpu.vector_load %arg28[%swap3A, %swap3A_262] {strides = array<i32>} : memref<80x128xf32, #tpu.memory_space<vmem>>, vector<16xf32>,
        tpu.vector_store %arg28[%swap3A, %swap3A_262], %mul3A_261 {strides = array<i32>} : memref<80x128xf32, #tpu.memory_space<vmem>>, vector<16xf32>,
        %get3A_264 = arith.index_cast %add3A_244 : i32 to index
        %get3A_265 = arith.constant 16 : index
        %get3A_266 = tpu.vector_load %arg28[%get3A_264, %get3A_265] {strides = array<i32>} : memref<80x128xf32, #tpu.memory_space<vmem>>, vector<16xf32>,
        %mul3A_267 = arith.mulf %get3A_266, %gather3A : vector<16xf32>
        %swap3A_268 = arith.index_cast %add3A_244 : i32 to index
        %swap3A_269 = arith.constant 16 : index
        %swap3A_270 = tpu.vector_load %arg28[%swap3A_268, %swap3A_269] {strides = array<i32>} : memref<80x128xf32, #tpu.memory_space<vmem>>, vector<16xf32>,
        tpu.vector_store %arg28[%swap3A_268, %swap3A_269], %mul3A_267 {strides = array<i32>} : memref<80x128xf32, #tpu.memory_space<vmem>>, vector<16xf32>,
        %get3A_271 = arith.index_cast %add3A_244 : i32 to index
        %get3A_272 = arith.constant 32 : index
        %get3A_273 = tpu.vector_load %arg28[%get3A_271, %get3A_272] {strides = array<i32>} : memref<80x128xf32, #tpu.memory_space<vmem>>, vector<16xf32>,
        %mul3A_274 = arith.mulf %get3A_273, %gather3A : vector<16xf32>
        %swap3A_275 = arith.index_cast %add3A_244 : i32 to index
        %swap3A_276 = arith.constant 32 : index
        %swap3A_277 = tpu.vector_load %arg28[%swap3A_275, %swap3A_276] {strides = array<i32>} : memref<80x128xf32, #tpu.memory_space<vmem>>, vector<16xf32>,
        tpu.vector_store %arg28[%swap3A_275, %swap3A_276], %mul3A_274 {strides = array<i32>} : memref<80x128xf32, #tpu.memory_space<vmem>>, vector<16xf32>,
        %get3A_278 = arith.index_cast %add3A_244 : i32 to index
        %get3A_279 = arith.constant 48 : index
        %get3A_280 = tpu.vector_load %arg28[%get3A_278, %get3A_279] {strides = array<i32>} : memref<80x128xf32, #tpu.memory_space<vmem>>, vector<16xf32>,
        %mul3A_281 = arith.mulf %get3A_280, %gather3A : vector<16xf32>
        %swap3A_282 = arith.index_cast %add3A_244 : i32 to index
        %swap3A_283 = arith.constant 48 : index
        %swap3A_284 = tpu.vector_load %arg28[%swap3A_282, %swap3A_283] {strides = array<i32>} : memref<80x128xf32, #tpu.memory_space<vmem>>, vector<16xf32>,
        tpu.vector_store %arg28[%swap3A_282, %swap3A_283], %mul3A_281 {strides = array<i32>} : memref<80x128xf32, #tpu.memory_space<vmem>>, vector<16xf32>,
        %get3A_285 = arith.index_cast %add3A_244 : i32 to index
        %get3A_286 = arith.constant 64 : index
        %get3A_287 = tpu.vector_load %arg28[%get3A_285, %get3A_286] {strides = array<i32>} : memref<80x128xf32, #tpu.memory_space<vmem>>, vector<16xf32>,
        %mul3A_288 = arith.mulf %get3A_287, %gather3A_258 : vector<16xf32>
        %swap3A_289 = arith.index_cast %add3A_244 : i32 to index
        %swap3A_290 = arith.constant 64 : index
        %swap3A_291 = tpu.vector_load %arg28[%swap3A_289, %swap3A_290] {strides = array<i32>} : memref<80x128xf32, #tpu.memory_space<vmem>>, vector<16xf32>,
        tpu.vector_store %arg28[%swap3A_289, %swap3A_290], %mul3A_288 {strides = array<i32>} : memref<80x128xf32, #tpu.memory_space<vmem>>, vector<16xf32>,
        %get3A_292 = arith.index_cast %add3A_244 : i32 to index
        %get3A_293 = arith.constant 80 : index
        %get3A_294 = tpu.vector_load %arg28[%get3A_292, %get3A_293] {strides = array<i32>} : memref<80x128xf32, #tpu.memory_space<vmem>>, vector<16xf32>,
        %mul3A_295 = arith.mulf %get3A_294, %gather3A_258 : vector<16xf32>
        %swap3A_296 = arith.index_cast %add3A_244 : i32 to index
        %swap3A_297 = arith.constant 80 : index
        %swap3A_298 = tpu.vector_load %arg28[%swap3A_296, %swap3A_297] {strides = array<i32>} : memref<80x128xf32, #tpu.memory_space<vmem>>, vector<16xf32>,
        tpu.vector_store %arg28[%swap3A_296, %swap3A_297], %mul3A_295 {strides = array<i32>} : memref<80x128xf32, #tpu.memory_space<vmem>>, vector<16xf32>,
        %get3A_299 = arith.index_cast %add3A_244 : i32 to index
        %get3A_300 = arith.constant 96 : index
        %get3A_301 = tpu.vector_load %arg28[%get3A_299, %get3A_300] {strides = array<i32>} : memref<80x128xf32, #tpu.memory_space<vmem>>, vector<16xf32>,
        %mul3A_302 = arith.mulf %get3A_301, %gather3A_258 : vector<16xf32>
        %swap3A_303 = arith.index_cast %add3A_244 : i32 to index
        %swap3A_304 = arith.constant 96 : index
        %swap3A_305 = tpu.vector_load %arg28[%swap3A_303, %swap3A_304] {strides = array<i32>} : memref<80x128xf32, #tpu.memory_space<vmem>>, vector<16xf32>,
        tpu.vector_store %arg28[%swap3A_303, %swap3A_304], %mul3A_302 {strides = array<i32>} : memref<80x128xf32, #tpu.memory_space<vmem>>, vector<16xf32>,
        %get3A_306 = arith.index_cast %add3A_244 : i32 to index
        %get3A_307 = arith.constant 112 : index
        %get3A_308 = tpu.vector_load %arg28[%get3A_306, %get3A_307] {strides = array<i32>} : memref<80x128xf32, #tpu.memory_space<vmem>>, vector<16xf32>,
        %mul3A_309 = arith.mulf %get3A_308, %gather3A_258 : vector<16xf32>
        %swap3A_310 = arith.index_cast %add3A_244 : i32 to index
        %swap3A_311 = arith.constant 112 : index
        %swap3A_312 = tpu.vector_load %arg28[%swap3A_310, %swap3A_311] {strides = array<i32>} : memref<80x128xf32, #tpu.memory_space<vmem>>, vector<16xf32>,
        tpu.vector_store %arg28[%swap3A_310, %swap3A_311], %mul3A_309 {strides = array<i32>} : memref<80x128xf32, #tpu.memory_space<vmem>>, vector<16xf32>,
        %add3A_313 = arith.constant 1 : i32
        %add3A_314 = arith.addi %add3A_242, %add3A_313 : i32
        %mul3A_315 = arith.constant 8 : i32
        %mul3A_316 = arith.muli %add3A_314, %mul3A_315 : i32
        %mul3A_317 = arith.constant 2 : i32
        %mul3A_318 = arith.muli %mul3A_317, %add3A_51 : i32
        %add3A_319 = arith.addi %mul3A_316, %mul3A_318 : i32
        %broadcast_in_dim3A_320 = vector.broadcast %add3A_319 : i32 to vector<16xi32>
        %gather3A_321 = tpu.vector_load_idx %arg25[%broadcast_in_dim3A_320] : memref<640xf32, #tpu.memory_space<vmem>>[vector<16xi32>], vector<16xf32>,
        %mul3A_322 = arith.constant 8 : i32
        %mul3A_323 = arith.muli %add3A_314, %mul3A_322 : i32
        %mul3A_324 = arith.constant 2 : i32
        %mul3A_325 = arith.muli %mul3A_324, %add3A_51 : i32
        %add3A_326 = arith.addi %mul3A_323, %mul3A_325 : i32
        %add3A_327 = arith.constant 1 : i32
        %add3A_328 = arith.addi %add3A_326, %add3A_327 : i32
        %broadcast_in_dim3A_329 = vector.broadcast %add3A_328 : i32 to vector<16xi32>
        %gather3A_330 = tpu.vector_load_idx %arg25[%broadcast_in_dim3A_329] : memref<640xf32, #tpu.memory_space<vmem>>[vector<16xi32>], vector<16xf32>,
        %get3A_331 = arith.index_cast %add3A_314 : i32 to index
        %get3A_332 = arith.constant 0 : index
        %get3A_333 = tpu.vector_load %arg28[%get3A_331, %get3A_332] {strides = array<i32>} : memref<80x128xf32, #tpu.memory_space<vmem>>, vector<16xf32>,
        %mul3A_334 = arith.mulf %get3A_333, %gather3A_321 : vector<16xf32>
        %swap3A_335 = arith.index_cast %add3A_314 : i32 to index
        %swap3A_336 = arith.constant 0 : index
        %swap3A_337 = tpu.vector_load %arg28[%swap3A_335, %swap3A_336] {strides = array<i32>} : memref<80x128xf32, #tpu.memory_space<vmem>>, vector<16xf32>,
        tpu.vector_store %arg28[%swap3A_335, %swap3A_336], %mul3A_334 {strides = array<i32>} : memref<80x128xf32, #tpu.memory_space<vmem>>, vector<16xf32>,
        %get3A_338 = arith.index_cast %add3A_314 : i32 to index
        %get3A_339 = arith.constant 16 : index
        %get3A_340 = tpu.vector_load %arg28[%get3A_338, %get3A_339] {strides = array<i32>} : memref<80x128xf32, #tpu.memory_space<vmem>>, vector<16xf32>,
        %mul3A_341 = arith.mulf %get3A_340, %gather3A_321 : vector<16xf32>
        %swap3A_342 = arith.index_cast %add3A_314 : i32 to index
        %swap3A_343 = arith.constant 16 : index
        %swap3A_344 = tpu.vector_load %arg28[%swap3A_342, %swap3A_343] {strides = array<i32>} : memref<80x128xf32, #tpu.memory_space<vmem>>, vector<16xf32>,
        tpu.vector_store %arg28[%swap3A_342, %swap3A_343], %mul3A_341 {strides = array<i32>} : memref<80x128xf32, #tpu.memory_space<vmem>>, vector<16xf32>,
        %get3A_345 = arith.index_cast %add3A_314 : i32 to index
        %get3A_346 = arith.constant 32 : index
        %get3A_347 = tpu.vector_load %arg28[%get3A_345, %get3A_346] {strides = array<i32>} : memref<80x128xf32, #tpu.memory_space<vmem>>, vector<16xf32>,
        %mul3A_348 = arith.mulf %get3A_347, %gather3A_321 : vector<16xf32>
        %swap3A_349 = arith.index_cast %add3A_314 : i32 to index
        %swap3A_350 = arith.constant 32 : index
        %swap3A_351 = tpu.vector_load %arg28[%swap3A_349, %swap3A_350] {strides = array<i32>} : memref<80x128xf32, #tpu.memory_space<vmem>>, vector<16xf32>,
        tpu.vector_store %arg28[%swap3A_349, %swap3A_350], %mul3A_348 {strides = array<i32>} : memref<80x128xf32, #tpu.memory_space<vmem>>, vector<16xf32>,
        %get3A_352 = arith.index_cast %add3A_314 : i32 to index
        %get3A_353 = arith.constant 48 : index
        %get3A_354 = tpu.vector_load %arg28[%get3A_352, %get3A_353] {strides = array<i32>} : memref<80x128xf32, #tpu.memory_space<vmem>>, vector<16xf32>,
        %mul3A_355 = arith.mulf %get3A_354, %gather3A_321 : vector<16xf32>
        %swap3A_356 = arith.index_cast %add3A_314 : i32 to index
        %swap3A_357 = arith.constant 48 : index
        %swap3A_358 = tpu.vector_load %arg28[%swap3A_356, %swap3A_357] {strides = array<i32>} : memref<80x128xf32, #tpu.memory_space<vmem>>, vector<16xf32>,
        tpu.vector_store %arg28[%swap3A_356, %swap3A_357], %mul3A_355 {strides = array<i32>} : memref<80x128xf32, #tpu.memory_space<vmem>>, vector<16xf32>,
        %get3A_359 = arith.index_cast %add3A_314 : i32 to index
        %get3A_360 = arith.constant 64 : index
        %get3A_361 = tpu.vector_load %arg28[%get3A_359, %get3A_360] {strides = array<i32>} : memref<80x128xf32, #tpu.memory_space<vmem>>, vector<16xf32>,
        %mul3A_362 = arith.mulf %get3A_361, %gather3A_330 : vector<16xf32>
        %swap3A_363 = arith.index_cast %add3A_314 : i32 to index
        %swap3A_364 = arith.constant 64 : index
        %swap3A_365 = tpu.vector_load %arg28[%swap3A_363, %swap3A_364] {strides = array<i32>} : memref<80x128xf32, #tpu.memory_space<vmem>>, vector<16xf32>,
        tpu.vector_store %arg28[%swap3A_363, %swap3A_364], %mul3A_362 {strides = array<i32>} : memref<80x128xf32, #tpu.memory_space<vmem>>, vector<16xf32>,
        %get3A_366 = arith.index_cast %add3A_314 : i32 to index
        %get3A_367 = arith.constant 80 : index
        %get3A_368 = tpu.vector_load %arg28[%get3A_366, %get3A_367] {strides = array<i32>} : memref<80x128xf32, #tpu.memory_space<vmem>>, vector<16xf32>,
        %mul3A_369 = arith.mulf %get3A_368, %gather3A_330 : vector<16xf32>
        %swap3A_370 = arith.index_cast %add3A_314 : i32 to index
        %swap3A_371 = arith.constant 80 : index
        %swap3A_372 = tpu.vector_load %arg28[%swap3A_370, %swap3A_371] {strides = array<i32>} : memref<80x128xf32, #tpu.memory_space<vmem>>, vector<16xf32>,
        tpu.vector_store %arg28[%swap3A_370, %swap3A_371], %mul3A_369 {strides = array<i32>} : memref<80x128xf32, #tpu.memory_space<vmem>>, vector<16xf32>,
        %get3A_373 = arith.index_cast %add3A_314 : i32 to index
        %get3A_374 = arith.constant 96 : index
        %get3A_375 = tpu.vector_load %arg28[%get3A_373, %get3A_374] {strides = array<i32>} : memref<80x128xf32, #tpu.memory_space<vmem>>, vector<16xf32>,
        %mul3A_376 = arith.mulf %get3A_375, %gather3A_330 : vector<16xf32>
        %swap3A_377 = arith.index_cast %add3A_314 : i32 to index
        %swap3A_378 = arith.constant 96 : index
        %swap3A_379 = tpu.vector_load %arg28[%swap3A_377, %swap3A_378] {strides = array<i32>} : memref<80x128xf32, #tpu.memory_space<vmem>>, vector<16xf32>,
        tpu.vector_store %arg28[%swap3A_377, %swap3A_378], %mul3A_376 {strides = array<i32>} : memref<80x128xf32, #tpu.memory_space<vmem>>, vector<16xf32>,
        %get3A_380 = arith.index_cast %add3A_314 : i32 to index
        %get3A_381 = arith.constant 112 : index
        %get3A_382 = tpu.vector_load %arg28[%get3A_380, %get3A_381] {strides = array<i32>} : memref<80x128xf32, #tpu.memory_space<vmem>>, vector<16xf32>,
        %mul3A_383 = arith.mulf %get3A_382, %gather3A_330 : vector<16xf32>
        %swap3A_384 = arith.index_cast %add3A_314 : i32 to index
        %swap3A_385 = arith.constant 112 : index
        %swap3A_386 = tpu.vector_load %arg28[%swap3A_384, %swap3A_385] {strides = array<i32>} : memref<80x128xf32, #tpu.memory_space<vmem>>, vector<16xf32>,
        tpu.vector_store %arg28[%swap3A_384, %swap3A_385], %mul3A_383 {strides = array<i32>} : memref<80x128xf32, #tpu.memory_space<vmem>>, vector<16xf32>,
      }
      %scan3A_185 = arith.constant 40 : i32
      %dma_start3A_186 = arith.constant 0 : i32
      %dma_start3A_187 = arith.constant 0 : i32
      %dma_start3A_188 = tpu.memref_slice %arg11[%dma_start3A_186, %dma_start3A_187] : memref<10112x128xf32, #tpu.memory_space<vmem_shared>> -> memref<10112x128xf32, #tpu.memory_space<vmem_shared>>
      tpu.enqueue_indirect_dma source(%arg28 : memref<80x128xf32, #tpu.memory_space<vmem>>) target(%dma_start3A_188 : memref<10112x128xf32, #tpu.memory_space<vmem_shared>>) offsets(%arg15 : memref<80xi32, #tpu.memory_space<vmem>>) semaphore(%arg37 : memref<!tpu.dma_semaphore, #tpu.memory_space<semaphore_mem>>) {add = true}
      %dma_wait3A_189 = arith.constant 0 : i32
      %dma_wait3A_190 = arith.constant 0 : i32
      %dma_wait3A_191 = tpu.memref_slice %arg2[%dma_wait3A_189, %dma_wait3A_190] : memref<80000x128xf32, #tpu.memory_space<hbm>> -> memref<80000x128xf32, #tpu.memory_space<hbm>>
      tpu.wait_indirect_dma semaphore(%arg32 : memref<!tpu.dma_semaphore, #tpu.memory_space<semaphore_mem>>) src(%dma_wait3A_191 : memref<80000x128xf32, #tpu.memory_space<hbm>>) dst(%arg29 : memref<80x128xf32, #tpu.memory_space<vmem>>)
      %dma_wait3A_192 = arith.constant 0 : i32
      %dma_wait3A_193 = arith.constant 0 : i32
      %dma_wait3A_194 = arith.constant 0 : i32
      %dma_wait3A_195 = arith.constant 0 : i32
      %dma_wait3A_196 = tpu.memref_slice %arg10[%arg0, %dma_wait3A_193, %dma_wait3A_194, %dma_wait3A_195] : memref<2x16x125x640xf32, #tpu.memory_space<hbm>> -> memref<1x16x125x640xf32, #tpu.memory_space<hbm>>
      %dma_wait3A_197 = tpu.memref_squeeze %dma_wait3A_196 : memref<1x16x125x640xf32, #tpu.memory_space<hbm>> -> memref<16x125x640xf32, #tpu.memory_space<hbm>>
      %dma_wait3A_198 = arith.constant 0 : i32
      %dma_wait3A_199 = arith.constant 0 : i32
      %dma_wait3A_200 = tpu.memref_slice %dma_wait3A_197[%arg1, %dma_wait3A_198, %dma_wait3A_199] : memref<16x125x640xf32, #tpu.memory_space<hbm>> -> memref<1x125x640xf32, #tpu.memory_space<hbm>>
      %dma_wait3A_201 = tpu.memref_squeeze %dma_wait3A_200 : memref<1x125x640xf32, #tpu.memory_space<hbm>> -> memref<125x640xf32, #tpu.memory_space<hbm>>
      %dma_wait3A_202 = arith.constant 0 : i32
      %dma_wait3A_203 = tpu.memref_slice %dma_wait3A_201[%dma_wait3A_192, %dma_wait3A_202] : memref<125x640xf32, #tpu.memory_space<hbm>> -> memref<1x640xf32, #tpu.memory_space<hbm>>
      %dma_wait3A_204 = tpu.memref_squeeze %dma_wait3A_203 : memref<1x640xf32, #tpu.memory_space<hbm>> -> memref<640xf32, #tpu.memory_space<hbm>>
      %dma_wait3A_205 = arith.constant 0 : i32
      %dma_wait3A_206 = arith.constant 0 : i32
      %dma_wait3A_207 = arith.constant 0 : i32
      %dma_wait3A_208 = tpu.memref_slice %arg10[%arg0, %dma_wait3A_205, %dma_wait3A_206, %dma_wait3A_207] : memref<2x16x125x640xf32, #tpu.memory_space<hbm>> -> memref<1x16x125x640xf32, #tpu.memory_space<hbm>>
      %dma_wait3A_209 = tpu.memref_squeeze %dma_wait3A_208 : memref<1x16x125x640xf32, #tpu.memory_space<hbm>> -> memref<16x125x640xf32, #tpu.memory_space<hbm>>
      %dma_wait3A_210 = arith.constant 0 : i32
      %dma_wait3A_211 = arith.constant 0 : i32
      %dma_wait3A_212 = tpu.memref_slice %dma_wait3A_209[%arg1, %dma_wait3A_210, %dma_wait3A_211] : memref<16x125x640xf32, #tpu.memory_space<hbm>> -> memref<1x125x640xf32, #tpu.memory_space<hbm>>
      %dma_wait3A_213 = tpu.memref_squeeze %dma_wait3A_212 : memref<1x125x640xf32, #tpu.memory_space<hbm>> -> memref<125x640xf32, #tpu.memory_space<hbm>>
      %dma_wait3A_214 = arith.constant 0 : i32
      %dma_wait3A_215 = tpu.memref_slice %dma_wait3A_213[%dma_wait3A_192, %dma_wait3A_214] : memref<125x640xf32, #tpu.memory_space<hbm>> -> memref<1x640xf32, #tpu.memory_space<hbm>>
      %dma_wait3A_216 = tpu.memref_squeeze %dma_wait3A_215 : memref<1x640xf32, #tpu.memory_space<hbm>> -> memref<640xf32, #tpu.memory_space<hbm>>
      tpu.wait_dma2 semaphore(%arg35 : memref<!tpu.dma_semaphore, #tpu.memory_space<semaphore_mem>>) src(%dma_wait3A_216 : memref<640xf32, #tpu.memory_space<hbm>>) dst(%arg26 : memref<640xf32, #tpu.memory_space<vmem>>)
      %scan3A_217 = arith.constant 0 : i32
      %scan3A_218 = arith.constant 40 : i32
      %scan3A_219 = arith.addi %scan3A_217, %scan3A_218 : i32
      %scan3A_220 = arith.constant 1 : i32
      scf.for %scan3A_238 = %scan3A_217 to %scan3A_219 step %scan3A_220  : i32 {
        %mul3A_239 = arith.constant 2 : i32
        %mul3A_240 = arith.muli %scan3A_238, %mul3A_239 : i32
        %add3A_241 = arith.constant 0 : i32
        %add3A_242 = arith.addi %add3A_241, %mul3A_240 : i32
        %add3A_243 = arith.constant 0 : i32
        %add3A_244 = arith.addi %add3A_242, %add3A_243 : i32
        %mul3A_245 = arith.constant 8 : i32
        %mul3A_246 = arith.muli %add3A_244, %mul3A_245 : i32
        %mul3A_247 = arith.constant 2 : i32
        %mul3A_248 = arith.muli %mul3A_247, %add3A_51 : i32
        %add3A_249 = arith.addi %mul3A_246, %mul3A_248 : i32
        %broadcast_in_dim3A = vector.broadcast %add3A_249 : i32 to vector<16xi32>
        %gather3A = tpu.vector_load_idx %arg26[%broadcast_in_dim3A] : memref<640xf32, #tpu.memory_space<vmem>>[vector<16xi32>], vector<16xf32>,
        %mul3A_250 = arith.constant 8 : i32
        %mul3A_251 = arith.muli %add3A_244, %mul3A_250 : i32
        %mul3A_252 = arith.constant 2 : i32
        %mul3A_253 = arith.muli %mul3A_252, %add3A_51 : i32
        %add3A_254 = arith.addi %mul3A_251, %mul3A_253 : i32
        %add3A_255 = arith.constant 1 : i32
        %add3A_256 = arith.addi %add3A_254, %add3A_255 : i32
        %broadcast_in_dim3A_257 = vector.broadcast %add3A_256 : i32 to vector<16xi32>
        %gather3A_258 = tpu.vector_load_idx %arg26[%broadcast_in_dim3A_257] : memref<640xf32, #tpu.memory_space<vmem>>[vector<16xi32>], vector<16xf32>,
        %get3A = arith.index_cast %add3A_244 : i32 to index
        %get3A_259 = arith.constant 0 : index
        %get3A_260 = tpu.vector_load %arg29[%get3A, %get3A_259] {strides = array<i32>} : memref<80x128xf32, #tpu.memory_space<vmem>>, vector<16xf32>,
        %mul3A_261 = arith.mulf %get3A_260, %gather3A : vector<16xf32>
        %swap3A = arith.index_cast %add3A_244 : i32 to index
        %swap3A_262 = arith.constant 0 : index
        %swap3A_263 = tpu.vector_load %arg29[%swap3A, %swap3A_262] {strides = array<i32>} : memref<80x128xf32, #tpu.memory_space<vmem>>, vector<16xf32>,
        tpu.vector_store %arg29[%swap3A, %swap3A_262], %mul3A_261 {strides = array<i32>} : memref<80x128xf32, #tpu.memory_space<vmem>>, vector<16xf32>,
        %get3A_264 = arith.index_cast %add3A_244 : i32 to index
        %get3A_265 = arith.constant 16 : index
        %get3A_266 = tpu.vector_load %arg29[%get3A_264, %get3A_265] {strides = array<i32>} : memref<80x128xf32, #tpu.memory_space<vmem>>, vector<16xf32>,
        %mul3A_267 = arith.mulf %get3A_266, %gather3A : vector<16xf32>
        %swap3A_268 = arith.index_cast %add3A_244 : i32 to index
        %swap3A_269 = arith.constant 16 : index
        %swap3A_270 = tpu.vector_load %arg29[%swap3A_268, %swap3A_269] {strides = array<i32>} : memref<80x128xf32, #tpu.memory_space<vmem>>, vector<16xf32>,
        tpu.vector_store %arg29[%swap3A_268, %swap3A_269], %mul3A_267 {strides = array<i32>} : memref<80x128xf32, #tpu.memory_space<vmem>>, vector<16xf32>,
        %get3A_271 = arith.index_cast %add3A_244 : i32 to index
        %get3A_272 = arith.constant 32 : index
        %get3A_273 = tpu.vector_load %arg29[%get3A_271, %get3A_272] {strides = array<i32>} : memref<80x128xf32, #tpu.memory_space<vmem>>, vector<16xf32>,
        %mul3A_274 = arith.mulf %get3A_273, %gather3A : vector<16xf32>
        %swap3A_275 = arith.index_cast %add3A_244 : i32 to index
        %swap3A_276 = arith.constant 32 : index
        %swap3A_277 = tpu.vector_load %arg29[%swap3A_275, %swap3A_276] {strides = array<i32>} : memref<80x128xf32, #tpu.memory_space<vmem>>, vector<16xf32>,
        tpu.vector_store %arg29[%swap3A_275, %swap3A_276], %mul3A_274 {strides = array<i32>} : memref<80x128xf32, #tpu.memory_space<vmem>>, vector<16xf32>,
        %get3A_278 = arith.index_cast %add3A_244 : i32 to index
        %get3A_279 = arith.constant 48 : index
        %get3A_280 = tpu.vector_load %arg29[%get3A_278, %get3A_279] {strides = array<i32>} : memref<80x128xf32, #tpu.memory_space<vmem>>, vector<16xf32>,
        %mul3A_281 = arith.mulf %get3A_280, %gather3A : vector<16xf32>
        %swap3A_282 = arith.index_cast %add3A_244 : i32 to index
        %swap3A_283 = arith.constant 48 : index
        %swap3A_284 = tpu.vector_load %arg29[%swap3A_282, %swap3A_283] {strides = array<i32>} : memref<80x128xf32, #tpu.memory_space<vmem>>, vector<16xf32>,
        tpu.vector_store %arg29[%swap3A_282, %swap3A_283], %mul3A_281 {strides = array<i32>} : memref<80x128xf32, #tpu.memory_space<vmem>>, vector<16xf32>,
        %get3A_285 = arith.index_cast %add3A_244 : i32 to index
        %get3A_286 = arith.constant 64 : index
        %get3A_287 = tpu.vector_load %arg29[%get3A_285, %get3A_286] {strides = array<i32>} : memref<80x128xf32, #tpu.memory_space<vmem>>, vector<16xf32>,
        %mul3A_288 = arith.mulf %get3A_287, %gather3A_258 : vector<16xf32>
        %swap3A_289 = arith.index_cast %add3A_244 : i32 to index
        %swap3A_290 = arith.constant 64 : index
        %swap3A_291 = tpu.vector_load %arg29[%swap3A_289, %swap3A_290] {strides = array<i32>} : memref<80x128xf32, #tpu.memory_space<vmem>>, vector<16xf32>,
        tpu.vector_store %arg29[%swap3A_289, %swap3A_290], %mul3A_288 {strides = array<i32>} : memref<80x128xf32, #tpu.memory_space<vmem>>, vector<16xf32>,
        %get3A_292 = arith.index_cast %add3A_244 : i32 to index
        %get3A_293 = arith.constant 80 : index
        %get3A_294 = tpu.vector_load %arg29[%get3A_292, %get3A_293] {strides = array<i32>} : memref<80x128xf32, #tpu.memory_space<vmem>>, vector<16xf32>,
        %mul3A_295 = arith.mulf %get3A_294, %gather3A_258 : vector<16xf32>
        %swap3A_296 = arith.index_cast %add3A_244 : i32 to index
        %swap3A_297 = arith.constant 80 : index
        %swap3A_298 = tpu.vector_load %arg29[%swap3A_296, %swap3A_297] {strides = array<i32>} : memref<80x128xf32, #tpu.memory_space<vmem>>, vector<16xf32>,
        tpu.vector_store %arg29[%swap3A_296, %swap3A_297], %mul3A_295 {strides = array<i32>} : memref<80x128xf32, #tpu.memory_space<vmem>>, vector<16xf32>,
        %get3A_299 = arith.index_cast %add3A_244 : i32 to index
        %get3A_300 = arith.constant 96 : index
        %get3A_301 = tpu.vector_load %arg29[%get3A_299, %get3A_300] {strides = array<i32>} : memref<80x128xf32, #tpu.memory_space<vmem>>, vector<16xf32>,
        %mul3A_302 = arith.mulf %get3A_301, %gather3A_258 : vector<16xf32>
        %swap3A_303 = arith.index_cast %add3A_244 : i32 to index
        %swap3A_304 = arith.constant 96 : index
        %swap3A_305 = tpu.vector_load %arg29[%swap3A_303, %swap3A_304] {strides = array<i32>} : memref<80x128xf32, #tpu.memory_space<vmem>>, vector<16xf32>,
        tpu.vector_store %arg29[%swap3A_303, %swap3A_304], %mul3A_302 {strides = array<i32>} : memref<80x128xf32, #tpu.memory_space<vmem>>, vector<16xf32>,
        %get3A_306 = arith.index_cast %add3A_244 : i32 to index
        %get3A_307 = arith.constant 112 : index
        %get3A_308 = tpu.vector_load %arg29[%get3A_306, %get3A_307] {strides = array<i32>} : memref<80x128xf32, #tpu.memory_space<vmem>>, vector<16xf32>,
        %mul3A_309 = arith.mulf %get3A_308, %gather3A_258 : vector<16xf32>
        %swap3A_310 = arith.index_cast %add3A_244 : i32 to index
        %swap3A_311 = arith.constant 112 : index
        %swap3A_312 = tpu.vector_load %arg29[%swap3A_310, %swap3A_311] {strides = array<i32>} : memref<80x128xf32, #tpu.memory_space<vmem>>, vector<16xf32>,
        tpu.vector_store %arg29[%swap3A_310, %swap3A_311], %mul3A_309 {strides = array<i32>} : memref<80x128xf32, #tpu.memory_space<vmem>>, vector<16xf32>,
        %add3A_313 = arith.constant 1 : i32
        %add3A_314 = arith.addi %add3A_242, %add3A_313 : i32
        %mul3A_315 = arith.constant 8 : i32
        %mul3A_316 = arith.muli %add3A_314, %mul3A_315 : i32
        %mul3A_317 = arith.constant 2 : i32
        %mul3A_318 = arith.muli %mul3A_317, %add3A_51 : i32
        %add3A_319 = arith.addi %mul3A_316, %mul3A_318 : i32
        %broadcast_in_dim3A_320 = vector.broadcast %add3A_319 : i32 to vector<16xi32>
        %gather3A_321 = tpu.vector_load_idx %arg26[%broadcast_in_dim3A_320] : memref<640xf32, #tpu.memory_space<vmem>>[vector<16xi32>], vector<16xf32>,
        %mul3A_322 = arith.constant 8 : i32
        %mul3A_323 = arith.muli %add3A_314, %mul3A_322 : i32
        %mul3A_324 = arith.constant 2 : i32
        %mul3A_325 = arith.muli %mul3A_324, %add3A_51 : i32
        %add3A_326 = arith.addi %mul3A_323, %mul3A_325 : i32
        %add3A_327 = arith.constant 1 : i32
        %add3A_328 = arith.addi %add3A_326, %add3A_327 : i32
        %broadcast_in_dim3A_329 = vector.broadcast %add3A_328 : i32 to vector<16xi32>
        %gather3A_330 = tpu.vector_load_idx %arg26[%broadcast_in_dim3A_329] : memref<640xf32, #tpu.memory_space<vmem>>[vector<16xi32>], vector<16xf32>,
        %get3A_331 = arith.index_cast %add3A_314 : i32 to index
        %get3A_332 = arith.constant 0 : index
        %get3A_333 = tpu.vector_load %arg29[%get3A_331, %get3A_332] {strides = array<i32>} : memref<80x128xf32, #tpu.memory_space<vmem>>, vector<16xf32>,
        %mul3A_334 = arith.mulf %get3A_333, %gather3A_321 : vector<16xf32>
        %swap3A_335 = arith.index_cast %add3A_314 : i32 to index
        %swap3A_336 = arith.constant 0 : index
        %swap3A_337 = tpu.vector_load %arg29[%swap3A_335, %swap3A_336] {strides = array<i32>} : memref<80x128xf32, #tpu.memory_space<vmem>>, vector<16xf32>,
        tpu.vector_store %arg29[%swap3A_335, %swap3A_336], %mul3A_334 {strides = array<i32>} : memref<80x128xf32, #tpu.memory_space<vmem>>, vector<16xf32>,
        %get3A_338 = arith.index_cast %add3A_314 : i32 to index
        %get3A_339 = arith.constant 16 : index
        %get3A_340 = tpu.vector_load %arg29[%get3A_338, %get3A_339] {strides = array<i32>} : memref<80x128xf32, #tpu.memory_space<vmem>>, vector<16xf32>,
        %mul3A_341 = arith.mulf %get3A_340, %gather3A_321 : vector<16xf32>
        %swap3A_342 = arith.index_cast %add3A_314 : i32 to index
        %swap3A_343 = arith.constant 16 : index
        %swap3A_344 = tpu.vector_load %arg29[%swap3A_342, %swap3A_343] {strides = array<i32>} : memref<80x128xf32, #tpu.memory_space<vmem>>, vector<16xf32>,
        tpu.vector_store %arg29[%swap3A_342, %swap3A_343], %mul3A_341 {strides = array<i32>} : memref<80x128xf32, #tpu.memory_space<vmem>>, vector<16xf32>,
        %get3A_345 = arith.index_cast %add3A_314 : i32 to index
        %get3A_346 = arith.constant 32 : index
        %get3A_347 = tpu.vector_load %arg29[%get3A_345, %get3A_346] {strides = array<i32>} : memref<80x128xf32, #tpu.memory_space<vmem>>, vector<16xf32>,
        %mul3A_348 = arith.mulf %get3A_347, %gather3A_321 : vector<16xf32>
        %swap3A_349 = arith.index_cast %add3A_314 : i32 to index
        %swap3A_350 = arith.constant 32 : index
        %swap3A_351 = tpu.vector_load %arg29[%swap3A_349, %swap3A_350] {strides = array<i32>} : memref<80x128xf32, #tpu.memory_space<vmem>>, vector<16xf32>,
        tpu.vector_store %arg29[%swap3A_349, %swap3A_350], %mul3A_348 {strides = array<i32>} : memref<80x128xf32, #tpu.memory_space<vmem>>, vector<16xf32>,
        %get3A_352 = arith.index_cast %add3A_314 : i32 to index
        %get3A_353 = arith.constant 48 : index
        %get3A_354 = tpu.vector_load %arg29[%get3A_352, %get3A_353] {strides = array<i32>} : memref<80x128xf32, #tpu.memory_space<vmem>>, vector<16xf32>,
        %mul3A_355 = arith.mulf %get3A_354, %gather3A_321 : vector<16xf32>
        %swap3A_356 = arith.index_cast %add3A_314 : i32 to index
        %swap3A_357 = arith.constant 48 : index
        %swap3A_358 = tpu.vector_load %arg29[%swap3A_356, %swap3A_357] {strides = array<i32>} : memref<80x128xf32, #tpu.memory_space<vmem>>, vector<16xf32>,
        tpu.vector_store %arg29[%swap3A_356, %swap3A_357], %mul3A_355 {strides = array<i32>} : memref<80x128xf32, #tpu.memory_space<vmem>>, vector<16xf32>,
        %get3A_359 = arith.index_cast %add3A_314 : i32 to index
        %get3A_360 = arith.constant 64 : index
        %get3A_361 = tpu.vector_load %arg29[%get3A_359, %get3A_360] {strides = array<i32>} : memref<80x128xf32, #tpu.memory_space<vmem>>, vector<16xf32>,
        %mul3A_362 = arith.mulf %get3A_361, %gather3A_330 : vector<16xf32>
        %swap3A_363 = arith.index_cast %add3A_314 : i32 to index
        %swap3A_364 = arith.constant 64 : index
        %swap3A_365 = tpu.vector_load %arg29[%swap3A_363, %swap3A_364] {strides = array<i32>} : memref<80x128xf32, #tpu.memory_space<vmem>>, vector<16xf32>,
        tpu.vector_store %arg29[%swap3A_363, %swap3A_364], %mul3A_362 {strides = array<i32>} : memref<80x128xf32, #tpu.memory_space<vmem>>, vector<16xf32>,
        %get3A_366 = arith.index_cast %add3A_314 : i32 to index
        %get3A_367 = arith.constant 80 : index
        %get3A_368 = tpu.vector_load %arg29[%get3A_366, %get3A_367] {strides = array<i32>} : memref<80x128xf32, #tpu.memory_space<vmem>>, vector<16xf32>,
        %mul3A_369 = arith.mulf %get3A_368, %gather3A_330 : vector<16xf32>
        %swap3A_370 = arith.index_cast %add3A_314 : i32 to index
        %swap3A_371 = arith.constant 80 : index
        %swap3A_372 = tpu.vector_load %arg29[%swap3A_370, %swap3A_371] {strides = array<i32>} : memref<80x128xf32, #tpu.memory_space<vmem>>, vector<16xf32>,
        tpu.vector_store %arg29[%swap3A_370, %swap3A_371], %mul3A_369 {strides = array<i32>} : memref<80x128xf32, #tpu.memory_space<vmem>>, vector<16xf32>,
        %get3A_373 = arith.index_cast %add3A_314 : i32 to index
        %get3A_374 = arith.constant 96 : index
        %get3A_375 = tpu.vector_load %arg29[%get3A_373, %get3A_374] {strides = array<i32>} : memref<80x128xf32, #tpu.memory_space<vmem>>, vector<16xf32>,
        %mul3A_376 = arith.mulf %get3A_375, %gather3A_330 : vector<16xf32>
        %swap3A_377 = arith.index_cast %add3A_314 : i32 to index
        %swap3A_378 = arith.constant 96 : index
        %swap3A_379 = tpu.vector_load %arg29[%swap3A_377, %swap3A_378] {strides = array<i32>} : memref<80x128xf32, #tpu.memory_space<vmem>>, vector<16xf32>,
        tpu.vector_store %arg29[%swap3A_377, %swap3A_378], %mul3A_376 {strides = array<i32>} : memref<80x128xf32, #tpu.memory_space<vmem>>, vector<16xf32>,
        %get3A_380 = arith.index_cast %add3A_314 : i32 to index
        %get3A_381 = arith.constant 112 : index
        %get3A_382 = tpu.vector_load %arg29[%get3A_380, %get3A_381] {strides = array<i32>} : memref<80x128xf32, #tpu.memory_space<vmem>>, vector<16xf32>,
        %mul3A_383 = arith.mulf %get3A_382, %gather3A_330 : vector<16xf32>
        %swap3A_384 = arith.index_cast %add3A_314 : i32 to index
        %swap3A_385 = arith.constant 112 : index
        %swap3A_386 = tpu.vector_load %arg29[%swap3A_384, %swap3A_385] {strides = array<i32>} : memref<80x128xf32, #tpu.memory_space<vmem>>, vector<16xf32>,
        tpu.vector_store %arg29[%swap3A_384, %swap3A_385], %mul3A_383 {strides = array<i32>} : memref<80x128xf32, #tpu.memory_space<vmem>>, vector<16xf32>,
      }
      %scan3A_221 = arith.constant 40 : i32
      %dma_start3A_222 = arith.constant 0 : i32
      %dma_start3A_223 = arith.constant 0 : i32
      %dma_start3A_224 = tpu.memref_slice %arg11[%dma_start3A_222, %dma_start3A_223] : memref<10112x128xf32, #tpu.memory_space<vmem_shared>> -> memref<10112x128xf32, #tpu.memory_space<vmem_shared>>
      tpu.enqueue_indirect_dma source(%arg29 : memref<80x128xf32, #tpu.memory_space<vmem>>) target(%dma_start3A_224 : memref<10112x128xf32, #tpu.memory_space<vmem_shared>>) offsets(%arg16 : memref<80xi32, #tpu.memory_space<vmem>>) semaphore(%arg38 : memref<!tpu.dma_semaphore, #tpu.memory_space<semaphore_mem>>) {add = true}
      %dma_wait3A_225 = arith.constant 0 : i32
      %dma_wait3A_226 = arith.constant 0 : i32
      %dma_wait3A_227 = tpu.memref_slice %arg11[%dma_wait3A_225, %dma_wait3A_226] : memref<10112x128xf32, #tpu.memory_space<vmem_shared>> -> memref<10112x128xf32, #tpu.memory_space<vmem_shared>>
      tpu.wait_indirect_dma semaphore(%arg37 : memref<!tpu.dma_semaphore, #tpu.memory_space<semaphore_mem>>) src(%arg28 : memref<80x128xf32, #tpu.memory_space<vmem>>) dst(%dma_wait3A_227 : memref<10112x128xf32, #tpu.memory_space<vmem_shared>>)
      %dma_wait3A_228 = arith.constant 0 : i32
      %dma_wait3A_229 = arith.constant 0 : i32
      %dma_wait3A_230 = tpu.memref_slice %arg11[%dma_wait3A_228, %dma_wait3A_229] : memref<10112x128xf32, #tpu.memory_space<vmem_shared>> -> memref<10112x128xf32, #tpu.memory_space<vmem_shared>>
      tpu.wait_indirect_dma semaphore(%arg38 : memref<!tpu.dma_semaphore, #tpu.memory_space<semaphore_mem>>) src(%arg29 : memref<80x128xf32, #tpu.memory_space<vmem>>) dst(%dma_wait3A_230 : memref<10112x128xf32, #tpu.memory_space<vmem_shared>>)
      %dma_wait3A_231 = arith.constant 0 : i32
      %dma_wait3A_232 = arith.constant 0 : i32
      %dma_wait3A_233 = tpu.memref_slice %arg11[%dma_wait3A_231, %dma_wait3A_232] : memref<10112x128xf32, #tpu.memory_space<vmem_shared>> -> memref<10112x128xf32, #tpu.memory_space<vmem_shared>>
      tpu.wait_indirect_dma semaphore(%arg39 : memref<!tpu.dma_semaphore, #tpu.memory_space<semaphore_mem>>) src(%arg30 : memref<80x128xf32, #tpu.memory_space<vmem>>) dst(%dma_wait3A_233 : memref<10112x128xf32, #tpu.memory_space<vmem_shared>>)
      %barrier3A_234 = arith.constant 0 : index
      tpu.barrier barrier_id(%barrier3A_234)
      %mul3A_235 = arith.constant 128 : i32
      %mul3A_236 = arith.muli %add3A_51, %mul3A_235 : i32
      "tpu.region"() ({
        %run_scoped3A = tpu.sem_alloc : memref<!tpu.dma_semaphore, #tpu.memory_space<semaphore_mem>>
        %dma_start3A_238 = arith.constant 0 : i32
        %dma_start3A_239 = arith.constant 0 : i32
        %dma_start3A_240 = tpu.memref_slice %arg8[%arg0, %dma_start3A_238, %dma_start3A_239] : memref<2x10112x512xf32, #tpu.memory_space<hbm>> -> memref<1x10112x512xf32, #tpu.memory_space<hbm>>
        %dma_start3A_241 = tpu.memref_squeeze %dma_start3A_240 : memref<1x10112x512xf32, #tpu.memory_space<hbm>> -> memref<10112x512xf32, #tpu.memory_space<hbm>>
        %dma_start3A_242 = tpu.memref_slice %dma_start3A_241[%multiple_of3A, %mul3A_236] : memref<10112x512xf32, #tpu.memory_space<hbm>> -> memref<632x128xf32, #tpu.memory_space<hbm>>
        %dma_start3A_243 = arith.constant 0 : i32
        %dma_start3A_244 = tpu.memref_slice %arg11[%multiple_of3A, %dma_start3A_243] : memref<10112x128xf32, #tpu.memory_space<vmem_shared>> -> memref<632x128xf32, #tpu.memory_space<vmem_shared>>
        tpu.enqueue_dma source(%dma_start3A_244 : memref<632x128xf32, #tpu.memory_space<vmem_shared>>) target(%dma_start3A_242 : memref<632x128xf32, #tpu.memory_space<hbm>>) target_semaphore(%run_scoped3A : memref<!tpu.dma_semaphore, #tpu.memory_space<semaphore_mem>>)
        %dma_wait3A_245 = arith.constant 0 : i32
        %dma_wait3A_246 = arith.constant 0 : i32
        %dma_wait3A_247 = tpu.memref_slice %arg8[%arg0, %dma_wait3A_245, %dma_wait3A_246] : memref<2x10112x512xf32, #tpu.memory_space<hbm>> -> memref<1x10112x512xf32, #tpu.memory_space<hbm>>
        %dma_wait3A_248 = tpu.memref_squeeze %dma_wait3A_247 : memref<1x10112x512xf32, #tpu.memory_space<hbm>> -> memref<10112x512xf32, #tpu.memory_space<hbm>>
        %dma_wait3A_249 = tpu.memref_slice %dma_wait3A_248[%multiple_of3A, %mul3A_236] : memref<10112x512xf32, #tpu.memory_space<hbm>> -> memref<632x128xf32, #tpu.memory_space<hbm>>
        %dma_wait3A_250 = arith.constant 0 : i32
        %dma_wait3A_251 = tpu.memref_slice %arg11[%multiple_of3A, %dma_wait3A_250] : memref<10112x128xf32, #tpu.memory_space<vmem_shared>> -> memref<632x128xf32, #tpu.memory_space<vmem_shared>>
        tpu.wait_dma2 semaphore(%run_scoped3A : memref<!tpu.dma_semaphore, #tpu.memory_space<semaphore_mem>>) src(%dma_wait3A_251 : memref<632x128xf32, #tpu.memory_space<vmem_shared>>) dst(%dma_wait3A_249 : memref<632x128xf32, #tpu.memory_space<hbm>>)
        tpu.yield
      }) : () -> ()
      %barrier3A_237 = arith.constant 0 : index
      tpu.barrier barrier_id(%barrier3A_237)
    }
    %scan3A_47 = arith.constant 4 : i32
    return
  }
}

module attributes {stable_mosaic.version = 14 : i64} {
  func.func @_tc1_body(%arg0: i32, %arg1: memref<1000x256xf32, #tpu.memory_space<vmem>>, %arg2: memref<256x512xf32, #tpu.memory_space<vmem>>, %arg3: memref<8x64xf32, #tpu.memory_space<vmem>>, %arg4: memref<8x64xf32, #tpu.memory_space<vmem>>, %arg5: memref<256x512xf32, #tpu.memory_space<vmem>>, %arg6: memref<8x64xf32, #tpu.memory_space<vmem>>, %arg7: memref<8x64xf32, #tpu.memory_space<vmem>>, %arg8: memref<2x1000x512xf32, #tpu.memory_space<vmem>>, %arg9: memref<2x1000x16xf32, #tpu.memory_space<vmem>>, %arg10: memref<2x1000x16xf32, #tpu.memory_space<vmem>>) attributes {dimension_semantics = [#tpu.dimension_semantics<arbitrary>], iteration_bounds = array<i64: 10>, scalar_prefetch = 0 : i64, scratch_operands = 0 : i64, tpu.core_type = #tpu.core_type<tc>, window_params = [{transform_indices = @transform_0, window_bounds = array<i64: 1000, 256>}, {pipeline_mode = #tpu.pipeline_mode<synchronous>, transform_indices = @transform_1, window_bounds = array<i64: 256, 512>}, {pipeline_mode = #tpu.pipeline_mode<synchronous>, transform_indices = @transform_2, window_bounds = array<i64: 8, 64>}, {pipeline_mode = #tpu.pipeline_mode<synchronous>, transform_indices = @transform_3, window_bounds = array<i64: 8, 64>}, {pipeline_mode = #tpu.pipeline_mode<synchronous>, transform_indices = @transform_4, window_bounds = array<i64: 256, 512>}, {pipeline_mode = #tpu.pipeline_mode<synchronous>, transform_indices = @transform_5, window_bounds = array<i64: 8, 64>}, {pipeline_mode = #tpu.pipeline_mode<synchronous>, transform_indices = @transform_6, window_bounds = array<i64: 8, 64>}, {transform_indices = @transform_7, window_bounds = array<i64: 2, 1000, 512>}, {transform_indices = @transform_8, window_bounds = array<i64: 2, 1000, 16>}, {transform_indices = @transform_9, window_bounds = array<i64: 2, 1000, 16>}]} {
    %get3A = arith.constant 0 : index
    %get3A_0 = arith.constant 0 : index
    %get3A_1 = vector.load %arg1[%get3A, %get3A_0] : memref<1000x256xf32, #tpu.memory_space<vmem>>, vector<1000x256xf32>
    %get3A_2 = arith.constant 0 : index
    %get3A_3 = arith.constant 0 : index
    %get3A_4 = vector.load %arg2[%get3A_2, %get3A_3] : memref<256x512xf32, #tpu.memory_space<vmem>>, vector<256x512xf32>
    %dot_general3A = arith.constant dense<0.000000e+00> : vector<1000x512xf32>
    %dot_general3A_5 = tpu.matmul %get3A_1, %get3A_4, %dot_general3A {dimension_numbers = #tpu.dot_dimension_numbers<[1], [0], [0], [1], [0, 0, 1, 1], [], []>, transpose_lhs_hint = false} : vector<1000x256xf32>, vector<256x512xf32>, vector<1000x512xf32> -> vector<1000x512xf32>
    %swap3A = arith.constant 0 : index
    %swap3A_6 = arith.constant 0 : index
    %swap3A_7 = arith.constant 0 : index
    %swap3A_8 = vector.load %arg8[%swap3A, %swap3A_6, %swap3A_7] : memref<2x1000x512xf32, #tpu.memory_space<vmem>>, vector<1x1000x512xf32>
    %swap3A_9 = vector.shape_cast %swap3A_8 : vector<1x1000x512xf32> to vector<1000x512xf32>
    %swap3A_10 = vector.shape_cast %dot_general3A_5 : vector<1000x512xf32> to vector<1x1000x512xf32>
    tpu.vector_store %arg8[%swap3A, %swap3A_6, %swap3A_7], %swap3A_10 {strides = array<i32>} : memref<2x1000x512xf32, #tpu.memory_space<vmem>>, vector<1x1000x512xf32>,
    %reshape3A = vector.shape_cast %dot_general3A_5 : vector<1000x512xf32> to vector<1000x8x64xf32>
    %get3A_11 = arith.constant 0 : index
    %get3A_12 = arith.constant 0 : index
    %get3A_13 = vector.load %arg3[%get3A_11, %get3A_12] : memref<8x64xf32, #tpu.memory_space<vmem>>, vector<8x64xf32>
    %broadcast_in_dim3A = vector.shape_cast %get3A_13 : vector<8x64xf32> to vector<1x8x64xf32>
    %mul3A = vector.broadcast %broadcast_in_dim3A : vector<1x8x64xf32> to vector<1000x8x64xf32>
    %mul3A_14 = arith.mulf %reshape3A, %mul3A : vector<1000x8x64xf32>
    %reduce_sum3A = arith.constant dense<0.000000e+00> : vector<1000x8xf32>
    %reduce_sum3A_15 = vector.multi_reduction <add>, %mul3A_14, %reduce_sum3A [2] : vector<1000x8x64xf32> to vector<1000x8xf32>
    %get3A_16 = arith.constant 0 : index
    %get3A_17 = arith.constant 0 : index
    %get3A_18 = vector.load %arg4[%get3A_16, %get3A_17] : memref<8x64xf32, #tpu.memory_space<vmem>>, vector<8x64xf32>
    %broadcast_in_dim3A_19 = vector.shape_cast %get3A_18 : vector<8x64xf32> to vector<1x8x64xf32>
    %mul3A_20 = vector.broadcast %broadcast_in_dim3A_19 : vector<1x8x64xf32> to vector<1000x8x64xf32>
    %mul3A_21 = arith.mulf %reshape3A, %mul3A_20 : vector<1000x8x64xf32>
    %reduce_sum3A_22 = arith.constant dense<0.000000e+00> : vector<1000x8xf32>
    %reduce_sum3A_23 = vector.multi_reduction <add>, %mul3A_21, %reduce_sum3A_22 [2] : vector<1000x8x64xf32> to vector<1000x8xf32>
    %concatenate3A = tpu.concatenate %reduce_sum3A_15, %reduce_sum3A_15 in 1 : vector<1000x8xf32>, vector<1000x8xf32> -> vector<1000x16xf32>
    %swap3A_24 = arith.constant 0 : index
    %swap3A_25 = arith.constant 0 : index
    %swap3A_26 = arith.constant 0 : index
    %swap3A_27 = vector.load %arg9[%swap3A_24, %swap3A_25, %swap3A_26] : memref<2x1000x16xf32, #tpu.memory_space<vmem>>, vector<1x1000x16xf32>
    %swap3A_28 = vector.shape_cast %swap3A_27 : vector<1x1000x16xf32> to vector<1000x16xf32>
    %swap3A_29 = vector.shape_cast %concatenate3A : vector<1000x16xf32> to vector<1x1000x16xf32>
    tpu.vector_store %arg9[%swap3A_24, %swap3A_25, %swap3A_26], %swap3A_29 {strides = array<i32>} : memref<2x1000x16xf32, #tpu.memory_space<vmem>>, vector<1x1000x16xf32>,
    %concatenate3A_30 = tpu.concatenate %reduce_sum3A_23, %reduce_sum3A_23 in 1 : vector<1000x8xf32>, vector<1000x8xf32> -> vector<1000x16xf32>
    %swap3A_31 = arith.constant 0 : index
    %swap3A_32 = arith.constant 0 : index
    %swap3A_33 = arith.constant 0 : index
    %swap3A_34 = vector.load %arg10[%swap3A_31, %swap3A_32, %swap3A_33] : memref<2x1000x16xf32, #tpu.memory_space<vmem>>, vector<1x1000x16xf32>
    %swap3A_35 = vector.shape_cast %swap3A_34 : vector<1x1000x16xf32> to vector<1000x16xf32>
    %swap3A_36 = vector.shape_cast %concatenate3A_30 : vector<1000x16xf32> to vector<1x1000x16xf32>
    tpu.vector_store %arg10[%swap3A_31, %swap3A_32, %swap3A_33], %swap3A_36 {strides = array<i32>} : memref<2x1000x16xf32, #tpu.memory_space<vmem>>, vector<1x1000x16xf32>,
    %get3A_37 = arith.constant 0 : index
    %get3A_38 = arith.constant 0 : index
    %get3A_39 = vector.load %arg5[%get3A_37, %get3A_38] : memref<256x512xf32, #tpu.memory_space<vmem>>, vector<256x512xf32>
    %dot_general3A_40 = arith.constant dense<0.000000e+00> : vector<1000x512xf32>
    %dot_general3A_41 = tpu.matmul %get3A_1, %get3A_39, %dot_general3A_40 {dimension_numbers = #tpu.dot_dimension_numbers<[1], [0], [0], [1], [0, 0, 1, 1], [], []>, transpose_lhs_hint = false} : vector<1000x256xf32>, vector<256x512xf32>, vector<1000x512xf32> -> vector<1000x512xf32>
    %swap3A_42 = arith.constant 1 : index
    %swap3A_43 = arith.constant 0 : index
    %swap3A_44 = arith.constant 0 : index
    %swap3A_45 = vector.load %arg8[%swap3A_42, %swap3A_43, %swap3A_44] : memref<2x1000x512xf32, #tpu.memory_space<vmem>>, vector<1x1000x512xf32>
    %swap3A_46 = vector.shape_cast %swap3A_45 : vector<1x1000x512xf32> to vector<1000x512xf32>
    %swap3A_47 = vector.shape_cast %dot_general3A_41 : vector<1000x512xf32> to vector<1x1000x512xf32>
    tpu.vector_store %arg8[%swap3A_42, %swap3A_43, %swap3A_44], %swap3A_47 {strides = array<i32>} : memref<2x1000x512xf32, #tpu.memory_space<vmem>>, vector<1x1000x512xf32>,
    %reshape3A_48 = vector.shape_cast %dot_general3A_41 : vector<1000x512xf32> to vector<1000x8x64xf32>
    %get3A_49 = arith.constant 0 : index
    %get3A_50 = arith.constant 0 : index
    %get3A_51 = vector.load %arg6[%get3A_49, %get3A_50] : memref<8x64xf32, #tpu.memory_space<vmem>>, vector<8x64xf32>
    %broadcast_in_dim3A_52 = vector.shape_cast %get3A_51 : vector<8x64xf32> to vector<1x8x64xf32>
    %mul3A_53 = vector.broadcast %broadcast_in_dim3A_52 : vector<1x8x64xf32> to vector<1000x8x64xf32>
    %mul3A_54 = arith.mulf %reshape3A_48, %mul3A_53 : vector<1000x8x64xf32>
    %reduce_sum3A_55 = arith.constant dense<0.000000e+00> : vector<1000x8xf32>
    %reduce_sum3A_56 = vector.multi_reduction <add>, %mul3A_54, %reduce_sum3A_55 [2] : vector<1000x8x64xf32> to vector<1000x8xf32>
    %get3A_57 = arith.constant 0 : index
    %get3A_58 = arith.constant 0 : index
    %get3A_59 = vector.load %arg7[%get3A_57, %get3A_58] : memref<8x64xf32, #tpu.memory_space<vmem>>, vector<8x64xf32>
    %broadcast_in_dim3A_60 = vector.shape_cast %get3A_59 : vector<8x64xf32> to vector<1x8x64xf32>
    %mul3A_61 = vector.broadcast %broadcast_in_dim3A_60 : vector<1x8x64xf32> to vector<1000x8x64xf32>
    %mul3A_62 = arith.mulf %reshape3A_48, %mul3A_61 : vector<1000x8x64xf32>
    %reduce_sum3A_63 = arith.constant dense<0.000000e+00> : vector<1000x8xf32>
    %reduce_sum3A_64 = vector.multi_reduction <add>, %mul3A_62, %reduce_sum3A_63 [2] : vector<1000x8x64xf32> to vector<1000x8xf32>
    %concatenate3A_65 = tpu.concatenate %reduce_sum3A_56, %reduce_sum3A_56 in 1 : vector<1000x8xf32>, vector<1000x8xf32> -> vector<1000x16xf32>
    %swap3A_66 = arith.constant 1 : index
    %swap3A_67 = arith.constant 0 : index
    %swap3A_68 = arith.constant 0 : index
    %swap3A_69 = vector.load %arg9[%swap3A_66, %swap3A_67, %swap3A_68] : memref<2x1000x16xf32, #tpu.memory_space<vmem>>, vector<1x1000x16xf32>
    %swap3A_70 = vector.shape_cast %swap3A_69 : vector<1x1000x16xf32> to vector<1000x16xf32>
    %swap3A_71 = vector.shape_cast %concatenate3A_65 : vector<1000x16xf32> to vector<1x1000x16xf32>
    tpu.vector_store %arg9[%swap3A_66, %swap3A_67, %swap3A_68], %swap3A_71 {strides = array<i32>} : memref<2x1000x16xf32, #tpu.memory_space<vmem>>, vector<1x1000x16xf32>,
    %concatenate3A_72 = tpu.concatenate %reduce_sum3A_64, %reduce_sum3A_64 in 1 : vector<1000x8xf32>, vector<1000x8xf32> -> vector<1000x16xf32>
    %swap3A_73 = arith.constant 1 : index
    %swap3A_74 = arith.constant 0 : index
    %swap3A_75 = arith.constant 0 : index
    %swap3A_76 = vector.load %arg10[%swap3A_73, %swap3A_74, %swap3A_75] : memref<2x1000x16xf32, #tpu.memory_space<vmem>>, vector<1x1000x16xf32>
    %swap3A_77 = vector.shape_cast %swap3A_76 : vector<1x1000x16xf32> to vector<1000x16xf32>
    %swap3A_78 = vector.shape_cast %concatenate3A_72 : vector<1000x16xf32> to vector<1x1000x16xf32>
    tpu.vector_store %arg10[%swap3A_73, %swap3A_74, %swap3A_75], %swap3A_78 {strides = array<i32>} : memref<2x1000x16xf32, #tpu.memory_space<vmem>>, vector<1x1000x16xf32>,
    return
  }
  func.func @transform_0(%arg0: i32) -> (i32, i32) {
    %c0_i32 = arith.constant 0 : i32
    %c0_i32_0 = arith.constant 0 : i32
    return %arg0, %c0_i32 : i32, i32
  }
  func.func @transform_1(%arg0: i32) -> (i32, i32) {
    %c0_i32 = arith.constant 0 : i32
    %c0_i32_0 = arith.constant 0 : i32
    %c0_i32_1 = arith.constant 0 : i32
    return %c0_i32, %c0_i32_0 : i32, i32
  }
  func.func @transform_2(%arg0: i32) -> (i32, i32) {
    %c0_i32 = arith.constant 0 : i32
    %c0_i32_0 = arith.constant 0 : i32
    %c0_i32_1 = arith.constant 0 : i32
    return %c0_i32, %c0_i32_0 : i32, i32
  }
  func.func @transform_3(%arg0: i32) -> (i32, i32) {
    %c0_i32 = arith.constant 0 : i32
    %c0_i32_0 = arith.constant 0 : i32
    %c0_i32_1 = arith.constant 0 : i32
    return %c0_i32, %c0_i32_0 : i32, i32
  }
  func.func @transform_4(%arg0: i32) -> (i32, i32) {
    %c0_i32 = arith.constant 0 : i32
    %c0_i32_0 = arith.constant 0 : i32
    %c0_i32_1 = arith.constant 0 : i32
    return %c0_i32, %c0_i32_0 : i32, i32
  }
  func.func @transform_5(%arg0: i32) -> (i32, i32) {
    %c0_i32 = arith.constant 0 : i32
    %c0_i32_0 = arith.constant 0 : i32
    %c0_i32_1 = arith.constant 0 : i32
    return %c0_i32, %c0_i32_0 : i32, i32
  }
  func.func @transform_6(%arg0: i32) -> (i32, i32) {
    %c0_i32 = arith.constant 0 : i32
    %c0_i32_0 = arith.constant 0 : i32
    %c0_i32_1 = arith.constant 0 : i32
    return %c0_i32, %c0_i32_0 : i32, i32
  }
  func.func @transform_7(%arg0: i32) -> (i32, i32, i32) {
    %c0_i32 = arith.constant 0 : i32
    %c0_i32_0 = arith.constant 0 : i32
    %c0_i32_1 = arith.constant 0 : i32
    return %c0_i32, %arg0, %c0_i32_0 : i32, i32, i32
  }
  func.func @transform_8(%arg0: i32) -> (i32, i32, i32) {
    %c0_i32 = arith.constant 0 : i32
    %c0_i32_0 = arith.constant 0 : i32
    %c0_i32_1 = arith.constant 0 : i32
    return %c0_i32, %arg0, %c0_i32_0 : i32, i32, i32
  }
  func.func @transform_9(%arg0: i32) -> (i32, i32, i32) {
    %c0_i32 = arith.constant 0 : i32
    %c0_i32_0 = arith.constant 0 : i32
    %c0_i32_1 = arith.constant 0 : i32
    return %c0_i32, %arg0, %c0_i32_0 : i32, i32, i32
  }
}

module attributes {stable_mosaic.version = 14 : i64} {
  func.func @_tc2a_body(%arg0: i32, %arg1: memref<1x1000x512xf32, #tpu.memory_space<vmem>>, %arg2: memref<1x1000x512xf32, #tpu.memory_space<vmem>>, %arg3: memref<1x1000x16xf32, #tpu.memory_space<vmem>>, %arg4: memref<1x1000x16xf32, #tpu.memory_space<vmem>>, %arg5: memref<512x128xf32, #tpu.memory_space<vmem>>, %arg6: memref<128xf32, #tpu.memory_space<vmem>>, %arg7: memref<128x1xf32, #tpu.memory_space<vmem>>, %arg8: memref<1000x512xf32, #tpu.memory_space<vmem>>, %arg9: memref<1000x512xf32, #tpu.memory_space<vmem>>, %arg10: memref<1x8xf32, #tpu.memory_space<vmem>>) attributes {dimension_semantics = [#tpu.dimension_semantics<arbitrary>], iteration_bounds = array<i64: 10>, scalar_prefetch = 0 : i64, scratch_operands = 0 : i64, tpu.core_type = #tpu.core_type<tc>, window_params = [{transform_indices = @transform_0, window_bounds = array<i64: 1, 1000, 512>}, {transform_indices = @transform_1, window_bounds = array<i64: 1, 1000, 512>}, {transform_indices = @transform_2, window_bounds = array<i64: 1, 1000, 16>}, {transform_indices = @transform_3, window_bounds = array<i64: 1, 1000, 16>}, {pipeline_mode = #tpu.pipeline_mode<synchronous>, transform_indices = @transform_4, window_bounds = array<i64: 512, 128>}, {pipeline_mode = #tpu.pipeline_mode<synchronous>, transform_indices = @transform_5, window_bounds = array<i64: 128>}, {pipeline_mode = #tpu.pipeline_mode<synchronous>, transform_indices = @transform_6, window_bounds = array<i64: 128, 1>}, {transform_indices = @transform_7, window_bounds = array<i64: 1000, 512>}, {transform_indices = @transform_8, window_bounds = array<i64: 1000, 512>}, {pipeline_mode = #tpu.pipeline_mode<synchronous>, transform_indices = @transform_9, window_bounds = array<i64: 1, 8>}]} {
    %iota3A = tpu.iota {dimensions = array<i32: 1>} : vector<1x8xi32>
    %eq3A = arith.constant 0 : i32
    %eq3A_0 = arith.cmpi eq, %arg0, %eq3A : i32
    %convert_element_type3A = arith.extui %eq3A_0 : i1 to i32
    %cond3A = arith.constant 0 : i32
    %cond3A_1 = arith.cmpi ne, %convert_element_type3A, %cond3A : i32
    scf.if %cond3A_1 {
      %broadcast_in_dim3A_119 = arith.constant 0.000000e+00 : f32
      %broadcast_in_dim3A_120 = vector.broadcast %broadcast_in_dim3A_119 : f32 to vector<1x8xf32>
      %swap3A_121 = arith.constant 0 : index
      %swap3A_122 = arith.constant 0 : index
      %swap3A_123 = vector.load %arg10[%swap3A_121, %swap3A_122] : memref<1x8xf32, #tpu.memory_space<vmem>>, vector<1x8xf32>
      tpu.vector_store %arg10[%swap3A_121, %swap3A_122], %broadcast_in_dim3A_120 {strides = array<i32>} : memref<1x8xf32, #tpu.memory_space<vmem>>, vector<1x8xf32>,
    } else {
    }
    %get3A = arith.constant 0 : index
    %get3A_2 = arith.constant 0 : index
    %get3A_3 = arith.constant 0 : index
    %get3A_4 = vector.load %arg3[%get3A, %get3A_2, %get3A_3] : memref<1x1000x16xf32, #tpu.memory_space<vmem>>, vector<1x1000x16xf32>
    %squeeze3A = vector.shape_cast %get3A_4 : vector<1x1000x16xf32> to vector<1000x16xf32>
    %slice3A = vector.extract_strided_slice %squeeze3A {offsets = [0, 0], sizes = [1000, 8], strides = [1, 1]} : vector<1000x16xf32> to vector<1000x8xf32>
    %max3A = arith.constant 9.99999971E-10 : f32
    %max3A_5 = vector.broadcast %max3A : f32 to vector<1000x8xf32>
    %max3A_6 = arith.maximumf %slice3A, %max3A_5 : vector<1000x8xf32>
    %div3A = arith.constant 1.000000e+00 : f32
    %div3A_7 = vector.broadcast %div3A : f32 to vector<1000x8xf32>
    %div3A_8 = arith.divf %div3A_7, %max3A_6 : vector<1000x8xf32>
    %broadcast_in_dim3A = vector.shape_cast %div3A_8 : vector<1000x8xf32> to vector<1000x8x1xf32>
    %broadcast_in_dim3A_9 = vector.shape_cast %broadcast_in_dim3A : vector<1000x8x1xf32> to vector<1000x8x1xf32>
    %broadcast_in_dim3A_10 = vector.broadcast %broadcast_in_dim3A_9 : vector<1000x8x1xf32> to vector<1000x8x64xf32>
    %reshape3A = vector.shape_cast %broadcast_in_dim3A_10 : vector<1000x8x64xf32> to vector<1000x512xf32>
    %get3A_11 = arith.constant 0 : index
    %get3A_12 = arith.constant 0 : index
    %get3A_13 = arith.constant 0 : index
    %get3A_14 = vector.load %arg1[%get3A_11, %get3A_12, %get3A_13] : memref<1x1000x512xf32, #tpu.memory_space<vmem>>, vector<1x1000x512xf32>
    %squeeze3A_15 = vector.shape_cast %get3A_14 : vector<1x1000x512xf32> to vector<1000x512xf32>
    %mul3A = arith.mulf %squeeze3A_15, %reshape3A : vector<1000x512xf32>
    %gt3A = arith.constant 0.000000e+00 : f32
    %gt3A_16 = vector.broadcast %gt3A : f32 to vector<1000x512xf32>
    %gt3A_17 = arith.cmpf ogt, %mul3A, %gt3A_16 : vector<1000x512xf32>
    %min3A = arith.constant 0.000000e+00 : f32
    %min3A_18 = vector.broadcast %min3A : f32 to vector<1000x512xf32>
    %min3A_19 = arith.minimumf %mul3A, %min3A_18 : vector<1000x512xf32>
    %exp3A = math.exp %min3A_19 : vector<1000x512xf32>
    %sub3A = arith.constant 1.000000e+00 : f32
    %sub3A_20 = vector.broadcast %sub3A : f32 to vector<1000x512xf32>
    %sub3A_21 = arith.subf %exp3A, %sub3A_20 : vector<1000x512xf32>
    %select_n3A = arith.select %gt3A_17, %mul3A, %sub3A_21 : vector<1000x512xi1>, vector<1000x512xf32>
    %swap3A = arith.constant 0 : index
    %swap3A_22 = arith.constant 0 : index
    %swap3A_23 = vector.load %arg8[%swap3A, %swap3A_22] : memref<1000x512xf32, #tpu.memory_space<vmem>>, vector<1000x512xf32>
    tpu.vector_store %arg8[%swap3A, %swap3A_22], %select_n3A {strides = array<i32>} : memref<1000x512xf32, #tpu.memory_space<vmem>>, vector<1000x512xf32>,
    %get3A_24 = arith.constant 0 : index
    %get3A_25 = arith.constant 0 : index
    %get3A_26 = vector.load %arg5[%get3A_24, %get3A_25] : memref<512x128xf32, #tpu.memory_space<vmem>>, vector<512x128xf32>
    %dot_general3A = arith.constant dense<0.000000e+00> : vector<1000x128xf32>
    %dot_general3A_27 = tpu.matmul %select_n3A, %get3A_26, %dot_general3A {dimension_numbers = #tpu.dot_dimension_numbers<[1], [0], [0], [1], [0, 0, 1, 1], [], []>, transpose_lhs_hint = false} : vector<1000x512xf32>, vector<512x128xf32>, vector<1000x128xf32> -> vector<1000x128xf32>
    %get3A_28 = arith.constant 0 : index
    %get3A_29 = vector.load %arg6[%get3A_28] : memref<128xf32, #tpu.memory_space<vmem>>, vector<128xf32>
    %broadcast_in_dim3A_30 = vector.shape_cast %get3A_29 : vector<128xf32> to vector<1x128xf32>
    %add3A = vector.broadcast %broadcast_in_dim3A_30 : vector<1x128xf32> to vector<1000x128xf32>
    %add3A_31 = arith.addf %dot_general3A_27, %add3A : vector<1000x128xf32>
    %tanh3A = math.tanh %add3A_31 : vector<1000x128xf32>
    %get3A_32 = arith.constant 0 : index
    %get3A_33 = arith.constant 0 : index
    %get3A_34 = vector.load %arg7[%get3A_32, %get3A_33] : memref<128x1xf32, #tpu.memory_space<vmem>>, vector<128x1xf32>
    %dot_general3A_35 = arith.constant dense<0.000000e+00> : vector<1000x1xf32>
    %dot_general3A_36 = tpu.matmul %tanh3A, %get3A_34, %dot_general3A_35 {dimension_numbers = #tpu.dot_dimension_numbers<[1], [0], [0], [1], [0, 0, 1, 1], [], []>, transpose_lhs_hint = false} : vector<1000x128xf32>, vector<128x1xf32>, vector<1000x1xf32> -> vector<1000x1xf32>
    %reduce_sum3A = vector.shape_cast %dot_general3A_36 : vector<1000x1xf32> to vector<1x1000x1xf32>
    %reduce_sum3A_37 = arith.constant dense<0.000000e+00> : vector<1xf32>
    %reduce_sum3A_38 = vector.multi_reduction <add>, %reduce_sum3A, %reduce_sum3A_37 [1, 2] : vector<1x1000x1xf32> to vector<1xf32>
    %reduce_sum3A_39 = vector.shape_cast %reduce_sum3A_38 : vector<1xf32> to vector<1x1x1xf32>
    %reduce_sum3A_40 = vector.extract %reduce_sum3A_39[0, 0, 0] : f32 from vector<1x1x1xf32>
    %get3A_41 = arith.constant 0 : index
    %get3A_42 = arith.constant 0 : index
    %get3A_43 = arith.constant 0 : index
    %get3A_44 = vector.load %arg4[%get3A_41, %get3A_42, %get3A_43] : memref<1x1000x16xf32, #tpu.memory_space<vmem>>, vector<1x1000x16xf32>
    %squeeze3A_45 = vector.shape_cast %get3A_44 : vector<1x1000x16xf32> to vector<1000x16xf32>
    %slice3A_46 = vector.extract_strided_slice %squeeze3A_45 {offsets = [0, 0], sizes = [1000, 8], strides = [1, 1]} : vector<1000x16xf32> to vector<1000x8xf32>
    %max3A_47 = arith.constant 9.99999971E-10 : f32
    %max3A_48 = vector.broadcast %max3A_47 : f32 to vector<1000x8xf32>
    %max3A_49 = arith.maximumf %slice3A_46, %max3A_48 : vector<1000x8xf32>
    %div3A_50 = arith.constant 1.000000e+00 : f32
    %div3A_51 = vector.broadcast %div3A_50 : f32 to vector<1000x8xf32>
    %div3A_52 = arith.divf %div3A_51, %max3A_49 : vector<1000x8xf32>
    %broadcast_in_dim3A_53 = vector.shape_cast %div3A_52 : vector<1000x8xf32> to vector<1000x8x1xf32>
    %broadcast_in_dim3A_54 = vector.shape_cast %broadcast_in_dim3A_53 : vector<1000x8x1xf32> to vector<1000x8x1xf32>
    %broadcast_in_dim3A_55 = vector.broadcast %broadcast_in_dim3A_54 : vector<1000x8x1xf32> to vector<1000x8x64xf32>
    %reshape3A_56 = vector.shape_cast %broadcast_in_dim3A_55 : vector<1000x8x64xf32> to vector<1000x512xf32>
    %get3A_57 = arith.constant 0 : index
    %get3A_58 = arith.constant 0 : index
    %get3A_59 = arith.constant 0 : index
    %get3A_60 = vector.load %arg2[%get3A_57, %get3A_58, %get3A_59] : memref<1x1000x512xf32, #tpu.memory_space<vmem>>, vector<1x1000x512xf32>
    %squeeze3A_61 = vector.shape_cast %get3A_60 : vector<1x1000x512xf32> to vector<1000x512xf32>
    %mul3A_62 = arith.mulf %squeeze3A_61, %reshape3A_56 : vector<1000x512xf32>
    %gt3A_63 = arith.constant 0.000000e+00 : f32
    %gt3A_64 = vector.broadcast %gt3A_63 : f32 to vector<1000x512xf32>
    %gt3A_65 = arith.cmpf ogt, %mul3A_62, %gt3A_64 : vector<1000x512xf32>
    %min3A_66 = arith.constant 0.000000e+00 : f32
    %min3A_67 = vector.broadcast %min3A_66 : f32 to vector<1000x512xf32>
    %min3A_68 = arith.minimumf %mul3A_62, %min3A_67 : vector<1000x512xf32>
    %exp3A_69 = math.exp %min3A_68 : vector<1000x512xf32>
    %sub3A_70 = arith.constant 1.000000e+00 : f32
    %sub3A_71 = vector.broadcast %sub3A_70 : f32 to vector<1000x512xf32>
    %sub3A_72 = arith.subf %exp3A_69, %sub3A_71 : vector<1000x512xf32>
    %select_n3A_73 = arith.select %gt3A_65, %mul3A_62, %sub3A_72 : vector<1000x512xi1>, vector<1000x512xf32>
    %swap3A_74 = arith.constant 0 : index
    %swap3A_75 = arith.constant 0 : index
    %swap3A_76 = vector.load %arg9[%swap3A_74, %swap3A_75] : memref<1000x512xf32, #tpu.memory_space<vmem>>, vector<1000x512xf32>
    tpu.vector_store %arg9[%swap3A_74, %swap3A_75], %select_n3A_73 {strides = array<i32>} : memref<1000x512xf32, #tpu.memory_space<vmem>>, vector<1000x512xf32>,
    %get3A_77 = arith.constant 0 : index
    %get3A_78 = arith.constant 0 : index
    %get3A_79 = vector.load %arg5[%get3A_77, %get3A_78] : memref<512x128xf32, #tpu.memory_space<vmem>>, vector<512x128xf32>
    %dot_general3A_80 = arith.constant dense<0.000000e+00> : vector<1000x128xf32>
    %dot_general3A_81 = tpu.matmul %select_n3A_73, %get3A_79, %dot_general3A_80 {dimension_numbers = #tpu.dot_dimension_numbers<[1], [0], [0], [1], [0, 0, 1, 1], [], []>, transpose_lhs_hint = false} : vector<1000x512xf32>, vector<512x128xf32>, vector<1000x128xf32> -> vector<1000x128xf32>
    %get3A_82 = arith.constant 0 : index
    %get3A_83 = vector.load %arg6[%get3A_82] : memref<128xf32, #tpu.memory_space<vmem>>, vector<128xf32>
    %broadcast_in_dim3A_84 = vector.shape_cast %get3A_83 : vector<128xf32> to vector<1x128xf32>
    %add3A_85 = vector.broadcast %broadcast_in_dim3A_84 : vector<1x128xf32> to vector<1000x128xf32>
    %add3A_86 = arith.addf %dot_general3A_81, %add3A_85 : vector<1000x128xf32>
    %tanh3A_87 = math.tanh %add3A_86 : vector<1000x128xf32>
    %get3A_88 = arith.constant 0 : index
    %get3A_89 = arith.constant 0 : index
    %get3A_90 = vector.load %arg7[%get3A_88, %get3A_89] : memref<128x1xf32, #tpu.memory_space<vmem>>, vector<128x1xf32>
    %dot_general3A_91 = arith.constant dense<0.000000e+00> : vector<1000x1xf32>
    %dot_general3A_92 = tpu.matmul %tanh3A_87, %get3A_90, %dot_general3A_91 {dimension_numbers = #tpu.dot_dimension_numbers<[1], [0], [0], [1], [0, 0, 1, 1], [], []>, transpose_lhs_hint = false} : vector<1000x128xf32>, vector<128x1xf32>, vector<1000x1xf32> -> vector<1000x1xf32>
    %reduce_sum3A_93 = vector.shape_cast %dot_general3A_92 : vector<1000x1xf32> to vector<1x1000x1xf32>
    %reduce_sum3A_94 = arith.constant dense<0.000000e+00> : vector<1xf32>
    %reduce_sum3A_95 = vector.multi_reduction <add>, %reduce_sum3A_93, %reduce_sum3A_94 [1, 2] : vector<1x1000x1xf32> to vector<1xf32>
    %reduce_sum3A_96 = vector.shape_cast %reduce_sum3A_95 : vector<1xf32> to vector<1x1x1xf32>
    %reduce_sum3A_97 = vector.extract %reduce_sum3A_96[0, 0, 0] : f32 from vector<1x1x1xf32>
    %get3A_98 = arith.constant 0 : index
    %get3A_99 = arith.constant 0 : index
    %get3A_100 = vector.load %arg10[%get3A_98, %get3A_99] : memref<1x8xf32, #tpu.memory_space<vmem>>, vector<1x8xf32>
    %eq3A_101 = arith.constant 0 : i32
    %eq3A_102 = vector.broadcast %eq3A_101 : i32 to vector<1x8xi32>
    %eq3A_103 = arith.cmpi eq, %iota3A, %eq3A_102 : vector<1x8xi32>
    %jit3A = arith.constant 0.000000e+00 : f32
    %broadcast_in_dim3A_104 = vector.broadcast %reduce_sum3A_40 : f32 to vector<1x8xf32>
    %broadcast_in_dim3A_105 = vector.broadcast %jit3A : f32 to vector<1x8xf32>
    %select_n3A_106 = arith.select %eq3A_103, %broadcast_in_dim3A_104, %broadcast_in_dim3A_105 : vector<1x8xi1>, vector<1x8xf32>
    %eq3A_107 = arith.constant 1 : i32
    %eq3A_108 = vector.broadcast %eq3A_107 : i32 to vector<1x8xi32>
    %eq3A_109 = arith.cmpi eq, %iota3A, %eq3A_108 : vector<1x8xi32>
    %jit3A_110 = arith.constant 0.000000e+00 : f32
    %broadcast_in_dim3A_111 = vector.broadcast %reduce_sum3A_97 : f32 to vector<1x8xf32>
    %broadcast_in_dim3A_112 = vector.broadcast %jit3A_110 : f32 to vector<1x8xf32>
    %select_n3A_113 = arith.select %eq3A_109, %broadcast_in_dim3A_111, %broadcast_in_dim3A_112 : vector<1x8xi1>, vector<1x8xf32>
    %add3A_114 = arith.addf %select_n3A_106, %select_n3A_113 : vector<1x8xf32>
    %add3A_115 = arith.addf %get3A_100, %add3A_114 : vector<1x8xf32>
    %swap3A_116 = arith.constant 0 : index
    %swap3A_117 = arith.constant 0 : index
    %swap3A_118 = vector.load %arg10[%swap3A_116, %swap3A_117] : memref<1x8xf32, #tpu.memory_space<vmem>>, vector<1x8xf32>
    tpu.vector_store %arg10[%swap3A_116, %swap3A_117], %add3A_115 {strides = array<i32>} : memref<1x8xf32, #tpu.memory_space<vmem>>, vector<1x8xf32>,
    return
  }
  func.func @transform_0(%arg0: i32) -> (i32, i32, i32) {
    %c0_i32 = arith.constant 0 : i32
    %c0_i32_0 = arith.constant 0 : i32
    %c0_i32_1 = arith.constant 0 : i32
    return %c0_i32, %arg0, %c0_i32_0 : i32, i32, i32
  }
  func.func @transform_1(%arg0: i32) -> (i32, i32, i32) {
    %c1_i32 = arith.constant 1 : i32
    %c0_i32 = arith.constant 0 : i32
    %c0_i32_0 = arith.constant 0 : i32
    return %c1_i32, %arg0, %c0_i32 : i32, i32, i32
  }
  func.func @transform_2(%arg0: i32) -> (i32, i32, i32) {
    %c0_i32 = arith.constant 0 : i32
    %c0_i32_0 = arith.constant 0 : i32
    %c0_i32_1 = arith.constant 0 : i32
    return %c0_i32, %arg0, %c0_i32_0 : i32, i32, i32
  }
  func.func @transform_3(%arg0: i32) -> (i32, i32, i32) {
    %c1_i32 = arith.constant 1 : i32
    %c0_i32 = arith.constant 0 : i32
    %c0_i32_0 = arith.constant 0 : i32
    return %c1_i32, %arg0, %c0_i32 : i32, i32, i32
  }
  func.func @transform_4(%arg0: i32) -> (i32, i32) {
    %c0_i32 = arith.constant 0 : i32
    %c0_i32_0 = arith.constant 0 : i32
    %c0_i32_1 = arith.constant 0 : i32
    return %c0_i32, %c0_i32_0 : i32, i32
  }
  func.func @transform_5(%arg0: i32) -> i32 {
    %c0_i32 = arith.constant 0 : i32
    %c0_i32_0 = arith.constant 0 : i32
    return %c0_i32 : i32
  }
  func.func @transform_6(%arg0: i32) -> (i32, i32) {
    %c0_i32 = arith.constant 0 : i32
    %c0_i32_0 = arith.constant 0 : i32
    %c0_i32_1 = arith.constant 0 : i32
    return %c0_i32, %c0_i32_0 : i32, i32
  }
  func.func @transform_7(%arg0: i32) -> (i32, i32) {
    %c0_i32 = arith.constant 0 : i32
    %c0_i32_0 = arith.constant 0 : i32
    return %arg0, %c0_i32 : i32, i32
  }
  func.func @transform_8(%arg0: i32) -> (i32, i32) {
    %c0_i32 = arith.constant 0 : i32
    %c0_i32_0 = arith.constant 0 : i32
    return %arg0, %c0_i32 : i32, i32
  }
  func.func @transform_9(%arg0: i32) -> (i32, i32) {
    %c0_i32 = arith.constant 0 : i32
    %c0_i32_0 = arith.constant 0 : i32
    %c0_i32_1 = arith.constant 0 : i32
    return %c0_i32, %c0_i32_0 : i32, i32
  }
}

module attributes {stable_mosaic.version = 14 : i64} {
  func.func @_tc2b_body(%arg0: i32, %arg1: memref<1000x512xf32, #tpu.memory_space<vmem>>, %arg2: memref<1000x512xf32, #tpu.memory_space<vmem>>, %arg3: memref<1x8xf32, #tpu.memory_space<vmem>>, %arg4: memref<1000x512xf32, #tpu.memory_space<vmem>>) attributes {dimension_semantics = [#tpu.dimension_semantics<arbitrary>], iteration_bounds = array<i64: 10>, scalar_prefetch = 0 : i64, scratch_operands = 0 : i64, tpu.core_type = #tpu.core_type<tc>, window_params = [{transform_indices = @transform_0, window_bounds = array<i64: 1000, 512>}, {transform_indices = @transform_1, window_bounds = array<i64: 1000, 512>}, {pipeline_mode = #tpu.pipeline_mode<synchronous>, transform_indices = @transform_2, window_bounds = array<i64: 1, 8>}, {transform_indices = @transform_3, window_bounds = array<i64: 1000, 512>}]} {
    %get3A = arith.constant 0 : index
    %get3A_0 = arith.constant 0 : index
    %get3A_1 = vector.load %arg3[%get3A, %get3A_0] : memref<1x8xf32, #tpu.memory_space<vmem>>, vector<1x8xf32>
    %slice3A = vector.extract_strided_slice %get3A_1 {offsets = [0, 0], sizes = [1, 1], strides = [1, 1]} : vector<1x8xf32> to vector<1x1xf32>
    %squeeze3A = vector.extract %slice3A[0, 0] : f32 from vector<1x1xf32>
    %div3A = arith.constant 1.000000e+04 : f32
    %div3A_2 = arith.divf %squeeze3A, %div3A : f32
    %slice3A_3 = vector.extract_strided_slice %get3A_1 {offsets = [0, 1], sizes = [1, 1], strides = [1, 1]} : vector<1x8xf32> to vector<1x1xf32>
    %squeeze3A_4 = vector.extract %slice3A_3[0, 0] : f32 from vector<1x1xf32>
    %div3A_5 = arith.constant 1.000000e+04 : f32
    %div3A_6 = arith.divf %squeeze3A_4, %div3A_5 : f32
    %max3A = arith.maximumf %div3A_2, %div3A_6 : f32
    %sub3A = arith.subf %div3A_2, %max3A : f32
    %exp3A = math.exp %sub3A : f32
    %sub3A_7 = arith.subf %div3A_6, %max3A : f32
    %exp3A_8 = math.exp %sub3A_7 : f32
    %add3A = arith.addf %exp3A, %exp3A_8 : f32
    %div3A_9 = arith.divf %exp3A, %add3A : f32
    %get3A_10 = arith.constant 0 : index
    %get3A_11 = arith.constant 0 : index
    %get3A_12 = vector.load %arg1[%get3A_10, %get3A_11] : memref<1000x512xf32, #tpu.memory_space<vmem>>, vector<1000x512xf32>
    %mul3A = vector.broadcast %div3A_9 : f32 to vector<1000x512xf32>
    %mul3A_13 = arith.mulf %mul3A, %get3A_12 : vector<1000x512xf32>
    %div3A_14 = arith.divf %exp3A_8, %add3A : f32
    %get3A_15 = arith.constant 0 : index
    %get3A_16 = arith.constant 0 : index
    %get3A_17 = vector.load %arg2[%get3A_15, %get3A_16] : memref<1000x512xf32, #tpu.memory_space<vmem>>, vector<1000x512xf32>
    %mul3A_18 = vector.broadcast %div3A_14 : f32 to vector<1000x512xf32>
    %mul3A_19 = arith.mulf %mul3A_18, %get3A_17 : vector<1000x512xf32>
    %add3A_20 = arith.addf %mul3A_13, %mul3A_19 : vector<1000x512xf32>
    %swap3A = arith.constant 0 : index
    %swap3A_21 = arith.constant 0 : index
    %swap3A_22 = vector.load %arg4[%swap3A, %swap3A_21] : memref<1000x512xf32, #tpu.memory_space<vmem>>, vector<1000x512xf32>
    tpu.vector_store %arg4[%swap3A, %swap3A_21], %add3A_20 {strides = array<i32>} : memref<1000x512xf32, #tpu.memory_space<vmem>>, vector<1000x512xf32>,
    return
  }
  func.func @transform_0(%arg0: i32) -> (i32, i32) {
    %c0_i32 = arith.constant 0 : i32
    %c0_i32_0 = arith.constant 0 : i32
    return %arg0, %c0_i32 : i32, i32
  }
  func.func @transform_1(%arg0: i32) -> (i32, i32) {
    %c0_i32 = arith.constant 0 : i32
    %c0_i32_0 = arith.constant 0 : i32
    return %arg0, %c0_i32 : i32, i32
  }
  func.func @transform_2(%arg0: i32) -> (i32, i32) {
    %c0_i32 = arith.constant 0 : i32
    %c0_i32_0 = arith.constant 0 : i32
    %c0_i32_1 = arith.constant 0 : i32
    return %c0_i32, %c0_i32_0 : i32, i32
  }
  func.func @transform_3(%arg0: i32) -> (i32, i32) {
    %c0_i32 = arith.constant 0 : i32
    %c0_i32_0 = arith.constant 0 : i32
    return %arg0, %c0_i32 : i32, i32
  }
}

</mosaic_0001>

<sc_bundles>
// kernel: kernel.6.cloned.1.call-start
scs
__scs_entry_jumppad:
0x0: {  	(pc) =	sbr.rel $0x88, $3  }
0x1: {  	(tag) =	ssettag $0x0;
	lr =	simm.s32 $0x1  }
0x2: {  	[smem:$0x3F95] =	sst lr;
	_ =	strace $0xD0000000  }
0x3: {  	_ = 	snop  }
0x4: {  	_ = 	snop  }
0x5: {  	_ = 	snop  }
0x6: {  	_ = 	snop  }
0x7: {  	_ = 	snop  }
__scs_overlays_trampoline_lowered:
0x8: {  	[smem:$0x3FA4] =	sst s0  }
0x9: {  	[smem:$0x3FA5] =	sst s1  }
0xa: {  	[smem:$0x3FA6] =	sst s2  }
0xb: {  	[smem:$0x3FA7] =	sst s3  }
0xc: {  	[smem:$0x3FA8] =	sst s4  }
0xd: {  	[smem:$0x3FA9] =	sst s5  }
0xe: {  	[smem:$0x3FAA] =	sst s6  }
0xf: {  	[smem:$0x3FAB] =	sst s7  }
0x10: {  	[smem:$0x3FAC] =	sst s8  }
0x11: {  	[smem:$0x3FAD] =	sst s9;
	s0 =	simm.s32 @!p0 $0x0  }
0x12: {  	s1 =	sld [smem:$0x3F93];
	s0 =	simm.s32 @p0 $0x1  }
0x13: {  	[smem:$0x3FAE] =	sst s0;
	s0 =	simm.s32 @!p1 $0x0  }
0x14: {  	s2 =	sld [smem:$0x3F92];
	s0 =	simm.s32 @p1 $0x1  }
0x15: {  	[smem:$0x3FAF] =	sst s0;
	s0 =	simm.s32 @!p2 $0x0  }
0x16: {  	s3 =	sld [smem:$0x3FDB];
	s0 =	simm.s32 @p2 $0x1  }
0x17: {  	s4 =	simm.s32 $0x1BF5;
	[smem:$0x3FB1] =	sst s0  }
0x18: {  	s0 =	sld [smem:$0x3F94];
	_ =	swait.ge [sflag:s4], $0x0  }
0x19: {  	s7 =	sld [smem:$0x3F95]  }
0x1a: {  	s8 =	sadd.s32 $0xFFFFE003, lr  }
0x1b: {  	s9 =	sadd.s32 $0xFFFFFEF7, lr;
	s5 =	simm.s32 $0xFFFFFFFF;
	p2 =	slt.u32 s8, $0xFFFFF086  }
0x1c: {  	p1 =	slt.u32 s9, $0xF7A;
	s5 =	simm.s32 @!p2 $0x0  }
0x1d: {  	s5 =	simm.s32 @p1 $0x1;
	p0 =	seq.s32 s7, s2  }
0x1e: {  	s7 =	smul.u32 @!p0 $0xF7A, s2;
	p2 =	seq.s32 @!p0 s5, $0x0  }
0x1f: {  	s9 =	smul.u32 $0xF7A, s1;
	s8 =	simm.s32 @!p0 $0x1BF5;
	p2 =	por !p2, p0  }
0x20: {  	[sflag:s8] =	ssyncset.s32 @!p0 $0xFFFFF086;
	s6 =	sadd.s32 @!p0 s3, s7;
	s7 =	simm.s32 @!p0 $0x108  }
0x21: {  	s3 =	sadd.s32 s3, s9;
	s6 =	sadd.s32 @!p0 $0x88, s6;
	s7 =	simm.s32 @p2 $0x1082  }
0x22: {  	[simem:s7], [sflag:s8] =	dma.local @!p0 [hbm:s6], $0xF7A  }
0x23: {  	s9 =	sor.u32 $0xD0000000, s2;
	s6 =	simm.s32 $0x108;
	_ =	swait.ge @!p0 [sflag:s8], $0x0  }
0x24: {  	s3 =	sadd.s32 $0x88, s3;
	s6 =	simm.s32 @!p1 $0x1082;
	[sflag:s4] =	ssyncset.s32 $0xFFFFF086  }
0x25: {  	[simem:s6], [sflag:s4] =	dma.local [hbm:s3], $0xF7A  }
0x26: {  	[smem:$0x3F95] =	sst s1;
	(tag) =	ssettag s2;
	_ =	strace s9  }
0x27: {  	s1 =	sld [smem:$0x3FA5]  }
0x28: {  	s2 =	sld [smem:$0x3FA6]  }
0x29: {  	s4 =	sld [smem:$0x3FA8]  }
0x2a: {  	p0 =	seq.s32 s5, $0x0;
	s5 =	sld [smem:$0x3FA9]  }
0x2b: {  	s6 =	sld [smem:$0x3FAA]  }
0x2c: {  	s7 =	sld [smem:$0x3FAB]  }
0x2d: {  	s3 =	simm.s32 $0x108;
	s8 =	sld [smem:$0x3FAC]  }
0x2e: {  	s3 =	simm.s32 @!p0 $0x1082;
	s9 =	sld [smem:$0x3FAD]  }
0x2f: {  	lr =	sadd.s32 s0, s3;
	s0 =	sld [smem:$0x3FA4]  }
0x30: {  	s3 =	sld [smem:$0x3FA7]  }
0x31: {  	[smem:$0x3FB0] =	sst s10  }
0x32: {  	s10 =	sld [smem:$0x3FAE];
	_ =	sdelay $0x3  }
0x33: {  	p0 =	seq.s32 s10, $0x1;
	s10 =	sld [smem:$0x3FB0];
	_ =	sdelay $0x3  }
0x34: {  	[smem:$0x3FB0] =	sst s10  }
0x35: {  	s10 =	sld [smem:$0x3FAF];
	_ =	sdelay $0x3  }
0x36: {  	p1 =	seq.s32 s10, $0x1;
	s10 =	sld [smem:$0x3FB0];
	_ =	sdelay $0x3  }
0x37: {  	[smem:$0x3FB0] =	sst s10  }
0x38: {  	s10 =	sld [smem:$0x3FB1]  }
0x39: {  	_ = 	snop;
	(pc) =	sbr.ind lr, $3  }
0x3a: {  	_ = 	snop  }
0x3b: {  	_ = 	snop  }
0x3c: {  	p2 =	seq.s32 s10, $0x1;
	s10 =	sld [smem:$0x3FB0]  }
0x3d: {  	_ =	shalt  }
0x3e: {  	_ =	shalt  }
0x3f: {  	_ =	shalt  }
0x40: {  	_ =	shalt  }
0x41: {  	_ =	shalt  }
0x42: {  	_ =	shalt  }
0x43: {  	_ =	shalt  }
0x44: {  	_ =	shalt  }
0x45: {  	_ =	shalt  }
0x46: {  	_ =	shalt  }
0x47: {  	_ =	shalt  }
0x48: {  	_ =	shalt  }
0x49: {  	_ =	shalt  }
0x4a: {  	_ =	shalt  }
0x4b: {  	_ =	shalt  }
0x4c: {  	_ =	shalt  }
0x4d: {  	_ =	shalt  }
0x4e: {  	_ =	shalt  }
0x4f: {  	_ =	shalt  }
0x50: {  	_ =	shalt  }
0x51: {  	_ =	shalt  }
0x52: {  	_ =	shalt  }
0x53: {  	_ =	shalt  }
0x54: {  	_ =	shalt  }
0x55: {  	_ =	shalt  }
0x56: {  	_ =	shalt  }
0x57: {  	_ =	shalt  }
0x58: {  	_ =	shalt  }
0x59: {  	_ =	shalt  }
0x5a: {  	_ =	shalt  }
0x5b: {  	_ =	shalt  }
0x5c: {  	_ =	shalt  }
0x5d: {  	_ =	shalt  }
0x5e: {  	_ =	shalt  }
0x5f: {  	_ =	shalt  }
0x60: {  	_ =	shalt  }
0x61: {  	_ =	shalt  }
0x62: {  	_ =	shalt  }
0x63: {  	_ =	shalt  }
0x64: {  	_ =	shalt  }
0x65: {  	_ =	shalt  }
0x66: {  	_ =	shalt  }
0x67: {  	_ =	shalt  }
0x68: {  	_ =	shalt  }
0x69: {  	_ =	shalt  }
0x6a: {  	_ =	shalt  }
0x6b: {  	_ =	shalt  }
0x6c: {  	_ =	shalt  }
0x6d: {  	_ =	shalt  }
0x6e: {  	_ =	shalt  }
0x6f: {  	_ =	shalt  }
0x70: {  	_ =	shalt  }
0x71: {  	_ =	shalt  }
0x72: {  	_ =	shalt  }
0x73: {  	_ =	shalt  }
0x74: {  	_ =	shalt  }
0x75: {  	_ =	shalt  }
0x76: {  	_ =	shalt  }
0x77: {  	_ =	shalt  }
0x78: {  	_ =	shalt  }
0x79: {  	_ =	shalt  }
0x7a: {  	_ =	shalt  }
0x7b: {  	_ =	shalt  }
0x7c: {  	_ =	shalt  }
0x7d: {  	_ =	shalt  }
0x7e: {  	_ =	shalt  }
0x7f: {  	_ =	shalt  }
0x80: {  	_ =	shalt  }
0x81: {  	_ =	shalt  }
0x82: {  	_ =	shalt  }
0x83: {  	_ =	shalt  }
0x84: {  	_ =	shalt  }
0x85: {  	_ =	shalt  }
0x86: {  	_ =	shalt  }
0x87: {  	_ =	shalt  }
.Lfunc_end0:
.L_simem_size_0:
called_computation.1_lowered:
.L_overlay_start_0:
0x88: {  	s2 =	sld [smem:$0x3FD9]  }
0x89: {  	s3 =	sld [smem:$0x3FFE];
	_ =	sdelay $0x1  }
0x8a: {  	s1 =	srdreg.scid  }
0x8b: {  	s0 =	sand.u32 $0x1, s1  }
0x8c: {  	s17 =	sshll.u32 s0, $0xA;
	s2 =	sadd.s32 s3, s2  }
0x8d: {  	s2 =	sadd.s32 s2, s17  }
0x8e: {  	[smem:$0x3FBC] =	sst s2  }
0x8f: {  	_ = 	snop  }
0x90: {  	s2 =	sld [smem:$0x3FD0];
	(tm) =	ssettm $0x1  }
0x91: {  	s18 =	sld [smem:$0x3FFB];
	_ =	sdelay $0x3  }
0x92: {  	_ =	strace s18  }
0x93: {  	s3 =	sld [smem:$0x3FFC];
	_ =	sdelay $0x3  }
0x94: {  	_ =	strace s3  }
0x95: {  	s3 =	sld [smem:$0x3FFD];
	_ =	sdelay $0x3  }
0x96: {  	_ =	strace s3  }
0x97: {  	_ =	strace $0x8FFFFFFF  }
0x98: {  	s19 =	sld [smem:$0x3FDB];
	_ =	sdelay $0x1  }
0x99: {  	s4 =	simm.s32 $_scs_section_size  }
0x9a: {  	s5 =	simm.s32 $_size__tile_overlayer_lowered;
	s6 =	simm.s32 $_tile_overlayer_lowered  }
0x9b: {  	s22 =	simm.s32 $0x1BFF;
	s21 =	sshll.u32 s6, $0x1;
	s3 =	sadd.s32 s4, s19  }
0x9c: {  	s7 =	simm.s32 $0x0;
	s20 =	sshll.u32 s5, $0x1;
	s5 =	sadd.s32 s21, s3  }
0x9d: {  	[timem:s7], [sflag:s22] =	dma.local [hbm:s5], s20  }
0x9e: {  	_ =	swait.ge [sflag:s22], s20  }
0x9f: {  	s4 =	ssub.s32 $0x0, s20;
	[sflag:s22] =	ssyncset.done $0x0  }
0xa0: {  	[sflag:s22] =	ssyncadd.s32 s4;
	_ =	sdelay $0x1  }
0xa1: {  	s23 =	simm.s32 $0x1B8B  }
0xa2: {  	_ =	swait.ge [sflag:s23], $0x1  }
0xa3: {  	[sflag:s23] =	ssyncset.done $0x0  }
0xa4: {  	s25 =	simm.s32 $0x1B8E;
	s24 =	sld [smem:$0x3FFE];
	[sflag:s23] =	ssyncadd.s32 $0xFFFFFFFF  }
0xa5: {  	s26 =	simm.s32 $execute0_lowered;
	[smem:$0x3FD2] =	sst s25  }
0xa6: {  	s5 =	sshll.u32 s26, $0x1;
	_ =	strace $0x80000049;
	[dreg:$0x1] =	wrdreg $0xFFFFFFFF  }
0xa7: {  	s28 =	simm.s32 $_size_execute0_lowered;
	s3 =	sadd.s32 s3, s5;
	[dreg:$0x0] =	wrdreg $0x0  }
0xa8: {  	s5 =	sshll.u32 s28, $0x1;
	[dreg:$0x2] =	wrdreg s3  }
0xa9: {  	[dreg:$0x3] =	wrdreg s5  }
0xaa: {  	[dreg:$0x4] =	wrdreg $0xC0  }
0xab: {  	_ =	task [dreg:s7], $0x5FFFF  }
0xac: {  	[dreg:$0x1] =	wrdreg $0xFFFFFFFF  }
0xad: {  	[dreg:$0x0] =	wrdreg $0x60  }
0xae: {  	[dreg:$0x2] =	wrdreg s24  }
0xaf: {  	[dreg:$0x3] =	wrdreg s2  }
0xb0: {  	[dreg:$0x4] =	wrdreg $0x13C000  }
0xb1: {  	[dreg:$0x5] =	wrdreg $0x0  }
0xb2: {  	[dreg:$0x6] =	wrdreg $0x9  }
0xb3: {  	_ =	task.clear_ibuf [dreg:s7], $0x7FFFF;
	_ =	strace $0x90000049  }
0xb4: {  	s29 =	simm.s32 $0x9;
	_ =	strace $0x8000004B  }
0xb5: {  	_ =	swait.ge [sflag:s29], $0x1  }
0xb6: {  	[sflag:s29] =	ssyncadd.s32 $0xFFFFFFFF  }
0xb7: {  	_ =	strace $0x9000004B  }
0xb8: {  	_ =	sfence  }
0xb9: {  	s30 =	sld [smem:$0x0];
	_ =	sdelay $0x2  }
0xba: {  	s31 =	sshll.u32 s1, $0xD;
	s1 =	sshrl.u32 s1, $0x2  }
0xbb: {  	s3 =	sand.u32 $0x4000, s31;
	s1 =	sadd.s32 s1, s30  }
0xbc: {  	s0 =	sor.u32 s3, s0;
	s1 =	sshll.u32 s1, $0x11  }
0xbd: {  	s0 =	sor.u32 s1, s0  }
0xbe: {  	s0 =	sadd.s32 $0x8F2B, s0  }
0xbf: {  	[sflag:s0] =	ssyncadd.remote.s32 $0x1  }
0xc0: {  	_ =	sfence.sel $0xFFFF  }
0xc1: {  	[dreg:$0x0] =	wrdreg $0xFFFFFFFF;
	(pc) =	sbr.abs _section_cstart, $3  }
0xc2: {  	[dreg:$0x1] =	wrdreg $0xFFFFFFFF  }
0xc3: {  	_ =	task.clear_ibuf [dreg:s7], $0x2FFFF;
	_ =	strace $0x9FFFFFFF  }
0xc4: {  	(tm) =	ssettm $0x7FFFFFFF  }
0xc5: {  	_ =	shalt  }
tec
execute0_lowered:
.L_overlay_start_1:
0x0: {  	(tag) =	ssettag $0x1  }
0x1: {  	s0 =	rddreg [dreg:$0x0]  }
0x2: {  	s1 =	rddreg [dreg:$0x1]  }
0x3: {  	s14 =	rddreg [dreg:$0x2]  }
0x4: {  	s2 =	rddreg [dreg:$0x3];
	s11 =	stileid.u32  }
0x5: {  	s19 =	simm.s32 $0x0;
	s3 =	srdreg.scid;
	s10 =	smul.u32 $0x2780, s11  }
0x6: {  	s31 =	simm.s32 $0xC;
	s28 =	simm.s32 $0x1;
	s12 =	smul.u32 $0x4F000, s11  }
0x7: {  	s29 =	simm.s32 $0x4;
	s30 =	simm.s32 $0x166A0;
	s15 =	smul.u32 $0xA00, s11  }
0x8: {  	s3 =	sand.u32 $0x1, s3;
	s4 =	sadd.s32 $0x13B800, s0;
	s16 =	smul.u32 $0x2710, s11  }
0x9: {  	[smem:$0x7FF] =	sst s19;
	s22 =	sadd.s32 $0x291E00, s0;
	s5 =	smul.u32 $0xA000, s3  }
0xa: {  	s24 =	sadd.s32 $0x288000, s0;
	s8 =	sadd.s32 $0x3000, s0;
	s6 =	smul.u32 $0x9E000, s3  }
0xb: {  	s18 =	sadd.s32 $0x5800, s0;
	s13 =	sshll.u32 s11, $0x6;
	s7 =	smul.u32 $0x4F00, s3  }
0xc: {  	_ =	strace $0x8000004A;
	[dreg:$0x7] =	wrdreg s8;
	s17 =	smul.u32 $0x2710, s3  }
0xd: {  	[dreg:$0x8] =	wrdreg s18;
	s20 =	ssub.s32 $0x2, s3;
	s9 =	smul.u32 $0x9C40, s3  }
0xe: {  	s3 =	smul.u32 $0x27100, s3;
	s26 =	sor.u32 $0x1C0C, s13;
	[dreg:$0x5] =	wrdreg s22  }
0xf: {  	s8 =	simm.s32 $0x1CCE0;
	s13 =	simm.s32 $0x5;
	[dreg:$0x6] =	wrdreg s24  }
0x10: {  	s21 =	sshrl.u32 s20, $0x1;
	s25 =	sadd.s32 s10, s14;
	[dreg:$0xa] =	wrdreg s12  }
0x11: {  	s10 =	sshrl.u32 s10, $0x3;
	[dreg:$0xb] =	wrdreg s26;
	s5 =	sadd.s32 s5, s0  }
0x12: {  	[dreg:$0x9] =	wrdreg s9;
	s6 =	sadd.s32 s6, s0;
	s0 =	sadd.s32 s7, s0  }
0x13: {  	s23 =	ssub.s32 s20, s21;
	s1 =	sadd.s32 s1, s3;
	s21 =	sshrl.u32 s12, $0x2  }
0x14: {  	s25 =	sshrl.u32 s25, $0x3;
	s20 =	simm.s32 $0x50;
	s9 =	simm.s32 $0x17CE0  }
0x15: {  	s7 =	simm.s32 $0x177E0;
	s12 =	simm.s32 $0x8;
	s5 =	sadd.s32 $0x274000, s5  }
0x16: {  	s0 =	sadd.s32 $0x5E00, s0;
	s11 =	sadd.s32 s21, s2;
	[dreg:$0xf] =	wrdreg s25  }
0x17: {  	s6 =	sadd.s32 $0x29BC00, s6;
	s23 =	smax.u32 s23, $0x1;
	[dreg:$0xc] =	wrdreg s11  }
0x18: {  	s21 =	sadd.s32 s16, s1;
	s16 =	simm.s32 $0x1A4E0;
	[dreg:$0xd] =	wrdreg s6  }
0x19: {  	s1 =	simm.s32 $0x3;
	s25 =	simm.s32 $0x6;
	[dreg:$0xe] =	wrdreg s23  }
0x1a: {  	s18 =	sadd.s32 s15, s5;
	s0 =	sadd.s32 s10, s0;
	s23 =	simm.s32 $0x168D0  }
0x1b: {  	s15 =	simm.s32 $0x17560;
	s10 =	simm.s32 $0x17A60;
	s11 =	simm.s32 $0x2  }
0x1c: {  	v0 =	vmov s17;
	s5 =	simm.s32 $0x0;
	[dreg:$0x10] =	wrdreg s0;
	s0 =	simm.s32 $0x7  }
.LBB2_1:
0x1d: {  	[dreg:$0x11] =	wrdreg s5  }
0x1e: {  	s3 =	rddreg [dreg:$0x8]  }
0x1f: {  	s17 =	rddreg [dreg:$0xf]  }
0x20: {  	[spmem:s17], [sflag:s26] =	dma.local [hbm:s3], $0x4F0  }
0x21: {  	_ =	swait.ge [sflag:s31], $0x4F0  }
0x22: {  	[sflag:s31] =	ssyncset.done $0x0  }
0x23: {  	[sflag:s31] =	ssyncadd.s32 $0xFFFFFB10  }
0x24: {  	s5 =	simm.s32 $0x0;
	[bflag:$0x0] =	sbarrier.arrive $0xFFFF  }
.LBB2_2:
0x25: {  	s3 =	smul.u32 $0x64, s5;
	_ =	sdelay $0x1  }
0x26: {  	s6 =	simm.s32 $0x16380;
	s3 =	sadd.s32 s3, s18  }
0x27: {  	[tilespmem:s6], [sflag:$0xC] =	stream.linear.gather [hbm4b:s3+s19], $0x320, $0x38;
	[tilespmem:$0x1F4E0] =	vst v63  }
0x28: {  	_ =	swait.ge [sflag:s31], $0x320  }
0x29: {  	p0 =	seq.s32 s5, $0x0;
	[sflag:s31] =	ssyncset.done $0x0  }
0x2a: {  	s3 =	simm.s32 @!p0 $0xA;
	[sflag:s31] =	ssyncadd.s32 $0xFFFFFCE0  }
0x2b: {  	_ =	swait.ge @!p0 [sflag:s3], $0x280  }
0x2c: {  	[sflag:s3] =	ssyncset.done @!p0 $0x0  }
0x2d: {  	[sflag:s3] =	ssyncadd.s32 @!p0 $0xFFFFFD80;
	s3 =	simm.s32 @!p0 $0x7  }
0x2e: {  	_ =	swait.ge @!p0 [sflag:s3], $0x500  }
0x2f: {  	[sflag:s3] =	ssyncset.done @!p0 $0x0  }
0x30: {  	[sflag:s3] =	ssyncadd.s32 @!p0 $0xFFFFFB00  }
0x31: {  	v1 =	vld [tilespmem:$0x16380]  }
0x32: {  	v2 =	vld [tilespmem:$0x163D0]  }
0x33: {  	v4 =	vld [tilespmem:$0x163E0];
	_ =	sdelay $0x1  }
0x34: {  	v3 =	vld [tilespmem:$0x16390]  }
0x35: {  	v63 =	vld [tilespmem:$0x16410]  }
0x36: {  	[tilespmem:$0x166A0] =	vst v2  }
0x37: {  	v5 =	vld [tilespmem:$0x163A0];
	v1 =	vadd.s32 v0, v1;
	[tilespmem:$0x166B0] =	vst v4  }
0x38: {  	[tilespmem:$0x16790] =	vst v1;
	v1 =	vadd.s32 v0, v2  }
0x39: {  	[tilespmem:$0x16880] =	vst v1;
	v1 =	vld [tilespmem:$0x163F0]  }
0x3a: {  	[tilespmem:$0x166E0] =	vst v63;
	v2 =	vadd.s32 v0, v3;
	v3 =	vld [tilespmem:$0x163B0]  }
0x3b: {  	[tilespmem:$0x167A0] =	vst v2;
	v2 =	vadd.s32 v0, v4  }
0x3c: {  	v60 =	vadd.s32 v0, v5;
	[tilespmem:$0x16890] =	vst v2;
	v2 =	vld [tilespmem:$0x16400]  }
0x3d: {  	v62 =	vld [tilespmem:$0x163C0];
	[tilespmem:$0x167B0] =	vst v60  }
0x3e: {  	v61 =	vadd.s32 v0, v1;
	[tilespmem:$0x166C0] =	vst v1  }
0x3f: {  	v1 =	vadd.s32 v0, v3;
	[tilespmem:$0x168A0] =	vst v61  }
0x40: {  	[tilespmem:$0x167C0] =	vst v1  }
0x41: {  	v1 =	vadd.s32 v0, v2;
	[tilespmem:$0x166D0] =	vst v2  }
0x42: {  	[tilespmem:$0x168B0] =	vst v1;
	v1 =	vadd.s32 v0, v62  }
0x43: {  	[tilespmem:$0x167D0] =	vst v1;
	v1 =	vadd.s32 v0, v63  }
0x44: {  	s17 =	simm.s32 $0x16790;
	[tilespmem:$0x168C0] =	vst v1  }
0x45: {  	[tilespmem:s23], [sflag:$0x1] =	stream.indirect.gather [hbm4b:s22+s20], $0x10, s17, s20, $0xb8;
	[tilespmem:$0x1F4E0] =	vst v63  }
0x46: {  	s6 =	simm.s32 $0x16880;
	s17 =	simm.s32 $0x16DD0  }
0x47: {  	[tilespmem:s17], [sflag:$0x4] =	stream.indirect.gather [hbm4b:s24+s20], $0x10, s6, s20, $0xb8;
	[tilespmem:$0x1F4E0] =	vst v63  }
0x48: {  	_ =	swait.ge [sflag:s28], $0x500  }
0x49: {  	[sflag:s28] =	ssyncset.done $0x0  }
0x4a: {  	[sflag:s28] =	ssyncadd.s32 $0xFFFFFB00  }
0x4b: {  	_ =	swait.ge [sflag:s29], $0x500  }
0x4c: {  	[sflag:s29] =	ssyncset.done $0x0  }
0x4d: {  	s17 =	simm.s32 $0x0;
	[sflag:s29] =	ssyncadd.s32 $0xFFFFFB00  }
0x4e: {  	v1 =	vld [tilespmem:s17+$0x16DD0]  }
0x4f: {  	v2 =	vld [tilespmem:s17+$0x168D0];
	_ =	sdelay $0x4  }
0x50: {  	v1 =	vadd.f32 v1, v2;
	_ =	sdelay $0x1  }
0x51: {  	v2 =	vmin.f32 v1, $0.0e+00  }
0x52: {  	v2 =	vmul.f32 $2.000000030e-01, v2  }
0x53: {  	v1 =	vmax.f32 v1, $0.0e+00  }
0x54: {  	v1 =	vadd.f32 v2, v1;
	_ =	sdelay $0x1  }
0x55: {  	v1 =	vmul.f32 $1.442695020e+00, v1;
	_ =	sdelay $0x1  }
0x56: {  	(erf) = vpow2.f32 v1;
	_ =	sdelay $0x8  }
0x57: {  	v1 =	vpop (erf)  }
0x58: {  	s3 =	simm.s32 $0x172D0;
	[tilespmem:s17+$0x168D0] =	vst v1  }
0x59: {  	s6 =	simm.s32 $0x10;
	[tilespmem:s3+$0x0] =	vst.msk $0xff, v1  }
0x5a: {  	v1 =	vld [tilespmem:s6+$0x16DD0]  }
0x5b: {  	s17 =	simm.s32 $0x80;
	v2 =	vld [tilespmem:s6+$0x168D0]  }
.LBB2_3:
0x5c: {  	p0 =	sne.s32 s17, $0x13C0;
	_ =	sdelay $0x3  }
0x5d: {  	v1 =	vadd.f32 v1, v2;
	_ =	sdelay $0x1  }
0x5e: {  	v2 =	vmin.f32 v1, $0.0e+00  }
0x5f: {  	v2 =	vmul.f32 $2.000000030e-01, v2  }
0x60: {  	v1 =	vmax.f32 v1, $0.0e+00  }
0x61: {  	v1 =	vadd.f32 v2, v1;
	_ =	sdelay $0x1  }
0x62: {  	v1 =	vmul.f32 $1.442695020e+00, v1;
	_ =	sdelay $0x1  }
0x63: {  	(erf) = vpow2.f32 v1;
	_ =	sdelay $0x8  }
.Ltmp0:
0x64: {  	v1 =	vpop (erf);
	(pc) =	sbr.rel @p0 .LBB2_3-.Ltmp0, $4  }
0x65: {  	s3 =	sadd.s32 $0x8, s3;
	[tilespmem:s6+$0x168D0] =	vst v1  }
0x66: {  	s6 =	sshra.s32 s17, $0x2;
	[tilespmem:s3+$0x0] =	vst.msk $0xff, v1  }
0x67: {  	v1 =	vld [tilespmem:s6+$0x16DD0]  }
0x68: {  	s17 =	sadd.s32 $0x40, s17;
	v2 =	vld [tilespmem:s6+$0x168D0]  }
0x69: {  	_ =	sdelay $0x3  }
0x6a: {  	v1 =	vadd.f32 v1, v2;
	_ =	sdelay $0x1  }
0x6b: {  	v2 =	vmin.f32 v1, $0.0e+00  }
0x6c: {  	v2 =	vmul.f32 $2.000000030e-01, v2  }
0x6d: {  	v1 =	vmax.f32 v1, $0.0e+00  }
0x6e: {  	v1 =	vadd.f32 v2, v1;
	_ =	sdelay $0x1  }
0x6f: {  	v1 =	vmul.f32 $1.442695020e+00, v1;
	_ =	sdelay $0x1  }
0x70: {  	(erf) = vpow2.f32 v1;
	_ =	sdelay $0x8  }
0x71: {  	s17 =	smul.u32 $0x190, s5;
	v1 =	vpop (erf)  }
0x72: {  	s3 =	sadd.s32 $0x8, s3;
	[tilespmem:s6+$0x168D0] =	vst v1  }
0x73: {  	s6 =	simm.s32 $0x172D0;
	[tilespmem:s3+$0x0] =	vst.msk $0xff, v1;
	s3 =	sadd.s32 s17, s21;
	s17 =	simm.s32 $0x0  }
0x74: {  	[hbm4b:s3+s17] =	stream.linear.scatter [tilespmem:s6], [sflag:$0xA], $0x280, $0x38;
	[tilespmem:$0x1F4E0] =	vst v63  }
0x75: {  	s17 =	simm.s32 $0xA  }
0x76: {  	[spmem:s14] =	stream.indirect.scatter.add.f32 [tilespmem:s23], [sflag:$0x7], $0x10, s30, s20, $0xb8;
	[tilespmem:$0x1F4E0] =	vst v63  }
0x77: {  	_ =	swait.ge [sflag:s17], $0x280  }
0x78: {  	[sflag:s17] =	ssyncset.done $0x0  }
0x79: {  	[sflag:s17] =	ssyncadd.s32 $0xFFFFFD80  }
0x7a: {  	_ =	swait.ge [sflag:s0], $0x500  }
0x7b: {  	[sflag:s0] =	ssyncset.done $0x0  }
0x7c: {  	[sflag:s0] =	ssyncadd.s32 $0xFFFFFB00  }
0x7d: {  	v1 =	vld [tilespmem:$0x16420]  }
0x7e: {  	v2 =	vld [tilespmem:$0x16470]  }
0x7f: {  	v4 =	vld [tilespmem:$0x16480];
	_ =	sdelay $0x1  }
0x80: {  	v3 =	vld [tilespmem:$0x16430]  }
0x81: {  	v63 =	vld [tilespmem:$0x164B0]  }
0x82: {  	[tilespmem:$0x166A0] =	vst v2  }
0x83: {  	v5 =	vld [tilespmem:$0x16440];
	v1 =	vadd.s32 v0, v1;
	[tilespmem:$0x166B0] =	vst v4  }
0x84: {  	[tilespmem:$0x16790] =	vst v1;
	v1 =	vadd.s32 v0, v2  }
0x85: {  	[tilespmem:$0x16880] =	vst v1;
	v1 =	vld [tilespmem:$0x16490]  }
0x86: {  	[tilespmem:$0x166E0] =	vst v63;
	v2 =	vadd.s32 v0, v3;
	v3 =	vld [tilespmem:$0x16450]  }
0x87: {  	[tilespmem:$0x167A0] =	vst v2;
	v2 =	vadd.s32 v0, v4  }
0x88: {  	v60 =	vadd.s32 v0, v5;
	[tilespmem:$0x16890] =	vst v2;
	v2 =	vld [tilespmem:$0x164A0]  }
0x89: {  	v62 =	vld [tilespmem:$0x16460];
	[tilespmem:$0x167B0] =	vst v60  }
0x8a: {  	v61 =	vadd.s32 v0, v1;
	[tilespmem:$0x166C0] =	vst v1  }
0x8b: {  	v1 =	vadd.s32 v0, v3;
	[tilespmem:$0x168A0] =	vst v61  }
0x8c: {  	[tilespmem:$0x167C0] =	vst v1  }
0x8d: {  	v1 =	vadd.s32 v0, v2;
	[tilespmem:$0x166D0] =	vst v2  }
0x8e: {  	[tilespmem:$0x168B0] =	vst v1;
	v1 =	vadd.s32 v0, v62  }
0x8f: {  	[tilespmem:$0x167D0] =	vst v1;
	v1 =	vadd.s32 v0, v63  }
0x90: {  	s17 =	simm.s32 $0x16790;
	[tilespmem:$0x168C0] =	vst v1  }
0x91: {  	[tilespmem:s23], [sflag:$0x1] =	stream.indirect.gather [hbm4b:s22+s20], $0x10, s17, s20, $0xb8;
	[tilespmem:$0x1F4E0] =	vst v63  }
0x92: {  	s17 =	simm.s32 $0x16880;
	s23 =	simm.s32 $0x16DD0  }
0x93: {  	[tilespmem:s23], [sflag:$0x4] =	stream.indirect.gather [hbm4b:s24+s20], $0x10, s17, s20, $0xb8;
	[tilespmem:$0x1F4E0] =	vst v63  }
0x94: {  	_ =	swait.ge [sflag:s28], $0x500  }
0x95: {  	[sflag:s28] =	ssyncset.done $0x0  }
0x96: {  	[sflag:s28] =	ssyncadd.s32 $0xFFFFFB00  }
0x97: {  	_ =	swait.ge [sflag:s29], $0x500  }
0x98: {  	[sflag:s29] =	ssyncset.done $0x0  }
0x99: {  	s23 =	simm.s32 $0x0;
	[sflag:s29] =	ssyncadd.s32 $0xFFFFFB00  }
0x9a: {  	v1 =	vld [tilespmem:s23+$0x16DD0]  }
0x9b: {  	v2 =	vld [tilespmem:s23+$0x168D0];
	_ =	sdelay $0x4  }
0x9c: {  	v1 =	vadd.f32 v1, v2;
	_ =	sdelay $0x1  }
0x9d: {  	v2 =	vmin.f32 v1, $0.0e+00  }
0x9e: {  	v2 =	vmul.f32 $2.000000030e-01, v2  }
0x9f: {  	v1 =	vmax.f32 v1, $0.0e+00  }
0xa0: {  	v1 =	vadd.f32 v2, v1;
	_ =	sdelay $0x1  }
0xa1: {  	v1 =	vmul.f32 $1.442695020e+00, v1;
	_ =	sdelay $0x1  }
0xa2: {  	(erf) = vpow2.f32 v1;
	_ =	sdelay $0x8  }
0xa3: {  	v1 =	vpop (erf)  }
0xa4: {  	[tilespmem:s23+$0x168D0] =	vst v1  }
0xa5: {  	s3 =	simm.s32 $0x10;
	[tilespmem:s6+$0x0] =	vst.msk $0xff, v1  }
0xa6: {  	v1 =	vld [tilespmem:s3+$0x16DD0]  }
0xa7: {  	s17 =	simm.s32 $0x80;
	v2 =	vld [tilespmem:s3+$0x168D0]  }
.LBB2_5:
0xa8: {  	p0 =	sne.s32 s17, $0x13C0;
	_ =	sdelay $0x3  }
0xa9: {  	v1 =	vadd.f32 v1, v2;
	_ =	sdelay $0x1  }
0xaa: {  	v2 =	vmin.f32 v1, $0.0e+00  }
0xab: {  	v2 =	vmul.f32 $2.000000030e-01, v2  }
0xac: {  	v1 =	vmax.f32 v1, $0.0e+00  }
0xad: {  	v1 =	vadd.f32 v2, v1;
	_ =	sdelay $0x1  }
0xae: {  	v1 =	vmul.f32 $1.442695020e+00, v1;
	_ =	sdelay $0x1  }
0xaf: {  	(erf) = vpow2.f32 v1;
	_ =	sdelay $0x8  }
.Ltmp1:
0xb0: {  	v1 =	vpop (erf);
	(pc) =	sbr.rel @p0 .LBB2_5-.Ltmp1, $4  }
0xb1: {  	s6 =	sadd.s32 $0x8, s6;
	[tilespmem:s3+$0x168D0] =	vst v1  }
0xb2: {  	s3 =	sshra.s32 s17, $0x2;
	[tilespmem:s6+$0x0] =	vst.msk $0xff, v1  }
0xb3: {  	v1 =	vld [tilespmem:s3+$0x16DD0]  }
0xb4: {  	s17 =	sadd.s32 $0x40, s17;
	v2 =	vld [tilespmem:s3+$0x168D0]  }
0xb5: {  	_ =	sdelay $0x3  }
0xb6: {  	v1 =	vadd.f32 v1, v2;
	_ =	sdelay $0x1  }
0xb7: {  	v2 =	vmin.f32 v1, $0.0e+00  }
0xb8: {  	v2 =	vmul.f32 $2.000000030e-01, v2  }
0xb9: {  	v1 =	vmax.f32 v1, $0.0e+00  }
0xba: {  	v1 =	vadd.f32 v2, v1;
	_ =	sdelay $0x1  }
0xbb: {  	v1 =	vmul.f32 $1.442695020e+00, v1;
	_ =	sdelay $0x1  }
0xbc: {  	(erf) = vpow2.f32 v1;
	_ =	sdelay $0x6  }
0xbd: {  	s17 =	smul.u32 $0xC80, s5;
	_ =	sdelay $0x1  }
0xbe: {  	s17 =	sshrl.u32 s17, $0x3;
	v1 =	vpop (erf)  }
0xbf: {  	s23 =	sadd.s32 $0x8, s6;
	s6 =	sadd.s32 s21, s17;
	[tilespmem:s3+$0x168D0] =	vst v1  }
0xc0: {  	s17 =	sadd.s32 $0x50, s6;
	s3 =	simm.s32 $0x172D0;
	[tilespmem:s23+$0x0] =	vst.msk $0xff, v1;
	s23 =	simm.s32 $0x0  }
0xc1: {  	[hbm4b:s17+s23] =	stream.linear.scatter [tilespmem:s3], [sflag:$0xA], $0x280, $0x38;
	[tilespmem:$0x1F4E0] =	vst v63  }
0xc2: {  	s23 =	simm.s32 $0x168D0;
	s17 =	simm.s32 $0xA  }
0xc3: {  	[spmem:s14] =	stream.indirect.scatter.add.f32 [tilespmem:s23], [sflag:$0x7], $0x10, s30, s20, $0xb8;
	[tilespmem:$0x1F4E0] =	vst v63  }
0xc4: {  	_ =	swait.ge [sflag:s17], $0x280  }
0xc5: {  	[sflag:s17] =	ssyncset.done $0x0  }
0xc6: {  	[sflag:s17] =	ssyncadd.s32 $0xFFFFFD80  }
0xc7: {  	_ =	swait.ge [sflag:s0], $0x500  }
0xc8: {  	[sflag:s0] =	ssyncset.done $0x0  }
0xc9: {  	[sflag:s0] =	ssyncadd.s32 $0xFFFFFB00  }
0xca: {  	v1 =	vld [tilespmem:$0x164C0]  }
0xcb: {  	v2 =	vld [tilespmem:$0x16510]  }
0xcc: {  	v4 =	vld [tilespmem:$0x16520];
	_ =	sdelay $0x1  }
0xcd: {  	v3 =	vld [tilespmem:$0x164D0]  }
0xce: {  	v63 =	vld [tilespmem:$0x16550]  }
0xcf: {  	[tilespmem:$0x166A0] =	vst v2  }
0xd0: {  	v5 =	vld [tilespmem:$0x164E0];
	v1 =	vadd.s32 v0, v1;
	[tilespmem:$0x166B0] =	vst v4  }
0xd1: {  	[tilespmem:$0x16790] =	vst v1;
	v1 =	vadd.s32 v0, v2  }
0xd2: {  	[tilespmem:$0x16880] =	vst v1;
	v1 =	vld [tilespmem:$0x16530]  }
0xd3: {  	[tilespmem:$0x166E0] =	vst v63;
	v2 =	vadd.s32 v0, v3;
	v3 =	vld [tilespmem:$0x164F0]  }
0xd4: {  	[tilespmem:$0x167A0] =	vst v2;
	v2 =	vadd.s32 v0, v4  }
0xd5: {  	v60 =	vadd.s32 v0, v5;
	[tilespmem:$0x16890] =	vst v2;
	v2 =	vld [tilespmem:$0x16540]  }
0xd6: {  	v62 =	vld [tilespmem:$0x16500];
	[tilespmem:$0x167B0] =	vst v60  }
0xd7: {  	v61 =	vadd.s32 v0, v1;
	[tilespmem:$0x166C0] =	vst v1  }
0xd8: {  	v1 =	vadd.s32 v0, v3;
	[tilespmem:$0x168A0] =	vst v61  }
0xd9: {  	[tilespmem:$0x167C0] =	vst v1  }
0xda: {  	v1 =	vadd.s32 v0, v2;
	[tilespmem:$0x166D0] =	vst v2  }
0xdb: {  	[tilespmem:$0x168B0] =	vst v1;
	v1 =	vadd.s32 v0, v62  }
0xdc: {  	[tilespmem:$0x167D0] =	vst v1;
	v1 =	vadd.s32 v0, v63  }
0xdd: {  	s17 =	simm.s32 $0x16790;
	[tilespmem:$0x168C0] =	vst v1  }
0xde: {  	[tilespmem:s23], [sflag:$0x1] =	stream.indirect.gather [hbm4b:s22+s20], $0x10, s17, s20, $0xb8;
	[tilespmem:$0x1F4E0] =	vst v63  }
0xdf: {  	s17 =	simm.s32 $0x16880;
	s23 =	simm.s32 $0x16DD0  }
0xe0: {  	[tilespmem:s23], [sflag:$0x4] =	stream.indirect.gather [hbm4b:s24+s20], $0x10, s17, s20, $0xb8;
	[tilespmem:$0x1F4E0] =	vst v63  }
0xe1: {  	_ =	swait.ge [sflag:s28], $0x500  }
0xe2: {  	[sflag:s28] =	ssyncset.done $0x0  }
0xe3: {  	[sflag:s28] =	ssyncadd.s32 $0xFFFFFB00  }
0xe4: {  	_ =	swait.ge [sflag:s29], $0x500  }
0xe5: {  	[sflag:s29] =	ssyncset.done $0x0  }
0xe6: {  	s23 =	simm.s32 $0x0;
	[sflag:s29] =	ssyncadd.s32 $0xFFFFFB00  }
0xe7: {  	v1 =	vld [tilespmem:s23+$0x16DD0]  }
0xe8: {  	v2 =	vld [tilespmem:s23+$0x168D0];
	_ =	sdelay $0x4  }
0xe9: {  	v1 =	vadd.f32 v1, v2;
	_ =	sdelay $0x1  }
0xea: {  	v2 =	vmin.f32 v1, $0.0e+00  }
0xeb: {  	v2 =	vmul.f32 $2.000000030e-01, v2  }
0xec: {  	v1 =	vmax.f32 v1, $0.0e+00  }
0xed: {  	v1 =	vadd.f32 v2, v1;
	_ =	sdelay $0x1  }
0xee: {  	v1 =	vmul.f32 $1.442695020e+00, v1;
	_ =	sdelay $0x1  }
0xef: {  	(erf) = vpow2.f32 v1;
	_ =	sdelay $0x8  }
0xf0: {  	v1 =	vpop (erf)  }
0xf1: {  	[tilespmem:s23+$0x168D0] =	vst v1  }
0xf2: {  	s17 =	simm.s32 $0x10;
	[tilespmem:s3+$0x0] =	vst.msk $0xff, v1  }
0xf3: {  	v1 =	vld [tilespmem:s17+$0x16DD0]  }
0xf4: {  	s23 =	simm.s32 $0x80;
	v2 =	vld [tilespmem:s17+$0x168D0]  }
.LBB2_7:
0xf5: {  	p0 =	sne.s32 s23, $0x13C0;
	_ =	sdelay $0x3  }
0xf6: {  	v1 =	vadd.f32 v1, v2;
	_ =	sdelay $0x1  }
0xf7: {  	v2 =	vmin.f32 v1, $0.0e+00  }
0xf8: {  	v2 =	vmul.f32 $2.000000030e-01, v2  }
0xf9: {  	v1 =	vmax.f32 v1, $0.0e+00  }
0xfa: {  	v1 =	vadd.f32 v2, v1;
	_ =	sdelay $0x1  }
0xfb: {  	v1 =	vmul.f32 $1.442695020e+00, v1;
	_ =	sdelay $0x1  }
0xfc: {  	(erf) = vpow2.f32 v1;
	_ =	sdelay $0x8  }
.Ltmp2:
0xfd: {  	v1 =	vpop (erf);
	(pc) =	sbr.rel @p0 .LBB2_7-.Ltmp2, $4  }
0xfe: {  	s3 =	sadd.s32 $0x8, s3;
	[tilespmem:s17+$0x168D0] =	vst v1  }
0xff: {  	s17 =	sshra.s32 s23, $0x2;
	[tilespmem:s3+$0x0] =	vst.msk $0xff, v1  }
0x100: {  	v1 =	vld [tilespmem:s17+$0x16DD0]  }
0x101: {  	s23 =	sadd.s32 $0x40, s23;
	v2 =	vld [tilespmem:s17+$0x168D0]  }
0x102: {  	_ =	sdelay $0x3  }
0x103: {  	v1 =	vadd.f32 v1, v2;
	_ =	sdelay $0x1  }
0x104: {  	v2 =	vmin.f32 v1, $0.0e+00  }
0x105: {  	v2 =	vmul.f32 $2.000000030e-01, v2  }
0x106: {  	v1 =	vmax.f32 v1, $0.0e+00  }
0x107: {  	v1 =	vadd.f32 v2, v1;
	_ =	sdelay $0x1  }
0x108: {  	v1 =	vmul.f32 $1.442695020e+00, v1;
	_ =	sdelay $0x1  }
0x109: {  	(erf) = vpow2.f32 v1;
	_ =	sdelay $0x8  }
0x10a: {  	v1 =	vpop (erf)  }
0x10b: {  	s3 =	sadd.s32 $0x8, s3;
	[tilespmem:s17+$0x168D0] =	vst v1  }
0x10c: {  	s23 =	simm.s32 $0x0;
	s17 =	sadd.s32 $0xA0, s6;
	[tilespmem:s3+$0x0] =	vst.msk $0xff, v1;
	s3 =	simm.s32 $0x172D0  }
0x10d: {  	[hbm4b:s17+s23] =	stream.linear.scatter [tilespmem:s3], [sflag:$0xA], $0x280, $0x38;
	[tilespmem:$0x1F4E0] =	vst v63  }
0x10e: {  	s23 =	simm.s32 $0x168D0;
	s17 =	simm.s32 $0xA  }
0x10f: {  	[spmem:s14] =	stream.indirect.scatter.add.f32 [tilespmem:s23], [sflag:$0x7], $0x10, s30, s20, $0xb8;
	[tilespmem:$0x1F4E0] =	vst v63  }
0x110: {  	_ =	swait.ge [sflag:s17], $0x280  }
0x111: {  	[sflag:s17] =	ssyncset.done $0x0  }
0x112: {  	[sflag:s17] =	ssyncadd.s32 $0xFFFFFD80  }
0x113: {  	_ =	swait.ge [sflag:s0], $0x500  }
0x114: {  	[sflag:s0] =	ssyncset.done $0x0  }
0x115: {  	[sflag:s0] =	ssyncadd.s32 $0xFFFFFB00  }
0x116: {  	v1 =	vld [tilespmem:$0x16560]  }
0x117: {  	v2 =	vld [tilespmem:$0x165B0]  }
0x118: {  	v4 =	vld [tilespmem:$0x165C0];
	_ =	sdelay $0x1  }
0x119: {  	v3 =	vld [tilespmem:$0x16570]  }
0x11a: {  	v63 =	vld [tilespmem:$0x165F0]  }
0x11b: {  	[tilespmem:$0x166A0] =	vst v2  }
0x11c: {  	v5 =	vld [tilespmem:$0x16580];
	v1 =	vadd.s32 v0, v1;
	[tilespmem:$0x166B0] =	vst v4  }
0x11d: {  	[tilespmem:$0x16790] =	vst v1;
	v1 =	vadd.s32 v0, v2  }
0x11e: {  	[tilespmem:$0x16880] =	vst v1;
	v1 =	vld [tilespmem:$0x165D0]  }
0x11f: {  	[tilespmem:$0x166E0] =	vst v63;
	v2 =	vadd.s32 v0, v3;
	v3 =	vld [tilespmem:$0x16590]  }
0x120: {  	[tilespmem:$0x167A0] =	vst v2;
	v2 =	vadd.s32 v0, v4  }
0x121: {  	v60 =	vadd.s32 v0, v5;
	[tilespmem:$0x16890] =	vst v2;
	v2 =	vld [tilespmem:$0x165E0]  }
0x122: {  	v62 =	vld [tilespmem:$0x165A0];
	[tilespmem:$0x167B0] =	vst v60  }
0x123: {  	v61 =	vadd.s32 v0, v1;
	[tilespmem:$0x166C0] =	vst v1  }
0x124: {  	v1 =	vadd.s32 v0, v3;
	[tilespmem:$0x168A0] =	vst v61  }
0x125: {  	[tilespmem:$0x167C0] =	vst v1  }
0x126: {  	v1 =	vadd.s32 v0, v2;
	[tilespmem:$0x166D0] =	vst v2  }
0x127: {  	[tilespmem:$0x168B0] =	vst v1;
	v1 =	vadd.s32 v0, v62  }
0x128: {  	[tilespmem:$0x167D0] =	vst v1;
	v1 =	vadd.s32 v0, v63  }
0x129: {  	s17 =	simm.s32 $0x16790;
	[tilespmem:$0x168C0] =	vst v1  }
0x12a: {  	[tilespmem:s23], [sflag:$0x1] =	stream.indirect.gather [hbm4b:s22+s20], $0x10, s17, s20, $0xb8;
	[tilespmem:$0x1F4E0] =	vst v63  }
0x12b: {  	s17 =	simm.s32 $0x16880;
	s23 =	simm.s32 $0x16DD0  }
0x12c: {  	[tilespmem:s23], [sflag:$0x4] =	stream.indirect.gather [hbm4b:s24+s20], $0x10, s17, s20, $0xb8;
	[tilespmem:$0x1F4E0] =	vst v63  }
0x12d: {  	_ =	swait.ge [sflag:s28], $0x500  }
0x12e: {  	[sflag:s28] =	ssyncset.done $0x0  }
0x12f: {  	[sflag:s28] =	ssyncadd.s32 $0xFFFFFB00  }
0x130: {  	_ =	swait.ge [sflag:s29], $0x500  }
0x131: {  	[sflag:s29] =	ssyncset.done $0x0  }
0x132: {  	s23 =	simm.s32 $0x0;
	[sflag:s29] =	ssyncadd.s32 $0xFFFFFB00  }
0x133: {  	v1 =	vld [tilespmem:s23+$0x16DD0]  }
0x134: {  	v2 =	vld [tilespmem:s23+$0x168D0];
	_ =	sdelay $0x4  }
0x135: {  	v1 =	vadd.f32 v1, v2;
	_ =	sdelay $0x1  }
0x136: {  	v2 =	vmin.f32 v1, $0.0e+00  }
0x137: {  	v2 =	vmul.f32 $2.000000030e-01, v2  }
0x138: {  	v1 =	vmax.f32 v1, $0.0e+00  }
0x139: {  	v1 =	vadd.f32 v2, v1;
	_ =	sdelay $0x1  }
0x13a: {  	v1 =	vmul.f32 $1.442695020e+00, v1;
	_ =	sdelay $0x1  }
0x13b: {  	(erf) = vpow2.f32 v1;
	_ =	sdelay $0x8  }
0x13c: {  	v1 =	vpop (erf)  }
0x13d: {  	[tilespmem:s23+$0x168D0] =	vst v1  }
0x13e: {  	s17 =	simm.s32 $0x10;
	[tilespmem:s3+$0x0] =	vst.msk $0xff, v1  }
0x13f: {  	v1 =	vld [tilespmem:s17+$0x16DD0]  }
0x140: {  	s23 =	simm.s32 $0x80;
	v2 =	vld [tilespmem:s17+$0x168D0]  }
.LBB2_9:
0x141: {  	p0 =	sne.s32 s23, $0x13C0;
	_ =	sdelay $0x3  }
0x142: {  	v1 =	vadd.f32 v1, v2;
	_ =	sdelay $0x1  }
0x143: {  	v2 =	vmin.f32 v1, $0.0e+00  }
0x144: {  	v2 =	vmul.f32 $2.000000030e-01, v2  }
0x145: {  	v1 =	vmax.f32 v1, $0.0e+00  }
0x146: {  	v1 =	vadd.f32 v2, v1;
	_ =	sdelay $0x1  }
0x147: {  	v1 =	vmul.f32 $1.442695020e+00, v1;
	_ =	sdelay $0x1  }
0x148: {  	(erf) = vpow2.f32 v1;
	_ =	sdelay $0x8  }
.Ltmp3:
0x149: {  	v1 =	vpop (erf);
	(pc) =	sbr.rel @p0 .LBB2_9-.Ltmp3, $4  }
0x14a: {  	s3 =	sadd.s32 $0x8, s3;
	[tilespmem:s17+$0x168D0] =	vst v1  }
0x14b: {  	s17 =	sshra.s32 s23, $0x2;
	[tilespmem:s3+$0x0] =	vst.msk $0xff, v1  }
0x14c: {  	v1 =	vld [tilespmem:s17+$0x16DD0]  }
0x14d: {  	s23 =	sadd.s32 $0x40, s23;
	v2 =	vld [tilespmem:s17+$0x168D0]  }
0x14e: {  	_ =	sdelay $0x3  }
0x14f: {  	v1 =	vadd.f32 v1, v2;
	_ =	sdelay $0x1  }
0x150: {  	v2 =	vmin.f32 v1, $0.0e+00  }
0x151: {  	v2 =	vmul.f32 $2.000000030e-01, v2  }
0x152: {  	v1 =	vmax.f32 v1, $0.0e+00  }
0x153: {  	v1 =	vadd.f32 v2, v1;
	_ =	sdelay $0x1  }
0x154: {  	v1 =	vmul.f32 $1.442695020e+00, v1;
	_ =	sdelay $0x1  }
0x155: {  	(erf) = vpow2.f32 v1;
	_ =	sdelay $0x8  }
0x156: {  	v1 =	vpop (erf)  }
0x157: {  	s3 =	sadd.s32 $0x8, s3;
	[tilespmem:s17+$0x168D0] =	vst v1  }
0x158: {  	s23 =	simm.s32 $0x0;
	s17 =	sadd.s32 $0xF0, s6;
	[tilespmem:s3+$0x0] =	vst.msk $0xff, v1;
	s3 =	simm.s32 $0x172D0  }
0x159: {  	[hbm4b:s17+s23] =	stream.linear.scatter [tilespmem:s3], [sflag:$0xA], $0x280, $0x38;
	[tilespmem:$0x1F4E0] =	vst v63  }
0x15a: {  	s23 =	simm.s32 $0x168D0;
	s17 =	simm.s32 $0xA  }
0x15b: {  	[spmem:s14] =	stream.indirect.scatter.add.f32 [tilespmem:s23], [sflag:$0x7], $0x10, s30, s20, $0xb8;
	[tilespmem:$0x1F4E0] =	vst v63  }
0x15c: {  	_ =	swait.ge [sflag:s17], $0x280  }
0x15d: {  	[sflag:s17] =	ssyncset.done $0x0  }
0x15e: {  	[sflag:s17] =	ssyncadd.s32 $0xFFFFFD80  }
0x15f: {  	_ =	swait.ge [sflag:s0], $0x500  }
0x160: {  	[sflag:s0] =	ssyncset.done $0x0  }
0x161: {  	[sflag:s0] =	ssyncadd.s32 $0xFFFFFB00  }
0x162: {  	v1 =	vld [tilespmem:$0x16600]  }
0x163: {  	v2 =	vld [tilespmem:$0x16650]  }
0x164: {  	v4 =	vld [tilespmem:$0x16660];
	_ =	sdelay $0x1  }
0x165: {  	v3 =	vld [tilespmem:$0x16610]  }
0x166: {  	v63 =	vld [tilespmem:$0x16690]  }
0x167: {  	[tilespmem:$0x166A0] =	vst v2  }
0x168: {  	v5 =	vld [tilespmem:$0x16620];
	v1 =	vadd.s32 v0, v1;
	[tilespmem:$0x166B0] =	vst v4  }
0x169: {  	[tilespmem:$0x16790] =	vst v1;
	v1 =	vadd.s32 v0, v2  }
0x16a: {  	[tilespmem:$0x16880] =	vst v1;
	v1 =	vld [tilespmem:$0x16670]  }
0x16b: {  	[tilespmem:$0x166E0] =	vst v63;
	v2 =	vadd.s32 v0, v3;
	v3 =	vld [tilespmem:$0x16630]  }
0x16c: {  	[tilespmem:$0x167A0] =	vst v2;
	v2 =	vadd.s32 v0, v4  }
0x16d: {  	v60 =	vadd.s32 v0, v5;
	[tilespmem:$0x16890] =	vst v2;
	v2 =	vld [tilespmem:$0x16680]  }
0x16e: {  	v62 =	vld [tilespmem:$0x16640];
	[tilespmem:$0x167B0] =	vst v60  }
0x16f: {  	v61 =	vadd.s32 v0, v1;
	[tilespmem:$0x166C0] =	vst v1  }
0x170: {  	v1 =	vadd.s32 v0, v3;
	[tilespmem:$0x168A0] =	vst v61  }
0x171: {  	[tilespmem:$0x167C0] =	vst v1  }
0x172: {  	v1 =	vadd.s32 v0, v2;
	[tilespmem:$0x166D0] =	vst v2  }
0x173: {  	[tilespmem:$0x168B0] =	vst v1;
	v1 =	vadd.s32 v0, v62  }
0x174: {  	[tilespmem:$0x167D0] =	vst v1;
	v1 =	vadd.s32 v0, v63  }
0x175: {  	s17 =	simm.s32 $0x16790;
	[tilespmem:$0x168C0] =	vst v1  }
0x176: {  	[tilespmem:s23], [sflag:$0x1] =	stream.indirect.gather [hbm4b:s22+s20], $0x10, s17, s20, $0xb8;
	[tilespmem:$0x1F4E0] =	vst v63  }
0x177: {  	s17 =	simm.s32 $0x16880;
	s23 =	simm.s32 $0x16DD0  }
0x178: {  	[tilespmem:s23], [sflag:$0x4] =	stream.indirect.gather [hbm4b:s24+s20], $0x10, s17, s20, $0xb8;
	[tilespmem:$0x1F4E0] =	vst v63  }
0x179: {  	_ =	swait.ge [sflag:s28], $0x500  }
0x17a: {  	[sflag:s28] =	ssyncset.done $0x0  }
0x17b: {  	[sflag:s28] =	ssyncadd.s32 $0xFFFFFB00  }
0x17c: {  	_ =	swait.ge [sflag:s29], $0x500  }
0x17d: {  	[sflag:s29] =	ssyncset.done $0x0  }
0x17e: {  	s23 =	simm.s32 $0x0;
	[sflag:s29] =	ssyncadd.s32 $0xFFFFFB00  }
0x17f: {  	v1 =	vld [tilespmem:s23+$0x16DD0]  }
0x180: {  	v2 =	vld [tilespmem:s23+$0x168D0];
	_ =	sdelay $0x4  }
0x181: {  	v1 =	vadd.f32 v1, v2;
	_ =	sdelay $0x1  }
0x182: {  	v2 =	vmin.f32 v1, $0.0e+00  }
0x183: {  	v2 =	vmul.f32 $2.000000030e-01, v2  }
0x184: {  	v1 =	vmax.f32 v1, $0.0e+00  }
0x185: {  	v1 =	vadd.f32 v2, v1;
	_ =	sdelay $0x1  }
0x186: {  	v1 =	vmul.f32 $1.442695020e+00, v1;
	_ =	sdelay $0x1  }
0x187: {  	(erf) = vpow2.f32 v1;
	_ =	sdelay $0x8  }
0x188: {  	v1 =	vpop (erf)  }
0x189: {  	[tilespmem:s23+$0x168D0] =	vst v1  }
0x18a: {  	s17 =	simm.s32 $0x10;
	[tilespmem:s3+$0x0] =	vst.msk $0xff, v1  }
0x18b: {  	v1 =	vld [tilespmem:s17+$0x16DD0]  }
0x18c: {  	s23 =	simm.s32 $0x80;
	v2 =	vld [tilespmem:s17+$0x168D0]  }
.LBB2_11:
0x18d: {  	p0 =	sne.s32 s23, $0x13C0;
	_ =	sdelay $0x3  }
0x18e: {  	v1 =	vadd.f32 v1, v2;
	_ =	sdelay $0x1  }
0x18f: {  	v2 =	vmin.f32 v1, $0.0e+00  }
0x190: {  	v2 =	vmul.f32 $2.000000030e-01, v2  }
0x191: {  	v1 =	vmax.f32 v1, $0.0e+00  }
0x192: {  	v1 =	vadd.f32 v2, v1;
	_ =	sdelay $0x1  }
0x193: {  	v1 =	vmul.f32 $1.442695020e+00, v1;
	_ =	sdelay $0x1  }
0x194: {  	(erf) = vpow2.f32 v1;
	_ =	sdelay $0x8  }
.Ltmp4:
0x195: {  	v1 =	vpop (erf);
	(pc) =	sbr.rel @p0 .LBB2_11-.Ltmp4, $4  }
0x196: {  	s3 =	sadd.s32 $0x8, s3;
	[tilespmem:s17+$0x168D0] =	vst v1  }
0x197: {  	s17 =	sshra.s32 s23, $0x2;
	[tilespmem:s3+$0x0] =	vst.msk $0xff, v1  }
0x198: {  	v1 =	vld [tilespmem:s17+$0x16DD0]  }
0x199: {  	s23 =	sadd.s32 $0x40, s23;
	v2 =	vld [tilespmem:s17+$0x168D0]  }
0x19a: {  	_ =	sdelay $0x3  }
0x19b: {  	v1 =	vadd.f32 v1, v2;
	_ =	sdelay $0x1  }
0x19c: {  	v2 =	vmin.f32 v1, $0.0e+00  }
0x19d: {  	v2 =	vmul.f32 $2.000000030e-01, v2  }
0x19e: {  	v1 =	vmax.f32 v1, $0.0e+00  }
0x19f: {  	v1 =	vadd.f32 v2, v1;
	_ =	sdelay $0x1  }
0x1a0: {  	v1 =	vmul.f32 $1.442695020e+00, v1;
	_ =	sdelay $0x1  }
0x1a1: {  	(erf) = vpow2.f32 v1;
	_ =	sdelay $0x7  }
0x1a2: {  	s5 =	sadd.s32 $0x1, s5  }
0x1a3: {  	p0 =	sne.s32 s5, $0x19;
	v1 =	vpop (erf)  }
.Ltmp5:
0x1a4: {  	s3 =	sadd.s32 $0x8, s3;
	[tilespmem:s17+$0x168D0] =	vst v1;
	(pc) =	sbr.rel @p0 .LBB2_2-.Ltmp5, $4  }
0x1a5: {  	s23 =	simm.s32 $0x172D0;
	s17 =	sadd.s32 $0x140, s6;
	[tilespmem:s3+$0x0] =	vst.msk $0xff, v1  }
0x1a6: {  	[hbm4b:s17+s19] =	stream.linear.scatter [tilespmem:s23], [sflag:$0xA], $0x280, $0x38;
	[tilespmem:$0x1F4E0] =	vst v63  }
0x1a7: {  	s23 =	simm.s32 $0x168D0  }
0x1a8: {  	[spmem:s14] =	stream.indirect.scatter.add.f32 [tilespmem:s23], [sflag:$0x7], $0x10, s30, s20, $0xb8;
	[tilespmem:$0x1F4E0] =	vst v63  }
0x1a9: {  	s3 =	simm.s32 $0xA  }
0x1aa: {  	_ =	swait.ge [sflag:s3], $0x280  }
0x1ab: {  	[sflag:s3] =	ssyncset.done $0x0  }
0x1ac: {  	[sflag:s3] =	ssyncadd.s32 $0xFFFFFD80  }
0x1ad: {  	_ =	swait.ge [sflag:s0], $0x500  }
0x1ae: {  	[sflag:s0] =	ssyncset.done $0x0  }
0x1af: {  	[sflag:s0] =	ssyncadd.s32 $0xFFFFFB00  }
0x1b0: {  	[bflag:$0x0] =	sbarrier.arrive $0xFFFF  }
0x1b1: {  	s23 =	rddreg [dreg:$0xf]  }
0x1b2: {  	s5 =	rddreg [dreg:$0x10]  }
0x1b3: {  	[hbm:s5], [sflag:s26] =	dma.local [spmem:s23], $0x4F0  }
0x1b4: {  	_ =	swait.ge [sflag:s31], $0x4F0  }
0x1b5: {  	s24 =	sadd.s32 $0x50, s21;
	s17 =	simm.s32 $0x0;
	[sflag:s31] =	ssyncset.done $0x0  }
0x1b6: {  	s5 =	simm.s32 $0x0;
	[dreg:$0x12] =	wrdreg s24;
	[sflag:s31] =	ssyncadd.s32 $0xFFFFFB10  }
.LBB2_14:
0x1b7: {  	s3 =	rddreg [dreg:$0xc]  }
0x1b8: {  	s19 =	rddreg [dreg:$0x7];
	s6 =	sshrl.u32 s3, $0x3  }
0x1b9: {  	[dreg:$0x14] =	wrdreg s6  }
0x1ba: {  	[spmem:s6], [sflag:s26] =	dma.local [hbm:s19], $0x2780  }
0x1bb: {  	_ =	swait.ge [sflag:s31], $0x2780  }
0x1bc: {  	[sflag:s31] =	ssyncset.done $0x0  }
0x1bd: {  	[sflag:s31] =	ssyncadd.s32 $0xFFFFD880  }
0x1be: {  	s22 =	simm.s32 $0x16380;
	s14 =	simm.s32 $0x0;
	[bflag:$0x0] =	sbarrier.arrive $0xFFFF  }
0x1bf: {  	[tilespmem:s22], [sflag:$0xC] =	stream.linear.gather [hbm4b:s18+s14], $0x320, $0x38;
	[tilespmem:$0x1F4E0] =	vst v63  }
0x1c0: {  	_ =	swait.ge [sflag:s31], $0x320  }
0x1c1: {  	[sflag:s31] =	ssyncset.done $0x0  }
0x1c2: {  	[sflag:s31] =	ssyncadd.s32 $0xFFFFFCE0  }
0x1c3: {  	v1 =	vld [tilespmem:$0x16380]  }
0x1c4: {  	v3 =	vld [tilespmem:$0x163D0]  }
0x1c5: {  	v2 =	vld [tilespmem:$0x16390]  }
0x1c6: {  	v5 =	vld [tilespmem:$0x163E0]  }
0x1c7: {  	s23 =	rddreg [dreg:$0x9];
	v4 =	vld [tilespmem:$0x163A0]  }
0x1c8: {  	s3 =	sor.u32 s23, s17;
	v57 =	vld [tilespmem:$0x16400];
	v1 =	vshll.u32 v1, $0x2  }
0x1c9: {  	v6 =	vld [tilespmem:$0x163B0];
	[tilespmem:$0x166A0] =	vst v3;
	v1 =	vadd.s32 s3, v1  }
0x1ca: {  	v58 =	vld [tilespmem:$0x16410];
	[tilespmem:$0x16790] =	vst v1;
	v1 =	vshll.u32 v2, $0x2  }
0x1cb: {  	v3 =	vld [tilespmem:$0x163C0];
	[tilespmem:$0x166B0] =	vst v5;
	v1 =	vadd.s32 s3, v1  }
0x1cc: {  	v2 =	vld [tilespmem:$0x163F0];
	[tilespmem:$0x167A0] =	vst v1;
	v1 =	vshll.u32 v4, $0x2  }
0x1cd: {  	[tilespmem:$0x166D0] =	vst v57;
	v1 =	vadd.s32 s3, v1  }
0x1ce: {  	[tilespmem:$0x167B0] =	vst v1;
	v1 =	vshll.u32 v6, $0x2  }
0x1cf: {  	[tilespmem:$0x166E0] =	vst v58;
	v1 =	vadd.s32 s3, v1  }
0x1d0: {  	[tilespmem:$0x167C0] =	vst v1;
	v1 =	vshll.u32 v3, $0x2  }
0x1d1: {  	[tilespmem:$0x166C0] =	vst v2;
	v1 =	vadd.s32 s3, v1  }
0x1d2: {  	s24 =	simm.s32 $0x16790;
	[tilespmem:$0x167D0] =	vst v1  }
0x1d3: {  	[tilespmem:s9], [sflag:$0x1] =	stream.indirect.gather [hbm4b:s4+s20], $0x80, s24, s20, $0xb8;
	[tilespmem:$0x1F4E0] =	vst v63  }
0x1d4: {  	_ = 	snop  }
0x1d5: {  	[tilespmem:s15], [sflag:$0x4] =	stream.linear.gather [hbm4b:s21+s14], $0x280, $0x38;
	[tilespmem:$0x1F4E0] =	vst v63  }
0x1d6: {  	v1 =	vld [tilespmem:$0x16420]  }
0x1d7: {  	v3 =	vld [tilespmem:$0x16470]  }
0x1d8: {  	v2 =	vld [tilespmem:$0x16430]  }
0x1d9: {  	v60 =	vld [tilespmem:$0x16480]  }
0x1da: {  	v59 =	vld [tilespmem:$0x16440]  }
0x1db: {  	v62 =	vld [tilespmem:$0x164A0];
	v1 =	vshll.u32 v1, $0x2  }
0x1dc: {  	v61 =	vld [tilespmem:$0x16450];
	[tilespmem:$0x166F0] =	vst v3;
	v1 =	vadd.s32 s3, v1  }
0x1dd: {  	v63 =	vld [tilespmem:$0x164B0];
	[tilespmem:$0x167E0] =	vst v1;
	v1 =	vshll.u32 v2, $0x2  }
0x1de: {  	v3 =	vld [tilespmem:$0x16460];
	[tilespmem:$0x16700] =	vst v60;
	v1 =	vadd.s32 s3, v1  }
0x1df: {  	v2 =	vld [tilespmem:$0x16490];
	[tilespmem:$0x167F0] =	vst v1;
	v1 =	vshll.u32 v59, $0x2  }
0x1e0: {  	[tilespmem:$0x16720] =	vst v62;
	v1 =	vadd.s32 s3, v1  }
0x1e1: {  	[tilespmem:$0x16800] =	vst v1;
	v1 =	vshll.u32 v61, $0x2  }
0x1e2: {  	[tilespmem:$0x16730] =	vst v63;
	v1 =	vadd.s32 s3, v1  }
0x1e3: {  	[tilespmem:$0x16810] =	vst v1;
	v1 =	vshll.u32 v3, $0x2  }
0x1e4: {  	[tilespmem:$0x16710] =	vst v2;
	v1 =	vadd.s32 s3, v1  }
0x1e5: {  	s26 =	simm.s32 $0x167E0;
	[dreg:$0x13] =	wrdreg s17;
	[tilespmem:$0x16820] =	vst v1  }
0x1e6: {  	[tilespmem:s16], [sflag:$0x2] =	stream.indirect.gather [hbm4b:s4+s20], $0x80, s26, s20, $0xb8;
	[tilespmem:$0x1F4E0] =	vst v63  }
0x1e7: {  	s31 =	rddreg [dreg:$0x12];
	s24 =	simm.s32 $0x0  }
0x1e8: {  	v1 =	vmov s3;
	[tilespmem:s7], [sflag:$0x5] =	stream.linear.gather [hbm4b:s31+s14], $0x280, $0x38;
	[tilespmem:$0x1F4E0] =	vst v63  }
.LBB2_15:
0x1e9: {  	p0 =	seq.s32 s24, $0x0  }
0x1ea: {  	s3 =	simm.s32 @!p0 $0xB  }
0x1eb: {  	_ =	swait.ge @!p0 [sflag:s3], $0x320  }
0x1ec: {  	[sflag:s3] =	ssyncset.done @!p0 $0x0  }
0x1ed: {  	[sflag:s3] =	ssyncadd.s32 @!p0 $0xFFFFFCE0;
	s3 =	simm.s32 @!p0 $0x9  }
0x1ee: {  	_ =	swait.ge @!p0 [sflag:s3], $0x2800  }
0x1ef: {  	[sflag:s3] =	ssyncset.done @!p0 $0x0  }
0x1f0: {  	[sflag:s3] =	ssyncadd.s32 @!p0 $0xFFFFD800  }
0x1f1: {  	v2 =	vld [tilespmem:$0x164C0]  }
0x1f2: {  	v6 =	vld [tilespmem:$0x16520];
	_ =	sdelay $0x1  }
0x1f3: {  	v3 =	vld [tilespmem:$0x164D0]  }
0x1f4: {  	v4 =	vld [tilespmem:$0x16510]  }
0x1f5: {  	v5 =	vld [tilespmem:$0x164E0]  }
0x1f6: {  	v2 =	vshll.u32 v2, $0x2;
	[tilespmem:$0x16750] =	vst v6;
	v6 =	vld [tilespmem:$0x16550]  }
0x1f7: {  	v7 =	vld [tilespmem:$0x164F0];
	v2 =	vadd.s32 v1, v2  }
0x1f8: {  	[tilespmem:$0x16830] =	vst v2;
	v2 =	vshll.u32 v3, $0x2;
	v3 =	vld [tilespmem:$0x16530]  }
0x1f9: {  	[tilespmem:$0x16740] =	vst v4;
	v4 =	vld [tilespmem:$0x16500];
	v2 =	vadd.s32 v1, v2  }
0x1fa: {  	[tilespmem:$0x16840] =	vst v2;
	v2 =	vshll.u32 v5, $0x2;
	v5 =	vld [tilespmem:$0x16540]  }
0x1fb: {  	v2 =	vadd.s32 v1, v2;
	[tilespmem:$0x16780] =	vst v6  }
0x1fc: {  	[tilespmem:$0x16850] =	vst v2;
	v2 =	vshll.u32 v7, $0x2  }
0x1fd: {  	s19 =	smul.u32 $0x780, s24;
	[tilespmem:$0x16760] =	vst v3;
	v2 =	vadd.s32 v1, v2  }
0x1fe: {  	[tilespmem:$0x16860] =	vst v2;
	v2 =	vshll.u32 v4, $0x2  }
0x1ff: {  	s3 =	sshrl.u32 s19, $0x3;
	[tilespmem:$0x16770] =	vst v5;
	v2 =	vadd.s32 v1, v2  }
0x200: {  	s6 =	simm.s32 $0x16830;
	s31 =	sadd.s32 s21, s3;
	[tilespmem:$0x16870] =	vst v2  }
0x201: {  	[tilespmem:s8], [sflag:$0x3] =	stream.indirect.gather [hbm4b:s4+s20], $0x80, s6, s20, $0xb8;
	[tilespmem:$0x1F4E0] =	vst v63  }
0x202: {  	s22 =	simm.s32 $0x0;
	s23 =	sadd.s32 $0x0, s5;
	s3 =	sadd.s32 $0xA0, s31  }
0x203: {  	v2 =	vmov s23;
	[tilespmem:s10], [sflag:$0x6] =	stream.linear.gather [hbm4b:s3+s22], $0x280, $0x38;
	[tilespmem:$0x1F4E0] =	vst v63  }
0x204: {  	v2 =	vand.u32 $0xFFFFFFFE, v2;
	_ =	swait.ge [sflag:s28], $0x2800  }
0x205: {  	v2 =	vbroadcast v2, $0x0;
	[sflag:s28] =	ssyncset.done $0x0  }
0x206: {  	[sflag:s28] =	ssyncadd.s32 $0xFFFFD800  }
0x207: {  	_ =	swait.ge [sflag:s29], $0x280  }
0x208: {  	s17 =	sadd.s32 $0x1, s23;
	[sflag:s29] =	ssyncset.done $0x0  }
0x209: {  	v3 =	vmov s17;
	s6 =	simm.s32 $0x17D60;
	[sflag:s29] =	ssyncadd.s32 $0xFFFFFD80  }
0x20a: {  	v5 =	vld [tilespmem:s6+$0xFFFFFFB0]  }
0x20b: {  	v6 =	vld.idx.msk [tilespmem:v2+s15+$0x0], $0xffff  }
0x20c: {  	v2 =	vld [tilespmem:s6+$0xFFFFFF80]  }
0x20d: {  	v7 =	vld [tilespmem:s6+$0xFFFFFF90]  }
0x20e: {  	v8 =	vld.idx.msk [tilespmem:v3+s15+$0x0], $0xffff  }
0x20f: {  	v3 =	vld [tilespmem:s6+$0xFFFFFFC0]  }
0x210: {  	v10 =	vld [tilespmem:s6+$0xFFFFFFE0]  }
0x211: {  	v9 =	vld [tilespmem:s6+$0xFFFFFFD0];
	v5 =	vmul.f32 v5, v6  }
0x212: {  	s26 =	sadd.s32 $0x8, s23;
	v4 =	vld [tilespmem:s6+$0xFFFFFFF0];
	v2 =	vmul.f32 v2, v6  }
0x213: {  	v12 =	vmov s26;
	v11 =	vld [tilespmem:s6+$0xFFFFFFA0];
	v7 =	vmul.f32 v7, v6;
	[tilespmem:s6+$0xFFFFFFB0] =	vst v5  }
0x214: {  	v3 =	vmul.f32 v3, v8;
	v5 =	vand.u32 $0xFFFFFFFE, v12;
	[tilespmem:s6+$0xFFFFFF80] =	vst v2  }
0x215: {  	[tilespmem:s6+$0xFFFFFF90] =	vst v7;
	v7 =	vmul.f32 v10, v8;
	v12 =	vbroadcast v5, $0x0  }
0x216: {  	[tilespmem:s6+$0xFFFFFFC0] =	vst v3;
	v5 =	vmul.f32 v9, v8  }
0x217: {  	s3 =	sadd.s32 $0x9, s23;
	v4 =	vmul.f32 v4, v8;
	v2 =	vld [tilespmem:s6+$0x0];
	[tilespmem:s6+$0xFFFFFFE0] =	vst v7  }
0x218: {  	v3 =	vld [tilespmem:s6+$0x10];
	v7 =	vmov s3;
	[tilespmem:s6+$0xFFFFFFD0] =	vst v5;
	v5 =	vmul.f32 v11, v6  }
0x219: {  	[tilespmem:s6+$0xFFFFFFF0] =	vst v4;
	v6 =	vld [tilespmem:s6+$0x50]  }
0x21a: {  	[tilespmem:s6+$0xFFFFFFA0] =	vst v5;
	v5 =	vld [tilespmem:s6+$0x20]  }
0x21b: {  	s26 =	simm.s32 $0x10;
	s17 =	smul.u32 $0x3, s24;
	s3 =	simm.s32 $0x17D60;
	v4 =	vld.idx.msk [tilespmem:v12+s15+$0x0], $0xffff  }
.LBB2_16:
0x21c: {  	p0 =	sne.s32 s26, $0x270  }
0x21d: {  	v7 =	vld.idx.msk [tilespmem:v7+s15+$0x0], $0xffff;
	s6 =	sadd.s32 $0x100, s6;
	s23 =	smov.u32 s26;
	s26 =	sadd.s32 $0x10, s26  }
0x21e: {  	v8 =	vld [tilespmem:s3+$0x60]  }
0x21f: {  	v9 =	vld [tilespmem:s3+$0x70]  }
0x220: {  	v10 =	vld [tilespmem:s3+$0x40]  }
0x221: {  	v11 =	vld [tilespmem:s3+$0x30]  }
0x222: {  	v2 =	vmul.f32 v2, v4;
	v3 =	vmul.f32 v3, v4  }
0x223: {  	s23 =	sadd.s32 s23, s5;
	v6 =	vmul.f32 v6, v7;
	v8 =	vmul.f32 v8, v7  }
0x224: {  	v12 =	vmov s23;
	s14 =	sadd.s32 $0x1, s23;
	s19 =	sadd.s32 $0x8, s23;
	s23 =	sadd.s32 $0x9, s23;
	v5 =	vmul.f32 v5, v4;
	[tilespmem:s3+$0x0] =	vst v2;
	v9 =	vmul.f32 v9, v7  }
0x225: {  	v12 =	vand.u32 $0xFFFFFFFE, v12;
	v13 =	vmov s14;
	v2 =	vld [tilespmem:s6+$0x0];
	v7 =	vmul.f32 v10, v7;
	[tilespmem:s3+$0x50] =	vst v6  }
0x226: {  	v6 =	vbroadcast v12, $0x0;
	v10 =	vmov s19;
	[tilespmem:s3+$0x10] =	vst v3;
	v4 =	vmul.f32 v11, v4  }
0x227: {  	v10 =	vand.u32 $0xFFFFFFFE, v10;
	v3 =	vld [tilespmem:s6+$0x10];
	[tilespmem:s3+$0x20] =	vst v5  }
0x228: {  	v5 =	vld [tilespmem:s6+$0xFFFFFFF0];
	[tilespmem:s3+$0x40] =	vst v7  }
0x229: {  	v7 =	vld [tilespmem:s6+$0xFFFFFFD0];
	[tilespmem:s3+$0x30] =	vst v4  }
0x22a: {  	v4 =	vld [tilespmem:s6+$0xFFFFFFA0];
	[tilespmem:s3+$0x60] =	vst v8  }
0x22b: {  	v8 =	vld [tilespmem:s6+$0xFFFFFFB0];
	[tilespmem:s3+$0x70] =	vst v9;
	s3 =	smov.u32 s6  }
0x22c: {  	v6 =	vld.idx.msk [tilespmem:v6+s15+$0x0], $0xffff  }
0x22d: {  	v9 =	vld [tilespmem:s6+$0xFFFFFF80]  }
0x22e: {  	v11 =	vld [tilespmem:s6+$0xFFFFFF90]  }
0x22f: {  	v12 =	vld.idx.msk [tilespmem:v13+s15+$0x0], $0xffff  }
0x230: {  	v13 =	vld [tilespmem:s6+$0xFFFFFFC0]  }
0x231: {  	v14 =	vld [tilespmem:s6+$0xFFFFFFE0]  }
0x232: {  	v8 =	vmul.f32 v8, v6;
	v9 =	vmul.f32 v9, v6  }
0x233: {  	v4 =	vmul.f32 v4, v6;
	v11 =	vmul.f32 v11, v6  }
0x234: {  	[tilespmem:s6+$0xFFFFFFB0] =	vst v8;
	v8 =	vbroadcast v10, $0x0  }
0x235: {  	v7 =	vmul.f32 v7, v12;
	[tilespmem:s6+$0xFFFFFF80] =	vst v9;
	v6 =	vmul.f32 v13, v12  }
0x236: {  	v5 =	vmul.f32 v5, v12;
	[tilespmem:s6+$0xFFFFFF90] =	vst v11;
	v9 =	vmul.f32 v14, v12  }
0x237: {  	[tilespmem:s6+$0xFFFFFFC0] =	vst v6  }
.Ltmp6:
0x238: {  	[tilespmem:s6+$0xFFFFFFD0] =	vst v7;
	v7 =	vmov s23;
	(pc) =	sbr.rel @p0 .LBB2_16-.Ltmp6, $4  }
0x239: {  	[tilespmem:s6+$0xFFFFFFA0] =	vst v4  }
0x23a: {  	[tilespmem:s6+$0xFFFFFFE0] =	vst v9;
	v6 =	vld [tilespmem:s6+$0x50]  }
0x23b: {  	[tilespmem:s6+$0xFFFFFFF0] =	vst v5;
	v5 =	vld [tilespmem:s6+$0x20]  }
0x23c: {  	v4 =	vld.idx.msk [tilespmem:v8+s15+$0x0], $0xffff  }
0x23d: {  	_ =	sdelay $0x3  }
0x23e: {  	v7 =	vld.idx.msk [tilespmem:v7+s15+$0x0], $0xffff;
	_ =	sdelay $0x1  }
0x23f: {  	v8 =	vld [tilespmem:s3+$0x40]  }
0x240: {  	v9 =	vld [tilespmem:s3+$0x30];
	v2 =	vmul.f32 v2, v4  }
0x241: {  	v11 =	vld [tilespmem:s3+$0x70];
	v3 =	vmul.f32 v3, v4  }
0x242: {  	v10 =	vld [tilespmem:s3+$0x60];
	v6 =	vmul.f32 v6, v7;
	[tilespmem:s3+$0x0] =	vst v2  }
0x243: {  	v2 =	vmul.f32 v5, v4;
	[tilespmem:s3+$0x10] =	vst v3  }
0x244: {  	v5 =	vmul.f32 v8, v7;
	[tilespmem:s3+$0x50] =	vst v6  }
0x245: {  	v3 =	vmul.f32 v9, v4;
	[tilespmem:s3+$0x20] =	vst v2  }
0x246: {  	v4 =	vmul.f32 v11, v7;
	[tilespmem:s3+$0x40] =	vst v5  }
0x247: {  	v2 =	vmul.f32 v10, v7;
	[tilespmem:s3+$0x30] =	vst v3  }
0x248: {  	[tilespmem:s3+$0x70] =	vst v4  }
0x249: {  	[tilespmem:s3+$0x60] =	vst v2  }
0x24a: {  	[spmem:s2] =	stream.indirect.scatter.add.f32 [tilespmem:s9], [sflag:$0x7], $0x80, s30, s20, $0xb8;
	[tilespmem:$0x1F4E0] =	vst v63  }
0x24b: {  	_ =	swait.ge [sflag:s0], $0x2800  }
0x24c: {  	[sflag:s0] =	ssyncset.done $0x0  }
0x24d: {  	[sflag:s0] =	ssyncadd.s32 $0xFFFFD800  }
0x24e: {  	v2 =	vld [tilespmem:$0x16560]  }
0x24f: {  	v6 =	vld [tilespmem:$0x165C0];
	_ =	sdelay $0x1  }
0x250: {  	v3 =	vld [tilespmem:$0x16570]  }
0x251: {  	v4 =	vld [tilespmem:$0x165B0]  }
0x252: {  	v5 =	vld [tilespmem:$0x16580]  }
0x253: {  	v2 =	vshll.u32 v2, $0x2;
	[tilespmem:$0x166B0] =	vst v6;
	v6 =	vld [tilespmem:$0x165F0]  }
0x254: {  	v7 =	vld [tilespmem:$0x16590];
	v2 =	vadd.s32 v1, v2  }
0x255: {  	[tilespmem:$0x16790] =	vst v2;
	v2 =	vshll.u32 v3, $0x2;
	v3 =	vld [tilespmem:$0x165D0]  }
0x256: {  	[tilespmem:$0x166A0] =	vst v4;
	v4 =	vld [tilespmem:$0x165A0];
	v2 =	vadd.s32 v1, v2  }
0x257: {  	[tilespmem:$0x167A0] =	vst v2;
	v2 =	vshll.u32 v5, $0x2;
	v5 =	vld [tilespmem:$0x165E0]  }
0x258: {  	v2 =	vadd.s32 v1, v2;
	[tilespmem:$0x166E0] =	vst v6  }
0x259: {  	[tilespmem:$0x167B0] =	vst v2;
	v2 =	vshll.u32 v7, $0x2  }
0x25a: {  	[tilespmem:$0x166C0] =	vst v3;
	v2 =	vadd.s32 v1, v2  }
0x25b: {  	[tilespmem:$0x167C0] =	vst v2;
	v2 =	vshll.u32 v4, $0x2  }
0x25c: {  	s17 =	sadd.s32 $0x3, s17;
	[tilespmem:$0x166D0] =	vst v5;
	v2 =	vadd.s32 v1, v2  }
0x25d: {  	s6 =	simm.s32 $0x16790;
	s19 =	smul.u32 $0x50, s17;
	[tilespmem:$0x167D0] =	vst v2  }
0x25e: {  	[tilespmem:s9], [sflag:$0x1] =	stream.indirect.gather [hbm4b:s4+s20], $0x80, s6, s20, $0xb8;
	[tilespmem:$0x1F4E0] =	vst v63  }
0x25f: {  	s22 =	simm.s32 $0x0;
	s23 =	sadd.s32 $0x0, s5;
	s3 =	sadd.s32 s21, s19  }
0x260: {  	v2 =	vmov s23;
	[tilespmem:s15], [sflag:$0x4] =	stream.linear.gather [hbm4b:s3+s22], $0x280, $0x38;
	[tilespmem:$0x1F4E0] =	vst v63  }
0x261: {  	v2 =	vand.u32 $0xFFFFFFFE, v2;
	_ =	swait.ge [sflag:s11], $0x2800  }
0x262: {  	v2 =	vbroadcast v2, $0x0;
	[sflag:s11] =	ssyncset.done $0x0  }
0x263: {  	[sflag:s11] =	ssyncadd.s32 $0xFFFFD800  }
0x264: {  	_ =	swait.ge [sflag:s13], $0x280  }
0x265: {  	s14 =	sadd.s32 $0x1, s23;
	[sflag:s13] =	ssyncset.done $0x0  }
0x266: {  	v3 =	vmov s14;
	s6 =	simm.s32 $0x1A560;
	[sflag:s13] =	ssyncadd.s32 $0xFFFFFD80  }
0x267: {  	v5 =	vld [tilespmem:s6+$0xFFFFFFB0]  }
0x268: {  	v6 =	vld.idx.msk [tilespmem:v2+s7+$0x0], $0xffff  }
0x269: {  	v2 =	vld [tilespmem:s6+$0xFFFFFF80]  }
0x26a: {  	v7 =	vld [tilespmem:s6+$0xFFFFFF90]  }
0x26b: {  	v8 =	vld.idx.msk [tilespmem:v3+s7+$0x0], $0xffff  }
0x26c: {  	v3 =	vld [tilespmem:s6+$0xFFFFFFC0]  }
0x26d: {  	v62 =	vld [tilespmem:s6+$0xFFFFFFE0]  }
0x26e: {  	v61 =	vld [tilespmem:s6+$0xFFFFFFD0];
	v5 =	vmul.f32 v5, v6  }
0x26f: {  	s26 =	sadd.s32 $0x8, s23;
	v4 =	vld [tilespmem:s6+$0xFFFFFFF0];
	v2 =	vmul.f32 v2, v6  }
0x270: {  	v12 =	vmov s26;
	v63 =	vld [tilespmem:s6+$0xFFFFFFA0];
	v7 =	vmul.f32 v7, v6;
	[tilespmem:s6+$0xFFFFFFB0] =	vst v5  }
0x271: {  	v3 =	vmul.f32 v3, v8;
	v5 =	vand.u32 $0xFFFFFFFE, v12;
	[tilespmem:s6+$0xFFFFFF80] =	vst v2  }
0x272: {  	[tilespmem:s6+$0xFFFFFF90] =	vst v7;
	v7 =	vmul.f32 v62, v8;
	v12 =	vbroadcast v5, $0x0  }
0x273: {  	[tilespmem:s6+$0xFFFFFFC0] =	vst v3;
	v5 =	vmul.f32 v61, v8  }
0x274: {  	s3 =	sadd.s32 $0x9, s23;
	v4 =	vmul.f32 v4, v8;
	v2 =	vld [tilespmem:s6+$0x0];
	[tilespmem:s6+$0xFFFFFFE0] =	vst v7  }
0x275: {  	v3 =	vld [tilespmem:s6+$0x10];
	v7 =	vmov s3;
	[tilespmem:s6+$0xFFFFFFD0] =	vst v5;
	v5 =	vmul.f32 v63, v6  }
0x276: {  	[tilespmem:s6+$0xFFFFFFF0] =	vst v4;
	v6 =	vld [tilespmem:s6+$0x50]  }
0x277: {  	[tilespmem:s6+$0xFFFFFFA0] =	vst v5;
	v5 =	vld [tilespmem:s6+$0x20]  }
0x278: {  	s26 =	simm.s32 $0x10;
	s3 =	simm.s32 $0x1A560;
	v4 =	vld.idx.msk [tilespmem:v12+s7+$0x0], $0xffff  }
.LBB2_18:
0x279: {  	p0 =	sne.s32 s26, $0x270  }
0x27a: {  	v7 =	vld.idx.msk [tilespmem:v7+s7+$0x0], $0xffff;
	s6 =	sadd.s32 $0x100, s6;
	s14 =	smov.u32 s26;
	s26 =	sadd.s32 $0x10, s26  }
0x27b: {  	v8 =	vld [tilespmem:s3+$0x60]  }
0x27c: {  	v9 =	vld [tilespmem:s3+$0x70]  }
0x27d: {  	v10 =	vld [tilespmem:s3+$0x40]  }
0x27e: {  	v11 =	vld [tilespmem:s3+$0x30]  }
0x27f: {  	v2 =	vmul.f32 v2, v4;
	v3 =	vmul.f32 v3, v4  }
0x280: {  	s14 =	sadd.s32 s14, s5;
	v6 =	vmul.f32 v6, v7;
	v8 =	vmul.f32 v8, v7  }
0x281: {  	v12 =	vmov s14;
	s19 =	sadd.s32 $0x1, s14;
	s22 =	sadd.s32 $0x8, s14;
	s23 =	sadd.s32 $0x9, s14;
	v5 =	vmul.f32 v5, v4;
	[tilespmem:s3+$0x0] =	vst v2;
	v9 =	vmul.f32 v9, v7  }
0x282: {  	v12 =	vand.u32 $0xFFFFFFFE, v12;
	v13 =	vmov s19;
	v2 =	vld [tilespmem:s6+$0x0];
	v7 =	vmul.f32 v10, v7;
	[tilespmem:s3+$0x50] =	vst v6  }
0x283: {  	v6 =	vbroadcast v12, $0x0;
	v10 =	vmov s22;
	[tilespmem:s3+$0x10] =	vst v3;
	v4 =	vmul.f32 v11, v4  }
0x284: {  	v10 =	vand.u32 $0xFFFFFFFE, v10;
	v3 =	vld [tilespmem:s6+$0x10];
	[tilespmem:s3+$0x20] =	vst v5  }
0x285: {  	v5 =	vld [tilespmem:s6+$0xFFFFFFF0];
	[tilespmem:s3+$0x40] =	vst v7  }
0x286: {  	v7 =	vld [tilespmem:s6+$0xFFFFFFD0];
	[tilespmem:s3+$0x30] =	vst v4  }
0x287: {  	v4 =	vld [tilespmem:s6+$0xFFFFFFA0];
	[tilespmem:s3+$0x60] =	vst v8  }
0x288: {  	v8 =	vld [tilespmem:s6+$0xFFFFFFB0];
	[tilespmem:s3+$0x70] =	vst v9;
	s3 =	smov.u32 s6  }
0x289: {  	v6 =	vld.idx.msk [tilespmem:v6+s7+$0x0], $0xffff  }
0x28a: {  	v9 =	vld [tilespmem:s6+$0xFFFFFF80]  }
0x28b: {  	v11 =	vld [tilespmem:s6+$0xFFFFFF90]  }
0x28c: {  	v12 =	vld.idx.msk [tilespmem:v13+s7+$0x0], $0xffff  }
0x28d: {  	v13 =	vld [tilespmem:s6+$0xFFFFFFC0]  }
0x28e: {  	v14 =	vld [tilespmem:s6+$0xFFFFFFE0]  }
0x28f: {  	v8 =	vmul.f32 v8, v6;
	v9 =	vmul.f32 v9, v6  }
0x290: {  	v4 =	vmul.f32 v4, v6;
	v11 =	vmul.f32 v11, v6  }
0x291: {  	[tilespmem:s6+$0xFFFFFFB0] =	vst v8;
	v8 =	vbroadcast v10, $0x0  }
0x292: {  	v7 =	vmul.f32 v7, v12;
	[tilespmem:s6+$0xFFFFFF80] =	vst v9;
	v6 =	vmul.f32 v13, v12  }
0x293: {  	v5 =	vmul.f32 v5, v12;
	[tilespmem:s6+$0xFFFFFF90] =	vst v11;
	v9 =	vmul.f32 v14, v12  }
0x294: {  	[tilespmem:s6+$0xFFFFFFC0] =	vst v6  }
.Ltmp7:
0x295: {  	[tilespmem:s6+$0xFFFFFFD0] =	vst v7;
	v7 =	vmov s23;
	(pc) =	sbr.rel @p0 .LBB2_18-.Ltmp7, $4  }
0x296: {  	[tilespmem:s6+$0xFFFFFFA0] =	vst v4  }
0x297: {  	[tilespmem:s6+$0xFFFFFFE0] =	vst v9;
	v6 =	vld [tilespmem:s6+$0x50]  }
0x298: {  	[tilespmem:s6+$0xFFFFFFF0] =	vst v5;
	v5 =	vld [tilespmem:s6+$0x20]  }
0x299: {  	v4 =	vld.idx.msk [tilespmem:v8+s7+$0x0], $0xffff  }
0x29a: {  	_ =	sdelay $0x3  }
0x29b: {  	v7 =	vld.idx.msk [tilespmem:v7+s7+$0x0], $0xffff;
	_ =	sdelay $0x1  }
0x29c: {  	v8 =	vld [tilespmem:s3+$0x40]  }
0x29d: {  	v9 =	vld [tilespmem:s3+$0x30];
	v2 =	vmul.f32 v2, v4  }
0x29e: {  	v11 =	vld [tilespmem:s3+$0x70];
	v3 =	vmul.f32 v3, v4  }
0x29f: {  	v10 =	vld [tilespmem:s3+$0x60];
	v6 =	vmul.f32 v6, v7;
	[tilespmem:s3+$0x0] =	vst v2  }
0x2a0: {  	v2 =	vmul.f32 v5, v4;
	[tilespmem:s3+$0x10] =	vst v3  }
0x2a1: {  	v5 =	vmul.f32 v8, v7;
	[tilespmem:s3+$0x50] =	vst v6  }
0x2a2: {  	v3 =	vmul.f32 v9, v4;
	[tilespmem:s3+$0x20] =	vst v2  }
0x2a3: {  	v4 =	vmul.f32 v11, v7;
	[tilespmem:s3+$0x40] =	vst v5  }
0x2a4: {  	v2 =	vmul.f32 v10, v7;
	[tilespmem:s3+$0x30] =	vst v3  }
0x2a5: {  	[tilespmem:s3+$0x70] =	vst v4  }
0x2a6: {  	s23 =	simm.s32 $0x166F0;
	[tilespmem:s3+$0x60] =	vst v2  }
0x2a7: {  	[spmem:s2] =	stream.indirect.scatter.add.f32 [tilespmem:s16], [sflag:$0x8], $0x80, s23, s20, $0xb8;
	[tilespmem:$0x1F4E0] =	vst v63  }
0x2a8: {  	_ =	swait.ge [sflag:s12], $0x2800  }
0x2a9: {  	[sflag:s12] =	ssyncset.done $0x0  }
0x2aa: {  	[sflag:s12] =	ssyncadd.s32 $0xFFFFD800  }
0x2ab: {  	v2 =	vld [tilespmem:$0x16600]  }
0x2ac: {  	v6 =	vld [tilespmem:$0x16660];
	_ =	sdelay $0x1  }
0x2ad: {  	v3 =	vld [tilespmem:$0x16610]  }
0x2ae: {  	v4 =	vld [tilespmem:$0x16650]  }
0x2af: {  	v5 =	vld [tilespmem:$0x16620]  }
0x2b0: {  	v2 =	vshll.u32 v2, $0x2;
	[tilespmem:$0x16700] =	vst v6;
	v6 =	vld [tilespmem:$0x16690]  }
0x2b1: {  	v7 =	vld [tilespmem:$0x16630];
	v2 =	vadd.s32 v1, v2  }
0x2b2: {  	[tilespmem:$0x167E0] =	vst v2;
	v2 =	vshll.u32 v3, $0x2;
	v3 =	vld [tilespmem:$0x16670]  }
0x2b3: {  	[tilespmem:$0x166F0] =	vst v4;
	v4 =	vld [tilespmem:$0x16640];
	v2 =	vadd.s32 v1, v2  }
0x2b4: {  	[tilespmem:$0x167F0] =	vst v2;
	v2 =	vshll.u32 v5, $0x2;
	v5 =	vld [tilespmem:$0x16680]  }
0x2b5: {  	v2 =	vadd.s32 v1, v2;
	[tilespmem:$0x16730] =	vst v6  }
0x2b6: {  	[tilespmem:$0x16800] =	vst v2;
	v2 =	vshll.u32 v7, $0x2  }
0x2b7: {  	[tilespmem:$0x16710] =	vst v3;
	v2 =	vadd.s32 v1, v2  }
0x2b8: {  	[tilespmem:$0x16810] =	vst v2;
	v2 =	vshll.u32 v4, $0x2  }
0x2b9: {  	[tilespmem:$0x16720] =	vst v5;
	v2 =	vadd.s32 v1, v2  }
0x2ba: {  	s26 =	simm.s32 $0x167E0;
	[tilespmem:$0x16820] =	vst v2  }
0x2bb: {  	[tilespmem:s16], [sflag:$0x2] =	stream.indirect.gather [hbm4b:s4+s20], $0x80, s26, s20, $0xb8;
	[tilespmem:$0x1F4E0] =	vst v63  }
0x2bc: {  	s31 =	sadd.s32 $0x140, s31;
	s6 =	simm.s32 $0x0;
	s14 =	smul.u32 $0x14, s17  }
0x2bd: {  	[tilespmem:s7], [sflag:$0x5] =	stream.linear.gather [hbm4b:s31+s6], $0x280, $0x38;
	[tilespmem:$0x1F4E0] =	vst v63  }
0x2be: {  	s22 =	simm.s32 $0x16380;
	s19 =	sadd.s32 s18, s14;
	s23 =	sadd.s32 $0x0, s5  }
0x2bf: {  	v2 =	vmov s23;
	[tilespmem:s22], [sflag:$0xB] =	stream.linear.gather [hbm4b:s19+s6], $0x320, $0x38;
	[tilespmem:$0x1F4E0] =	vst v63  }
0x2c0: {  	v2 =	vand.u32 $0xFFFFFFFE, v2;
	_ =	swait.ge [sflag:s1], $0x2800  }
0x2c1: {  	v2 =	vbroadcast v2, $0x0;
	[sflag:s1] =	ssyncset.done $0x0  }
0x2c2: {  	[sflag:s1] =	ssyncadd.s32 $0xFFFFD800  }
0x2c3: {  	_ =	swait.ge [sflag:s25], $0x280  }
0x2c4: {  	s26 =	sadd.s32 $0x1, s23;
	[sflag:s25] =	ssyncset.done $0x0  }
0x2c5: {  	v3 =	vmov s26;
	s6 =	simm.s32 $0x1CD60;
	[sflag:s25] =	ssyncadd.s32 $0xFFFFFD80  }
0x2c6: {  	v5 =	vld [tilespmem:s6+$0xFFFFFFB0]  }
0x2c7: {  	v6 =	vld.idx.msk [tilespmem:v2+s10+$0x0], $0xffff  }
0x2c8: {  	v2 =	vld [tilespmem:s6+$0xFFFFFF80]  }
0x2c9: {  	v7 =	vld [tilespmem:s6+$0xFFFFFF90]  }
0x2ca: {  	v8 =	vld.idx.msk [tilespmem:v3+s10+$0x0], $0xffff  }
0x2cb: {  	v3 =	vld [tilespmem:s6+$0xFFFFFFC0]  }
0x2cc: {  	v62 =	vld [tilespmem:s6+$0xFFFFFFE0]  }
0x2cd: {  	v61 =	vld [tilespmem:s6+$0xFFFFFFD0];
	v5 =	vmul.f32 v5, v6  }
0x2ce: {  	s31 =	sadd.s32 $0x8, s23;
	v4 =	vld [tilespmem:s6+$0xFFFFFFF0];
	v2 =	vmul.f32 v2, v6  }
0x2cf: {  	v12 =	vmov s31;
	v63 =	vld [tilespmem:s6+$0xFFFFFFA0];
	v7 =	vmul.f32 v7, v6;
	[tilespmem:s6+$0xFFFFFFB0] =	vst v5  }
0x2d0: {  	v3 =	vmul.f32 v3, v8;
	v5 =	vand.u32 $0xFFFFFFFE, v12;
	[tilespmem:s6+$0xFFFFFF80] =	vst v2  }
0x2d1: {  	[tilespmem:s6+$0xFFFFFF90] =	vst v7;
	v7 =	vmul.f32 v62, v8;
	v12 =	vbroadcast v5, $0x0  }
0x2d2: {  	[tilespmem:s6+$0xFFFFFFC0] =	vst v3;
	v5 =	vmul.f32 v61, v8  }
0x2d3: {  	s3 =	sadd.s32 $0x9, s23;
	v4 =	vmul.f32 v4, v8;
	v2 =	vld [tilespmem:s6+$0x0];
	[tilespmem:s6+$0xFFFFFFE0] =	vst v7  }
0x2d4: {  	v3 =	vld [tilespmem:s6+$0x10];
	v7 =	vmov s3;
	[tilespmem:s6+$0xFFFFFFD0] =	vst v5;
	v5 =	vmul.f32 v63, v6  }
0x2d5: {  	[tilespmem:s6+$0xFFFFFFF0] =	vst v4;
	v6 =	vld [tilespmem:s6+$0x50]  }
0x2d6: {  	[tilespmem:s6+$0xFFFFFFA0] =	vst v5;
	v5 =	vld [tilespmem:s6+$0x20]  }
0x2d7: {  	s17 =	simm.s32 $0x10;
	s3 =	simm.s32 $0x1CD60;
	v4 =	vld.idx.msk [tilespmem:v12+s10+$0x0], $0xffff  }
.LBB2_20:
0x2d8: {  	p0 =	sne.s32 s17, $0x270  }
0x2d9: {  	v7 =	vld.idx.msk [tilespmem:v7+s10+$0x0], $0xffff;
	s6 =	sadd.s32 $0x100, s6;
	s14 =	smov.u32 s17;
	s17 =	sadd.s32 $0x10, s17  }
0x2da: {  	v8 =	vld [tilespmem:s3+$0x60]  }
0x2db: {  	v9 =	vld [tilespmem:s3+$0x70]  }
0x2dc: {  	v10 =	vld [tilespmem:s3+$0x40]  }
0x2dd: {  	v11 =	vld [tilespmem:s3+$0x30]  }
0x2de: {  	v2 =	vmul.f32 v2, v4;
	v3 =	vmul.f32 v3, v4  }
0x2df: {  	s14 =	sadd.s32 s14, s5;
	v6 =	vmul.f32 v6, v7;
	v8 =	vmul.f32 v8, v7  }
0x2e0: {  	v12 =	vmov s14;
	s19 =	sadd.s32 $0x1, s14;
	s22 =	sadd.s32 $0x8, s14;
	s23 =	sadd.s32 $0x9, s14;
	v5 =	vmul.f32 v5, v4;
	[tilespmem:s3+$0x0] =	vst v2;
	v9 =	vmul.f32 v9, v7  }
0x2e1: {  	v12 =	vand.u32 $0xFFFFFFFE, v12;
	v13 =	vmov s19;
	v2 =	vld [tilespmem:s6+$0x0];
	v7 =	vmul.f32 v10, v7;
	[tilespmem:s3+$0x50] =	vst v6  }
0x2e2: {  	v6 =	vbroadcast v12, $0x0;
	v10 =	vmov s22;
	[tilespmem:s3+$0x10] =	vst v3;
	v4 =	vmul.f32 v11, v4  }
0x2e3: {  	v10 =	vand.u32 $0xFFFFFFFE, v10;
	v3 =	vld [tilespmem:s6+$0x10];
	[tilespmem:s3+$0x20] =	vst v5  }
0x2e4: {  	v5 =	vld [tilespmem:s6+$0xFFFFFFF0];
	[tilespmem:s3+$0x40] =	vst v7  }
0x2e5: {  	v7 =	vld [tilespmem:s6+$0xFFFFFFD0];
	[tilespmem:s3+$0x30] =	vst v4  }
0x2e6: {  	v4 =	vld [tilespmem:s6+$0xFFFFFFA0];
	[tilespmem:s3+$0x60] =	vst v8  }
0x2e7: {  	v8 =	vld [tilespmem:s6+$0xFFFFFFB0];
	[tilespmem:s3+$0x70] =	vst v9;
	s3 =	smov.u32 s6  }
0x2e8: {  	v6 =	vld.idx.msk [tilespmem:v6+s10+$0x0], $0xffff  }
0x2e9: {  	v9 =	vld [tilespmem:s6+$0xFFFFFF80]  }
0x2ea: {  	v11 =	vld [tilespmem:s6+$0xFFFFFF90]  }
0x2eb: {  	v12 =	vld.idx.msk [tilespmem:v13+s10+$0x0], $0xffff  }
0x2ec: {  	v13 =	vld [tilespmem:s6+$0xFFFFFFC0]  }
0x2ed: {  	v14 =	vld [tilespmem:s6+$0xFFFFFFE0]  }
0x2ee: {  	v8 =	vmul.f32 v8, v6;
	v9 =	vmul.f32 v9, v6  }
0x2ef: {  	v4 =	vmul.f32 v4, v6;
	v11 =	vmul.f32 v11, v6  }
0x2f0: {  	[tilespmem:s6+$0xFFFFFFB0] =	vst v8;
	v8 =	vbroadcast v10, $0x0  }
0x2f1: {  	v7 =	vmul.f32 v7, v12;
	[tilespmem:s6+$0xFFFFFF80] =	vst v9;
	v6 =	vmul.f32 v13, v12  }
0x2f2: {  	v5 =	vmul.f32 v5, v12;
	[tilespmem:s6+$0xFFFFFF90] =	vst v11;
	v9 =	vmul.f32 v14, v12  }
0x2f3: {  	[tilespmem:s6+$0xFFFFFFC0] =	vst v6  }
.Ltmp8:
0x2f4: {  	[tilespmem:s6+$0xFFFFFFD0] =	vst v7;
	v7 =	vmov s23;
	(pc) =	sbr.rel @p0 .LBB2_20-.Ltmp8, $4  }
0x2f5: {  	[tilespmem:s6+$0xFFFFFFA0] =	vst v4  }
0x2f6: {  	[tilespmem:s6+$0xFFFFFFE0] =	vst v9;
	v6 =	vld [tilespmem:s6+$0x50]  }
0x2f7: {  	[tilespmem:s6+$0xFFFFFFF0] =	vst v5;
	v5 =	vld [tilespmem:s6+$0x20]  }
0x2f8: {  	v4 =	vld.idx.msk [tilespmem:v8+s10+$0x0], $0xffff  }
0x2f9: {  	_ =	sdelay $0x3  }
0x2fa: {  	v7 =	vld.idx.msk [tilespmem:v7+s10+$0x0], $0xffff  }
0x2fb: {  	v8 =	vld [tilespmem:s3+$0x40]  }
0x2fc: {  	v11 =	vld [tilespmem:s3+$0x70]  }
0x2fd: {  	v2 =	vmul.f32 v2, v4  }
0x2fe: {  	v9 =	vld [tilespmem:s3+$0x30];
	v3 =	vmul.f32 v3, v4  }
0x2ff: {  	v10 =	vld [tilespmem:s3+$0x60];
	v6 =	vmul.f32 v6, v7;
	[tilespmem:s3+$0x0] =	vst v2  }
0x300: {  	v62 =	vmul.f32 v8, v7;
	[tilespmem:s3+$0x10] =	vst v3  }
0x301: {  	s24 =	sadd.s32 $0x1, s24;
	v63 =	vmul.f32 v11, v7;
	[tilespmem:s3+$0x50] =	vst v6  }
0x302: {  	p0 =	sne.s32 s24, $0x29;
	v2 =	vmul.f32 v5, v4;
	[tilespmem:s3+$0x40] =	vst v62  }
.Ltmp9:
0x303: {  	v3 =	vmul.f32 v9, v4;
	[tilespmem:s3+$0x70] =	vst v63;
	(pc) =	sbr.rel @p0 .LBB2_15-.Ltmp9, $4  }
0x304: {  	[tilespmem:s3+$0x20] =	vst v2;
	v2 =	vmul.f32 v10, v7  }
0x305: {  	[tilespmem:s3+$0x30] =	vst v3  }
0x306: {  	s31 =	simm.s32 $0x16740;
	[tilespmem:s3+$0x60] =	vst v2  }
0x307: {  	[spmem:s2] =	stream.indirect.scatter.add.f32 [tilespmem:s8], [sflag:$0x9], $0x80, s31, s20, $0xb8;
	[tilespmem:$0x1F4E0] =	vst v63  }
0x308: {  	s3 =	simm.s32 $0xB  }
0x309: {  	_ =	swait.ge [sflag:s3], $0x320  }
0x30a: {  	s26 =	sadd.s32 $0x0, s5;
	[sflag:s3] =	ssyncset.done $0x0  }
0x30b: {  	v1 =	vmov s26;
	[sflag:s3] =	ssyncadd.s32 $0xFFFFFCE0  }
0x30c: {  	v1 =	vand.u32 $0xFFFFFFFE, v1;
	_ =	swait.ge [sflag:s28], $0x2800  }
0x30d: {  	v1 =	vbroadcast v1, $0x0;
	[sflag:s28] =	ssyncset.done $0x0  }
0x30e: {  	[sflag:s28] =	ssyncadd.s32 $0xFFFFD800  }
0x30f: {  	_ =	swait.ge [sflag:s29], $0x280  }
0x310: {  	s14 =	sadd.s32 $0x1, s26;
	[sflag:s29] =	ssyncset.done $0x0  }
0x311: {  	s6 =	simm.s32 $0x17D60;
	v2 =	vmov s14;
	[sflag:s29] =	ssyncadd.s32 $0xFFFFFD80  }
0x312: {  	v4 =	vld [tilespmem:s6+$0xFFFFFFB0]  }
0x313: {  	v5 =	vld.idx.msk [tilespmem:v1+s15+$0x0], $0xffff  }
0x314: {  	v1 =	vld [tilespmem:s6+$0xFFFFFF80]  }
0x315: {  	v6 =	vld [tilespmem:s6+$0xFFFFFF90]  }
0x316: {  	v7 =	vld.idx.msk [tilespmem:v2+s15+$0x0], $0xffff  }
0x317: {  	v2 =	vld [tilespmem:s6+$0xFFFFFFC0]  }
0x318: {  	v9 =	vld [tilespmem:s6+$0xFFFFFFE0]  }
0x319: {  	v8 =	vld [tilespmem:s6+$0xFFFFFFD0];
	v4 =	vmul.f32 v4, v5  }
0x31a: {  	s31 =	sadd.s32 $0x8, s26;
	v3 =	vld [tilespmem:s6+$0xFFFFFFF0];
	v1 =	vmul.f32 v1, v5  }
0x31b: {  	v11 =	vmov s31;
	v10 =	vld [tilespmem:s6+$0xFFFFFFA0];
	v6 =	vmul.f32 v6, v5;
	[tilespmem:s6+$0xFFFFFFB0] =	vst v4  }
0x31c: {  	v2 =	vmul.f32 v2, v7;
	v4 =	vand.u32 $0xFFFFFFFE, v11;
	[tilespmem:s6+$0xFFFFFF80] =	vst v1  }
0x31d: {  	[tilespmem:s6+$0xFFFFFF90] =	vst v6;
	v6 =	vmul.f32 v9, v7;
	v11 =	vbroadcast v4, $0x0  }
0x31e: {  	[tilespmem:s6+$0xFFFFFFC0] =	vst v2;
	v4 =	vmul.f32 v8, v7  }
0x31f: {  	s3 =	sadd.s32 $0x9, s26;
	v3 =	vmul.f32 v3, v7;
	v1 =	vld [tilespmem:s6+$0x0];
	[tilespmem:s6+$0xFFFFFFE0] =	vst v6  }
0x320: {  	v2 =	vld [tilespmem:s6+$0x10];
	v6 =	vmov s3;
	[tilespmem:s6+$0xFFFFFFD0] =	vst v4;
	v4 =	vmul.f32 v10, v5  }
0x321: {  	[tilespmem:s6+$0xFFFFFFF0] =	vst v3;
	v5 =	vld [tilespmem:s6+$0x50]  }
0x322: {  	[tilespmem:s6+$0xFFFFFFA0] =	vst v4;
	v4 =	vld [tilespmem:s6+$0x20]  }
0x323: {  	s17 =	simm.s32 $0x10;
	s3 =	simm.s32 $0x17D60;
	v3 =	vld.idx.msk [tilespmem:v11+s15+$0x0], $0xffff  }
.LBB2_23:
0x324: {  	p0 =	sne.s32 s17, $0x270  }
0x325: {  	v6 =	vld.idx.msk [tilespmem:v6+s15+$0x0], $0xffff;
	s6 =	sadd.s32 $0x100, s6;
	s14 =	smov.u32 s17;
	s17 =	sadd.s32 $0x10, s17  }
0x326: {  	v7 =	vld [tilespmem:s3+$0x60]  }
0x327: {  	v8 =	vld [tilespmem:s3+$0x70]  }
0x328: {  	v9 =	vld [tilespmem:s3+$0x40]  }
0x329: {  	v10 =	vld [tilespmem:s3+$0x30]  }
0x32a: {  	v1 =	vmul.f32 v1, v3;
	v2 =	vmul.f32 v2, v3  }
0x32b: {  	s14 =	sadd.s32 s14, s5;
	v5 =	vmul.f32 v5, v6;
	v7 =	vmul.f32 v7, v6  }
0x32c: {  	v11 =	vmov s14;
	s19 =	sadd.s32 $0x1, s14;
	s22 =	sadd.s32 $0x8, s14;
	s23 =	sadd.s32 $0x9, s14;
	v4 =	vmul.f32 v4, v3;
	[tilespmem:s3+$0x0] =	vst v1;
	v8 =	vmul.f32 v8, v6  }
0x32d: {  	v11 =	vand.u32 $0xFFFFFFFE, v11;
	v12 =	vmov s19;
	v1 =	vld [tilespmem:s6+$0x0];
	v6 =	vmul.f32 v9, v6;
	[tilespmem:s3+$0x50] =	vst v5  }
0x32e: {  	v5 =	vbroadcast v11, $0x0;
	v9 =	vmov s22;
	[tilespmem:s3+$0x10] =	vst v2;
	v3 =	vmul.f32 v10, v3  }
0x32f: {  	v9 =	vand.u32 $0xFFFFFFFE, v9;
	v2 =	vld [tilespmem:s6+$0x10];
	[tilespmem:s3+$0x20] =	vst v4  }
0x330: {  	v4 =	vld [tilespmem:s6+$0xFFFFFFF0];
	[tilespmem:s3+$0x40] =	vst v6  }
0x331: {  	v6 =	vld [tilespmem:s6+$0xFFFFFFD0];
	[tilespmem:s3+$0x30] =	vst v3  }
0x332: {  	v3 =	vld [tilespmem:s6+$0xFFFFFFA0];
	[tilespmem:s3+$0x60] =	vst v7  }
0x333: {  	v7 =	vld [tilespmem:s6+$0xFFFFFFB0];
	[tilespmem:s3+$0x70] =	vst v8;
	s3 =	smov.u32 s6  }
0x334: {  	v5 =	vld.idx.msk [tilespmem:v5+s15+$0x0], $0xffff  }
0x335: {  	v8 =	vld [tilespmem:s6+$0xFFFFFF80]  }
0x336: {  	v10 =	vld [tilespmem:s6+$0xFFFFFF90]  }
0x337: {  	v11 =	vld.idx.msk [tilespmem:v12+s15+$0x0], $0xffff  }
0x338: {  	v12 =	vld [tilespmem:s6+$0xFFFFFFC0]  }
0x339: {  	v13 =	vld [tilespmem:s6+$0xFFFFFFE0]  }
0x33a: {  	v7 =	vmul.f32 v7, v5;
	v8 =	vmul.f32 v8, v5  }
0x33b: {  	v3 =	vmul.f32 v3, v5;
	v10 =	vmul.f32 v10, v5  }
0x33c: {  	[tilespmem:s6+$0xFFFFFFB0] =	vst v7;
	v7 =	vbroadcast v9, $0x0  }
0x33d: {  	v6 =	vmul.f32 v6, v11;
	[tilespmem:s6+$0xFFFFFF80] =	vst v8;
	v5 =	vmul.f32 v12, v11  }
0x33e: {  	v4 =	vmul.f32 v4, v11;
	[tilespmem:s6+$0xFFFFFF90] =	vst v10;
	v8 =	vmul.f32 v13, v11  }
0x33f: {  	[tilespmem:s6+$0xFFFFFFC0] =	vst v5  }
.Ltmp10:
0x340: {  	[tilespmem:s6+$0xFFFFFFD0] =	vst v6;
	v6 =	vmov s23;
	(pc) =	sbr.rel @p0 .LBB2_23-.Ltmp10, $4  }
0x341: {  	[tilespmem:s6+$0xFFFFFFA0] =	vst v3  }
0x342: {  	[tilespmem:s6+$0xFFFFFFE0] =	vst v8;
	v5 =	vld [tilespmem:s6+$0x50]  }
0x343: {  	[tilespmem:s6+$0xFFFFFFF0] =	vst v4;
	v4 =	vld [tilespmem:s6+$0x20]  }
0x344: {  	v3 =	vld.idx.msk [tilespmem:v7+s15+$0x0], $0xffff  }
0x345: {  	_ =	sdelay $0x3  }
0x346: {  	v6 =	vld.idx.msk [tilespmem:v6+s15+$0x0], $0xffff;
	_ =	sdelay $0x1  }
0x347: {  	v7 =	vld [tilespmem:s3+$0x40]  }
0x348: {  	v8 =	vld [tilespmem:s3+$0x30];
	v1 =	vmul.f32 v1, v3  }
0x349: {  	v10 =	vld [tilespmem:s3+$0x70];
	v2 =	vmul.f32 v2, v3  }
0x34a: {  	v9 =	vld [tilespmem:s3+$0x60];
	v5 =	vmul.f32 v5, v6;
	[tilespmem:s3+$0x0] =	vst v1  }
0x34b: {  	v1 =	vmul.f32 v4, v3;
	[tilespmem:s3+$0x10] =	vst v2  }
0x34c: {  	v4 =	vmul.f32 v7, v6;
	[tilespmem:s3+$0x50] =	vst v5  }
0x34d: {  	v2 =	vmul.f32 v8, v3;
	[tilespmem:s3+$0x20] =	vst v1  }
0x34e: {  	v3 =	vmul.f32 v10, v6;
	[tilespmem:s3+$0x40] =	vst v4  }
0x34f: {  	v1 =	vmul.f32 v9, v6;
	[tilespmem:s3+$0x30] =	vst v2  }
0x350: {  	[tilespmem:s3+$0x70] =	vst v3  }
0x351: {  	s24 =	sadd.s32 $0x0, s5;
	[tilespmem:s3+$0x60] =	vst v1  }
0x352: {  	v1 =	vmov s24;
	[spmem:s2] =	stream.indirect.scatter.add.f32 [tilespmem:s9], [sflag:$0x7], $0x80, s30, s20, $0xb8;
	[tilespmem:$0x1F4E0] =	vst v63  }
0x353: {  	v1 =	vand.u32 $0xFFFFFFFE, v1;
	_ =	swait.ge [sflag:s11], $0x2800  }
0x354: {  	v1 =	vbroadcast v1, $0x0;
	[sflag:s11] =	ssyncset.done $0x0  }
0x355: {  	[sflag:s11] =	ssyncadd.s32 $0xFFFFD800  }
0x356: {  	_ =	swait.ge [sflag:s13], $0x280  }
0x357: {  	s14 =	sadd.s32 $0x1, s24;
	[sflag:s13] =	ssyncset.done $0x0  }
0x358: {  	s6 =	simm.s32 $0x1A560;
	v2 =	vmov s14;
	[sflag:s13] =	ssyncadd.s32 $0xFFFFFD80  }
0x359: {  	v4 =	vld [tilespmem:s6+$0xFFFFFFB0]  }
0x35a: {  	v5 =	vld.idx.msk [tilespmem:v1+s7+$0x0], $0xffff  }
0x35b: {  	v1 =	vld [tilespmem:s6+$0xFFFFFF80]  }
0x35c: {  	v6 =	vld [tilespmem:s6+$0xFFFFFF90]  }
0x35d: {  	v7 =	vld.idx.msk [tilespmem:v2+s7+$0x0], $0xffff  }
0x35e: {  	v2 =	vld [tilespmem:s6+$0xFFFFFFC0]  }
0x35f: {  	v62 =	vld [tilespmem:s6+$0xFFFFFFE0]  }
0x360: {  	v8 =	vld [tilespmem:s6+$0xFFFFFFD0];
	v4 =	vmul.f32 v4, v5  }
0x361: {  	s26 =	sadd.s32 $0x8, s24;
	v3 =	vld [tilespmem:s6+$0xFFFFFFF0];
	v1 =	vmul.f32 v1, v5  }
0x362: {  	v11 =	vmov s26;
	v63 =	vld [tilespmem:s6+$0xFFFFFFA0];
	v6 =	vmul.f32 v6, v5;
	[tilespmem:s6+$0xFFFFFFB0] =	vst v4  }
0x363: {  	v2 =	vmul.f32 v2, v7;
	v4 =	vand.u32 $0xFFFFFFFE, v11;
	[tilespmem:s6+$0xFFFFFF80] =	vst v1  }
0x364: {  	[tilespmem:s6+$0xFFFFFF90] =	vst v6;
	v6 =	vmul.f32 v62, v7;
	v11 =	vbroadcast v4, $0x0  }
0x365: {  	[tilespmem:s6+$0xFFFFFFC0] =	vst v2;
	v4 =	vmul.f32 v8, v7  }
0x366: {  	s3 =	sadd.s32 $0x9, s24;
	v3 =	vmul.f32 v3, v7;
	v1 =	vld [tilespmem:s6+$0x0];
	[tilespmem:s6+$0xFFFFFFE0] =	vst v6  }
0x367: {  	v2 =	vld [tilespmem:s6+$0x10];
	v6 =	vmov s3;
	[tilespmem:s6+$0xFFFFFFD0] =	vst v4;
	v4 =	vmul.f32 v63, v5  }
0x368: {  	[tilespmem:s6+$0xFFFFFFF0] =	vst v3;
	v5 =	vld [tilespmem:s6+$0x50]  }
0x369: {  	s17 =	simm.s32 $0x10;
	s24 =	rddreg [dreg:$0x6];
	[tilespmem:s6+$0xFFFFFFA0] =	vst v4;
	v4 =	vld [tilespmem:s6+$0x20]  }
0x36a: {  	s31 =	simm.s32 $0xC;
	s26 =	rddreg [dreg:$0xb];
	s3 =	simm.s32 $0x1A560;
	v3 =	vld.idx.msk [tilespmem:v11+s7+$0x0], $0xffff  }
.LBB2_25:
0x36b: {  	p0 =	sne.s32 s17, $0x270  }
0x36c: {  	v6 =	vld.idx.msk [tilespmem:v6+s7+$0x0], $0xffff;
	s6 =	sadd.s32 $0x100, s6;
	s14 =	smov.u32 s17;
	s17 =	sadd.s32 $0x10, s17  }
0x36d: {  	v7 =	vld [tilespmem:s3+$0x60]  }
0x36e: {  	v8 =	vld [tilespmem:s3+$0x70]  }
0x36f: {  	v9 =	vld [tilespmem:s3+$0x40]  }
0x370: {  	v10 =	vld [tilespmem:s3+$0x30]  }
0x371: {  	v1 =	vmul.f32 v1, v3;
	v2 =	vmul.f32 v2, v3  }
0x372: {  	s14 =	sadd.s32 s14, s5;
	v5 =	vmul.f32 v5, v6;
	v7 =	vmul.f32 v7, v6  }
0x373: {  	v11 =	vmov s14;
	s19 =	sadd.s32 $0x1, s14;
	s22 =	sadd.s32 $0x8, s14;
	s23 =	sadd.s32 $0x9, s14;
	v4 =	vmul.f32 v4, v3;
	[tilespmem:s3+$0x0] =	vst v1;
	v8 =	vmul.f32 v8, v6  }
0x374: {  	v11 =	vand.u32 $0xFFFFFFFE, v11;
	v12 =	vmov s19;
	v1 =	vld [tilespmem:s6+$0x0];
	v6 =	vmul.f32 v9, v6;
	[tilespmem:s3+$0x50] =	vst v5  }
0x375: {  	v5 =	vbroadcast v11, $0x0;
	v9 =	vmov s22;
	[tilespmem:s3+$0x10] =	vst v2;
	v3 =	vmul.f32 v10, v3  }
0x376: {  	v9 =	vand.u32 $0xFFFFFFFE, v9;
	v2 =	vld [tilespmem:s6+$0x10];
	[tilespmem:s3+$0x20] =	vst v4  }
0x377: {  	v4 =	vld [tilespmem:s6+$0xFFFFFFF0];
	[tilespmem:s3+$0x40] =	vst v6  }
0x378: {  	v6 =	vld [tilespmem:s6+$0xFFFFFFD0];
	[tilespmem:s3+$0x30] =	vst v3  }
0x379: {  	v3 =	vld [tilespmem:s6+$0xFFFFFFA0];
	[tilespmem:s3+$0x60] =	vst v7  }
0x37a: {  	v7 =	vld [tilespmem:s6+$0xFFFFFFB0];
	[tilespmem:s3+$0x70] =	vst v8;
	s3 =	smov.u32 s6  }
0x37b: {  	v5 =	vld.idx.msk [tilespmem:v5+s7+$0x0], $0xffff  }
0x37c: {  	v8 =	vld [tilespmem:s6+$0xFFFFFF80]  }
0x37d: {  	v10 =	vld [tilespmem:s6+$0xFFFFFF90]  }
0x37e: {  	v11 =	vld.idx.msk [tilespmem:v12+s7+$0x0], $0xffff  }
0x37f: {  	v12 =	vld [tilespmem:s6+$0xFFFFFFC0]  }
0x380: {  	v13 =	vld [tilespmem:s6+$0xFFFFFFE0]  }
0x381: {  	v7 =	vmul.f32 v7, v5;
	v8 =	vmul.f32 v8, v5  }
0x382: {  	v3 =	vmul.f32 v3, v5;
	v10 =	vmul.f32 v10, v5  }
0x383: {  	[tilespmem:s6+$0xFFFFFFB0] =	vst v7;
	v7 =	vbroadcast v9, $0x0  }
0x384: {  	v6 =	vmul.f32 v6, v11;
	[tilespmem:s6+$0xFFFFFF80] =	vst v8;
	v5 =	vmul.f32 v12, v11  }
0x385: {  	v4 =	vmul.f32 v4, v11;
	[tilespmem:s6+$0xFFFFFF90] =	vst v10;
	v8 =	vmul.f32 v13, v11  }
0x386: {  	[tilespmem:s6+$0xFFFFFFC0] =	vst v5  }
.Ltmp11:
0x387: {  	[tilespmem:s6+$0xFFFFFFD0] =	vst v6;
	v6 =	vmov s23;
	(pc) =	sbr.rel @p0 .LBB2_25-.Ltmp11, $4  }
0x388: {  	[tilespmem:s6+$0xFFFFFFA0] =	vst v3  }
0x389: {  	[tilespmem:s6+$0xFFFFFFE0] =	vst v8;
	v5 =	vld [tilespmem:s6+$0x50]  }
0x38a: {  	[tilespmem:s6+$0xFFFFFFF0] =	vst v4;
	v4 =	vld [tilespmem:s6+$0x20]  }
0x38b: {  	v3 =	vld.idx.msk [tilespmem:v7+s7+$0x0], $0xffff  }
0x38c: {  	_ =	sdelay $0x3  }
0x38d: {  	v6 =	vld.idx.msk [tilespmem:v6+s7+$0x0], $0xffff  }
0x38e: {  	v7 =	vld [tilespmem:s3+$0x40];
	_ =	sdelay $0x1  }
0x38f: {  	v8 =	vld [tilespmem:s3+$0x30];
	v1 =	vmul.f32 v1, v3  }
0x390: {  	v10 =	vld [tilespmem:s3+$0x70];
	v2 =	vmul.f32 v2, v3  }
0x391: {  	v9 =	vld [tilespmem:s3+$0x60];
	v5 =	vmul.f32 v5, v6;
	[tilespmem:s3+$0x0] =	vst v1  }
0x392: {  	v63 =	vmul.f32 v7, v6;
	[tilespmem:s3+$0x10] =	vst v2  }
0x393: {  	v1 =	vmul.f32 v4, v3;
	[tilespmem:s3+$0x50] =	vst v5  }
0x394: {  	v2 =	vmul.f32 v8, v3;
	[tilespmem:s3+$0x40] =	vst v63  }
0x395: {  	v3 =	vmul.f32 v10, v6;
	[tilespmem:s3+$0x20] =	vst v1  }
0x396: {  	v1 =	vmul.f32 v9, v6;
	[tilespmem:s3+$0x30] =	vst v2  }
0x397: {  	[tilespmem:s3+$0x70] =	vst v3  }
0x398: {  	s22 =	simm.s32 $0x166F0;
	[tilespmem:s3+$0x60] =	vst v1  }
0x399: {  	[spmem:s2] =	stream.indirect.scatter.add.f32 [tilespmem:s16], [sflag:$0x8], $0x80, s22, s20, $0xb8;
	[tilespmem:$0x1F4E0] =	vst v63  }
0x39a: {  	_ =	swait.ge [sflag:s0], $0x2800  }
0x39b: {  	[sflag:s0] =	ssyncset.done $0x0  }
0x39c: {  	[sflag:s0] =	ssyncadd.s32 $0xFFFFD800  }
0x39d: {  	_ =	swait.ge [sflag:s12], $0x2800  }
0x39e: {  	[sflag:s12] =	ssyncset.done $0x0  }
0x39f: {  	s14 =	simm.s32 $0x9;
	[sflag:s12] =	ssyncadd.s32 $0xFFFFD800  }
0x3a0: {  	_ =	swait.ge [sflag:s14], $0x2800  }
0x3a1: {  	s22 =	simm.s32 $0x40;
	s17 =	rddreg [dreg:$0x13];
	[sflag:s14] =	ssyncset.done $0x0  }
0x3a2: {  	s6 =	rddreg [dreg:$0xa];
	s23 =	sshll.u32 s17, $0x7;
	[sflag:s14] =	ssyncadd.s32 $0xFFFFD800  }
0x3a3: {  	s17 =	sadd.s32 $0x1, s17;
	s3 =	sadd.s32 s6, s23;
	[bflag:$0x0] =	sbarrier.arrive $0xFFFF  }
0x3a4: {  	s23 =	simm.s32 $0x10;
	s3 =	sshrl.u32 s3, $0x3;
	s19 =	rddreg [dreg:$0xd]  }
0x3a5: {  	p0 =	sne.s32 s17, $0x4;
	s3 =	sadd.s32 s3, s19;
	s19 =	rddreg [dreg:$0x14]  }
0x3a6: {  	[hbm:s3@s22], [sflag:s26] =	dma.strided [spmem:s19@s23], $0x2780, s28, $0x10   }
.Ltmp12:
0x3a7: {  	_ =	swait.ge [sflag:s31], $0x2780;
	(pc) =	sbr.rel @p0 .LBB2_14-.Ltmp12, $4  }
0x3a8: {  	[sflag:s31] =	ssyncset.done $0x0  }
0x3a9: {  	[sflag:s31] =	ssyncadd.s32 $0xFFFFD880  }
0x3aa: {  	[bflag:$0x0] =	sbarrier.arrive $0xFFFF  }
0x3ab: {  	s5 =	sadd.s32 $0x2, s5  }
0x3ac: {  	s5 =	rddreg [dreg:$0x11]  }
0x3ad: {  	s3 =	rddreg [dreg:$0xe];
	s5 =	sadd.s32 $0x1, s5  }
0x3ae: {  	p0 =	sne.s32 s5, s3  }
.Ltmp13:
0x3af: {  	_ = 	snop;
	(pc) =	sbr.rel @p0 .LBB2_1-.Ltmp13, $3  }
0x3b0: {  	_ =	sdelay $0x1  }
0x3b1: {  	s14 =	rddreg [dreg:$0x2]  }
0x3b2: {  	s19 =	simm.s32 $0x0;
	s22 =	rddreg [dreg:$0x5];
	s23 =	simm.s32 $0x168D0  }
0x3b3: {  	_ =	sfence.sel $0x180000  }
0x3b4: {  	[bflag:$0x0] =	sbarrier.arrive $0xFFFF  }
0x3b5: {  	_ =	strace $0x9000004A  }
0x3b6: {  	s0 =	stileid.u32;
	[bflag:$0x2] =	sbarrier.arrive $0xFFFF  }
0x3b7: {  	p0 =	sne.s32 s0, $0x0;
	s0 =	rddreg [dreg:$0x4]  }
0x3b8: {  	s0 =	sadd.s32 @!p0 $0x100000, s0  }
0x3b9: {  	[sflag:s0] =	ssyncadd.tile.s32 @!p0 $0x1;
	_ =	shalt  }
.Lfunc_end2:
_tile_overlayer_lowered:
.L_overlay_start_2:
0x3ba: {  	(tag) =	ssettag $0x2  }
0x3bb: {  	s0 =	rddreg [dreg:$0x0];
	s2 =	stileid.u32  }
0x3bc: {  	s1 =	rddreg [dreg:$0x1];
	p0 =	sne.s32 s2, $0x0  }
0x3bd: {  	s3 =	rddreg [dreg:$0x2];
	[bflag:$0x3] =	sbarrier.arrive $0xFFFF;
	s2 =	simm.s32 @!p0 $0x1C0C  }
0x3be: {  	[timem:s3], [sflag:s2] =	dma.local @!p0 [hbm:s0], s1  }
0x3bf: {  	s0 =	simm.s32 @!p0 $0xC  }
0x3c0: {  	_ =	swait.ge @!p0 [sflag:s0], s1  }
0x3c1: {  	s1 =	ssub.s32 @!p0 $0x0, s1;
	[sflag:s0] =	ssyncset.done @!p0 $0x0  }
0x3c2: {  	[sflag:s0] =	ssyncadd.s32 @!p0 s1  }
0x3c3: {  	[bflag:$0x3] =	sbarrier.arrive $0xFFFF  }
0x3c4: {  	_ =	shalt  }

// kernel: sparse-core-data-format-call.cloned.1.call-start
scs
called_computation_lowered:
.L_overlay_start_0:
0x0: {  	s1 =	sld [smem:$0x3FD9]  }
0x1: {  	s2 =	sld [smem:$0x3FFE];
	_ =	sdelay $0x1  }
0x2: {  	s3 =	srdreg.scid  }
0x3: {  	s0 =	sand.u32 $0x1, s3  }
0x4: {  	s17 =	sshll.u32 s0, $0xA;
	s1 =	sadd.s32 s2, s1  }
0x5: {  	s1 =	sadd.s32 s1, s17  }
0x6: {  	[smem:$0x3FBC] =	sst s1  }
0x7: {  	_ = 	snop  }
0x8: {  	(tm) =	ssettm $0x1  }
0x9: {  	s18 =	sld [smem:$0x3FFB];
	_ =	sdelay $0x3  }
0xa: {  	_ =	strace s18  }
0xb: {  	s1 =	sld [smem:$0x3FFC];
	_ =	sdelay $0x3  }
0xc: {  	_ =	strace s1  }
0xd: {  	s1 =	sld [smem:$0x3FFD];
	_ =	sdelay $0x3  }
0xe: {  	_ =	strace s1  }
0xf: {  	_ =	strace $0x8FFFFFFF  }
0x10: {  	s19 =	sld [smem:$0x3FDB];
	_ =	sdelay $0x1  }
0x11: {  	s20 =	simm.s32 $_scs_section_size  }
0x12: {  	s4 =	simm.s32 $_size__tile_overlayer_lowered;
	s5 =	simm.s32 $_tile_overlayer_lowered  }
0x13: {  	s23 =	simm.s32 $0x1BFF;
	s22 =	sshll.u32 s5, $0x1;
	s1 =	sadd.s32 s20, s19  }
0x14: {  	s6 =	simm.s32 $0x0;
	s21 =	sshll.u32 s4, $0x1;
	s4 =	sadd.s32 s22, s1  }
0x15: {  	[timem:s6], [sflag:s23] =	dma.local [hbm:s4], s21  }
0x16: {  	_ =	swait.ge [sflag:s23], s21  }
0x17: {  	s2 =	ssub.s32 $0x0, s21;
	[sflag:s23] =	ssyncset.done $0x0  }
0x18: {  	[sflag:s23] =	ssyncadd.s32 s2;
	_ =	sdelay $0x1  }
0x19: {  	s24 =	simm.s32 $0x1B8B  }
0x1a: {  	_ =	swait.ge [sflag:s24], $0x1  }
0x1b: {  	[sflag:s24] =	ssyncset.done $0x0  }
0x1c: {  	s26 =	simm.s32 $0x1B8E;
	s25 =	sld [smem:$0x3FFE];
	[sflag:s24] =	ssyncadd.s32 $0xFFFFFFFF  }
0x1d: {  	s27 =	simm.s32 $execute0_lowered;
	[smem:$0x3FD2] =	sst s26  }
0x1e: {  	s4 =	sshll.u32 s27, $0x1;
	_ =	strace $0x80000046;
	[dreg:$0x1] =	wrdreg $0xFFFFFFFF  }
0x1f: {  	s28 =	simm.s32 $_size_execute0_lowered;
	s1 =	sadd.s32 s1, s4;
	[dreg:$0x0] =	wrdreg $0x0  }
0x20: {  	s4 =	sshll.u32 s28, $0x1;
	[dreg:$0x2] =	wrdreg s1  }
0x21: {  	[dreg:$0x3] =	wrdreg s4  }
0x22: {  	[dreg:$0x4] =	wrdreg $0xC0  }
0x23: {  	_ =	task [dreg:s6], $0x5FFFF  }
0x24: {  	[dreg:$0x1] =	wrdreg $0xFFFFFFFF  }
0x25: {  	[dreg:$0x0] =	wrdreg $0x60  }
0x26: {  	[dreg:$0x2] =	wrdreg s25  }
0x27: {  	[dreg:$0x3] =	wrdreg $0x9  }
0x28: {  	_ =	task.clear_ibuf [dreg:s6], $0x4FFFF;
	_ =	strace $0x90000046  }
0x29: {  	s29 =	simm.s32 $0x9;
	_ =	strace $0x80000048  }
0x2a: {  	_ =	swait.ge [sflag:s29], $0x1  }
0x2b: {  	[sflag:s29] =	ssyncadd.s32 $0xFFFFFFFF  }
0x2c: {  	_ =	strace $0x90000048  }
0x2d: {  	_ =	sfence  }
0x2e: {  	s30 =	sld [smem:$0x0];
	_ =	sdelay $0x2  }
0x2f: {  	s31 =	sshll.u32 s3, $0xD;
	s3 =	sshrl.u32 s3, $0x2  }
0x30: {  	s2 =	sand.u32 $0x4000, s31;
	s1 =	sadd.s32 s3, s30  }
0x31: {  	s0 =	sor.u32 s2, s0;
	s1 =	sshll.u32 s1, $0x11  }
0x32: {  	s0 =	sor.u32 s1, s0  }
0x33: {  	s0 =	sadd.s32 $0x8F2B, s0  }
0x34: {  	[sflag:s0] =	ssyncadd.remote.s32 $0x1  }
0x35: {  	_ =	sfence.sel $0xFFFF  }
0x36: {  	[dreg:$0x0] =	wrdreg $0xFFFFFFFF;
	(pc) =	sbr.abs _section_cstart, $3  }
0x37: {  	[dreg:$0x1] =	wrdreg $0xFFFFFFFF  }
0x38: {  	_ =	task.clear_ibuf [dreg:s6], $0x2FFFF;
	_ =	strace $0x9FFFFFFF  }
0x39: {  	(tm) =	ssettm $0x7FFFFFFF  }
tec
execute0_lowered:
.L_overlay_start_1:
0x0: {  	(tag) =	ssettag $0x1  }
0x1: {  	s0 =	srdreg.scid  }
0x2: {  	s1 =	sshll.u32 s0, $0x4  }
0x3: {  	s4 =	rddreg [dreg:$0x0];
	s0 =	stileid.u32;
	s1 =	sand.u32 $0x10, s1  }
0x4: {  	s7 =	simm.s32 $0x1;
	s8 =	simm.s32 $0x2;
	s1 =	sor.u32 s0, s1  }
0x5: {  	s9 =	simm.s32 $0x0;
	s12 =	simm.s32 $0x0;
	s2 =	sshll.u32 s1, $0x2  }
0x6: {  	s11 =	simm.s32 $0x0;
	s3 =	sadd.s32 $0x3000, s4;
	s6 =	ssub.s32 $0x9C4, s2  }
.Ltmp0:
0x7: {  	s4 =	sadd.s32 $0x13B800, s4;
	s5 =	sand.u32 $0x7C, s6;
	(pc) =	sbr.rel .LBB1_1-.Ltmp0, $4  }
0x8: {  	s1 =	rddreg [dreg:$0x1];
	_ =	strace $0x80000047;
	p0 =	sne.s32 s5, $0x0  }
0x9: {  	s6 =	sshrl.u32 s6, $0x7;
	s5 =	simm.s32 $0x1;
	s7 =	simm.s32 @!p0 $0x0  }
0xa: {  	s10 =	smov.u32 s2;
	[sflag:s5] =	ssyncpa.u1 $0x0;
	s6 =	sadd.s32 s7, s6  }
0xb: {  	[sflag:s8] =	ssyncpa.u1 $0x0;
	s8 =	simm.s32 $0x0;
	s7 =	sadd.s32 $0x1, s6  }
.LBB1_9:
0xc: {  	s14 =	sadd.s32 $0x80, s10  }
0xd: {  	p1 =	sgt.s32 s14, $0x9C3  }
0xe: {  	s14 =	smov.u32 @p1 s2;
	p1 =	sne.s32 s11, s7  }
.Ltmp1:
0xf: {  	p0 =	slt.u32 s11, $0x2;
	(pc) =	sbr.rel @!p1 .LBB1_10-.Ltmp1, $4  }
0x10: {  	s13 =	simm.s32 @!p0 $0x2  }
0x11: {  	s15 =	sadd.s32 $0x1, s11;
	_ =	swait.ge @!p0 [sflag:s13], $0x4000  }
0x12: {  	s12 =	smov.u32 s10;
	s9 =	sadd.s32 $0x4000, s9;
	[sflag:s13] =	ssyncset.done @!p0 $0x0  }
0x13: {  	s11 =	smov.u32 s15;
	s10 =	smov.u32 s14;
	[sflag:s13] =	ssyncadd.s32 @!p0 $0xFFFFC000  }
.LBB1_1:
0x14: {  	p0 =	sge.u32 s11, s6  }
0x15: {  	s13 =	sxor.u32 @!p0 $0xFFFFFFFF, s11  }
0x16: {  	s31 =	sadd.s32 $0xFFFFFFFF, s11;
	s14 =	sshll.u32 @!p0 s10, $0x9;
	s13 =	sshll.u32 @!p0 s13, $0xE  }
0x17: {  	s15 =	simm.s32 @!p0 $0x0;
	s14 =	sadd.s32 @!p0 s3, s14;
	s13 =	sand.u32 @!p0 $0x4000, s13  }
0x18: {  	[tilespmem:s13], [sflag:$0x1] =	stream.linear.gather @!p0 [hbm4b:s14+s15], $0x4000, $0x38;
	[tilespmem:$0x10000] =	vst v63  }
0x19: {  	p0 =	sge.u32 s31, s6  }
.Ltmp2:
0x1a: {  	_ = 	snop;
	(pc) =	sbr.rel @p0 .LBB1_9-.Ltmp2, $1  }
0x1b: {  	_ =	sdelay $0x3  }
0x1c: {  	s14 =	sand.u32 $0x4000, s9  }
0x1d: {  	_ =	swait.ge [sflag:s5], $0x4000;
	s15 =	sshll.u32 s11, $0xE;
	s16 =	simm.s32 $0x0  }
0x1e: {  	s13 =	sor.u32 $0x40, s14;
	[sflag:s5] =	ssyncset.done $0x0;
	s15 =	sand.u32 $0x4000, s15  }
0x1f: {  	s14 =	sor.u32 $0x8040, s14;
	[sflag:s5] =	ssyncadd.s32 $0xFFFFC000;
	s15 =	sor.u32 $0x8000, s15  }
.LBB1_3:
0x20: {  	s17 =	smov.u32 s14;
	s18 =	smov.u32 s13;
	s19 =	simm.s32 $0x0  }
.LBB1_4:
0x21: {  	v0 =	vmov s17;
	v2 =	vld [tilespmem:s18+$0x30]  }
0x22: {  	v4 =	vld [tilespmem:s18+$0xFFFFFFD0]  }
0x23: {  	v6 =	vld [tilespmem:s18+$0xFFFFFFE0]  }
0x24: {  	v7 =	vld [tilespmem:s18+$0xFFFFFFF0]  }
0x25: {  	s20 =	simm.s32 $0x0;
	v1 =	vld [tilespmem:s18+$0x0]  }
0x26: {  	v3 =	vld [tilespmem:s18+$0x10];
	[tilespmem:v0+s20+$0x30 ss:$0x1] =	vst.idx.msk $0xffff, v2  }
0x27: {  	v5 =	vld [tilespmem:s18+$0x20];
	[tilespmem:v0+s20+$0xFFFFFFD0 ss:$0x1] =	vst.idx.msk $0xffff, v4  }
0x28: {  	s21 =	sadd.s32 $0x80, s18;
	v2 =	vld [tilespmem:s18+$0xFFFFFFC0];
	[tilespmem:v0+s20+$0xFFFFFFE0 ss:$0x1] =	vst.idx.msk $0xffff, v6  }
0x29: {  	s22 =	simm.s32 $0x800;
	s23 =	simm.s32 $0x1000;
	v4 =	vld [tilespmem:s21+$0x30];
	[tilespmem:v0+s20+$0xFFFFFFF0 ss:$0x1] =	vst.idx.msk $0xffff, v7  }
.LBB1_5:
0x2a: {  	p0 =	sne.s32 s23, $0x3800;
	v6 =	vld [tilespmem:s21+$0xFFFFFFD0];
	[tilespmem:v0+s20+$0x0 ss:$0x1] =	vst.idx.msk $0xffff, v1  }
0x2b: {  	v7 =	vld [tilespmem:s21+$0xFFFFFFE0];
	[tilespmem:v0+s20+$0x10 ss:$0x1] =	vst.idx.msk $0xffff, v3  }
0x2c: {  	v8 =	vld [tilespmem:s21+$0xFFFFFFF0];
	[tilespmem:v0+s20+$0x20 ss:$0x1] =	vst.idx.msk $0xffff, v5  }
.Ltmp3:
0x2d: {  	v1 =	vld [tilespmem:s21+$0x0];
	[tilespmem:v0+s20+$0xFFFFFFC0 ss:$0x1] =	vst.idx.msk $0xffff, v2;
	s20 =	sshra.s32 s22, $0x2;
	s22 =	smov.u32 s23;
	(pc) =	sbr.rel @p0 .LBB1_5-.Ltmp3, $4  }
0x2e: {  	v3 =	vld [tilespmem:s21+$0x10];
	[tilespmem:v0+s20+$0x30 ss:$0x1] =	vst.idx.msk $0xffff, v4  }
0x2f: {  	[tilespmem:v0+s20+$0xFFFFFFD0 ss:$0x1] =	vst.idx.msk $0xffff, v6;
	v5 =	vld [tilespmem:s21+$0x20]  }
0x30: {  	v2 =	vld [tilespmem:s21+$0xFFFFFFC0];
	[tilespmem:v0+s20+$0xFFFFFFE0 ss:$0x1] =	vst.idx.msk $0xffff, v7;
	s21 =	sadd.s32 $0x80, s21  }
0x31: {  	s23 =	sadd.s32 $0x800, s23;
	v4 =	vld [tilespmem:s21+$0x30];
	[tilespmem:v0+s20+$0xFFFFFFF0 ss:$0x1] =	vst.idx.msk $0xffff, v8  }
0x32: {  	_ =	sdelay $0x3  }
0x33: {  	v6 =	vld [tilespmem:s21+$0xFFFFFFD0];
	[tilespmem:v0+s20+$0x0 ss:$0x1] =	vst.idx.msk $0xffff, v1  }
0x34: {  	v58 =	vld [tilespmem:s21+$0xFFFFFFE0];
	[tilespmem:v0+s20+$0x10 ss:$0x1] =	vst.idx.msk $0xffff, v3  }
0x35: {  	v59 =	vld [tilespmem:s21+$0xFFFFFFF0];
	[tilespmem:v0+s20+$0x20 ss:$0x1] =	vst.idx.msk $0xffff, v5  }
0x36: {  	s22 =	sshra.s32 s22, $0x2;
	v60 =	vld [tilespmem:s21+$0x0];
	[tilespmem:v0+s20+$0xFFFFFFC0 ss:$0x1] =	vst.idx.msk $0xffff, v2  }
0x37: {  	v61 =	vld [tilespmem:s21+$0x10];
	[tilespmem:v0+s22+$0x30 ss:$0x1] =	vst.idx.msk $0xffff, v4  }
0x38: {  	v62 =	vld [tilespmem:s21+$0x20];
	s19 =	sadd.s32 $0x1, s19;
	[tilespmem:v0+s22+$0xFFFFFFD0 ss:$0x1] =	vst.idx.msk $0xffff, v6  }
0x39: {  	v63 =	vld [tilespmem:s21+$0xFFFFFFC0];
	p0 =	sne.s32 s19, $0x4;
	[tilespmem:v0+s22+$0xFFFFFFE0 ss:$0x1] =	vst.idx.msk $0xffff, v58  }
.Ltmp4:
0x3a: {  	[tilespmem:v0+s22+$0xFFFFFFF0 ss:$0x1] =	vst.idx.msk $0xffff, v59;
	(pc) =	sbr.rel @p0 .LBB1_4-.Ltmp4, $4  }
0x3b: {  	[tilespmem:v0+s22+$0x0 ss:$0x1] =	vst.idx.msk $0xffff, v60  }
0x3c: {  	[tilespmem:v0+s22+$0x10 ss:$0x1] =	vst.idx.msk $0xffff, v61  }
0x3d: {  	[tilespmem:v0+s22+$0x20 ss:$0x1] =	vst.idx.msk $0xffff, v62  }
0x3e: {  	s18 =	sadd.s32 $0x400, s18;
	s17 =	sadd.s32 $0x80, s17;
	[tilespmem:v0+s22+$0xFFFFFFC0 ss:$0x1] =	vst.idx.msk $0xffff, v63  }
0x3f: {  	s16 =	sadd.s32 $0x1, s16  }
0x40: {  	p0 =	sne.s32 s16, $0x4  }
.Ltmp5:
0x41: {  	_ = 	snop;
	(pc) =	sbr.rel @p0 .LBB1_3-.Ltmp5, $2  }
0x42: {  	_ =	sdelay $0x2  }
0x43: {  	s13 =	sadd.s32 $0x1000, s13;
	s14 =	sadd.s32 $0x1000, s14  }
.Ltmp6:
0x44: {  	(pc) =	sbr.rel .LBB1_9-.Ltmp6, $4  }
0x45: {  	_ = 	snop  }
0x46: {  	s12 =	sshll.u32 s12, $0x9  }
0x47: {  	s12 =	sadd.s32 s4, s12  }
0x48: {  	[hbm4b:s12+s8] =	stream.linear.scatter [tilespmem:s15], [sflag:$0x2], $0x4000, $0x38;
	[tilespmem:$0x10000] =	vst v63  }
.LBB1_10:
0x49: {  	_ =	sfence.sel $0x180000  }
0x4a: {  	s2 =	simm.s32 $0x1;
	[bflag:$0x0] =	sbarrier.arrive $0xFFFF  }
0x4b: {  	s31 =	simm.s32 $0x2;
	[sflag:s2] =	ssyncpa.u1 $0x1  }
0x4c: {  	[sflag:s31] =	ssyncpa.u1 $0x1  }
0x4d: {  	p0 =	sne.s32 s0, $0x0;
	_ =	strace $0x90000047  }
0x4e: {  	s0 =	sadd.s32 @!p0 $0x100000, s1;
	[bflag:$0x2] =	sbarrier.arrive $0xFFFF  }
0x4f: {  	[sflag:s0] =	ssyncadd.tile.s32 @!p0 $0x1;
	_ =	shalt  }
.Lfunc_end1:
_tile_overlayer_lowered:
.L_overlay_start_2:
0x50: {  	(tag) =	ssettag $0x2  }
0x51: {  	s0 =	rddreg [dreg:$0x0];
	s2 =	stileid.u32  }
0x52: {  	s1 =	rddreg [dreg:$0x1];
	p0 =	sne.s32 s2, $0x0  }
0x53: {  	s3 =	rddreg [dreg:$0x2];
	[bflag:$0x3] =	sbarrier.arrive $0xFFFF;
	s2 =	simm.s32 @!p0 $0x1C01  }
0x54: {  	[timem:s3], [sflag:s2] =	dma.local @!p0 [hbm:s0], s1  }
0x55: {  	s0 =	simm.s32 @!p0 $0x1  }
0x56: {  	_ =	swait.ge @!p0 [sflag:s0], s1  }
0x57: {  	s1 =	ssub.s32 @!p0 $0x0, s1;
	[sflag:s0] =	ssyncset.done @!p0 $0x0  }
0x58: {  	[sflag:s0] =	ssyncadd.s32 @!p0 s1  }
0x59: {  	[bflag:$0x3] =	sbarrier.arrive $0xFFFF  }
0x5a: {  	_ =	shalt  }

</sc_bundles>
